<compile_context>
chip_gen: v7x
topology: tpu7x:2x2x1
jax: 0.10.2.dev20260603
libtpu: 0.0.44.dev20260713+nightly
codegen_flags: <defaults>
</compile_context>

<pallas_src>
import jax
import jax.numpy as jnp
from jax import lax
from jax.experimental import pallas as pl
from jax.experimental.pallas import tpu as pltpu
from jax.experimental.pallas import tpu_sc as plsc

_N = 10000
_E = 320000
_H = 8
_D = 16
_HD = _H * _D
_HH = _HD // 2

_NC = 2
_NS = 16
_EPT = _E // _NS
_C = 80
_NCHUNK = _EPT // _C
_LAST = _NCHUNK - 1
_RPS = _N // _NS


_AW = _HH + 16


def _sc_attn_body(src2d, dst2d, qtabs, kvtabs, pes,
                  eout3, accw_out,
                  src3, dst3, q3, kv3, pe3, co3,
                  accw,
                  gsem0, gsem1, gsem2, wsem0, wsem1, wsem2, isem):
    c = lax.axis_index("c")
    s = lax.axis_index("s")
    ebase = s * _EPT
    rowbase = s * (_EPT // _C)
    gsem = (gsem0, gsem1, gsem2)
    wsem = (wsem0, wsem1, wsem2)
    qtab = qtabs.at[c]
    kvtab = kvtabs.at[c]
    cw = pl.multiple_of(c * _HH, _HH)

    zeros16 = jnp.zeros((16,), jnp.float32)

    def zrow(r, carry):
        for cc in range(_AW // 16):
            co3[r, pl.ds(cc * 16, 16)] = zeros16
        return carry

    lax.fori_loop(0, 25, zrow, 0)

    def zacc(k, carry):
        off = s * _RPS + k * 25
        pltpu.sync_copy(co3.at[pl.ds(0, 25)], accw.at[pl.ds(off, 25)])
        return carry

    lax.fori_loop(0, 25, zacc, 0)
    plsc.subcore_barrier()

    lane = lax.iota(jnp.int32, 16)

    def idx_refs(g, sl):
        return ((src2d.at[pl.ds(rowbase + g, 1)], src3.at[pl.ds(sl, 1)]),
                (dst2d.at[pl.ds(rowbase + g, 1)], dst3.at[pl.ds(sl, 1)]))

    def gather_refs(g, sl):
        base = ebase + g * _C
        return ((qtab.at[dst3.at[sl]], q3.at[sl]),
                (kvtab.at[src3.at[sl]], kv3.at[sl]),
                (pes.at[pl.ds(base, _C), pl.ds(cw, _HH)], pe3.at[sl]))

    def write_refs(g, sl):
        base = ebase + g * _C
        return ((pe3.at[sl], eout3.at[pl.ds(base, _C), pl.ds(cw, _HH)]),)

    def issue_idx(g, sl):
        for a, b in idx_refs(g, sl):
            pltpu.async_copy(a, b, isem)

    def drain_idx(g, sl):
        for a, b in idx_refs(g, sl):
            pltpu.make_async_copy(a, b, isem).wait()

    def issue_gathers(g, sl):
        for a, b in gather_refs(g, sl):
            pltpu.async_copy(a, b, gsem[sl])

    def drain_gathers(g, sl):
        for a, b in gather_refs(g, sl):
            pltpu.make_async_copy(a, b, gsem[sl]).wait()

    def issue_writes(g, sl):
        for a, b in write_refs(g, sl):
            pltpu.async_copy(a, b, wsem[sl])
        pltpu.sync_copy(co3, accw.at[dst3.at[sl]], add=True)

    def drain_writes(g, sl):
        for a, b in write_refs(g, sl):
            pltpu.make_async_copy(a, b, wsem[sl]).wait()

    def compute(sl):
        @plsc.parallel_loop(0, _C, unroll=4)
        def edge(j):
            zvec = jnp.zeros((16,), jnp.float32)
            for hl in range(4):
                o = hl * 16
                qv = q3[sl, j, pl.ds(o, 16)]
                kvv = kv3[sl, j, pl.ds(o, 16)]
                vv = kv3[sl, j, pl.ds(_HH + o, 16)]
                pev = pe3[sl, j, pl.ds(o, 16)]
                score = (kvv * qv) * pev
                pe3[sl, j, pl.ds(o, 16)] = score
                t = jnp.broadcast_to(jnp.sum(score), (16,))
                sv = jnp.exp(jnp.clip(t, -5.0, 5.0))
                co3[j, pl.ds(o, 16)] = vv * sv
                zvec = jnp.where(lane == hl, sv, zvec)
            co3[j, pl.ds(_HH, 16)] = zvec

    issue_idx(0, 0)
    drain_idx(0, 0)
    issue_idx(1, 1)
    drain_idx(1, 1)
    issue_gathers(0, 0)

    def step(g, sl):
        drain_gathers(g, sl)
        compute(sl)

        @pl.when(g >= 1)
        def _():
            drain_writes(g - 1, (sl + 2) % 3)

        issue_writes(g, sl)

        @pl.when(g <= _LAST - 1)
        def _():
            @pl.when(g >= 1)
            def _():
                drain_idx(g + 1, (sl + 1) % 3)

            issue_gathers(g + 1, (sl + 1) % 3)

        @pl.when(g <= _LAST - 2)
        def _():
            issue_idx(g + 2, (sl + 2) % 3)

    def triple(i, carry):
        g0 = i * 3
        step(g0, 0)
        step(g0 + 1, 1)
        step(g0 + 2, 2)
        return carry

    lax.fori_loop(0, _NCHUNK // 3, triple, 0)
    step(_NCHUNK - 1, (_NCHUNK - 1) % 3)
    drain_writes(_NCHUNK - 1, (_NCHUNK - 1) % 3)

    plsc.subcore_barrier()
    pltpu.sync_copy(accw.at[pl.ds(s * _RPS, _RPS)],
                    accw_out.at[c, pl.ds(s * _RPS, _RPS)])


_sc_attn = pl.kernel(
    _sc_attn_body,
    out_type=[
        jax.ShapeDtypeStruct((_E, _HD), jnp.float32),
        jax.ShapeDtypeStruct((_NC, _N, _AW), jnp.float32),
    ],
    mesh=plsc.VectorSubcoreMesh(core_axis_name="c", subcore_axis_name="s"),
    compiler_params=pltpu.CompilerParams(use_tc_tiling_on_sc=False,
                                         needs_layout_passes=False),
    scratch_types=[
        pltpu.VMEM((3, _C), jnp.int32),
        pltpu.VMEM((3, _C), jnp.int32),
        pltpu.VMEM((3, _C, _HH), jnp.float32),
        pltpu.VMEM((3, _C, 2 * _HH), jnp.float32),
        pltpu.VMEM((3, _C, _HH), jnp.float32),
        pltpu.VMEM((_C, _AW), jnp.float32),
        pltpu.VMEM_SHARED((_N, _AW), jnp.float32),
        pltpu.SemaphoreType.DMA,
        pltpu.SemaphoreType.DMA,
        pltpu.SemaphoreType.DMA,
        pltpu.SemaphoreType.DMA,
        pltpu.SemaphoreType.DMA,
        pltpu.SemaphoreType.DMA,
        pltpu.SemaphoreType.DMA,
    ],
)


_TB = 2000


def _tables_body(h_ref, wq_ref, bq_ref, wkv_ref, bkv_ref, q_out, kv_out):
    hb = h_ref[...]
    q_out[0] = jnp.dot(hb, wq_ref[0], preferred_element_type=jnp.float32,
                       precision=lax.Precision.HIGHEST) + bq_ref[0]
    kv_out[0] = jnp.dot(hb, wkv_ref[0], preferred_element_type=jnp.float32,
                        precision=lax.Precision.HIGHEST) + bkv_ref[0]


_tables = pl.pallas_call(
    _tables_body,
    grid=(_NC, _N // _TB),
    in_specs=[
        pl.BlockSpec((_TB, _HD), lambda cc, i: (i, 0)),
        pl.BlockSpec((1, _HD, _HH), lambda cc, i: (cc, 0, 0)),
        pl.BlockSpec((1, 1, _HH), lambda cc, i: (cc, 0, 0)),
        pl.BlockSpec((1, _HD, 2 * _HH), lambda cc, i: (cc, 0, 0)),
        pl.BlockSpec((1, 1, 2 * _HH), lambda cc, i: (cc, 0, 0)),
    ],
    out_specs=[
        pl.BlockSpec((1, _TB, _HH), lambda cc, i: (cc, i, 0)),
        pl.BlockSpec((1, _TB, 2 * _HH), lambda cc, i: (cc, i, 0)),
    ],
    out_shape=[
        jax.ShapeDtypeStruct((_NC, _N, _HH), jnp.float32),
        jax.ShapeDtypeStruct((_NC, _N, 2 * _HH), jnp.float32),
    ],
)

_EB = 2000


def _pe_body(e_ref, we_ref, be_ref, out_ref):
    out_ref[...] = (jnp.dot(e_ref[...], we_ref[...],
                            preferred_element_type=jnp.float32) * 0.25
                    + be_ref[...] * 0.25)


_pe = pl.pallas_call(
    _pe_body,
    grid=(_E // _EB,),
    in_specs=[
        pl.BlockSpec((_EB, _HD), lambda i: (i, 0)),
        pl.BlockSpec((_HD, _HD), lambda i: (0, 0)),
        pl.BlockSpec((1, _HD), lambda i: (0, 0)),
    ],
    out_specs=pl.BlockSpec((_EB, _HD), lambda i: (i, 0)),
    out_shape=jax.ShapeDtypeStruct((_E, _HD), jnp.float32),
)

_CB = 2000


def _combine_body(a0_ref, a1_ref, r_ref, o0_ref, o1_ref):
    zr0 = lax.dot_general(a0_ref[:, _HH:], r_ref[...],
                          (((1,), (0,)), ((), ())),
                          precision=lax.Precision.HIGHEST,
                          preferred_element_type=jnp.float32)
    zr1 = lax.dot_general(a1_ref[:, _HH:], r_ref[...],
                          (((1,), (0,)), ((), ())),
                          precision=lax.Precision.HIGHEST,
                          preferred_element_type=jnp.float32)
    o0_ref[...] = a0_ref[:, :_HH] / (zr0 + 1e-6)
    o1_ref[...] = a1_ref[:, :_HH] / (zr1 + 1e-6)


_combine = pl.pallas_call(
    _combine_body,
    grid=(_N // _CB,),
    in_specs=[
        pl.BlockSpec((_CB, _AW), lambda i: (i, 0)),
        pl.BlockSpec((_CB, _AW), lambda i: (i, 0)),
        pl.BlockSpec((16, _HH), lambda i: (0, 0)),
    ],
    out_specs=[
        pl.BlockSpec((_CB, _HH), lambda i: (i, 0)),
        pl.BlockSpec((_CB, _HH), lambda i: (i, 0)),
    ],
    out_shape=[
        jax.ShapeDtypeStruct((_N, _HH), jnp.float32),
        jax.ShapeDtypeStruct((_N, _HH), jnp.float32),
    ],
)


def kernel(edge_index, h, e, Wq, bq, Wk, bk, Wv, bv, We, be):
    src = edge_index[0].astype(jnp.int32)
    dst = edge_index[1].astype(jnp.int32)
    src2d = src.reshape(_E // _C, _C)
    dst2d = dst.reshape(_E // _C, _C)
    Wqs = jnp.stack([Wq[:, :_HH], Wq[:, _HH:]])
    bqs = jnp.stack([bq[:_HH], bq[_HH:]]).reshape(_NC, 1, _HH)
    Wkvs = jnp.stack([
        jnp.concatenate([Wk[:, :_HH], Wv[:, :_HH]], axis=1),
        jnp.concatenate([Wk[:, _HH:], Wv[:, _HH:]], axis=1),
    ])
    bkvs = jnp.stack([
        jnp.concatenate([bk[:_HH], bv[:_HH]]),
        jnp.concatenate([bk[_HH:], bv[_HH:]]),
    ]).reshape(_NC, 1, 2 * _HH)
    qtabs, kvtabs = _tables(h, Wqs, bqs, Wkvs, bkvs)
    pes = _pe(e, We, be.reshape(1, -1))
    eout3, accw = _sc_attn(src2d, dst2d, qtabs, kvtabs, pes)
    ra = jnp.concatenate([
        jnp.repeat(jnp.eye(4, dtype=jnp.float32), _D, axis=1),
        jnp.zeros((12, _HH), jnp.float32),
    ], axis=0)
    h0, h1 = _combine(accw[0], accw[1], ra)
    hout = jnp.concatenate([h0.reshape(_N, 4, _D), h1.reshape(_N, 4, _D)],
                           axis=1)
    return hout, eout3.reshape(_E, _H, _D)

# --- scband reference (transcript-rebuilt; emitter-appended) ---
"""Pipeline reference for scband-multi-head-attention-layer-17506286698742 (READ-ONLY COPY).

The authoritative reference and input builder live on the scoring server;
editing this copy changes nothing except your own understanding.
"""

import jax, jax.numpy as jnp
import numpy as np

N = 10000
E = 320000
IN_DIM = 128
H = 8
D = 16

def setup_inputs(seed: int = 0):
    key = jax.random.key(seed)
    ks = jax.random.split(key, 8)
    h = jax.random.normal(ks[0], (N, IN_DIM), dtype=jnp.float32)
    e = jax.random.normal(ks[1], (E, IN_DIM), dtype=jnp.float32)
    edge_index = jax.random.randint(ks[2], (2, E), 0, N)
    scale = 0.02
    Wq = jax.random.normal(ks[3], (IN_DIM, H * D), dtype=jnp.float32) * scale
    Wk = jax.random.normal(ks[4], (IN_DIM, H * D), dtype=jnp.float32) * scale
    Wv = jax.random.normal(ks[5], (IN_DIM, H * D), dtype=jnp.float32) * scale
    We = jax.random.normal(ks[6], (IN_DIM, H * D), dtype=jnp.float32) * scale
    bq = jnp.zeros((H * D,), dtype=jnp.float32)
    bk = jnp.zeros((H * D,), dtype=jnp.float32)
    bv = jnp.zeros((H * D,), dtype=jnp.float32)
    be = jnp.zeros((H * D,), dtype=jnp.float32)
    return {"edge_index": edge_index, "h": h, "e": e, "Wq": Wq, "bq": bq, "Wk": Wk, "bk": bk, "Wv": Wv, "bv": bv, "We": We, "be": be}

def reference(edge_index, h, e, Wq, bq, Wk, bk, Wv, bv, We, be):
    src = edge_index[0]
    dst = edge_index[1]
    Q_h = (h @ Wq + bq).reshape(N, H, D)
    K_h = (h @ Wk + bk).reshape(N, H, D)
    V_h = (h @ Wv + bv).reshape(N, H, D)
    proj_e = (e @ We + be).reshape(E, H, D)
    # src_dot_dst('K_h', 'Q_h', 'score'): elementwise product per edge
    score = K_h[src] * Q_h[dst]
    # scaling by sqrt(out_dim)
    score = score / jnp.sqrt(jnp.float32(D))
    # imp_exp_attn: multiply by explicit edge features
    score = score * proj_e
    # out_edge_features: e_out is the (pre-exp) score
    e_out = score
    # exp(score.sum(-1, keepdim=True).clamp(-5, 5))
    s = jnp.exp(jnp.clip(jnp.sum(score, axis=-1, keepdims=True), -5.0, 5.0))
    # send_and_recv: sum over incoming edges at dst
    wV = jax.ops.segment_sum(V_h[src] * s, dst, num_segments=N)
    z = jax.ops.segment_sum(s, dst, num_segments=N)
    h_out = wV / (z + 1e-6)
    return (h_out, e_out)

if __name__ == "__main__":
    import jax
    _d = setup_inputs()
    print(jax.jit(kernel)(*tuple(_d.values())))

</pallas_src>

<mosaic_0001>
#map = affine_map<(d0, d1) -> (0, 0)>
#map1 = affine_map<(d0, d1) -> (0, 0, 0)>
module attributes {stable_mosaic.version = 14 : i64} {
  func.func @_sc_attn_body(%arg0: i32, %arg1: i32, %arg2: memref<4000x80xi32, #tpu.memory_space<hbm>>, %arg3: memref<4000x80xi32, #tpu.memory_space<hbm>>, %arg4: memref<2x10000x64xf32, #tpu.memory_space<hbm>>, %arg5: memref<2x10000x128xf32, #tpu.memory_space<hbm>>, %arg6: memref<320000x128xf32, #tpu.memory_space<hbm>>, %arg7: memref<320000x128xf32, #tpu.memory_space<hbm>>, %arg8: memref<2x10000x80xf32, #tpu.memory_space<hbm>>, %arg9: memref<3x80xi32, #tpu.memory_space<vmem>>, %arg10: memref<3x80xi32, #tpu.memory_space<vmem>>, %arg11: memref<3x80x64xf32, #tpu.memory_space<vmem>>, %arg12: memref<3x80x128xf32, #tpu.memory_space<vmem>>, %arg13: memref<3x80x64xf32, #tpu.memory_space<vmem>>, %arg14: memref<80x80xf32, #tpu.memory_space<vmem>>, %arg15: memref<10000x80xf32, #tpu.memory_space<vmem_shared>>, %arg16: memref<!tpu.dma_semaphore, #tpu.memory_space<semaphore_mem>>, %arg17: memref<!tpu.dma_semaphore, #tpu.memory_space<semaphore_mem>>, %arg18: memref<!tpu.dma_semaphore, #tpu.memory_space<semaphore_mem>>, %arg19: memref<!tpu.dma_semaphore, #tpu.memory_space<semaphore_mem>>, %arg20: memref<!tpu.dma_semaphore, #tpu.memory_space<semaphore_mem>>, %arg21: memref<!tpu.dma_semaphore, #tpu.memory_space<semaphore_mem>>, %arg22: memref<!tpu.dma_semaphore, #tpu.memory_space<semaphore_mem>>) attributes {dimension_semantics = [#tpu.dimension_semantics<core_parallel>, #tpu.dimension_semantics<subcore_parallel>], iteration_bounds = array<i64: 2, 16>, scalar_prefetch = 0 : i64, scratch_operands = 14 : i64, tpu.core_type = #tpu.core_type<sc_vector_subcore>, window_params = [{transform_indices = #map}, {transform_indices = #map}, {transform_indices = #map1}, {transform_indices = #map1}, {transform_indices = #map}, {transform_indices = #map}, {transform_indices = #map1}]} {
    %mul3A = arith.constant 20000 : i32
    %mul3A_0 = arith.muli %arg1, %mul3A : i32
    %mul3A_1 = arith.constant 250 : i32
    %mul3A_2 = arith.muli %arg1, %mul3A_1 : i32
    %mul3A_3 = arith.constant 64 : i32
    %mul3A_4 = arith.muli %arg0, %mul3A_3 : i32
    %multiple_of3A = tpu.assume_multiple %mul3A_4, 64 : i32
    %broadcast_in_dim3A = arith.constant 0.000000e+00 : f32
    %broadcast_in_dim3A_5 = vector.broadcast %broadcast_in_dim3A : f32 to vector<16xf32>
    %scan3A = arith.constant 0 : i32
    %scan3A_6 = arith.constant 0 : i32
    %scan3A_7 = arith.constant 25 : i32
    %scan3A_8 = arith.addi %scan3A_6, %scan3A_7 : i32
    %scan3A_9 = arith.constant 1 : i32
    scf.for %scan3A_252 = %scan3A_6 to %scan3A_8 step %scan3A_9  : i32 {
      %swap3A = arith.index_cast %scan3A_252 : i32 to index
      %swap3A_253 = arith.constant 0 : index
      %swap3A_254 = tpu.vector_load %arg14[%swap3A, %swap3A_253] {strides = array<i32>} : memref<80x80xf32, #tpu.memory_space<vmem>>, vector<16xf32>,
      tpu.vector_store %arg14[%swap3A, %swap3A_253], %broadcast_in_dim3A_5 {strides = array<i32>} : memref<80x80xf32, #tpu.memory_space<vmem>>, vector<16xf32>,
      %swap3A_255 = arith.index_cast %scan3A_252 : i32 to index
      %swap3A_256 = arith.constant 16 : index
      %swap3A_257 = tpu.vector_load %arg14[%swap3A_255, %swap3A_256] {strides = array<i32>} : memref<80x80xf32, #tpu.memory_space<vmem>>, vector<16xf32>,
      tpu.vector_store %arg14[%swap3A_255, %swap3A_256], %broadcast_in_dim3A_5 {strides = array<i32>} : memref<80x80xf32, #tpu.memory_space<vmem>>, vector<16xf32>,
      %swap3A_258 = arith.index_cast %scan3A_252 : i32 to index
      %swap3A_259 = arith.constant 32 : index
      %swap3A_260 = tpu.vector_load %arg14[%swap3A_258, %swap3A_259] {strides = array<i32>} : memref<80x80xf32, #tpu.memory_space<vmem>>, vector<16xf32>,
      tpu.vector_store %arg14[%swap3A_258, %swap3A_259], %broadcast_in_dim3A_5 {strides = array<i32>} : memref<80x80xf32, #tpu.memory_space<vmem>>, vector<16xf32>,
      %swap3A_261 = arith.index_cast %scan3A_252 : i32 to index
      %swap3A_262 = arith.constant 48 : index
      %swap3A_263 = tpu.vector_load %arg14[%swap3A_261, %swap3A_262] {strides = array<i32>} : memref<80x80xf32, #tpu.memory_space<vmem>>, vector<16xf32>,
      tpu.vector_store %arg14[%swap3A_261, %swap3A_262], %broadcast_in_dim3A_5 {strides = array<i32>} : memref<80x80xf32, #tpu.memory_space<vmem>>, vector<16xf32>,
      %swap3A_264 = arith.index_cast %scan3A_252 : i32 to index
      %swap3A_265 = arith.constant 64 : index
      %swap3A_266 = tpu.vector_load %arg14[%swap3A_264, %swap3A_265] {strides = array<i32>} : memref<80x80xf32, #tpu.memory_space<vmem>>, vector<16xf32>,
      tpu.vector_store %arg14[%swap3A_264, %swap3A_265], %broadcast_in_dim3A_5 {strides = array<i32>} : memref<80x80xf32, #tpu.memory_space<vmem>>, vector<16xf32>,
    }
    %scan3A_10 = arith.constant 25 : i32
    %scan3A_11 = arith.constant 0 : i32
    %scan3A_12 = arith.constant 0 : i32
    %scan3A_13 = arith.constant 25 : i32
    %scan3A_14 = arith.addi %scan3A_12, %scan3A_13 : i32
    %scan3A_15 = arith.constant 1 : i32
    scf.for %scan3A_252 = %scan3A_12 to %scan3A_14 step %scan3A_15  : i32 {
      %mul3A_253 = arith.constant 625 : i32
      %mul3A_254 = arith.muli %arg1, %mul3A_253 : i32
      %mul3A_255 = arith.constant 25 : i32
      %mul3A_256 = arith.muli %scan3A_252, %mul3A_255 : i32
      %add3A_257 = arith.addi %mul3A_254, %mul3A_256 : i32
      "tpu.region"() ({
        %run_scoped3A_258 = tpu.sem_alloc : memref<!tpu.dma_semaphore, #tpu.memory_space<semaphore_mem>>
        %dma_start3A_259 = arith.constant 0 : i32
        %dma_start3A_260 = arith.constant 0 : i32
        %dma_start3A_261 = tpu.memref_slice %arg14[%dma_start3A_259, %dma_start3A_260] : memref<80x80xf32, #tpu.memory_space<vmem>> -> memref<25x80xf32, #tpu.memory_space<vmem>>
        %dma_start3A_262 = arith.constant 0 : i32
        %dma_start3A_263 = tpu.memref_slice %arg15[%add3A_257, %dma_start3A_262] : memref<10000x80xf32, #tpu.memory_space<vmem_shared>> -> memref<25x80xf32, #tpu.memory_space<vmem_shared>>
        %dma_start3A_264 = arith.constant 0 : i32
        %dma_start3A_265 = tpu.memref_slice %arg15[%add3A_257, %dma_start3A_264] : memref<10000x80xf32, #tpu.memory_space<vmem_shared>> -> memref<25x80xf32, #tpu.memory_space<vmem_shared>>
        %dma_start3A_266 = arith.constant 0 : i32
        %dma_start3A_267 = arith.constant 0 : i32
        %dma_start3A_268 = tpu.memref_slice %arg14[%dma_start3A_266, %dma_start3A_267] : memref<80x80xf32, #tpu.memory_space<vmem>> -> memref<25x80xf32, #tpu.memory_space<vmem>>
        tpu.enqueue_dma source(%dma_start3A_268 : memref<25x80xf32, #tpu.memory_space<vmem>>) target(%dma_start3A_265 : memref<25x80xf32, #tpu.memory_space<vmem_shared>>) target_semaphore(%run_scoped3A_258 : memref<!tpu.dma_semaphore, #tpu.memory_space<semaphore_mem>>)
        %dma_wait3A_269 = arith.constant 0 : i32
        %dma_wait3A_270 = arith.constant 0 : i32
        %dma_wait3A_271 = tpu.memref_slice %arg14[%dma_wait3A_269, %dma_wait3A_270] : memref<80x80xf32, #tpu.memory_space<vmem>> -> memref<25x80xf32, #tpu.memory_space<vmem>>
        %dma_wait3A_272 = arith.constant 0 : i32
        %dma_wait3A_273 = tpu.memref_slice %arg15[%add3A_257, %dma_wait3A_272] : memref<10000x80xf32, #tpu.memory_space<vmem_shared>> -> memref<25x80xf32, #tpu.memory_space<vmem_shared>>
        %dma_wait3A_274 = arith.constant 0 : i32
        %dma_wait3A_275 = tpu.memref_slice %arg15[%add3A_257, %dma_wait3A_274] : memref<10000x80xf32, #tpu.memory_space<vmem_shared>> -> memref<25x80xf32, #tpu.memory_space<vmem_shared>>
        %dma_wait3A_276 = arith.constant 0 : i32
        %dma_wait3A_277 = arith.constant 0 : i32
        %dma_wait3A_278 = tpu.memref_slice %arg14[%dma_wait3A_276, %dma_wait3A_277] : memref<80x80xf32, #tpu.memory_space<vmem>> -> memref<25x80xf32, #tpu.memory_space<vmem>>
        tpu.wait_dma2 semaphore(%run_scoped3A_258 : memref<!tpu.dma_semaphore, #tpu.memory_space<semaphore_mem>>) src(%dma_wait3A_278 : memref<25x80xf32, #tpu.memory_space<vmem>>) dst(%dma_wait3A_275 : memref<25x80xf32, #tpu.memory_space<vmem_shared>>)
        tpu.yield
      }) : () -> ()
    }
    %scan3A_16 = arith.constant 25 : i32
    %barrier3A = arith.constant 0 : index
    tpu.barrier barrier_id(%barrier3A)
    %iota3A = tpu.iota {dimensions = array<i32: 0>} : vector<16xi32>
    %add3A = arith.constant 0 : i32
    %add3A_17 = arith.addi %mul3A_2, %add3A : i32
    %add3A_18 = arith.constant 0 : i32
    %add3A_19 = arith.addi %mul3A_2, %add3A_18 : i32
    %dma_start3A = arith.constant 0 : i32
    %dma_start3A_20 = arith.constant 0 : i32
    %dma_start3A_21 = tpu.memref_slice %arg9[%dma_start3A, %dma_start3A_20] : memref<3x80xi32, #tpu.memory_space<vmem>> -> memref<1x80xi32, #tpu.memory_space<vmem>>
    %dma_start3A_22 = arith.constant 0 : i32
    %dma_start3A_23 = tpu.memref_slice %arg2[%add3A_17, %dma_start3A_22] : memref<4000x80xi32, #tpu.memory_space<hbm>> -> memref<1x80xi32, #tpu.memory_space<hbm>>
    %dma_start3A_24 = arith.constant 0 : i32
    %dma_start3A_25 = arith.constant 0 : i32
    %dma_start3A_26 = tpu.memref_slice %arg9[%dma_start3A_24, %dma_start3A_25] : memref<3x80xi32, #tpu.memory_space<vmem>> -> memref<1x80xi32, #tpu.memory_space<vmem>>
    %dma_start3A_27 = arith.constant 0 : i32
    %dma_start3A_28 = tpu.memref_slice %arg2[%add3A_17, %dma_start3A_27] : memref<4000x80xi32, #tpu.memory_space<hbm>> -> memref<1x80xi32, #tpu.memory_space<hbm>>
    tpu.enqueue_dma source(%dma_start3A_28 : memref<1x80xi32, #tpu.memory_space<hbm>>) target(%dma_start3A_26 : memref<1x80xi32, #tpu.memory_space<vmem>>) target_semaphore(%arg22 : memref<!tpu.dma_semaphore, #tpu.memory_space<semaphore_mem>>)
    %dma_start3A_29 = arith.constant 0 : i32
    %dma_start3A_30 = arith.constant 0 : i32
    %dma_start3A_31 = tpu.memref_slice %arg10[%dma_start3A_29, %dma_start3A_30] : memref<3x80xi32, #tpu.memory_space<vmem>> -> memref<1x80xi32, #tpu.memory_space<vmem>>
    %dma_start3A_32 = arith.constant 0 : i32
    %dma_start3A_33 = tpu.memref_slice %arg3[%add3A_19, %dma_start3A_32] : memref<4000x80xi32, #tpu.memory_space<hbm>> -> memref<1x80xi32, #tpu.memory_space<hbm>>
    %dma_start3A_34 = arith.constant 0 : i32
    %dma_start3A_35 = arith.constant 0 : i32
    %dma_start3A_36 = tpu.memref_slice %arg10[%dma_start3A_34, %dma_start3A_35] : memref<3x80xi32, #tpu.memory_space<vmem>> -> memref<1x80xi32, #tpu.memory_space<vmem>>
    %dma_start3A_37 = arith.constant 0 : i32
    %dma_start3A_38 = tpu.memref_slice %arg3[%add3A_19, %dma_start3A_37] : memref<4000x80xi32, #tpu.memory_space<hbm>> -> memref<1x80xi32, #tpu.memory_space<hbm>>
    tpu.enqueue_dma source(%dma_start3A_38 : memref<1x80xi32, #tpu.memory_space<hbm>>) target(%dma_start3A_36 : memref<1x80xi32, #tpu.memory_space<vmem>>) target_semaphore(%arg22 : memref<!tpu.dma_semaphore, #tpu.memory_space<semaphore_mem>>)
    %add3A_39 = arith.constant 0 : i32
    %add3A_40 = arith.addi %mul3A_2, %add3A_39 : i32
    %add3A_41 = arith.constant 0 : i32
    %add3A_42 = arith.addi %mul3A_2, %add3A_41 : i32
    %dma_wait3A = arith.constant 0 : i32
    %dma_wait3A_43 = arith.constant 0 : i32
    %dma_wait3A_44 = tpu.memref_slice %arg9[%dma_wait3A, %dma_wait3A_43] : memref<3x80xi32, #tpu.memory_space<vmem>> -> memref<1x80xi32, #tpu.memory_space<vmem>>
    %dma_wait3A_45 = arith.constant 0 : i32
    %dma_wait3A_46 = tpu.memref_slice %arg2[%add3A_40, %dma_wait3A_45] : memref<4000x80xi32, #tpu.memory_space<hbm>> -> memref<1x80xi32, #tpu.memory_space<hbm>>
    %dma_wait3A_47 = arith.constant 0 : i32
    %dma_wait3A_48 = arith.constant 0 : i32
    %dma_wait3A_49 = tpu.memref_slice %arg9[%dma_wait3A_47, %dma_wait3A_48] : memref<3x80xi32, #tpu.memory_space<vmem>> -> memref<1x80xi32, #tpu.memory_space<vmem>>
    %dma_wait3A_50 = arith.constant 0 : i32
    %dma_wait3A_51 = tpu.memref_slice %arg2[%add3A_40, %dma_wait3A_50] : memref<4000x80xi32, #tpu.memory_space<hbm>> -> memref<1x80xi32, #tpu.memory_space<hbm>>
    tpu.wait_dma2 semaphore(%arg22 : memref<!tpu.dma_semaphore, #tpu.memory_space<semaphore_mem>>) src(%dma_wait3A_51 : memref<1x80xi32, #tpu.memory_space<hbm>>) dst(%dma_wait3A_49 : memref<1x80xi32, #tpu.memory_space<vmem>>)
    %dma_wait3A_52 = arith.constant 0 : i32
    %dma_wait3A_53 = arith.constant 0 : i32
    %dma_wait3A_54 = tpu.memref_slice %arg10[%dma_wait3A_52, %dma_wait3A_53] : memref<3x80xi32, #tpu.memory_space<vmem>> -> memref<1x80xi32, #tpu.memory_space<vmem>>
    %dma_wait3A_55 = arith.constant 0 : i32
    %dma_wait3A_56 = tpu.memref_slice %arg3[%add3A_42, %dma_wait3A_55] : memref<4000x80xi32, #tpu.memory_space<hbm>> -> memref<1x80xi32, #tpu.memory_space<hbm>>
    %dma_wait3A_57 = arith.constant 0 : i32
    %dma_wait3A_58 = arith.constant 0 : i32
    %dma_wait3A_59 = tpu.memref_slice %arg10[%dma_wait3A_57, %dma_wait3A_58] : memref<3x80xi32, #tpu.memory_space<vmem>> -> memref<1x80xi32, #tpu.memory_space<vmem>>
    %dma_wait3A_60 = arith.constant 0 : i32
    %dma_wait3A_61 = tpu.memref_slice %arg3[%add3A_42, %dma_wait3A_60] : memref<4000x80xi32, #tpu.memory_space<hbm>> -> memref<1x80xi32, #tpu.memory_space<hbm>>
    tpu.wait_dma2 semaphore(%arg22 : memref<!tpu.dma_semaphore, #tpu.memory_space<semaphore_mem>>) src(%dma_wait3A_61 : memref<1x80xi32, #tpu.memory_space<hbm>>) dst(%dma_wait3A_59 : memref<1x80xi32, #tpu.memory_space<vmem>>)
    %add3A_62 = arith.constant 1 : i32
    %add3A_63 = arith.addi %mul3A_2, %add3A_62 : i32
    %add3A_64 = arith.constant 1 : i32
    %add3A_65 = arith.addi %mul3A_2, %add3A_64 : i32
    %dma_start3A_66 = arith.constant 1 : i32
    %dma_start3A_67 = arith.constant 0 : i32
    %dma_start3A_68 = tpu.memref_slice %arg9[%dma_start3A_66, %dma_start3A_67] : memref<3x80xi32, #tpu.memory_space<vmem>> -> memref<1x80xi32, #tpu.memory_space<vmem>>
    %dma_start3A_69 = arith.constant 0 : i32
    %dma_start3A_70 = tpu.memref_slice %arg2[%add3A_63, %dma_start3A_69] : memref<4000x80xi32, #tpu.memory_space<hbm>> -> memref<1x80xi32, #tpu.memory_space<hbm>>
    %dma_start3A_71 = arith.constant 1 : i32
    %dma_start3A_72 = arith.constant 0 : i32
    %dma_start3A_73 = tpu.memref_slice %arg9[%dma_start3A_71, %dma_start3A_72] : memref<3x80xi32, #tpu.memory_space<vmem>> -> memref<1x80xi32, #tpu.memory_space<vmem>>
    %dma_start3A_74 = arith.constant 0 : i32
    %dma_start3A_75 = tpu.memref_slice %arg2[%add3A_63, %dma_start3A_74] : memref<4000x80xi32, #tpu.memory_space<hbm>> -> memref<1x80xi32, #tpu.memory_space<hbm>>
    tpu.enqueue_dma source(%dma_start3A_75 : memref<1x80xi32, #tpu.memory_space<hbm>>) target(%dma_start3A_73 : memref<1x80xi32, #tpu.memory_space<vmem>>) target_semaphore(%arg22 : memref<!tpu.dma_semaphore, #tpu.memory_space<semaphore_mem>>)
    %dma_start3A_76 = arith.constant 1 : i32
    %dma_start3A_77 = arith.constant 0 : i32
    %dma_start3A_78 = tpu.memref_slice %arg10[%dma_start3A_76, %dma_start3A_77] : memref<3x80xi32, #tpu.memory_space<vmem>> -> memref<1x80xi32, #tpu.memory_space<vmem>>
    %dma_start3A_79 = arith.constant 0 : i32
    %dma_start3A_80 = tpu.memref_slice %arg3[%add3A_65, %dma_start3A_79] : memref<4000x80xi32, #tpu.memory_space<hbm>> -> memref<1x80xi32, #tpu.memory_space<hbm>>
    %dma_start3A_81 = arith.constant 1 : i32
    %dma_start3A_82 = arith.constant 0 : i32
    %dma_start3A_83 = tpu.memref_slice %arg10[%dma_start3A_81, %dma_start3A_82] : memref<3x80xi32, #tpu.memory_space<vmem>> -> memref<1x80xi32, #tpu.memory_space<vmem>>
    %dma_start3A_84 = arith.constant 0 : i32
    %dma_start3A_85 = tpu.memref_slice %arg3[%add3A_65, %dma_start3A_84] : memref<4000x80xi32, #tpu.memory_space<hbm>> -> memref<1x80xi32, #tpu.memory_space<hbm>>
    tpu.enqueue_dma source(%dma_start3A_85 : memref<1x80xi32, #tpu.memory_space<hbm>>) target(%dma_start3A_83 : memref<1x80xi32, #tpu.memory_space<vmem>>) target_semaphore(%arg22 : memref<!tpu.dma_semaphore, #tpu.memory_space<semaphore_mem>>)
    %add3A_86 = arith.constant 1 : i32
    %add3A_87 = arith.addi %mul3A_2, %add3A_86 : i32
    %add3A_88 = arith.constant 1 : i32
    %add3A_89 = arith.addi %mul3A_2, %add3A_88 : i32
    %dma_wait3A_90 = arith.constant 1 : i32
    %dma_wait3A_91 = arith.constant 0 : i32
    %dma_wait3A_92 = tpu.memref_slice %arg9[%dma_wait3A_90, %dma_wait3A_91] : memref<3x80xi32, #tpu.memory_space<vmem>> -> memref<1x80xi32, #tpu.memory_space<vmem>>
    %dma_wait3A_93 = arith.constant 0 : i32
    %dma_wait3A_94 = tpu.memref_slice %arg2[%add3A_87, %dma_wait3A_93] : memref<4000x80xi32, #tpu.memory_space<hbm>> -> memref<1x80xi32, #tpu.memory_space<hbm>>
    %dma_wait3A_95 = arith.constant 1 : i32
    %dma_wait3A_96 = arith.constant 0 : i32
    %dma_wait3A_97 = tpu.memref_slice %arg9[%dma_wait3A_95, %dma_wait3A_96] : memref<3x80xi32, #tpu.memory_space<vmem>> -> memref<1x80xi32, #tpu.memory_space<vmem>>
    %dma_wait3A_98 = arith.constant 0 : i32
    %dma_wait3A_99 = tpu.memref_slice %arg2[%add3A_87, %dma_wait3A_98] : memref<4000x80xi32, #tpu.memory_space<hbm>> -> memref<1x80xi32, #tpu.memory_space<hbm>>
    tpu.wait_dma2 semaphore(%arg22 : memref<!tpu.dma_semaphore, #tpu.memory_space<semaphore_mem>>) src(%dma_wait3A_99 : memref<1x80xi32, #tpu.memory_space<hbm>>) dst(%dma_wait3A_97 : memref<1x80xi32, #tpu.memory_space<vmem>>)
    %dma_wait3A_100 = arith.constant 1 : i32
    %dma_wait3A_101 = arith.constant 0 : i32
    %dma_wait3A_102 = tpu.memref_slice %arg10[%dma_wait3A_100, %dma_wait3A_101] : memref<3x80xi32, #tpu.memory_space<vmem>> -> memref<1x80xi32, #tpu.memory_space<vmem>>
    %dma_wait3A_103 = arith.constant 0 : i32
    %dma_wait3A_104 = tpu.memref_slice %arg3[%add3A_89, %dma_wait3A_103] : memref<4000x80xi32, #tpu.memory_space<hbm>> -> memref<1x80xi32, #tpu.memory_space<hbm>>
    %dma_wait3A_105 = arith.constant 1 : i32
    %dma_wait3A_106 = arith.constant 0 : i32
    %dma_wait3A_107 = tpu.memref_slice %arg10[%dma_wait3A_105, %dma_wait3A_106] : memref<3x80xi32, #tpu.memory_space<vmem>> -> memref<1x80xi32, #tpu.memory_space<vmem>>
    %dma_wait3A_108 = arith.constant 0 : i32
    %dma_wait3A_109 = tpu.memref_slice %arg3[%add3A_89, %dma_wait3A_108] : memref<4000x80xi32, #tpu.memory_space<hbm>> -> memref<1x80xi32, #tpu.memory_space<hbm>>
    tpu.wait_dma2 semaphore(%arg22 : memref<!tpu.dma_semaphore, #tpu.memory_space<semaphore_mem>>) src(%dma_wait3A_109 : memref<1x80xi32, #tpu.memory_space<hbm>>) dst(%dma_wait3A_107 : memref<1x80xi32, #tpu.memory_space<vmem>>)
    %add3A_110 = arith.constant 0 : i32
    %add3A_111 = arith.addi %mul3A_0, %add3A_110 : i32
    %dma_start3A_112 = arith.constant 0 : i32
    %dma_start3A_113 = arith.constant 0 : i32
    %dma_start3A_114 = arith.constant 0 : i32
    %dma_start3A_115 = arith.constant 0 : i32
    %dma_start3A_116 = tpu.memref_slice %arg11[%dma_start3A_113, %dma_start3A_114, %dma_start3A_115] : memref<3x80x64xf32, #tpu.memory_space<vmem>> -> memref<1x80x64xf32, #tpu.memory_space<vmem>>
    %dma_start3A_117 = tpu.memref_squeeze %dma_start3A_116 : memref<1x80x64xf32, #tpu.memory_space<vmem>> -> memref<80x64xf32, #tpu.memory_space<vmem>>
    %dma_start3A_118 = arith.constant 0 : i32
    %dma_start3A_119 = tpu.memref_slice %arg10[%dma_start3A_112, %dma_start3A_118] : memref<3x80xi32, #tpu.memory_space<vmem>> -> memref<1x80xi32, #tpu.memory_space<vmem>>
    %dma_start3A_120 = tpu.memref_squeeze %dma_start3A_119 : memref<1x80xi32, #tpu.memory_space<vmem>> -> memref<80xi32, #tpu.memory_space<vmem>>
    %dma_start3A_121 = arith.constant 0 : i32
    %dma_start3A_122 = arith.constant 0 : i32
    %dma_start3A_123 = tpu.memref_slice %arg4[%arg0, %dma_start3A_121, %dma_start3A_122] : memref<2x10000x64xf32, #tpu.memory_space<hbm>> -> memref<1x10000x64xf32, #tpu.memory_space<hbm>>
    %dma_start3A_124 = tpu.memref_squeeze %dma_start3A_123 : memref<1x10000x64xf32, #tpu.memory_space<hbm>> -> memref<10000x64xf32, #tpu.memory_space<hbm>>
    %dma_start3A_125 = arith.constant 0 : i32
    %dma_start3A_126 = arith.constant 0 : i32
    %dma_start3A_127 = tpu.memref_slice %dma_start3A_124[%dma_start3A_125, %dma_start3A_126] : memref<10000x64xf32, #tpu.memory_space<hbm>> -> memref<10000x64xf32, #tpu.memory_space<hbm>>
    tpu.enqueue_indirect_dma source(%dma_start3A_127 : memref<10000x64xf32, #tpu.memory_space<hbm>>) target(%dma_start3A_117 : memref<80x64xf32, #tpu.memory_space<vmem>>) offsets(%dma_start3A_120 : memref<80xi32, #tpu.memory_space<vmem>>) semaphore(%arg16 : memref<!tpu.dma_semaphore, #tpu.memory_space<semaphore_mem>>)
    %dma_start3A_128 = arith.constant 0 : i32
    %dma_start3A_129 = arith.constant 0 : i32
    %dma_start3A_130 = arith.constant 0 : i32
    %dma_start3A_131 = arith.constant 0 : i32
    %dma_start3A_132 = tpu.memref_slice %arg12[%dma_start3A_129, %dma_start3A_130, %dma_start3A_131] : memref<3x80x128xf32, #tpu.memory_space<vmem>> -> memref<1x80x128xf32, #tpu.memory_space<vmem>>
    %dma_start3A_133 = tpu.memref_squeeze %dma_start3A_132 : memref<1x80x128xf32, #tpu.memory_space<vmem>> -> memref<80x128xf32, #tpu.memory_space<vmem>>
    %dma_start3A_134 = arith.constant 0 : i32
    %dma_start3A_135 = tpu.memref_slice %arg9[%dma_start3A_128, %dma_start3A_134] : memref<3x80xi32, #tpu.memory_space<vmem>> -> memref<1x80xi32, #tpu.memory_space<vmem>>
    %dma_start3A_136 = tpu.memref_squeeze %dma_start3A_135 : memref<1x80xi32, #tpu.memory_space<vmem>> -> memref<80xi32, #tpu.memory_space<vmem>>
    %dma_start3A_137 = arith.constant 0 : i32
    %dma_start3A_138 = arith.constant 0 : i32
    %dma_start3A_139 = tpu.memref_slice %arg5[%arg0, %dma_start3A_137, %dma_start3A_138] : memref<2x10000x128xf32, #tpu.memory_space<hbm>> -> memref<1x10000x128xf32, #tpu.memory_space<hbm>>
    %dma_start3A_140 = tpu.memref_squeeze %dma_start3A_139 : memref<1x10000x128xf32, #tpu.memory_space<hbm>> -> memref<10000x128xf32, #tpu.memory_space<hbm>>
    %dma_start3A_141 = arith.constant 0 : i32
    %dma_start3A_142 = arith.constant 0 : i32
    %dma_start3A_143 = tpu.memref_slice %dma_start3A_140[%dma_start3A_141, %dma_start3A_142] : memref<10000x128xf32, #tpu.memory_space<hbm>> -> memref<10000x128xf32, #tpu.memory_space<hbm>>
    tpu.enqueue_indirect_dma source(%dma_start3A_143 : memref<10000x128xf32, #tpu.memory_space<hbm>>) target(%dma_start3A_133 : memref<80x128xf32, #tpu.memory_space<vmem>>) offsets(%dma_start3A_136 : memref<80xi32, #tpu.memory_space<vmem>>) semaphore(%arg16 : memref<!tpu.dma_semaphore, #tpu.memory_space<semaphore_mem>>)
    %dma_start3A_144 = arith.constant 0 : i32
    %dma_start3A_145 = arith.constant 0 : i32
    %dma_start3A_146 = arith.constant 0 : i32
    %dma_start3A_147 = tpu.memref_slice %arg13[%dma_start3A_144, %dma_start3A_145, %dma_start3A_146] : memref<3x80x64xf32, #tpu.memory_space<vmem>> -> memref<1x80x64xf32, #tpu.memory_space<vmem>>
    %dma_start3A_148 = tpu.memref_squeeze %dma_start3A_147 : memref<1x80x64xf32, #tpu.memory_space<vmem>> -> memref<80x64xf32, #tpu.memory_space<vmem>>
    %dma_start3A_149 = tpu.memref_slice %arg6[%add3A_111, %multiple_of3A] : memref<320000x128xf32, #tpu.memory_space<hbm>> -> memref<80x64xf32, #tpu.memory_space<hbm>>
    %dma_start3A_150 = arith.constant 0 : i32
    %dma_start3A_151 = arith.constant 0 : i32
    %dma_start3A_152 = tpu.memref_slice %arg13[%dma_start3A_144, %dma_start3A_150, %dma_start3A_151] : memref<3x80x64xf32, #tpu.memory_space<vmem>> -> memref<1x80x64xf32, #tpu.memory_space<vmem>>
    %dma_start3A_153 = tpu.memref_squeeze %dma_start3A_152 : memref<1x80x64xf32, #tpu.memory_space<vmem>> -> memref<80x64xf32, #tpu.memory_space<vmem>>
    %dma_start3A_154 = tpu.memref_slice %arg6[%add3A_111, %multiple_of3A] : memref<320000x128xf32, #tpu.memory_space<hbm>> -> memref<80x64xf32, #tpu.memory_space<hbm>>
    tpu.enqueue_dma source(%dma_start3A_154 : memref<80x64xf32, #tpu.memory_space<hbm>>) target(%dma_start3A_153 : memref<80x64xf32, #tpu.memory_space<vmem>>) target_semaphore(%arg16 : memref<!tpu.dma_semaphore, #tpu.memory_space<semaphore_mem>>)
    %scan3A_155 = arith.constant 0 : i32
    %scan3A_156 = arith.constant 0 : i32
    %scan3A_157 = arith.constant 83 : i32
    %scan3A_158 = arith.addi %scan3A_156, %scan3A_157 : i32
    %scan3A_159 = arith.constant 1 : i32
    scf.for %scan3A_252 = %scan3A_156 to %scan3A_158 step %scan3A_159  : i32 {
      %mul3A_253 = arith.constant 3 : i32
      %mul3A_254 = arith.muli %scan3A_252, %mul3A_253 : i32
      %mul3A_255 = arith.constant 80 : i32
      %mul3A_256 = arith.muli %mul3A_254, %mul3A_255 : i32
      %add3A_257 = arith.addi %mul3A_0, %mul3A_256 : i32
      %dma_wait3A_258 = arith.constant 0 : i32
      %dma_wait3A_259 = arith.constant 0 : i32
      %dma_wait3A_260 = arith.constant 0 : i32
      %dma_wait3A_261 = arith.constant 0 : i32
      %dma_wait3A_262 = tpu.memref_slice %arg11[%dma_wait3A_259, %dma_wait3A_260, %dma_wait3A_261] : memref<3x80x64xf32, #tpu.memory_space<vmem>> -> memref<1x80x64xf32, #tpu.memory_space<vmem>>
      %dma_wait3A_263 = tpu.memref_squeeze %dma_wait3A_262 : memref<1x80x64xf32, #tpu.memory_space<vmem>> -> memref<80x64xf32, #tpu.memory_space<vmem>>
      %dma_wait3A_264 = arith.constant 0 : i32
      %dma_wait3A_265 = tpu.memref_slice %arg10[%dma_wait3A_258, %dma_wait3A_264] : memref<3x80xi32, #tpu.memory_space<vmem>> -> memref<1x80xi32, #tpu.memory_space<vmem>>
      %dma_wait3A_266 = tpu.memref_squeeze %dma_wait3A_265 : memref<1x80xi32, #tpu.memory_space<vmem>> -> memref<80xi32, #tpu.memory_space<vmem>>
      %dma_wait3A_267 = arith.constant 0 : i32
      %dma_wait3A_268 = arith.constant 0 : i32
      %dma_wait3A_269 = tpu.memref_slice %arg4[%arg0, %dma_wait3A_267, %dma_wait3A_268] : memref<2x10000x64xf32, #tpu.memory_space<hbm>> -> memref<1x10000x64xf32, #tpu.memory_space<hbm>>
      %dma_wait3A_270 = tpu.memref_squeeze %dma_wait3A_269 : memref<1x10000x64xf32, #tpu.memory_space<hbm>> -> memref<10000x64xf32, #tpu.memory_space<hbm>>
      %dma_wait3A_271 = arith.constant 0 : i32
      %dma_wait3A_272 = arith.constant 0 : i32
      %dma_wait3A_273 = tpu.memref_slice %dma_wait3A_270[%dma_wait3A_271, %dma_wait3A_272] : memref<10000x64xf32, #tpu.memory_space<hbm>> -> memref<10000x64xf32, #tpu.memory_space<hbm>>
      tpu.wait_indirect_dma semaphore(%arg16 : memref<!tpu.dma_semaphore, #tpu.memory_space<semaphore_mem>>) src(%dma_wait3A_273 : memref<10000x64xf32, #tpu.memory_space<hbm>>) dst(%dma_wait3A_263 : memref<80x64xf32, #tpu.memory_space<vmem>>)
      %dma_wait3A_274 = arith.constant 0 : i32
      %dma_wait3A_275 = arith.constant 0 : i32
      %dma_wait3A_276 = arith.constant 0 : i32
      %dma_wait3A_277 = arith.constant 0 : i32
      %dma_wait3A_278 = tpu.memref_slice %arg12[%dma_wait3A_275, %dma_wait3A_276, %dma_wait3A_277] : memref<3x80x128xf32, #tpu.memory_space<vmem>> -> memref<1x80x128xf32, #tpu.memory_space<vmem>>
      %dma_wait3A_279 = tpu.memref_squeeze %dma_wait3A_278 : memref<1x80x128xf32, #tpu.memory_space<vmem>> -> memref<80x128xf32, #tpu.memory_space<vmem>>
      %dma_wait3A_280 = arith.constant 0 : i32
      %dma_wait3A_281 = tpu.memref_slice %arg9[%dma_wait3A_274, %dma_wait3A_280] : memref<3x80xi32, #tpu.memory_space<vmem>> -> memref<1x80xi32, #tpu.memory_space<vmem>>
      %dma_wait3A_282 = tpu.memref_squeeze %dma_wait3A_281 : memref<1x80xi32, #tpu.memory_space<vmem>> -> memref<80xi32, #tpu.memory_space<vmem>>
      %dma_wait3A_283 = arith.constant 0 : i32
      %dma_wait3A_284 = arith.constant 0 : i32
      %dma_wait3A_285 = tpu.memref_slice %arg5[%arg0, %dma_wait3A_283, %dma_wait3A_284] : memref<2x10000x128xf32, #tpu.memory_space<hbm>> -> memref<1x10000x128xf32, #tpu.memory_space<hbm>>
      %dma_wait3A_286 = tpu.memref_squeeze %dma_wait3A_285 : memref<1x10000x128xf32, #tpu.memory_space<hbm>> -> memref<10000x128xf32, #tpu.memory_space<hbm>>
      %dma_wait3A_287 = arith.constant 0 : i32
      %dma_wait3A_288 = arith.constant 0 : i32
      %dma_wait3A_289 = tpu.memref_slice %dma_wait3A_286[%dma_wait3A_287, %dma_wait3A_288] : memref<10000x128xf32, #tpu.memory_space<hbm>> -> memref<10000x128xf32, #tpu.memory_space<hbm>>
      tpu.wait_indirect_dma semaphore(%arg16 : memref<!tpu.dma_semaphore, #tpu.memory_space<semaphore_mem>>) src(%dma_wait3A_289 : memref<10000x128xf32, #tpu.memory_space<hbm>>) dst(%dma_wait3A_279 : memref<80x128xf32, #tpu.memory_space<vmem>>)
      %dma_wait3A_290 = arith.constant 0 : i32
      %dma_wait3A_291 = arith.constant 0 : i32
      %dma_wait3A_292 = arith.constant 0 : i32
      %dma_wait3A_293 = tpu.memref_slice %arg13[%dma_wait3A_290, %dma_wait3A_291, %dma_wait3A_292] : memref<3x80x64xf32, #tpu.memory_space<vmem>> -> memref<1x80x64xf32, #tpu.memory_space<vmem>>
      %dma_wait3A_294 = tpu.memref_squeeze %dma_wait3A_293 : memref<1x80x64xf32, #tpu.memory_space<vmem>> -> memref<80x64xf32, #tpu.memory_space<vmem>>
      %dma_wait3A_295 = tpu.memref_slice %arg6[%add3A_257, %multiple_of3A] : memref<320000x128xf32, #tpu.memory_space<hbm>> -> memref<80x64xf32, #tpu.memory_space<hbm>>
      %dma_wait3A_296 = arith.constant 0 : i32
      %dma_wait3A_297 = arith.constant 0 : i32
      %dma_wait3A_298 = tpu.memref_slice %arg13[%dma_wait3A_290, %dma_wait3A_296, %dma_wait3A_297] : memref<3x80x64xf32, #tpu.memory_space<vmem>> -> memref<1x80x64xf32, #tpu.memory_space<vmem>>
      %dma_wait3A_299 = tpu.memref_squeeze %dma_wait3A_298 : memref<1x80x64xf32, #tpu.memory_space<vmem>> -> memref<80x64xf32, #tpu.memory_space<vmem>>
      %dma_wait3A_300 = tpu.memref_slice %arg6[%add3A_257, %multiple_of3A] : memref<320000x128xf32, #tpu.memory_space<hbm>> -> memref<80x64xf32, #tpu.memory_space<hbm>>
      tpu.wait_dma2 semaphore(%arg16 : memref<!tpu.dma_semaphore, #tpu.memory_space<semaphore_mem>>) src(%dma_wait3A_300 : memref<80x64xf32, #tpu.memory_space<hbm>>) dst(%dma_wait3A_299 : memref<80x64xf32, #tpu.memory_space<vmem>>)
      %parallel_loop3A_301 = arith.constant 0 : i32
      %parallel_loop3A_302 = arith.constant 80 : i32
      %parallel_loop3A_303 = arith.constant 1 : i32
      scf.for %parallel_loop3A_492 = %parallel_loop3A_301 to %parallel_loop3A_302 step %parallel_loop3A_303  : i32 {
        %parallel_loop3A_493 = arith.constant 0.000000e+00 : f32
        %parallel_loop3A_494 = vector.broadcast %parallel_loop3A_493 : f32 to vector<16xf32>
        %parallel_loop3A_495 = arith.constant 0 : i32
        %parallel_loop3A_496 = arith.index_cast %parallel_loop3A_495 : i32 to index
        %parallel_loop3A_497 = arith.index_cast %parallel_loop3A_492 : i32 to index
        %parallel_loop3A_498 = arith.constant 0 : index
        %parallel_loop3A_499 = tpu.vector_load %arg11[%parallel_loop3A_496, %parallel_loop3A_497, %parallel_loop3A_498] {strides = array<i32>} : memref<3x80x64xf32, #tpu.memory_space<vmem>>, vector<16xf32>,
        %parallel_loop3A_500 = arith.constant 0 : i32
        %parallel_loop3A_501 = arith.index_cast %parallel_loop3A_500 : i32 to index
        %parallel_loop3A_502 = arith.index_cast %parallel_loop3A_492 : i32 to index
        %parallel_loop3A_503 = arith.constant 0 : index
        %parallel_loop3A_504 = tpu.vector_load %arg12[%parallel_loop3A_501, %parallel_loop3A_502, %parallel_loop3A_503] {strides = array<i32>} : memref<3x80x128xf32, #tpu.memory_space<vmem>>, vector<16xf32>,
        %parallel_loop3A_505 = arith.constant 0 : i32
        %parallel_loop3A_506 = arith.index_cast %parallel_loop3A_505 : i32 to index
        %parallel_loop3A_507 = arith.index_cast %parallel_loop3A_492 : i32 to index
        %parallel_loop3A_508 = arith.constant 64 : index
        %parallel_loop3A_509 = tpu.vector_load %arg12[%parallel_loop3A_506, %parallel_loop3A_507, %parallel_loop3A_508] {strides = array<i32>} : memref<3x80x128xf32, #tpu.memory_space<vmem>>, vector<16xf32>,
        %parallel_loop3A_510 = arith.constant 0 : i32
        %parallel_loop3A_511 = arith.index_cast %parallel_loop3A_510 : i32 to index
        %parallel_loop3A_512 = arith.index_cast %parallel_loop3A_492 : i32 to index
        %parallel_loop3A_513 = arith.constant 0 : index
        %parallel_loop3A_514 = tpu.vector_load %arg13[%parallel_loop3A_511, %parallel_loop3A_512, %parallel_loop3A_513] {strides = array<i32>} : memref<3x80x64xf32, #tpu.memory_space<vmem>>, vector<16xf32>,
        %parallel_loop3A_515 = arith.mulf %parallel_loop3A_504, %parallel_loop3A_499 : vector<16xf32>
        %parallel_loop3A_516 = arith.mulf %parallel_loop3A_515, %parallel_loop3A_514 : vector<16xf32>
        %parallel_loop3A_517 = arith.constant 0 : i32
        %parallel_loop3A_518 = arith.index_cast %parallel_loop3A_517 : i32 to index
        %parallel_loop3A_519 = arith.index_cast %parallel_loop3A_492 : i32 to index
        %parallel_loop3A_520 = arith.constant 0 : index
        %parallel_loop3A_521 = tpu.vector_load %arg13[%parallel_loop3A_518, %parallel_loop3A_519, %parallel_loop3A_520] {strides = array<i32>} : memref<3x80x64xf32, #tpu.memory_space<vmem>>, vector<16xf32>,
        tpu.vector_store %arg13[%parallel_loop3A_518, %parallel_loop3A_519, %parallel_loop3A_520], %parallel_loop3A_516 {strides = array<i32>} : memref<3x80x64xf32, #tpu.memory_space<vmem>>, vector<16xf32>,
        %parallel_loop3A_522 = arith.constant true
        %parallel_loop3A_523 = vector.broadcast %parallel_loop3A_522 : i1 to vector<16xi1>
        %parallel_loop3A_524 = tpu.scan <sum>, %parallel_loop3A_516 masked %parallel_loop3A_523 : vector<16xf32>, vector<16xi1> -> vector<16xf32>
        %parallel_loop3A_525 = vector.extract %parallel_loop3A_524[15] : f32 from vector<16xf32>
        %parallel_loop3A_526 = vector.broadcast %parallel_loop3A_525 : f32 to vector<16xf32>
        %parallel_loop3A_527 = arith.constant -5.000000e+00 : f32
        %parallel_loop3A_528 = arith.constant 5.000000e+00 : f32
        %parallel_loop3A_529 = vector.broadcast %parallel_loop3A_527 : f32 to vector<16xf32>
        %parallel_loop3A_530 = arith.maximumf %parallel_loop3A_529, %parallel_loop3A_526 : vector<16xf32>
        %parallel_loop3A_531 = vector.broadcast %parallel_loop3A_528 : f32 to vector<16xf32>
        %parallel_loop3A_532 = arith.minimumf %parallel_loop3A_531, %parallel_loop3A_530 : vector<16xf32>
        %parallel_loop3A_533 = math.exp %parallel_loop3A_532 : vector<16xf32>
        %parallel_loop3A_534 = arith.mulf %parallel_loop3A_509, %parallel_loop3A_533 : vector<16xf32>
        %parallel_loop3A_535 = arith.index_cast %parallel_loop3A_492 : i32 to index
        %parallel_loop3A_536 = arith.constant 0 : index
        %parallel_loop3A_537 = tpu.vector_load %arg14[%parallel_loop3A_535, %parallel_loop3A_536] {strides = array<i32>} : memref<80x80xf32, #tpu.memory_space<vmem>>, vector<16xf32>,
        tpu.vector_store %arg14[%parallel_loop3A_535, %parallel_loop3A_536], %parallel_loop3A_534 {strides = array<i32>} : memref<80x80xf32, #tpu.memory_space<vmem>>, vector<16xf32>,
        %parallel_loop3A_538 = arith.constant 0 : i32
        %parallel_loop3A_539 = vector.broadcast %parallel_loop3A_538 : i32 to vector<16xi32>
        %parallel_loop3A_540 = arith.cmpi eq, %iota3A, %parallel_loop3A_539 : vector<16xi32>
        %parallel_loop3A_541 = arith.select %parallel_loop3A_540, %parallel_loop3A_533, %parallel_loop3A_494 : vector<16xi1>, vector<16xf32>
        %parallel_loop3A_542 = arith.constant 0 : i32
        %parallel_loop3A_543 = arith.index_cast %parallel_loop3A_542 : i32 to index
        %parallel_loop3A_544 = arith.index_cast %parallel_loop3A_492 : i32 to index
        %parallel_loop3A_545 = arith.constant 16 : index
        %parallel_loop3A_546 = tpu.vector_load %arg11[%parallel_loop3A_543, %parallel_loop3A_544, %parallel_loop3A_545] {strides = array<i32>} : memref<3x80x64xf32, #tpu.memory_space<vmem>>, vector<16xf32>,
        %parallel_loop3A_547 = arith.constant 0 : i32
        %parallel_loop3A_548 = arith.index_cast %parallel_loop3A_547 : i32 to index
        %parallel_loop3A_549 = arith.index_cast %parallel_loop3A_492 : i32 to index
        %parallel_loop3A_550 = arith.constant 16 : index
        %parallel_loop3A_551 = tpu.vector_load %arg12[%parallel_loop3A_548, %parallel_loop3A_549, %parallel_loop3A_550] {strides = array<i32>} : memref<3x80x128xf32, #tpu.memory_space<vmem>>, vector<16xf32>,
        %parallel_loop3A_552 = arith.constant 0 : i32
        %parallel_loop3A_553 = arith.index_cast %parallel_loop3A_552 : i32 to index
        %parallel_loop3A_554 = arith.index_cast %parallel_loop3A_492 : i32 to index
        %parallel_loop3A_555 = arith.constant 80 : index
        %parallel_loop3A_556 = tpu.vector_load %arg12[%parallel_loop3A_553, %parallel_loop3A_554, %parallel_loop3A_555] {strides = array<i32>} : memref<3x80x128xf32, #tpu.memory_space<vmem>>, vector<16xf32>,
        %parallel_loop3A_557 = arith.constant 0 : i32
        %parallel_loop3A_558 = arith.index_cast %parallel_loop3A_557 : i32 to index
        %parallel_loop3A_559 = arith.index_cast %parallel_loop3A_492 : i32 to index
        %parallel_loop3A_560 = arith.constant 16 : index
        %parallel_loop3A_561 = tpu.vector_load %arg13[%parallel_loop3A_558, %parallel_loop3A_559, %parallel_loop3A_560] {strides = array<i32>} : memref<3x80x64xf32, #tpu.memory_space<vmem>>, vector<16xf32>,
        %parallel_loop3A_562 = arith.mulf %parallel_loop3A_551, %parallel_loop3A_546 : vector<16xf32>
        %parallel_loop3A_563 = arith.mulf %parallel_loop3A_562, %parallel_loop3A_561 : vector<16xf32>
        %parallel_loop3A_564 = arith.constant 0 : i32
        %parallel_loop3A_565 = arith.index_cast %parallel_loop3A_564 : i32 to index
        %parallel_loop3A_566 = arith.index_cast %parallel_loop3A_492 : i32 to index
        %parallel_loop3A_567 = arith.constant 16 : index
        %parallel_loop3A_568 = tpu.vector_load %arg13[%parallel_loop3A_565, %parallel_loop3A_566, %parallel_loop3A_567] {strides = array<i32>} : memref<3x80x64xf32, #tpu.memory_space<vmem>>, vector<16xf32>,
        tpu.vector_store %arg13[%parallel_loop3A_565, %parallel_loop3A_566, %parallel_loop3A_567], %parallel_loop3A_563 {strides = array<i32>} : memref<3x80x64xf32, #tpu.memory_space<vmem>>, vector<16xf32>,
        %parallel_loop3A_569 = arith.constant true
        %parallel_loop3A_570 = vector.broadcast %parallel_loop3A_569 : i1 to vector<16xi1>
        %parallel_loop3A_571 = tpu.scan <sum>, %parallel_loop3A_563 masked %parallel_loop3A_570 : vector<16xf32>, vector<16xi1> -> vector<16xf32>
        %parallel_loop3A_572 = vector.extract %parallel_loop3A_571[15] : f32 from vector<16xf32>
        %parallel_loop3A_573 = vector.broadcast %parallel_loop3A_572 : f32 to vector<16xf32>
        %parallel_loop3A_574 = arith.constant -5.000000e+00 : f32
        %parallel_loop3A_575 = arith.constant 5.000000e+00 : f32
        %parallel_loop3A_576 = vector.broadcast %parallel_loop3A_574 : f32 to vector<16xf32>
        %parallel_loop3A_577 = arith.maximumf %parallel_loop3A_576, %parallel_loop3A_573 : vector<16xf32>
        %parallel_loop3A_578 = vector.broadcast %parallel_loop3A_575 : f32 to vector<16xf32>
        %parallel_loop3A_579 = arith.minimumf %parallel_loop3A_578, %parallel_loop3A_577 : vector<16xf32>
        %parallel_loop3A_580 = math.exp %parallel_loop3A_579 : vector<16xf32>
        %parallel_loop3A_581 = arith.mulf %parallel_loop3A_556, %parallel_loop3A_580 : vector<16xf32>
        %parallel_loop3A_582 = arith.index_cast %parallel_loop3A_492 : i32 to index
        %parallel_loop3A_583 = arith.constant 16 : index
        %parallel_loop3A_584 = tpu.vector_load %arg14[%parallel_loop3A_582, %parallel_loop3A_583] {strides = array<i32>} : memref<80x80xf32, #tpu.memory_space<vmem>>, vector<16xf32>,
        tpu.vector_store %arg14[%parallel_loop3A_582, %parallel_loop3A_583], %parallel_loop3A_581 {strides = array<i32>} : memref<80x80xf32, #tpu.memory_space<vmem>>, vector<16xf32>,
        %parallel_loop3A_585 = arith.constant 1 : i32
        %parallel_loop3A_586 = vector.broadcast %parallel_loop3A_585 : i32 to vector<16xi32>
        %parallel_loop3A_587 = arith.cmpi eq, %iota3A, %parallel_loop3A_586 : vector<16xi32>
        %parallel_loop3A_588 = arith.select %parallel_loop3A_587, %parallel_loop3A_580, %parallel_loop3A_541 : vector<16xi1>, vector<16xf32>
        %parallel_loop3A_589 = arith.constant 0 : i32
        %parallel_loop3A_590 = arith.index_cast %parallel_loop3A_589 : i32 to index
        %parallel_loop3A_591 = arith.index_cast %parallel_loop3A_492 : i32 to index
        %parallel_loop3A_592 = arith.constant 32 : index
        %parallel_loop3A_593 = tpu.vector_load %arg11[%parallel_loop3A_590, %parallel_loop3A_591, %parallel_loop3A_592] {strides = array<i32>} : memref<3x80x64xf32, #tpu.memory_space<vmem>>, vector<16xf32>,
        %parallel_loop3A_594 = arith.constant 0 : i32
        %parallel_loop3A_595 = arith.index_cast %parallel_loop3A_594 : i32 to index
        %parallel_loop3A_596 = arith.index_cast %parallel_loop3A_492 : i32 to index
        %parallel_loop3A_597 = arith.constant 32 : index
        %parallel_loop3A_598 = tpu.vector_load %arg12[%parallel_loop3A_595, %parallel_loop3A_596, %parallel_loop3A_597] {strides = array<i32>} : memref<3x80x128xf32, #tpu.memory_space<vmem>>, vector<16xf32>,
        %parallel_loop3A_599 = arith.constant 0 : i32
        %parallel_loop3A_600 = arith.index_cast %parallel_loop3A_599 : i32 to index
        %parallel_loop3A_601 = arith.index_cast %parallel_loop3A_492 : i32 to index
        %parallel_loop3A_602 = arith.constant 96 : index
        %parallel_loop3A_603 = tpu.vector_load %arg12[%parallel_loop3A_600, %parallel_loop3A_601, %parallel_loop3A_602] {strides = array<i32>} : memref<3x80x128xf32, #tpu.memory_space<vmem>>, vector<16xf32>,
        %parallel_loop3A_604 = arith.constant 0 : i32
        %parallel_loop3A_605 = arith.index_cast %parallel_loop3A_604 : i32 to index
        %parallel_loop3A_606 = arith.index_cast %parallel_loop3A_492 : i32 to index
        %parallel_loop3A_607 = arith.constant 32 : index
        %parallel_loop3A_608 = tpu.vector_load %arg13[%parallel_loop3A_605, %parallel_loop3A_606, %parallel_loop3A_607] {strides = array<i32>} : memref<3x80x64xf32, #tpu.memory_space<vmem>>, vector<16xf32>,
        %parallel_loop3A_609 = arith.mulf %parallel_loop3A_598, %parallel_loop3A_593 : vector<16xf32>
        %parallel_loop3A_610 = arith.mulf %parallel_loop3A_609, %parallel_loop3A_608 : vector<16xf32>
        %parallel_loop3A_611 = arith.constant 0 : i32
        %parallel_loop3A_612 = arith.index_cast %parallel_loop3A_611 : i32 to index
        %parallel_loop3A_613 = arith.index_cast %parallel_loop3A_492 : i32 to index
        %parallel_loop3A_614 = arith.constant 32 : index
        %parallel_loop3A_615 = tpu.vector_load %arg13[%parallel_loop3A_612, %parallel_loop3A_613, %parallel_loop3A_614] {strides = array<i32>} : memref<3x80x64xf32, #tpu.memory_space<vmem>>, vector<16xf32>,
        tpu.vector_store %arg13[%parallel_loop3A_612, %parallel_loop3A_613, %parallel_loop3A_614], %parallel_loop3A_610 {strides = array<i32>} : memref<3x80x64xf32, #tpu.memory_space<vmem>>, vector<16xf32>,
        %parallel_loop3A_616 = arith.constant true
        %parallel_loop3A_617 = vector.broadcast %parallel_loop3A_616 : i1 to vector<16xi1>
        %parallel_loop3A_618 = tpu.scan <sum>, %parallel_loop3A_610 masked %parallel_loop3A_617 : vector<16xf32>, vector<16xi1> -> vector<16xf32>
        %parallel_loop3A_619 = vector.extract %parallel_loop3A_618[15] : f32 from vector<16xf32>
        %parallel_loop3A_620 = vector.broadcast %parallel_loop3A_619 : f32 to vector<16xf32>
        %parallel_loop3A_621 = arith.constant -5.000000e+00 : f32
        %parallel_loop3A_622 = arith.constant 5.000000e+00 : f32
        %parallel_loop3A_623 = vector.broadcast %parallel_loop3A_621 : f32 to vector<16xf32>
        %parallel_loop3A_624 = arith.maximumf %parallel_loop3A_623, %parallel_loop3A_620 : vector<16xf32>
        %parallel_loop3A_625 = vector.broadcast %parallel_loop3A_622 : f32 to vector<16xf32>
        %parallel_loop3A_626 = arith.minimumf %parallel_loop3A_625, %parallel_loop3A_624 : vector<16xf32>
        %parallel_loop3A_627 = math.exp %parallel_loop3A_626 : vector<16xf32>
        %parallel_loop3A_628 = arith.mulf %parallel_loop3A_603, %parallel_loop3A_627 : vector<16xf32>
        %parallel_loop3A_629 = arith.index_cast %parallel_loop3A_492 : i32 to index
        %parallel_loop3A_630 = arith.constant 32 : index
        %parallel_loop3A_631 = tpu.vector_load %arg14[%parallel_loop3A_629, %parallel_loop3A_630] {strides = array<i32>} : memref<80x80xf32, #tpu.memory_space<vmem>>, vector<16xf32>,
        tpu.vector_store %arg14[%parallel_loop3A_629, %parallel_loop3A_630], %parallel_loop3A_628 {strides = array<i32>} : memref<80x80xf32, #tpu.memory_space<vmem>>, vector<16xf32>,
        %parallel_loop3A_632 = arith.constant 2 : i32
        %parallel_loop3A_633 = vector.broadcast %parallel_loop3A_632 : i32 to vector<16xi32>
        %parallel_loop3A_634 = arith.cmpi eq, %iota3A, %parallel_loop3A_633 : vector<16xi32>
        %parallel_loop3A_635 = arith.select %parallel_loop3A_634, %parallel_loop3A_627, %parallel_loop3A_588 : vector<16xi1>, vector<16xf32>
        %parallel_loop3A_636 = arith.constant 0 : i32
        %parallel_loop3A_637 = arith.index_cast %parallel_loop3A_636 : i32 to index
        %parallel_loop3A_638 = arith.index_cast %parallel_loop3A_492 : i32 to index
        %parallel_loop3A_639 = arith.constant 48 : index
        %parallel_loop3A_640 = tpu.vector_load %arg11[%parallel_loop3A_637, %parallel_loop3A_638, %parallel_loop3A_639] {strides = array<i32>} : memref<3x80x64xf32, #tpu.memory_space<vmem>>, vector<16xf32>,
        %parallel_loop3A_641 = arith.constant 0 : i32
        %parallel_loop3A_642 = arith.index_cast %parallel_loop3A_641 : i32 to index
        %parallel_loop3A_643 = arith.index_cast %parallel_loop3A_492 : i32 to index
        %parallel_loop3A_644 = arith.constant 48 : index
        %parallel_loop3A_645 = tpu.vector_load %arg12[%parallel_loop3A_642, %parallel_loop3A_643, %parallel_loop3A_644] {strides = array<i32>} : memref<3x80x128xf32, #tpu.memory_space<vmem>>, vector<16xf32>,
        %parallel_loop3A_646 = arith.constant 0 : i32
        %parallel_loop3A_647 = arith.index_cast %parallel_loop3A_646 : i32 to index
        %parallel_loop3A_648 = arith.index_cast %parallel_loop3A_492 : i32 to index
        %parallel_loop3A_649 = arith.constant 112 : index
        %parallel_loop3A_650 = tpu.vector_load %arg12[%parallel_loop3A_647, %parallel_loop3A_648, %parallel_loop3A_649] {strides = array<i32>} : memref<3x80x128xf32, #tpu.memory_space<vmem>>, vector<16xf32>,
        %parallel_loop3A_651 = arith.constant 0 : i32
        %parallel_loop3A_652 = arith.index_cast %parallel_loop3A_651 : i32 to index
        %parallel_loop3A_653 = arith.index_cast %parallel_loop3A_492 : i32 to index
        %parallel_loop3A_654 = arith.constant 48 : index
        %parallel_loop3A_655 = tpu.vector_load %arg13[%parallel_loop3A_652, %parallel_loop3A_653, %parallel_loop3A_654] {strides = array<i32>} : memref<3x80x64xf32, #tpu.memory_space<vmem>>, vector<16xf32>,
        %parallel_loop3A_656 = arith.mulf %parallel_loop3A_645, %parallel_loop3A_640 : vector<16xf32>
        %parallel_loop3A_657 = arith.mulf %parallel_loop3A_656, %parallel_loop3A_655 : vector<16xf32>
        %parallel_loop3A_658 = arith.constant 0 : i32
        %parallel_loop3A_659 = arith.index_cast %parallel_loop3A_658 : i32 to index
        %parallel_loop3A_660 = arith.index_cast %parallel_loop3A_492 : i32 to index
        %parallel_loop3A_661 = arith.constant 48 : index
        %parallel_loop3A_662 = tpu.vector_load %arg13[%parallel_loop3A_659, %parallel_loop3A_660, %parallel_loop3A_661] {strides = array<i32>} : memref<3x80x64xf32, #tpu.memory_space<vmem>>, vector<16xf32>,
        tpu.vector_store %arg13[%parallel_loop3A_659, %parallel_loop3A_660, %parallel_loop3A_661], %parallel_loop3A_657 {strides = array<i32>} : memref<3x80x64xf32, #tpu.memory_space<vmem>>, vector<16xf32>,
        %parallel_loop3A_663 = arith.constant true
        %parallel_loop3A_664 = vector.broadcast %parallel_loop3A_663 : i1 to vector<16xi1>
        %parallel_loop3A_665 = tpu.scan <sum>, %parallel_loop3A_657 masked %parallel_loop3A_664 : vector<16xf32>, vector<16xi1> -> vector<16xf32>
        %parallel_loop3A_666 = vector.extract %parallel_loop3A_665[15] : f32 from vector<16xf32>
        %parallel_loop3A_667 = vector.broadcast %parallel_loop3A_666 : f32 to vector<16xf32>
        %parallel_loop3A_668 = arith.constant -5.000000e+00 : f32
        %parallel_loop3A_669 = arith.constant 5.000000e+00 : f32
        %parallel_loop3A_670 = vector.broadcast %parallel_loop3A_668 : f32 to vector<16xf32>
        %parallel_loop3A_671 = arith.maximumf %parallel_loop3A_670, %parallel_loop3A_667 : vector<16xf32>
        %parallel_loop3A_672 = vector.broadcast %parallel_loop3A_669 : f32 to vector<16xf32>
        %parallel_loop3A_673 = arith.minimumf %parallel_loop3A_672, %parallel_loop3A_671 : vector<16xf32>
        %parallel_loop3A_674 = math.exp %parallel_loop3A_673 : vector<16xf32>
        %parallel_loop3A_675 = arith.mulf %parallel_loop3A_650, %parallel_loop3A_674 : vector<16xf32>
        %parallel_loop3A_676 = arith.index_cast %parallel_loop3A_492 : i32 to index
        %parallel_loop3A_677 = arith.constant 48 : index
        %parallel_loop3A_678 = tpu.vector_load %arg14[%parallel_loop3A_676, %parallel_loop3A_677] {strides = array<i32>} : memref<80x80xf32, #tpu.memory_space<vmem>>, vector<16xf32>,
        tpu.vector_store %arg14[%parallel_loop3A_676, %parallel_loop3A_677], %parallel_loop3A_675 {strides = array<i32>} : memref<80x80xf32, #tpu.memory_space<vmem>>, vector<16xf32>,
        %parallel_loop3A_679 = arith.constant 3 : i32
        %parallel_loop3A_680 = vector.broadcast %parallel_loop3A_679 : i32 to vector<16xi32>
        %parallel_loop3A_681 = arith.cmpi eq, %iota3A, %parallel_loop3A_680 : vector<16xi32>
        %parallel_loop3A_682 = arith.select %parallel_loop3A_681, %parallel_loop3A_674, %parallel_loop3A_635 : vector<16xi1>, vector<16xf32>
        %parallel_loop3A_683 = arith.index_cast %parallel_loop3A_492 : i32 to index
        %parallel_loop3A_684 = arith.constant 64 : index
        %parallel_loop3A_685 = tpu.vector_load %arg14[%parallel_loop3A_683, %parallel_loop3A_684] {strides = array<i32>} : memref<80x80xf32, #tpu.memory_space<vmem>>, vector<16xf32>,
        tpu.vector_store %arg14[%parallel_loop3A_683, %parallel_loop3A_684], %parallel_loop3A_682 {strides = array<i32>} : memref<80x80xf32, #tpu.memory_space<vmem>>, vector<16xf32>,
      } {sc.loop_unroll_factor = 4 : i64, sc.parallel_access}
      %ge3A = arith.constant 1 : i32
      %ge3A_304 = arith.cmpi sge, %mul3A_254, %ge3A : i32
      %convert_element_type3A = arith.extui %ge3A_304 : i1 to i32
      %cond3A = arith.constant 0 : i32
      %cond3A_305 = arith.cmpi ne, %convert_element_type3A, %cond3A : i32
      scf.if %cond3A_305 {
        %sub3A = arith.constant 1 : i32
        %sub3A_492 = arith.subi %mul3A_254, %sub3A : i32
        %mul3A_493 = arith.constant 80 : i32
        %mul3A_494 = arith.muli %sub3A_492, %mul3A_493 : i32
        %add3A_495 = arith.addi %mul3A_0, %mul3A_494 : i32
        %dma_wait3A_496 = arith.constant 2 : i32
        %dma_wait3A_497 = arith.constant 0 : i32
        %dma_wait3A_498 = arith.constant 0 : i32
        %dma_wait3A_499 = tpu.memref_slice %arg13[%dma_wait3A_496, %dma_wait3A_497, %dma_wait3A_498] : memref<3x80x64xf32, #tpu.memory_space<vmem>> -> memref<1x80x64xf32, #tpu.memory_space<vmem>>
        %dma_wait3A_500 = tpu.memref_squeeze %dma_wait3A_499 : memref<1x80x64xf32, #tpu.memory_space<vmem>> -> memref<80x64xf32, #tpu.memory_space<vmem>>
        %dma_wait3A_501 = tpu.memref_slice %arg7[%add3A_495, %multiple_of3A] : memref<320000x128xf32, #tpu.memory_space<hbm>> -> memref<80x64xf32, #tpu.memory_space<hbm>>
        %dma_wait3A_502 = tpu.memref_slice %arg7[%add3A_495, %multiple_of3A] : memref<320000x128xf32, #tpu.memory_space<hbm>> -> memref<80x64xf32, #tpu.memory_space<hbm>>
        %dma_wait3A_503 = arith.constant 0 : i32
        %dma_wait3A_504 = arith.constant 0 : i32
        %dma_wait3A_505 = tpu.memref_slice %arg13[%dma_wait3A_496, %dma_wait3A_503, %dma_wait3A_504] : memref<3x80x64xf32, #tpu.memory_space<vmem>> -> memref<1x80x64xf32, #tpu.memory_space<vmem>>
        %dma_wait3A_506 = tpu.memref_squeeze %dma_wait3A_505 : memref<1x80x64xf32, #tpu.memory_space<vmem>> -> memref<80x64xf32, #tpu.memory_space<vmem>>
        tpu.wait_dma2 semaphore(%arg21 : memref<!tpu.dma_semaphore, #tpu.memory_space<semaphore_mem>>) src(%dma_wait3A_506 : memref<80x64xf32, #tpu.memory_space<vmem>>) dst(%dma_wait3A_502 : memref<80x64xf32, #tpu.memory_space<hbm>>)
      } else {
      }
      %mul3A_306 = arith.constant 80 : i32
      %mul3A_307 = arith.muli %mul3A_254, %mul3A_306 : i32
      %add3A_308 = arith.addi %mul3A_0, %mul3A_307 : i32
      %dma_start3A_309 = arith.constant 0 : i32
      %dma_start3A_310 = arith.constant 0 : i32
      %dma_start3A_311 = arith.constant 0 : i32
      %dma_start3A_312 = tpu.memref_slice %arg13[%dma_start3A_309, %dma_start3A_310, %dma_start3A_311] : memref<3x80x64xf32, #tpu.memory_space<vmem>> -> memref<1x80x64xf32, #tpu.memory_space<vmem>>
      %dma_start3A_313 = tpu.memref_squeeze %dma_start3A_312 : memref<1x80x64xf32, #tpu.memory_space<vmem>> -> memref<80x64xf32, #tpu.memory_space<vmem>>
      %dma_start3A_314 = tpu.memref_slice %arg7[%add3A_308, %multiple_of3A] : memref<320000x128xf32, #tpu.memory_space<hbm>> -> memref<80x64xf32, #tpu.memory_space<hbm>>
      %dma_start3A_315 = tpu.memref_slice %arg7[%add3A_308, %multiple_of3A] : memref<320000x128xf32, #tpu.memory_space<hbm>> -> memref<80x64xf32, #tpu.memory_space<hbm>>
      %dma_start3A_316 = arith.constant 0 : i32
      %dma_start3A_317 = arith.constant 0 : i32
      %dma_start3A_318 = tpu.memref_slice %arg13[%dma_start3A_309, %dma_start3A_316, %dma_start3A_317] : memref<3x80x64xf32, #tpu.memory_space<vmem>> -> memref<1x80x64xf32, #tpu.memory_space<vmem>>
      %dma_start3A_319 = tpu.memref_squeeze %dma_start3A_318 : memref<1x80x64xf32, #tpu.memory_space<vmem>> -> memref<80x64xf32, #tpu.memory_space<vmem>>
      tpu.enqueue_dma source(%dma_start3A_319 : memref<80x64xf32, #tpu.memory_space<vmem>>) target(%dma_start3A_315 : memref<80x64xf32, #tpu.memory_space<hbm>>) target_semaphore(%arg19 : memref<!tpu.dma_semaphore, #tpu.memory_space<semaphore_mem>>)
      %run_scoped3A_320 = arith.constant 0 : i32
      "tpu.region"() ({
        %run_scoped3A_492 = tpu.sem_alloc : memref<!tpu.dma_semaphore, #tpu.memory_space<semaphore_mem>>
        %dma_start3A_493 = arith.constant 0 : i32
        %dma_start3A_494 = tpu.memref_slice %arg10[%run_scoped3A_320, %dma_start3A_493] : memref<3x80xi32, #tpu.memory_space<vmem>> -> memref<1x80xi32, #tpu.memory_space<vmem>>
        %dma_start3A_495 = tpu.memref_squeeze %dma_start3A_494 : memref<1x80xi32, #tpu.memory_space<vmem>> -> memref<80xi32, #tpu.memory_space<vmem>>
        %dma_start3A_496 = arith.constant 0 : i32
        %dma_start3A_497 = arith.constant 0 : i32
        %dma_start3A_498 = tpu.memref_slice %arg15[%dma_start3A_496, %dma_start3A_497] : memref<10000x80xf32, #tpu.memory_space<vmem_shared>> -> memref<10000x80xf32, #tpu.memory_space<vmem_shared>>
        tpu.enqueue_indirect_dma source(%arg14 : memref<80x80xf32, #tpu.memory_space<vmem>>) target(%dma_start3A_498 : memref<10000x80xf32, #tpu.memory_space<vmem_shared>>) offsets(%dma_start3A_495 : memref<80xi32, #tpu.memory_space<vmem>>) semaphore(%run_scoped3A_492 : memref<!tpu.dma_semaphore, #tpu.memory_space<semaphore_mem>>) {add = true}
        %dma_wait3A_499 = arith.constant 0 : i32
        %dma_wait3A_500 = tpu.memref_slice %arg10[%run_scoped3A_320, %dma_wait3A_499] : memref<3x80xi32, #tpu.memory_space<vmem>> -> memref<1x80xi32, #tpu.memory_space<vmem>>
        %dma_wait3A_501 = tpu.memref_squeeze %dma_wait3A_500 : memref<1x80xi32, #tpu.memory_space<vmem>> -> memref<80xi32, #tpu.memory_space<vmem>>
        %dma_wait3A_502 = arith.constant 0 : i32
        %dma_wait3A_503 = arith.constant 0 : i32
        %dma_wait3A_504 = tpu.memref_slice %arg15[%dma_wait3A_502, %dma_wait3A_503] : memref<10000x80xf32, #tpu.memory_space<vmem_shared>> -> memref<10000x80xf32, #tpu.memory_space<vmem_shared>>
        tpu.wait_indirect_dma semaphore(%run_scoped3A_492 : memref<!tpu.dma_semaphore, #tpu.memory_space<semaphore_mem>>) src(%arg14 : memref<80x80xf32, #tpu.memory_space<vmem>>) dst(%dma_wait3A_504 : memref<10000x80xf32, #tpu.memory_space<vmem_shared>>)
        tpu.yield
      }) : () -> ()
      %le3A = arith.constant 248 : i32
      %le3A_321 = arith.cmpi sle, %mul3A_254, %le3A : i32
      %convert_element_type3A_322 = arith.extui %le3A_321 : i1 to i32
      %cond3A_323 = arith.constant 0 : i32
      %cond3A_324 = arith.cmpi ne, %convert_element_type3A_322, %cond3A_323 : i32
      scf.if %cond3A_324 {
        %ge3A_492 = arith.constant 1 : i32
        %ge3A_493 = arith.cmpi sge, %mul3A_254, %ge3A_492 : i32
        %convert_element_type3A_494 = arith.extui %ge3A_493 : i1 to i32
        %cond3A_495 = arith.constant 0 : i32
        %cond3A_496 = arith.cmpi ne, %convert_element_type3A_494, %cond3A_495 : i32
        scf.if %cond3A_496 {
          %add3A_545 = arith.constant 1 : i32
          %add3A_546 = arith.addi %mul3A_254, %add3A_545 : i32
          %add3A_547 = arith.addi %mul3A_2, %add3A_546 : i32
          %add3A_548 = arith.addi %mul3A_2, %add3A_546 : i32
          %dma_wait3A_549 = arith.constant 1 : i32
          %dma_wait3A_550 = arith.constant 0 : i32
          %dma_wait3A_551 = tpu.memref_slice %arg9[%dma_wait3A_549, %dma_wait3A_550] : memref<3x80xi32, #tpu.memory_space<vmem>> -> memref<1x80xi32, #tpu.memory_space<vmem>>
          %dma_wait3A_552 = arith.constant 0 : i32
          %dma_wait3A_553 = tpu.memref_slice %arg2[%add3A_547, %dma_wait3A_552] : memref<4000x80xi32, #tpu.memory_space<hbm>> -> memref<1x80xi32, #tpu.memory_space<hbm>>
          %dma_wait3A_554 = arith.constant 1 : i32
          %dma_wait3A_555 = arith.constant 0 : i32
          %dma_wait3A_556 = tpu.memref_slice %arg9[%dma_wait3A_554, %dma_wait3A_555] : memref<3x80xi32, #tpu.memory_space<vmem>> -> memref<1x80xi32, #tpu.memory_space<vmem>>
          %dma_wait3A_557 = arith.constant 0 : i32
          %dma_wait3A_558 = tpu.memref_slice %arg2[%add3A_547, %dma_wait3A_557] : memref<4000x80xi32, #tpu.memory_space<hbm>> -> memref<1x80xi32, #tpu.memory_space<hbm>>
          tpu.wait_dma2 semaphore(%arg22 : memref<!tpu.dma_semaphore, #tpu.memory_space<semaphore_mem>>) src(%dma_wait3A_558 : memref<1x80xi32, #tpu.memory_space<hbm>>) dst(%dma_wait3A_556 : memref<1x80xi32, #tpu.memory_space<vmem>>)
          %dma_wait3A_559 = arith.constant 1 : i32
          %dma_wait3A_560 = arith.constant 0 : i32
          %dma_wait3A_561 = tpu.memref_slice %arg10[%dma_wait3A_559, %dma_wait3A_560] : memref<3x80xi32, #tpu.memory_space<vmem>> -> memref<1x80xi32, #tpu.memory_space<vmem>>
          %dma_wait3A_562 = arith.constant 0 : i32
          %dma_wait3A_563 = tpu.memref_slice %arg3[%add3A_548, %dma_wait3A_562] : memref<4000x80xi32, #tpu.memory_space<hbm>> -> memref<1x80xi32, #tpu.memory_space<hbm>>
          %dma_wait3A_564 = arith.constant 1 : i32
          %dma_wait3A_565 = arith.constant 0 : i32
          %dma_wait3A_566 = tpu.memref_slice %arg10[%dma_wait3A_564, %dma_wait3A_565] : memref<3x80xi32, #tpu.memory_space<vmem>> -> memref<1x80xi32, #tpu.memory_space<vmem>>
          %dma_wait3A_567 = arith.constant 0 : i32
          %dma_wait3A_568 = tpu.memref_slice %arg3[%add3A_548, %dma_wait3A_567] : memref<4000x80xi32, #tpu.memory_space<hbm>> -> memref<1x80xi32, #tpu.memory_space<hbm>>
          tpu.wait_dma2 semaphore(%arg22 : memref<!tpu.dma_semaphore, #tpu.memory_space<semaphore_mem>>) src(%dma_wait3A_568 : memref<1x80xi32, #tpu.memory_space<hbm>>) dst(%dma_wait3A_566 : memref<1x80xi32, #tpu.memory_space<vmem>>)
        } else {
        }
        %add3A_497 = arith.constant 1 : i32
        %add3A_498 = arith.addi %mul3A_254, %add3A_497 : i32
        %mul3A_499 = arith.constant 80 : i32
        %mul3A_500 = arith.muli %add3A_498, %mul3A_499 : i32
        %add3A_501 = arith.addi %mul3A_0, %mul3A_500 : i32
        %dma_start3A_502 = arith.constant 1 : i32
        %dma_start3A_503 = arith.constant 1 : i32
        %dma_start3A_504 = arith.constant 0 : i32
        %dma_start3A_505 = arith.constant 0 : i32
        %dma_start3A_506 = tpu.memref_slice %arg11[%dma_start3A_503, %dma_start3A_504, %dma_start3A_505] : memref<3x80x64xf32, #tpu.memory_space<vmem>> -> memref<1x80x64xf32, #tpu.memory_space<vmem>>
        %dma_start3A_507 = tpu.memref_squeeze %dma_start3A_506 : memref<1x80x64xf32, #tpu.memory_space<vmem>> -> memref<80x64xf32, #tpu.memory_space<vmem>>
        %dma_start3A_508 = arith.constant 0 : i32
        %dma_start3A_509 = tpu.memref_slice %arg10[%dma_start3A_502, %dma_start3A_508] : memref<3x80xi32, #tpu.memory_space<vmem>> -> memref<1x80xi32, #tpu.memory_space<vmem>>
        %dma_start3A_510 = tpu.memref_squeeze %dma_start3A_509 : memref<1x80xi32, #tpu.memory_space<vmem>> -> memref<80xi32, #tpu.memory_space<vmem>>
        %dma_start3A_511 = arith.constant 0 : i32
        %dma_start3A_512 = arith.constant 0 : i32
        %dma_start3A_513 = tpu.memref_slice %arg4[%arg0, %dma_start3A_511, %dma_start3A_512] : memref<2x10000x64xf32, #tpu.memory_space<hbm>> -> memref<1x10000x64xf32, #tpu.memory_space<hbm>>
        %dma_start3A_514 = tpu.memref_squeeze %dma_start3A_513 : memref<1x10000x64xf32, #tpu.memory_space<hbm>> -> memref<10000x64xf32, #tpu.memory_space<hbm>>
        %dma_start3A_515 = arith.constant 0 : i32
        %dma_start3A_516 = arith.constant 0 : i32
        %dma_start3A_517 = tpu.memref_slice %dma_start3A_514[%dma_start3A_515, %dma_start3A_516] : memref<10000x64xf32, #tpu.memory_space<hbm>> -> memref<10000x64xf32, #tpu.memory_space<hbm>>
        tpu.enqueue_indirect_dma source(%dma_start3A_517 : memref<10000x64xf32, #tpu.memory_space<hbm>>) target(%dma_start3A_507 : memref<80x64xf32, #tpu.memory_space<vmem>>) offsets(%dma_start3A_510 : memref<80xi32, #tpu.memory_space<vmem>>) semaphore(%arg17 : memref<!tpu.dma_semaphore, #tpu.memory_space<semaphore_mem>>)
        %dma_start3A_518 = arith.constant 1 : i32
        %dma_start3A_519 = arith.constant 1 : i32
        %dma_start3A_520 = arith.constant 0 : i32
        %dma_start3A_521 = arith.constant 0 : i32
        %dma_start3A_522 = tpu.memref_slice %arg12[%dma_start3A_519, %dma_start3A_520, %dma_start3A_521] : memref<3x80x128xf32, #tpu.memory_space<vmem>> -> memref<1x80x128xf32, #tpu.memory_space<vmem>>
        %dma_start3A_523 = tpu.memref_squeeze %dma_start3A_522 : memref<1x80x128xf32, #tpu.memory_space<vmem>> -> memref<80x128xf32, #tpu.memory_space<vmem>>
        %dma_start3A_524 = arith.constant 0 : i32
        %dma_start3A_525 = tpu.memref_slice %arg9[%dma_start3A_518, %dma_start3A_524] : memref<3x80xi32, #tpu.memory_space<vmem>> -> memref<1x80xi32, #tpu.memory_space<vmem>>
        %dma_start3A_526 = tpu.memref_squeeze %dma_start3A_525 : memref<1x80xi32, #tpu.memory_space<vmem>> -> memref<80xi32, #tpu.memory_space<vmem>>
        %dma_start3A_527 = arith.constant 0 : i32
        %dma_start3A_528 = arith.constant 0 : i32
        %dma_start3A_529 = tpu.memref_slice %arg5[%arg0, %dma_start3A_527, %dma_start3A_528] : memref<2x10000x128xf32, #tpu.memory_space<hbm>> -> memref<1x10000x128xf32, #tpu.memory_space<hbm>>
        %dma_start3A_530 = tpu.memref_squeeze %dma_start3A_529 : memref<1x10000x128xf32, #tpu.memory_space<hbm>> -> memref<10000x128xf32, #tpu.memory_space<hbm>>
        %dma_start3A_531 = arith.constant 0 : i32
        %dma_start3A_532 = arith.constant 0 : i32
        %dma_start3A_533 = tpu.memref_slice %dma_start3A_530[%dma_start3A_531, %dma_start3A_532] : memref<10000x128xf32, #tpu.memory_space<hbm>> -> memref<10000x128xf32, #tpu.memory_space<hbm>>
        tpu.enqueue_indirect_dma source(%dma_start3A_533 : memref<10000x128xf32, #tpu.memory_space<hbm>>) target(%dma_start3A_523 : memref<80x128xf32, #tpu.memory_space<vmem>>) offsets(%dma_start3A_526 : memref<80xi32, #tpu.memory_space<vmem>>) semaphore(%arg17 : memref<!tpu.dma_semaphore, #tpu.memory_space<semaphore_mem>>)
        %dma_start3A_534 = arith.constant 1 : i32
        %dma_start3A_535 = arith.constant 0 : i32
        %dma_start3A_536 = arith.constant 0 : i32
        %dma_start3A_537 = tpu.memref_slice %arg13[%dma_start3A_534, %dma_start3A_535, %dma_start3A_536] : memref<3x80x64xf32, #tpu.memory_space<vmem>> -> memref<1x80x64xf32, #tpu.memory_space<vmem>>
        %dma_start3A_538 = tpu.memref_squeeze %dma_start3A_537 : memref<1x80x64xf32, #tpu.memory_space<vmem>> -> memref<80x64xf32, #tpu.memory_space<vmem>>
        %dma_start3A_539 = tpu.memref_slice %arg6[%add3A_501, %multiple_of3A] : memref<320000x128xf32, #tpu.memory_space<hbm>> -> memref<80x64xf32, #tpu.memory_space<hbm>>
        %dma_start3A_540 = arith.constant 0 : i32
        %dma_start3A_541 = arith.constant 0 : i32
        %dma_start3A_542 = tpu.memref_slice %arg13[%dma_start3A_534, %dma_start3A_540, %dma_start3A_541] : memref<3x80x64xf32, #tpu.memory_space<vmem>> -> memref<1x80x64xf32, #tpu.memory_space<vmem>>
        %dma_start3A_543 = tpu.memref_squeeze %dma_start3A_542 : memref<1x80x64xf32, #tpu.memory_space<vmem>> -> memref<80x64xf32, #tpu.memory_space<vmem>>
        %dma_start3A_544 = tpu.memref_slice %arg6[%add3A_501, %multiple_of3A] : memref<320000x128xf32, #tpu.memory_space<hbm>> -> memref<80x64xf32, #tpu.memory_space<hbm>>
        tpu.enqueue_dma source(%dma_start3A_544 : memref<80x64xf32, #tpu.memory_space<hbm>>) target(%dma_start3A_543 : memref<80x64xf32, #tpu.memory_space<vmem>>) target_semaphore(%arg17 : memref<!tpu.dma_semaphore, #tpu.memory_space<semaphore_mem>>)
      } else {
      }
      %le3A_325 = arith.constant 247 : i32
      %le3A_326 = arith.cmpi sle, %mul3A_254, %le3A_325 : i32
      %convert_element_type3A_327 = arith.extui %le3A_326 : i1 to i32
      %cond3A_328 = arith.constant 0 : i32
      %cond3A_329 = arith.cmpi ne, %convert_element_type3A_327, %cond3A_328 : i32
      scf.if %cond3A_329 {
        %add3A_492 = arith.constant 2 : i32
        %add3A_493 = arith.addi %mul3A_254, %add3A_492 : i32
        %add3A_494 = arith.addi %mul3A_2, %add3A_493 : i32
        %add3A_495 = arith.addi %mul3A_2, %add3A_493 : i32
        %dma_start3A_496 = arith.constant 2 : i32
        %dma_start3A_497 = arith.constant 0 : i32
        %dma_start3A_498 = tpu.memref_slice %arg9[%dma_start3A_496, %dma_start3A_497] : memref<3x80xi32, #tpu.memory_space<vmem>> -> memref<1x80xi32, #tpu.memory_space<vmem>>
        %dma_start3A_499 = arith.constant 0 : i32
        %dma_start3A_500 = tpu.memref_slice %arg2[%add3A_494, %dma_start3A_499] : memref<4000x80xi32, #tpu.memory_space<hbm>> -> memref<1x80xi32, #tpu.memory_space<hbm>>
        %dma_start3A_501 = arith.constant 2 : i32
        %dma_start3A_502 = arith.constant 0 : i32
        %dma_start3A_503 = tpu.memref_slice %arg9[%dma_start3A_501, %dma_start3A_502] : memref<3x80xi32, #tpu.memory_space<vmem>> -> memref<1x80xi32, #tpu.memory_space<vmem>>
        %dma_start3A_504 = arith.constant 0 : i32
        %dma_start3A_505 = tpu.memref_slice %arg2[%add3A_494, %dma_start3A_504] : memref<4000x80xi32, #tpu.memory_space<hbm>> -> memref<1x80xi32, #tpu.memory_space<hbm>>
        tpu.enqueue_dma source(%dma_start3A_505 : memref<1x80xi32, #tpu.memory_space<hbm>>) target(%dma_start3A_503 : memref<1x80xi32, #tpu.memory_space<vmem>>) target_semaphore(%arg22 : memref<!tpu.dma_semaphore, #tpu.memory_space<semaphore_mem>>)
        %dma_start3A_506 = arith.constant 2 : i32
        %dma_start3A_507 = arith.constant 0 : i32
        %dma_start3A_508 = tpu.memref_slice %arg10[%dma_start3A_506, %dma_start3A_507] : memref<3x80xi32, #tpu.memory_space<vmem>> -> memref<1x80xi32, #tpu.memory_space<vmem>>
        %dma_start3A_509 = arith.constant 0 : i32
        %dma_start3A_510 = tpu.memref_slice %arg3[%add3A_495, %dma_start3A_509] : memref<4000x80xi32, #tpu.memory_space<hbm>> -> memref<1x80xi32, #tpu.memory_space<hbm>>
        %dma_start3A_511 = arith.constant 2 : i32
        %dma_start3A_512 = arith.constant 0 : i32
        %dma_start3A_513 = tpu.memref_slice %arg10[%dma_start3A_511, %dma_start3A_512] : memref<3x80xi32, #tpu.memory_space<vmem>> -> memref<1x80xi32, #tpu.memory_space<vmem>>
        %dma_start3A_514 = arith.constant 0 : i32
        %dma_start3A_515 = tpu.memref_slice %arg3[%add3A_495, %dma_start3A_514] : memref<4000x80xi32, #tpu.memory_space<hbm>> -> memref<1x80xi32, #tpu.memory_space<hbm>>
        tpu.enqueue_dma source(%dma_start3A_515 : memref<1x80xi32, #tpu.memory_space<hbm>>) target(%dma_start3A_513 : memref<1x80xi32, #tpu.memory_space<vmem>>) target_semaphore(%arg22 : memref<!tpu.dma_semaphore, #tpu.memory_space<semaphore_mem>>)
      } else {
      }
      %add3A_330 = arith.constant 1 : i32
      %add3A_331 = arith.addi %mul3A_254, %add3A_330 : i32
      %mul3A_332 = arith.constant 80 : i32
      %mul3A_333 = arith.muli %add3A_331, %mul3A_332 : i32
      %add3A_334 = arith.addi %mul3A_0, %mul3A_333 : i32
      %dma_wait3A_335 = arith.constant 1 : i32
      %dma_wait3A_336 = arith.constant 1 : i32
      %dma_wait3A_337 = arith.constant 0 : i32
      %dma_wait3A_338 = arith.constant 0 : i32
      %dma_wait3A_339 = tpu.memref_slice %arg11[%dma_wait3A_336, %dma_wait3A_337, %dma_wait3A_338] : memref<3x80x64xf32, #tpu.memory_space<vmem>> -> memref<1x80x64xf32, #tpu.memory_space<vmem>>
      %dma_wait3A_340 = tpu.memref_squeeze %dma_wait3A_339 : memref<1x80x64xf32, #tpu.memory_space<vmem>> -> memref<80x64xf32, #tpu.memory_space<vmem>>
      %dma_wait3A_341 = arith.constant 0 : i32
      %dma_wait3A_342 = tpu.memref_slice %arg10[%dma_wait3A_335, %dma_wait3A_341] : memref<3x80xi32, #tpu.memory_space<vmem>> -> memref<1x80xi32, #tpu.memory_space<vmem>>
      %dma_wait3A_343 = tpu.memref_squeeze %dma_wait3A_342 : memref<1x80xi32, #tpu.memory_space<vmem>> -> memref<80xi32, #tpu.memory_space<vmem>>
      %dma_wait3A_344 = arith.constant 0 : i32
      %dma_wait3A_345 = arith.constant 0 : i32
      %dma_wait3A_346 = tpu.memref_slice %arg4[%arg0, %dma_wait3A_344, %dma_wait3A_345] : memref<2x10000x64xf32, #tpu.memory_space<hbm>> -> memref<1x10000x64xf32, #tpu.memory_space<hbm>>
      %dma_wait3A_347 = tpu.memref_squeeze %dma_wait3A_346 : memref<1x10000x64xf32, #tpu.memory_space<hbm>> -> memref<10000x64xf32, #tpu.memory_space<hbm>>
      %dma_wait3A_348 = arith.constant 0 : i32
      %dma_wait3A_349 = arith.constant 0 : i32
      %dma_wait3A_350 = tpu.memref_slice %dma_wait3A_347[%dma_wait3A_348, %dma_wait3A_349] : memref<10000x64xf32, #tpu.memory_space<hbm>> -> memref<10000x64xf32, #tpu.memory_space<hbm>>
      tpu.wait_indirect_dma semaphore(%arg17 : memref<!tpu.dma_semaphore, #tpu.memory_space<semaphore_mem>>) src(%dma_wait3A_350 : memref<10000x64xf32, #tpu.memory_space<hbm>>) dst(%dma_wait3A_340 : memref<80x64xf32, #tpu.memory_space<vmem>>)
      %dma_wait3A_351 = arith.constant 1 : i32
      %dma_wait3A_352 = arith.constant 1 : i32
      %dma_wait3A_353 = arith.constant 0 : i32
      %dma_wait3A_354 = arith.constant 0 : i32
      %dma_wait3A_355 = tpu.memref_slice %arg12[%dma_wait3A_352, %dma_wait3A_353, %dma_wait3A_354] : memref<3x80x128xf32, #tpu.memory_space<vmem>> -> memref<1x80x128xf32, #tpu.memory_space<vmem>>
      %dma_wait3A_356 = tpu.memref_squeeze %dma_wait3A_355 : memref<1x80x128xf32, #tpu.memory_space<vmem>> -> memref<80x128xf32, #tpu.memory_space<vmem>>
      %dma_wait3A_357 = arith.constant 0 : i32
      %dma_wait3A_358 = tpu.memref_slice %arg9[%dma_wait3A_351, %dma_wait3A_357] : memref<3x80xi32, #tpu.memory_space<vmem>> -> memref<1x80xi32, #tpu.memory_space<vmem>>
      %dma_wait3A_359 = tpu.memref_squeeze %dma_wait3A_358 : memref<1x80xi32, #tpu.memory_space<vmem>> -> memref<80xi32, #tpu.memory_space<vmem>>
      %dma_wait3A_360 = arith.constant 0 : i32
      %dma_wait3A_361 = arith.constant 0 : i32
      %dma_wait3A_362 = tpu.memref_slice %arg5[%arg0, %dma_wait3A_360, %dma_wait3A_361] : memref<2x10000x128xf32, #tpu.memory_space<hbm>> -> memref<1x10000x128xf32, #tpu.memory_space<hbm>>
      %dma_wait3A_363 = tpu.memref_squeeze %dma_wait3A_362 : memref<1x10000x128xf32, #tpu.memory_space<hbm>> -> memref<10000x128xf32, #tpu.memory_space<hbm>>
      %dma_wait3A_364 = arith.constant 0 : i32
      %dma_wait3A_365 = arith.constant 0 : i32
      %dma_wait3A_366 = tpu.memref_slice %dma_wait3A_363[%dma_wait3A_364, %dma_wait3A_365] : memref<10000x128xf32, #tpu.memory_space<hbm>> -> memref<10000x128xf32, #tpu.memory_space<hbm>>
      tpu.wait_indirect_dma semaphore(%arg17 : memref<!tpu.dma_semaphore, #tpu.memory_space<semaphore_mem>>) src(%dma_wait3A_366 : memref<10000x128xf32, #tpu.memory_space<hbm>>) dst(%dma_wait3A_356 : memref<80x128xf32, #tpu.memory_space<vmem>>)
      %dma_wait3A_367 = arith.constant 1 : i32
      %dma_wait3A_368 = arith.constant 0 : i32
      %dma_wait3A_369 = arith.constant 0 : i32
      %dma_wait3A_370 = tpu.memref_slice %arg13[%dma_wait3A_367, %dma_wait3A_368, %dma_wait3A_369] : memref<3x80x64xf32, #tpu.memory_space<vmem>> -> memref<1x80x64xf32, #tpu.memory_space<vmem>>
      %dma_wait3A_371 = tpu.memref_squeeze %dma_wait3A_370 : memref<1x80x64xf32, #tpu.memory_space<vmem>> -> memref<80x64xf32, #tpu.memory_space<vmem>>
      %dma_wait3A_372 = tpu.memref_slice %arg6[%add3A_334, %multiple_of3A] : memref<320000x128xf32, #tpu.memory_space<hbm>> -> memref<80x64xf32, #tpu.memory_space<hbm>>
      %dma_wait3A_373 = arith.constant 0 : i32
      %dma_wait3A_374 = arith.constant 0 : i32
      %dma_wait3A_375 = tpu.memref_slice %arg13[%dma_wait3A_367, %dma_wait3A_373, %dma_wait3A_374] : memref<3x80x64xf32, #tpu.memory_space<vmem>> -> memref<1x80x64xf32, #tpu.memory_space<vmem>>
      %dma_wait3A_376 = tpu.memref_squeeze %dma_wait3A_375 : memref<1x80x64xf32, #tpu.memory_space<vmem>> -> memref<80x64xf32, #tpu.memory_space<vmem>>
      %dma_wait3A_377 = tpu.memref_slice %arg6[%add3A_334, %multiple_of3A] : memref<320000x128xf32, #tpu.memory_space<hbm>> -> memref<80x64xf32, #tpu.memory_space<hbm>>
      tpu.wait_dma2 semaphore(%arg17 : memref<!tpu.dma_semaphore, #tpu.memory_space<semaphore_mem>>) src(%dma_wait3A_377 : memref<80x64xf32, #tpu.memory_space<hbm>>) dst(%dma_wait3A_376 : memref<80x64xf32, #tpu.memory_space<vmem>>)
      %parallel_loop3A_378 = arith.constant 0 : i32
      %parallel_loop3A_379 = arith.constant 80 : i32
      %parallel_loop3A_380 = arith.constant 1 : i32
      scf.for %parallel_loop3A_492 = %parallel_loop3A_378 to %parallel_loop3A_379 step %parallel_loop3A_380  : i32 {
        %parallel_loop3A_493 = arith.constant 0.000000e+00 : f32
        %parallel_loop3A_494 = vector.broadcast %parallel_loop3A_493 : f32 to vector<16xf32>
        %parallel_loop3A_495 = arith.constant 1 : i32
        %parallel_loop3A_496 = arith.index_cast %parallel_loop3A_495 : i32 to index
        %parallel_loop3A_497 = arith.index_cast %parallel_loop3A_492 : i32 to index
        %parallel_loop3A_498 = arith.constant 0 : index
        %parallel_loop3A_499 = tpu.vector_load %arg11[%parallel_loop3A_496, %parallel_loop3A_497, %parallel_loop3A_498] {strides = array<i32>} : memref<3x80x64xf32, #tpu.memory_space<vmem>>, vector<16xf32>,
        %parallel_loop3A_500 = arith.constant 1 : i32
        %parallel_loop3A_501 = arith.index_cast %parallel_loop3A_500 : i32 to index
        %parallel_loop3A_502 = arith.index_cast %parallel_loop3A_492 : i32 to index
        %parallel_loop3A_503 = arith.constant 0 : index
        %parallel_loop3A_504 = tpu.vector_load %arg12[%parallel_loop3A_501, %parallel_loop3A_502, %parallel_loop3A_503] {strides = array<i32>} : memref<3x80x128xf32, #tpu.memory_space<vmem>>, vector<16xf32>,
        %parallel_loop3A_505 = arith.constant 1 : i32
        %parallel_loop3A_506 = arith.index_cast %parallel_loop3A_505 : i32 to index
        %parallel_loop3A_507 = arith.index_cast %parallel_loop3A_492 : i32 to index
        %parallel_loop3A_508 = arith.constant 64 : index
        %parallel_loop3A_509 = tpu.vector_load %arg12[%parallel_loop3A_506, %parallel_loop3A_507, %parallel_loop3A_508] {strides = array<i32>} : memref<3x80x128xf32, #tpu.memory_space<vmem>>, vector<16xf32>,
        %parallel_loop3A_510 = arith.constant 1 : i32
        %parallel_loop3A_511 = arith.index_cast %parallel_loop3A_510 : i32 to index
        %parallel_loop3A_512 = arith.index_cast %parallel_loop3A_492 : i32 to index
        %parallel_loop3A_513 = arith.constant 0 : index
        %parallel_loop3A_514 = tpu.vector_load %arg13[%parallel_loop3A_511, %parallel_loop3A_512, %parallel_loop3A_513] {strides = array<i32>} : memref<3x80x64xf32, #tpu.memory_space<vmem>>, vector<16xf32>,
        %parallel_loop3A_515 = arith.mulf %parallel_loop3A_504, %parallel_loop3A_499 : vector<16xf32>
        %parallel_loop3A_516 = arith.mulf %parallel_loop3A_515, %parallel_loop3A_514 : vector<16xf32>
        %parallel_loop3A_517 = arith.constant 1 : i32
        %parallel_loop3A_518 = arith.index_cast %parallel_loop3A_517 : i32 to index
        %parallel_loop3A_519 = arith.index_cast %parallel_loop3A_492 : i32 to index
        %parallel_loop3A_520 = arith.constant 0 : index
        %parallel_loop3A_521 = tpu.vector_load %arg13[%parallel_loop3A_518, %parallel_loop3A_519, %parallel_loop3A_520] {strides = array<i32>} : memref<3x80x64xf32, #tpu.memory_space<vmem>>, vector<16xf32>,
        tpu.vector_store %arg13[%parallel_loop3A_518, %parallel_loop3A_519, %parallel_loop3A_520], %parallel_loop3A_516 {strides = array<i32>} : memref<3x80x64xf32, #tpu.memory_space<vmem>>, vector<16xf32>,
        %parallel_loop3A_522 = arith.constant true
        %parallel_loop3A_523 = vector.broadcast %parallel_loop3A_522 : i1 to vector<16xi1>
        %parallel_loop3A_524 = tpu.scan <sum>, %parallel_loop3A_516 masked %parallel_loop3A_523 : vector<16xf32>, vector<16xi1> -> vector<16xf32>
        %parallel_loop3A_525 = vector.extract %parallel_loop3A_524[15] : f32 from vector<16xf32>
        %parallel_loop3A_526 = vector.broadcast %parallel_loop3A_525 : f32 to vector<16xf32>
        %parallel_loop3A_527 = arith.constant -5.000000e+00 : f32
        %parallel_loop3A_528 = arith.constant 5.000000e+00 : f32
        %parallel_loop3A_529 = vector.broadcast %parallel_loop3A_527 : f32 to vector<16xf32>
        %parallel_loop3A_530 = arith.maximumf %parallel_loop3A_529, %parallel_loop3A_526 : vector<16xf32>
        %parallel_loop3A_531 = vector.broadcast %parallel_loop3A_528 : f32 to vector<16xf32>
        %parallel_loop3A_532 = arith.minimumf %parallel_loop3A_531, %parallel_loop3A_530 : vector<16xf32>
        %parallel_loop3A_533 = math.exp %parallel_loop3A_532 : vector<16xf32>
        %parallel_loop3A_534 = arith.mulf %parallel_loop3A_509, %parallel_loop3A_533 : vector<16xf32>
        %parallel_loop3A_535 = arith.index_cast %parallel_loop3A_492 : i32 to index
        %parallel_loop3A_536 = arith.constant 0 : index
        %parallel_loop3A_537 = tpu.vector_load %arg14[%parallel_loop3A_535, %parallel_loop3A_536] {strides = array<i32>} : memref<80x80xf32, #tpu.memory_space<vmem>>, vector<16xf32>,
        tpu.vector_store %arg14[%parallel_loop3A_535, %parallel_loop3A_536], %parallel_loop3A_534 {strides = array<i32>} : memref<80x80xf32, #tpu.memory_space<vmem>>, vector<16xf32>,
        %parallel_loop3A_538 = arith.constant 0 : i32
        %parallel_loop3A_539 = vector.broadcast %parallel_loop3A_538 : i32 to vector<16xi32>
        %parallel_loop3A_540 = arith.cmpi eq, %iota3A, %parallel_loop3A_539 : vector<16xi32>
        %parallel_loop3A_541 = arith.select %parallel_loop3A_540, %parallel_loop3A_533, %parallel_loop3A_494 : vector<16xi1>, vector<16xf32>
        %parallel_loop3A_542 = arith.constant 1 : i32
        %parallel_loop3A_543 = arith.index_cast %parallel_loop3A_542 : i32 to index
        %parallel_loop3A_544 = arith.index_cast %parallel_loop3A_492 : i32 to index
        %parallel_loop3A_545 = arith.constant 16 : index
        %parallel_loop3A_546 = tpu.vector_load %arg11[%parallel_loop3A_543, %parallel_loop3A_544, %parallel_loop3A_545] {strides = array<i32>} : memref<3x80x64xf32, #tpu.memory_space<vmem>>, vector<16xf32>,
        %parallel_loop3A_547 = arith.constant 1 : i32
        %parallel_loop3A_548 = arith.index_cast %parallel_loop3A_547 : i32 to index
        %parallel_loop3A_549 = arith.index_cast %parallel_loop3A_492 : i32 to index
        %parallel_loop3A_550 = arith.constant 16 : index
        %parallel_loop3A_551 = tpu.vector_load %arg12[%parallel_loop3A_548, %parallel_loop3A_549, %parallel_loop3A_550] {strides = array<i32>} : memref<3x80x128xf32, #tpu.memory_space<vmem>>, vector<16xf32>,
        %parallel_loop3A_552 = arith.constant 1 : i32
        %parallel_loop3A_553 = arith.index_cast %parallel_loop3A_552 : i32 to index
        %parallel_loop3A_554 = arith.index_cast %parallel_loop3A_492 : i32 to index
        %parallel_loop3A_555 = arith.constant 80 : index
        %parallel_loop3A_556 = tpu.vector_load %arg12[%parallel_loop3A_553, %parallel_loop3A_554, %parallel_loop3A_555] {strides = array<i32>} : memref<3x80x128xf32, #tpu.memory_space<vmem>>, vector<16xf32>,
        %parallel_loop3A_557 = arith.constant 1 : i32
        %parallel_loop3A_558 = arith.index_cast %parallel_loop3A_557 : i32 to index
        %parallel_loop3A_559 = arith.index_cast %parallel_loop3A_492 : i32 to index
        %parallel_loop3A_560 = arith.constant 16 : index
        %parallel_loop3A_561 = tpu.vector_load %arg13[%parallel_loop3A_558, %parallel_loop3A_559, %parallel_loop3A_560] {strides = array<i32>} : memref<3x80x64xf32, #tpu.memory_space<vmem>>, vector<16xf32>,
        %parallel_loop3A_562 = arith.mulf %parallel_loop3A_551, %parallel_loop3A_546 : vector<16xf32>
        %parallel_loop3A_563 = arith.mulf %parallel_loop3A_562, %parallel_loop3A_561 : vector<16xf32>
        %parallel_loop3A_564 = arith.constant 1 : i32
        %parallel_loop3A_565 = arith.index_cast %parallel_loop3A_564 : i32 to index
        %parallel_loop3A_566 = arith.index_cast %parallel_loop3A_492 : i32 to index
        %parallel_loop3A_567 = arith.constant 16 : index
        %parallel_loop3A_568 = tpu.vector_load %arg13[%parallel_loop3A_565, %parallel_loop3A_566, %parallel_loop3A_567] {strides = array<i32>} : memref<3x80x64xf32, #tpu.memory_space<vmem>>, vector<16xf32>,
        tpu.vector_store %arg13[%parallel_loop3A_565, %parallel_loop3A_566, %parallel_loop3A_567], %parallel_loop3A_563 {strides = array<i32>} : memref<3x80x64xf32, #tpu.memory_space<vmem>>, vector<16xf32>,
        %parallel_loop3A_569 = arith.constant true
        %parallel_loop3A_570 = vector.broadcast %parallel_loop3A_569 : i1 to vector<16xi1>
        %parallel_loop3A_571 = tpu.scan <sum>, %parallel_loop3A_563 masked %parallel_loop3A_570 : vector<16xf32>, vector<16xi1> -> vector<16xf32>
        %parallel_loop3A_572 = vector.extract %parallel_loop3A_571[15] : f32 from vector<16xf32>
        %parallel_loop3A_573 = vector.broadcast %parallel_loop3A_572 : f32 to vector<16xf32>
        %parallel_loop3A_574 = arith.constant -5.000000e+00 : f32
        %parallel_loop3A_575 = arith.constant 5.000000e+00 : f32
        %parallel_loop3A_576 = vector.broadcast %parallel_loop3A_574 : f32 to vector<16xf32>
        %parallel_loop3A_577 = arith.maximumf %parallel_loop3A_576, %parallel_loop3A_573 : vector<16xf32>
        %parallel_loop3A_578 = vector.broadcast %parallel_loop3A_575 : f32 to vector<16xf32>
        %parallel_loop3A_579 = arith.minimumf %parallel_loop3A_578, %parallel_loop3A_577 : vector<16xf32>
        %parallel_loop3A_580 = math.exp %parallel_loop3A_579 : vector<16xf32>
        %parallel_loop3A_581 = arith.mulf %parallel_loop3A_556, %parallel_loop3A_580 : vector<16xf32>
        %parallel_loop3A_582 = arith.index_cast %parallel_loop3A_492 : i32 to index
        %parallel_loop3A_583 = arith.constant 16 : index
        %parallel_loop3A_584 = tpu.vector_load %arg14[%parallel_loop3A_582, %parallel_loop3A_583] {strides = array<i32>} : memref<80x80xf32, #tpu.memory_space<vmem>>, vector<16xf32>,
        tpu.vector_store %arg14[%parallel_loop3A_582, %parallel_loop3A_583], %parallel_loop3A_581 {strides = array<i32>} : memref<80x80xf32, #tpu.memory_space<vmem>>, vector<16xf32>,
        %parallel_loop3A_585 = arith.constant 1 : i32
        %parallel_loop3A_586 = vector.broadcast %parallel_loop3A_585 : i32 to vector<16xi32>
        %parallel_loop3A_587 = arith.cmpi eq, %iota3A, %parallel_loop3A_586 : vector<16xi32>
        %parallel_loop3A_588 = arith.select %parallel_loop3A_587, %parallel_loop3A_580, %parallel_loop3A_541 : vector<16xi1>, vector<16xf32>
        %parallel_loop3A_589 = arith.constant 1 : i32
        %parallel_loop3A_590 = arith.index_cast %parallel_loop3A_589 : i32 to index
        %parallel_loop3A_591 = arith.index_cast %parallel_loop3A_492 : i32 to index
        %parallel_loop3A_592 = arith.constant 32 : index
        %parallel_loop3A_593 = tpu.vector_load %arg11[%parallel_loop3A_590, %parallel_loop3A_591, %parallel_loop3A_592] {strides = array<i32>} : memref<3x80x64xf32, #tpu.memory_space<vmem>>, vector<16xf32>,
        %parallel_loop3A_594 = arith.constant 1 : i32
        %parallel_loop3A_595 = arith.index_cast %parallel_loop3A_594 : i32 to index
        %parallel_loop3A_596 = arith.index_cast %parallel_loop3A_492 : i32 to index
        %parallel_loop3A_597 = arith.constant 32 : index
        %parallel_loop3A_598 = tpu.vector_load %arg12[%parallel_loop3A_595, %parallel_loop3A_596, %parallel_loop3A_597] {strides = array<i32>} : memref<3x80x128xf32, #tpu.memory_space<vmem>>, vector<16xf32>,
        %parallel_loop3A_599 = arith.constant 1 : i32
        %parallel_loop3A_600 = arith.index_cast %parallel_loop3A_599 : i32 to index
        %parallel_loop3A_601 = arith.index_cast %parallel_loop3A_492 : i32 to index
        %parallel_loop3A_602 = arith.constant 96 : index
        %parallel_loop3A_603 = tpu.vector_load %arg12[%parallel_loop3A_600, %parallel_loop3A_601, %parallel_loop3A_602] {strides = array<i32>} : memref<3x80x128xf32, #tpu.memory_space<vmem>>, vector<16xf32>,
        %parallel_loop3A_604 = arith.constant 1 : i32
        %parallel_loop3A_605 = arith.index_cast %parallel_loop3A_604 : i32 to index
        %parallel_loop3A_606 = arith.index_cast %parallel_loop3A_492 : i32 to index
        %parallel_loop3A_607 = arith.constant 32 : index
        %parallel_loop3A_608 = tpu.vector_load %arg13[%parallel_loop3A_605, %parallel_loop3A_606, %parallel_loop3A_607] {strides = array<i32>} : memref<3x80x64xf32, #tpu.memory_space<vmem>>, vector<16xf32>,
        %parallel_loop3A_609 = arith.mulf %parallel_loop3A_598, %parallel_loop3A_593 : vector<16xf32>
        %parallel_loop3A_610 = arith.mulf %parallel_loop3A_609, %parallel_loop3A_608 : vector<16xf32>
        %parallel_loop3A_611 = arith.constant 1 : i32
        %parallel_loop3A_612 = arith.index_cast %parallel_loop3A_611 : i32 to index
        %parallel_loop3A_613 = arith.index_cast %parallel_loop3A_492 : i32 to index
        %parallel_loop3A_614 = arith.constant 32 : index
        %parallel_loop3A_615 = tpu.vector_load %arg13[%parallel_loop3A_612, %parallel_loop3A_613, %parallel_loop3A_614] {strides = array<i32>} : memref<3x80x64xf32, #tpu.memory_space<vmem>>, vector<16xf32>,
        tpu.vector_store %arg13[%parallel_loop3A_612, %parallel_loop3A_613, %parallel_loop3A_614], %parallel_loop3A_610 {strides = array<i32>} : memref<3x80x64xf32, #tpu.memory_space<vmem>>, vector<16xf32>,
        %parallel_loop3A_616 = arith.constant true
        %parallel_loop3A_617 = vector.broadcast %parallel_loop3A_616 : i1 to vector<16xi1>
        %parallel_loop3A_618 = tpu.scan <sum>, %parallel_loop3A_610 masked %parallel_loop3A_617 : vector<16xf32>, vector<16xi1> -> vector<16xf32>
        %parallel_loop3A_619 = vector.extract %parallel_loop3A_618[15] : f32 from vector<16xf32>
        %parallel_loop3A_620 = vector.broadcast %parallel_loop3A_619 : f32 to vector<16xf32>
        %parallel_loop3A_621 = arith.constant -5.000000e+00 : f32
        %parallel_loop3A_622 = arith.constant 5.000000e+00 : f32
        %parallel_loop3A_623 = vector.broadcast %parallel_loop3A_621 : f32 to vector<16xf32>
        %parallel_loop3A_624 = arith.maximumf %parallel_loop3A_623, %parallel_loop3A_620 : vector<16xf32>
        %parallel_loop3A_625 = vector.broadcast %parallel_loop3A_622 : f32 to vector<16xf32>
        %parallel_loop3A_626 = arith.minimumf %parallel_loop3A_625, %parallel_loop3A_624 : vector<16xf32>
        %parallel_loop3A_627 = math.exp %parallel_loop3A_626 : vector<16xf32>
        %parallel_loop3A_628 = arith.mulf %parallel_loop3A_603, %parallel_loop3A_627 : vector<16xf32>
        %parallel_loop3A_629 = arith.index_cast %parallel_loop3A_492 : i32 to index
        %parallel_loop3A_630 = arith.constant 32 : index
        %parallel_loop3A_631 = tpu.vector_load %arg14[%parallel_loop3A_629, %parallel_loop3A_630] {strides = array<i32>} : memref<80x80xf32, #tpu.memory_space<vmem>>, vector<16xf32>,
        tpu.vector_store %arg14[%parallel_loop3A_629, %parallel_loop3A_630], %parallel_loop3A_628 {strides = array<i32>} : memref<80x80xf32, #tpu.memory_space<vmem>>, vector<16xf32>,
        %parallel_loop3A_632 = arith.constant 2 : i32
        %parallel_loop3A_633 = vector.broadcast %parallel_loop3A_632 : i32 to vector<16xi32>
        %parallel_loop3A_634 = arith.cmpi eq, %iota3A, %parallel_loop3A_633 : vector<16xi32>
        %parallel_loop3A_635 = arith.select %parallel_loop3A_634, %parallel_loop3A_627, %parallel_loop3A_588 : vector<16xi1>, vector<16xf32>
        %parallel_loop3A_636 = arith.constant 1 : i32
        %parallel_loop3A_637 = arith.index_cast %parallel_loop3A_636 : i32 to index
        %parallel_loop3A_638 = arith.index_cast %parallel_loop3A_492 : i32 to index
        %parallel_loop3A_639 = arith.constant 48 : index
        %parallel_loop3A_640 = tpu.vector_load %arg11[%parallel_loop3A_637, %parallel_loop3A_638, %parallel_loop3A_639] {strides = array<i32>} : memref<3x80x64xf32, #tpu.memory_space<vmem>>, vector<16xf32>,
        %parallel_loop3A_641 = arith.constant 1 : i32
        %parallel_loop3A_642 = arith.index_cast %parallel_loop3A_641 : i32 to index
        %parallel_loop3A_643 = arith.index_cast %parallel_loop3A_492 : i32 to index
        %parallel_loop3A_644 = arith.constant 48 : index
        %parallel_loop3A_645 = tpu.vector_load %arg12[%parallel_loop3A_642, %parallel_loop3A_643, %parallel_loop3A_644] {strides = array<i32>} : memref<3x80x128xf32, #tpu.memory_space<vmem>>, vector<16xf32>,
        %parallel_loop3A_646 = arith.constant 1 : i32
        %parallel_loop3A_647 = arith.index_cast %parallel_loop3A_646 : i32 to index
        %parallel_loop3A_648 = arith.index_cast %parallel_loop3A_492 : i32 to index
        %parallel_loop3A_649 = arith.constant 112 : index
        %parallel_loop3A_650 = tpu.vector_load %arg12[%parallel_loop3A_647, %parallel_loop3A_648, %parallel_loop3A_649] {strides = array<i32>} : memref<3x80x128xf32, #tpu.memory_space<vmem>>, vector<16xf32>,
        %parallel_loop3A_651 = arith.constant 1 : i32
        %parallel_loop3A_652 = arith.index_cast %parallel_loop3A_651 : i32 to index
        %parallel_loop3A_653 = arith.index_cast %parallel_loop3A_492 : i32 to index
        %parallel_loop3A_654 = arith.constant 48 : index
        %parallel_loop3A_655 = tpu.vector_load %arg13[%parallel_loop3A_652, %parallel_loop3A_653, %parallel_loop3A_654] {strides = array<i32>} : memref<3x80x64xf32, #tpu.memory_space<vmem>>, vector<16xf32>,
        %parallel_loop3A_656 = arith.mulf %parallel_loop3A_645, %parallel_loop3A_640 : vector<16xf32>
        %parallel_loop3A_657 = arith.mulf %parallel_loop3A_656, %parallel_loop3A_655 : vector<16xf32>
        %parallel_loop3A_658 = arith.constant 1 : i32
        %parallel_loop3A_659 = arith.index_cast %parallel_loop3A_658 : i32 to index
        %parallel_loop3A_660 = arith.index_cast %parallel_loop3A_492 : i32 to index
        %parallel_loop3A_661 = arith.constant 48 : index
        %parallel_loop3A_662 = tpu.vector_load %arg13[%parallel_loop3A_659, %parallel_loop3A_660, %parallel_loop3A_661] {strides = array<i32>} : memref<3x80x64xf32, #tpu.memory_space<vmem>>, vector<16xf32>,
        tpu.vector_store %arg13[%parallel_loop3A_659, %parallel_loop3A_660, %parallel_loop3A_661], %parallel_loop3A_657 {strides = array<i32>} : memref<3x80x64xf32, #tpu.memory_space<vmem>>, vector<16xf32>,
        %parallel_loop3A_663 = arith.constant true
        %parallel_loop3A_664 = vector.broadcast %parallel_loop3A_663 : i1 to vector<16xi1>
        %parallel_loop3A_665 = tpu.scan <sum>, %parallel_loop3A_657 masked %parallel_loop3A_664 : vector<16xf32>, vector<16xi1> -> vector<16xf32>
        %parallel_loop3A_666 = vector.extract %parallel_loop3A_665[15] : f32 from vector<16xf32>
        %parallel_loop3A_667 = vector.broadcast %parallel_loop3A_666 : f32 to vector<16xf32>
        %parallel_loop3A_668 = arith.constant -5.000000e+00 : f32
        %parallel_loop3A_669 = arith.constant 5.000000e+00 : f32
        %parallel_loop3A_670 = vector.broadcast %parallel_loop3A_668 : f32 to vector<16xf32>
        %parallel_loop3A_671 = arith.maximumf %parallel_loop3A_670, %parallel_loop3A_667 : vector<16xf32>
        %parallel_loop3A_672 = vector.broadcast %parallel_loop3A_669 : f32 to vector<16xf32>
        %parallel_loop3A_673 = arith.minimumf %parallel_loop3A_672, %parallel_loop3A_671 : vector<16xf32>
        %parallel_loop3A_674 = math.exp %parallel_loop3A_673 : vector<16xf32>
        %parallel_loop3A_675 = arith.mulf %parallel_loop3A_650, %parallel_loop3A_674 : vector<16xf32>
        %parallel_loop3A_676 = arith.index_cast %parallel_loop3A_492 : i32 to index
        %parallel_loop3A_677 = arith.constant 48 : index
        %parallel_loop3A_678 = tpu.vector_load %arg14[%parallel_loop3A_676, %parallel_loop3A_677] {strides = array<i32>} : memref<80x80xf32, #tpu.memory_space<vmem>>, vector<16xf32>,
        tpu.vector_store %arg14[%parallel_loop3A_676, %parallel_loop3A_677], %parallel_loop3A_675 {strides = array<i32>} : memref<80x80xf32, #tpu.memory_space<vmem>>, vector<16xf32>,
        %parallel_loop3A_679 = arith.constant 3 : i32
        %parallel_loop3A_680 = vector.broadcast %parallel_loop3A_679 : i32 to vector<16xi32>
        %parallel_loop3A_681 = arith.cmpi eq, %iota3A, %parallel_loop3A_680 : vector<16xi32>
        %parallel_loop3A_682 = arith.select %parallel_loop3A_681, %parallel_loop3A_674, %parallel_loop3A_635 : vector<16xi1>, vector<16xf32>
        %parallel_loop3A_683 = arith.index_cast %parallel_loop3A_492 : i32 to index
        %parallel_loop3A_684 = arith.constant 64 : index
        %parallel_loop3A_685 = tpu.vector_load %arg14[%parallel_loop3A_683, %parallel_loop3A_684] {strides = array<i32>} : memref<80x80xf32, #tpu.memory_space<vmem>>, vector<16xf32>,
        tpu.vector_store %arg14[%parallel_loop3A_683, %parallel_loop3A_684], %parallel_loop3A_682 {strides = array<i32>} : memref<80x80xf32, #tpu.memory_space<vmem>>, vector<16xf32>,
      } {sc.loop_unroll_factor = 4 : i64, sc.parallel_access}
      %ge3A_381 = arith.constant 1 : i32
      %ge3A_382 = arith.cmpi sge, %add3A_331, %ge3A_381 : i32
      %convert_element_type3A_383 = arith.extui %ge3A_382 : i1 to i32
      %cond3A_384 = arith.constant 0 : i32
      %cond3A_385 = arith.cmpi ne, %convert_element_type3A_383, %cond3A_384 : i32
      scf.if %cond3A_385 {
        %sub3A = arith.constant 1 : i32
        %sub3A_492 = arith.subi %add3A_331, %sub3A : i32
        %mul3A_493 = arith.constant 80 : i32
        %mul3A_494 = arith.muli %sub3A_492, %mul3A_493 : i32
        %add3A_495 = arith.addi %mul3A_0, %mul3A_494 : i32
        %dma_wait3A_496 = arith.constant 0 : i32
        %dma_wait3A_497 = arith.constant 0 : i32
        %dma_wait3A_498 = arith.constant 0 : i32
        %dma_wait3A_499 = tpu.memref_slice %arg13[%dma_wait3A_496, %dma_wait3A_497, %dma_wait3A_498] : memref<3x80x64xf32, #tpu.memory_space<vmem>> -> memref<1x80x64xf32, #tpu.memory_space<vmem>>
        %dma_wait3A_500 = tpu.memref_squeeze %dma_wait3A_499 : memref<1x80x64xf32, #tpu.memory_space<vmem>> -> memref<80x64xf32, #tpu.memory_space<vmem>>
        %dma_wait3A_501 = tpu.memref_slice %arg7[%add3A_495, %multiple_of3A] : memref<320000x128xf32, #tpu.memory_space<hbm>> -> memref<80x64xf32, #tpu.memory_space<hbm>>
        %dma_wait3A_502 = tpu.memref_slice %arg7[%add3A_495, %multiple_of3A] : memref<320000x128xf32, #tpu.memory_space<hbm>> -> memref<80x64xf32, #tpu.memory_space<hbm>>
        %dma_wait3A_503 = arith.constant 0 : i32
        %dma_wait3A_504 = arith.constant 0 : i32
        %dma_wait3A_505 = tpu.memref_slice %arg13[%dma_wait3A_496, %dma_wait3A_503, %dma_wait3A_504] : memref<3x80x64xf32, #tpu.memory_space<vmem>> -> memref<1x80x64xf32, #tpu.memory_space<vmem>>
        %dma_wait3A_506 = tpu.memref_squeeze %dma_wait3A_505 : memref<1x80x64xf32, #tpu.memory_space<vmem>> -> memref<80x64xf32, #tpu.memory_space<vmem>>
        tpu.wait_dma2 semaphore(%arg19 : memref<!tpu.dma_semaphore, #tpu.memory_space<semaphore_mem>>) src(%dma_wait3A_506 : memref<80x64xf32, #tpu.memory_space<vmem>>) dst(%dma_wait3A_502 : memref<80x64xf32, #tpu.memory_space<hbm>>)
      } else {
      }
      %mul3A_386 = arith.constant 80 : i32
      %mul3A_387 = arith.muli %add3A_331, %mul3A_386 : i32
      %add3A_388 = arith.addi %mul3A_0, %mul3A_387 : i32
      %dma_start3A_389 = arith.constant 1 : i32
      %dma_start3A_390 = arith.constant 0 : i32
      %dma_start3A_391 = arith.constant 0 : i32
      %dma_start3A_392 = tpu.memref_slice %arg13[%dma_start3A_389, %dma_start3A_390, %dma_start3A_391] : memref<3x80x64xf32, #tpu.memory_space<vmem>> -> memref<1x80x64xf32, #tpu.memory_space<vmem>>
      %dma_start3A_393 = tpu.memref_squeeze %dma_start3A_392 : memref<1x80x64xf32, #tpu.memory_space<vmem>> -> memref<80x64xf32, #tpu.memory_space<vmem>>
      %dma_start3A_394 = tpu.memref_slice %arg7[%add3A_388, %multiple_of3A] : memref<320000x128xf32, #tpu.memory_space<hbm>> -> memref<80x64xf32, #tpu.memory_space<hbm>>
      %dma_start3A_395 = tpu.memref_slice %arg7[%add3A_388, %multiple_of3A] : memref<320000x128xf32, #tpu.memory_space<hbm>> -> memref<80x64xf32, #tpu.memory_space<hbm>>
      %dma_start3A_396 = arith.constant 0 : i32
      %dma_start3A_397 = arith.constant 0 : i32
      %dma_start3A_398 = tpu.memref_slice %arg13[%dma_start3A_389, %dma_start3A_396, %dma_start3A_397] : memref<3x80x64xf32, #tpu.memory_space<vmem>> -> memref<1x80x64xf32, #tpu.memory_space<vmem>>
      %dma_start3A_399 = tpu.memref_squeeze %dma_start3A_398 : memref<1x80x64xf32, #tpu.memory_space<vmem>> -> memref<80x64xf32, #tpu.memory_space<vmem>>
      tpu.enqueue_dma source(%dma_start3A_399 : memref<80x64xf32, #tpu.memory_space<vmem>>) target(%dma_start3A_395 : memref<80x64xf32, #tpu.memory_space<hbm>>) target_semaphore(%arg20 : memref<!tpu.dma_semaphore, #tpu.memory_space<semaphore_mem>>)
      %run_scoped3A_400 = arith.constant 1 : i32
      "tpu.region"() ({
        %run_scoped3A_492 = tpu.sem_alloc : memref<!tpu.dma_semaphore, #tpu.memory_space<semaphore_mem>>
        %dma_start3A_493 = arith.constant 0 : i32
        %dma_start3A_494 = tpu.memref_slice %arg10[%run_scoped3A_400, %dma_start3A_493] : memref<3x80xi32, #tpu.memory_space<vmem>> -> memref<1x80xi32, #tpu.memory_space<vmem>>
        %dma_start3A_495 = tpu.memref_squeeze %dma_start3A_494 : memref<1x80xi32, #tpu.memory_space<vmem>> -> memref<80xi32, #tpu.memory_space<vmem>>
        %dma_start3A_496 = arith.constant 0 : i32
        %dma_start3A_497 = arith.constant 0 : i32
        %dma_start3A_498 = tpu.memref_slice %arg15[%dma_start3A_496, %dma_start3A_497] : memref<10000x80xf32, #tpu.memory_space<vmem_shared>> -> memref<10000x80xf32, #tpu.memory_space<vmem_shared>>
        tpu.enqueue_indirect_dma source(%arg14 : memref<80x80xf32, #tpu.memory_space<vmem>>) target(%dma_start3A_498 : memref<10000x80xf32, #tpu.memory_space<vmem_shared>>) offsets(%dma_start3A_495 : memref<80xi32, #tpu.memory_space<vmem>>) semaphore(%run_scoped3A_492 : memref<!tpu.dma_semaphore, #tpu.memory_space<semaphore_mem>>) {add = true}
        %dma_wait3A_499 = arith.constant 0 : i32
        %dma_wait3A_500 = tpu.memref_slice %arg10[%run_scoped3A_400, %dma_wait3A_499] : memref<3x80xi32, #tpu.memory_space<vmem>> -> memref<1x80xi32, #tpu.memory_space<vmem>>
        %dma_wait3A_501 = tpu.memref_squeeze %dma_wait3A_500 : memref<1x80xi32, #tpu.memory_space<vmem>> -> memref<80xi32, #tpu.memory_space<vmem>>
        %dma_wait3A_502 = arith.constant 0 : i32
        %dma_wait3A_503 = arith.constant 0 : i32
        %dma_wait3A_504 = tpu.memref_slice %arg15[%dma_wait3A_502, %dma_wait3A_503] : memref<10000x80xf32, #tpu.memory_space<vmem_shared>> -> memref<10000x80xf32, #tpu.memory_space<vmem_shared>>
        tpu.wait_indirect_dma semaphore(%run_scoped3A_492 : memref<!tpu.dma_semaphore, #tpu.memory_space<semaphore_mem>>) src(%arg14 : memref<80x80xf32, #tpu.memory_space<vmem>>) dst(%dma_wait3A_504 : memref<10000x80xf32, #tpu.memory_space<vmem_shared>>)
        tpu.yield
      }) : () -> ()
      %le3A_401 = arith.constant 248 : i32
      %le3A_402 = arith.cmpi sle, %add3A_331, %le3A_401 : i32
      %convert_element_type3A_403 = arith.extui %le3A_402 : i1 to i32
      %cond3A_404 = arith.constant 0 : i32
      %cond3A_405 = arith.cmpi ne, %convert_element_type3A_403, %cond3A_404 : i32
      scf.if %cond3A_405 {
        %ge3A_492 = arith.constant 1 : i32
        %ge3A_493 = arith.cmpi sge, %add3A_331, %ge3A_492 : i32
        %convert_element_type3A_494 = arith.extui %ge3A_493 : i1 to i32
        %cond3A_495 = arith.constant 0 : i32
        %cond3A_496 = arith.cmpi ne, %convert_element_type3A_494, %cond3A_495 : i32
        scf.if %cond3A_496 {
          %add3A_545 = arith.constant 1 : i32
          %add3A_546 = arith.addi %add3A_331, %add3A_545 : i32
          %add3A_547 = arith.addi %mul3A_2, %add3A_546 : i32
          %add3A_548 = arith.addi %mul3A_2, %add3A_546 : i32
          %dma_wait3A_549 = arith.constant 2 : i32
          %dma_wait3A_550 = arith.constant 0 : i32
          %dma_wait3A_551 = tpu.memref_slice %arg9[%dma_wait3A_549, %dma_wait3A_550] : memref<3x80xi32, #tpu.memory_space<vmem>> -> memref<1x80xi32, #tpu.memory_space<vmem>>
          %dma_wait3A_552 = arith.constant 0 : i32
          %dma_wait3A_553 = tpu.memref_slice %arg2[%add3A_547, %dma_wait3A_552] : memref<4000x80xi32, #tpu.memory_space<hbm>> -> memref<1x80xi32, #tpu.memory_space<hbm>>
          %dma_wait3A_554 = arith.constant 2 : i32
          %dma_wait3A_555 = arith.constant 0 : i32
          %dma_wait3A_556 = tpu.memref_slice %arg9[%dma_wait3A_554, %dma_wait3A_555] : memref<3x80xi32, #tpu.memory_space<vmem>> -> memref<1x80xi32, #tpu.memory_space<vmem>>
          %dma_wait3A_557 = arith.constant 0 : i32
          %dma_wait3A_558 = tpu.memref_slice %arg2[%add3A_547, %dma_wait3A_557] : memref<4000x80xi32, #tpu.memory_space<hbm>> -> memref<1x80xi32, #tpu.memory_space<hbm>>
          tpu.wait_dma2 semaphore(%arg22 : memref<!tpu.dma_semaphore, #tpu.memory_space<semaphore_mem>>) src(%dma_wait3A_558 : memref<1x80xi32, #tpu.memory_space<hbm>>) dst(%dma_wait3A_556 : memref<1x80xi32, #tpu.memory_space<vmem>>)
          %dma_wait3A_559 = arith.constant 2 : i32
          %dma_wait3A_560 = arith.constant 0 : i32
          %dma_wait3A_561 = tpu.memref_slice %arg10[%dma_wait3A_559, %dma_wait3A_560] : memref<3x80xi32, #tpu.memory_space<vmem>> -> memref<1x80xi32, #tpu.memory_space<vmem>>
          %dma_wait3A_562 = arith.constant 0 : i32
          %dma_wait3A_563 = tpu.memref_slice %arg3[%add3A_548, %dma_wait3A_562] : memref<4000x80xi32, #tpu.memory_space<hbm>> -> memref<1x80xi32, #tpu.memory_space<hbm>>
          %dma_wait3A_564 = arith.constant 2 : i32
          %dma_wait3A_565 = arith.constant 0 : i32
          %dma_wait3A_566 = tpu.memref_slice %arg10[%dma_wait3A_564, %dma_wait3A_565] : memref<3x80xi32, #tpu.memory_space<vmem>> -> memref<1x80xi32, #tpu.memory_space<vmem>>
          %dma_wait3A_567 = arith.constant 0 : i32
          %dma_wait3A_568 = tpu.memref_slice %arg3[%add3A_548, %dma_wait3A_567] : memref<4000x80xi32, #tpu.memory_space<hbm>> -> memref<1x80xi32, #tpu.memory_space<hbm>>
          tpu.wait_dma2 semaphore(%arg22 : memref<!tpu.dma_semaphore, #tpu.memory_space<semaphore_mem>>) src(%dma_wait3A_568 : memref<1x80xi32, #tpu.memory_space<hbm>>) dst(%dma_wait3A_566 : memref<1x80xi32, #tpu.memory_space<vmem>>)
        } else {
        }
        %add3A_497 = arith.constant 1 : i32
        %add3A_498 = arith.addi %add3A_331, %add3A_497 : i32
        %mul3A_499 = arith.constant 80 : i32
        %mul3A_500 = arith.muli %add3A_498, %mul3A_499 : i32
        %add3A_501 = arith.addi %mul3A_0, %mul3A_500 : i32
        %dma_start3A_502 = arith.constant 2 : i32
        %dma_start3A_503 = arith.constant 2 : i32
        %dma_start3A_504 = arith.constant 0 : i32
        %dma_start3A_505 = arith.constant 0 : i32
        %dma_start3A_506 = tpu.memref_slice %arg11[%dma_start3A_503, %dma_start3A_504, %dma_start3A_505] : memref<3x80x64xf32, #tpu.memory_space<vmem>> -> memref<1x80x64xf32, #tpu.memory_space<vmem>>
        %dma_start3A_507 = tpu.memref_squeeze %dma_start3A_506 : memref<1x80x64xf32, #tpu.memory_space<vmem>> -> memref<80x64xf32, #tpu.memory_space<vmem>>
        %dma_start3A_508 = arith.constant 0 : i32
        %dma_start3A_509 = tpu.memref_slice %arg10[%dma_start3A_502, %dma_start3A_508] : memref<3x80xi32, #tpu.memory_space<vmem>> -> memref<1x80xi32, #tpu.memory_space<vmem>>
        %dma_start3A_510 = tpu.memref_squeeze %dma_start3A_509 : memref<1x80xi32, #tpu.memory_space<vmem>> -> memref<80xi32, #tpu.memory_space<vmem>>
        %dma_start3A_511 = arith.constant 0 : i32
        %dma_start3A_512 = arith.constant 0 : i32
        %dma_start3A_513 = tpu.memref_slice %arg4[%arg0, %dma_start3A_511, %dma_start3A_512] : memref<2x10000x64xf32, #tpu.memory_space<hbm>> -> memref<1x10000x64xf32, #tpu.memory_space<hbm>>
        %dma_start3A_514 = tpu.memref_squeeze %dma_start3A_513 : memref<1x10000x64xf32, #tpu.memory_space<hbm>> -> memref<10000x64xf32, #tpu.memory_space<hbm>>
        %dma_start3A_515 = arith.constant 0 : i32
        %dma_start3A_516 = arith.constant 0 : i32
        %dma_start3A_517 = tpu.memref_slice %dma_start3A_514[%dma_start3A_515, %dma_start3A_516] : memref<10000x64xf32, #tpu.memory_space<hbm>> -> memref<10000x64xf32, #tpu.memory_space<hbm>>
        tpu.enqueue_indirect_dma source(%dma_start3A_517 : memref<10000x64xf32, #tpu.memory_space<hbm>>) target(%dma_start3A_507 : memref<80x64xf32, #tpu.memory_space<vmem>>) offsets(%dma_start3A_510 : memref<80xi32, #tpu.memory_space<vmem>>) semaphore(%arg18 : memref<!tpu.dma_semaphore, #tpu.memory_space<semaphore_mem>>)
        %dma_start3A_518 = arith.constant 2 : i32
        %dma_start3A_519 = arith.constant 2 : i32
        %dma_start3A_520 = arith.constant 0 : i32
        %dma_start3A_521 = arith.constant 0 : i32
        %dma_start3A_522 = tpu.memref_slice %arg12[%dma_start3A_519, %dma_start3A_520, %dma_start3A_521] : memref<3x80x128xf32, #tpu.memory_space<vmem>> -> memref<1x80x128xf32, #tpu.memory_space<vmem>>
        %dma_start3A_523 = tpu.memref_squeeze %dma_start3A_522 : memref<1x80x128xf32, #tpu.memory_space<vmem>> -> memref<80x128xf32, #tpu.memory_space<vmem>>
        %dma_start3A_524 = arith.constant 0 : i32
        %dma_start3A_525 = tpu.memref_slice %arg9[%dma_start3A_518, %dma_start3A_524] : memref<3x80xi32, #tpu.memory_space<vmem>> -> memref<1x80xi32, #tpu.memory_space<vmem>>
        %dma_start3A_526 = tpu.memref_squeeze %dma_start3A_525 : memref<1x80xi32, #tpu.memory_space<vmem>> -> memref<80xi32, #tpu.memory_space<vmem>>
        %dma_start3A_527 = arith.constant 0 : i32
        %dma_start3A_528 = arith.constant 0 : i32
        %dma_start3A_529 = tpu.memref_slice %arg5[%arg0, %dma_start3A_527, %dma_start3A_528] : memref<2x10000x128xf32, #tpu.memory_space<hbm>> -> memref<1x10000x128xf32, #tpu.memory_space<hbm>>
        %dma_start3A_530 = tpu.memref_squeeze %dma_start3A_529 : memref<1x10000x128xf32, #tpu.memory_space<hbm>> -> memref<10000x128xf32, #tpu.memory_space<hbm>>
        %dma_start3A_531 = arith.constant 0 : i32
        %dma_start3A_532 = arith.constant 0 : i32
        %dma_start3A_533 = tpu.memref_slice %dma_start3A_530[%dma_start3A_531, %dma_start3A_532] : memref<10000x128xf32, #tpu.memory_space<hbm>> -> memref<10000x128xf32, #tpu.memory_space<hbm>>
        tpu.enqueue_indirect_dma source(%dma_start3A_533 : memref<10000x128xf32, #tpu.memory_space<hbm>>) target(%dma_start3A_523 : memref<80x128xf32, #tpu.memory_space<vmem>>) offsets(%dma_start3A_526 : memref<80xi32, #tpu.memory_space<vmem>>) semaphore(%arg18 : memref<!tpu.dma_semaphore, #tpu.memory_space<semaphore_mem>>)
        %dma_start3A_534 = arith.constant 2 : i32
        %dma_start3A_535 = arith.constant 0 : i32
        %dma_start3A_536 = arith.constant 0 : i32
        %dma_start3A_537 = tpu.memref_slice %arg13[%dma_start3A_534, %dma_start3A_535, %dma_start3A_536] : memref<3x80x64xf32, #tpu.memory_space<vmem>> -> memref<1x80x64xf32, #tpu.memory_space<vmem>>
        %dma_start3A_538 = tpu.memref_squeeze %dma_start3A_537 : memref<1x80x64xf32, #tpu.memory_space<vmem>> -> memref<80x64xf32, #tpu.memory_space<vmem>>
        %dma_start3A_539 = tpu.memref_slice %arg6[%add3A_501, %multiple_of3A] : memref<320000x128xf32, #tpu.memory_space<hbm>> -> memref<80x64xf32, #tpu.memory_space<hbm>>
        %dma_start3A_540 = arith.constant 0 : i32
        %dma_start3A_541 = arith.constant 0 : i32
        %dma_start3A_542 = tpu.memref_slice %arg13[%dma_start3A_534, %dma_start3A_540, %dma_start3A_541] : memref<3x80x64xf32, #tpu.memory_space<vmem>> -> memref<1x80x64xf32, #tpu.memory_space<vmem>>
        %dma_start3A_543 = tpu.memref_squeeze %dma_start3A_542 : memref<1x80x64xf32, #tpu.memory_space<vmem>> -> memref<80x64xf32, #tpu.memory_space<vmem>>
        %dma_start3A_544 = tpu.memref_slice %arg6[%add3A_501, %multiple_of3A] : memref<320000x128xf32, #tpu.memory_space<hbm>> -> memref<80x64xf32, #tpu.memory_space<hbm>>
        tpu.enqueue_dma source(%dma_start3A_544 : memref<80x64xf32, #tpu.memory_space<hbm>>) target(%dma_start3A_543 : memref<80x64xf32, #tpu.memory_space<vmem>>) target_semaphore(%arg18 : memref<!tpu.dma_semaphore, #tpu.memory_space<semaphore_mem>>)
      } else {
      }
      %le3A_406 = arith.constant 247 : i32
      %le3A_407 = arith.cmpi sle, %add3A_331, %le3A_406 : i32
      %convert_element_type3A_408 = arith.extui %le3A_407 : i1 to i32
      %cond3A_409 = arith.constant 0 : i32
      %cond3A_410 = arith.cmpi ne, %convert_element_type3A_408, %cond3A_409 : i32
      scf.if %cond3A_410 {
        %add3A_492 = arith.constant 2 : i32
        %add3A_493 = arith.addi %add3A_331, %add3A_492 : i32
        %add3A_494 = arith.addi %mul3A_2, %add3A_493 : i32
        %add3A_495 = arith.addi %mul3A_2, %add3A_493 : i32
        %dma_start3A_496 = arith.constant 0 : i32
        %dma_start3A_497 = arith.constant 0 : i32
        %dma_start3A_498 = tpu.memref_slice %arg9[%dma_start3A_496, %dma_start3A_497] : memref<3x80xi32, #tpu.memory_space<vmem>> -> memref<1x80xi32, #tpu.memory_space<vmem>>
        %dma_start3A_499 = arith.constant 0 : i32
        %dma_start3A_500 = tpu.memref_slice %arg2[%add3A_494, %dma_start3A_499] : memref<4000x80xi32, #tpu.memory_space<hbm>> -> memref<1x80xi32, #tpu.memory_space<hbm>>
        %dma_start3A_501 = arith.constant 0 : i32
        %dma_start3A_502 = arith.constant 0 : i32
        %dma_start3A_503 = tpu.memref_slice %arg9[%dma_start3A_501, %dma_start3A_502] : memref<3x80xi32, #tpu.memory_space<vmem>> -> memref<1x80xi32, #tpu.memory_space<vmem>>
        %dma_start3A_504 = arith.constant 0 : i32
        %dma_start3A_505 = tpu.memref_slice %arg2[%add3A_494, %dma_start3A_504] : memref<4000x80xi32, #tpu.memory_space<hbm>> -> memref<1x80xi32, #tpu.memory_space<hbm>>
        tpu.enqueue_dma source(%dma_start3A_505 : memref<1x80xi32, #tpu.memory_space<hbm>>) target(%dma_start3A_503 : memref<1x80xi32, #tpu.memory_space<vmem>>) target_semaphore(%arg22 : memref<!tpu.dma_semaphore, #tpu.memory_space<semaphore_mem>>)
        %dma_start3A_506 = arith.constant 0 : i32
        %dma_start3A_507 = arith.constant 0 : i32
        %dma_start3A_508 = tpu.memref_slice %arg10[%dma_start3A_506, %dma_start3A_507] : memref<3x80xi32, #tpu.memory_space<vmem>> -> memref<1x80xi32, #tpu.memory_space<vmem>>
        %dma_start3A_509 = arith.constant 0 : i32
        %dma_start3A_510 = tpu.memref_slice %arg3[%add3A_495, %dma_start3A_509] : memref<4000x80xi32, #tpu.memory_space<hbm>> -> memref<1x80xi32, #tpu.memory_space<hbm>>
        %dma_start3A_511 = arith.constant 0 : i32
        %dma_start3A_512 = arith.constant 0 : i32
        %dma_start3A_513 = tpu.memref_slice %arg10[%dma_start3A_511, %dma_start3A_512] : memref<3x80xi32, #tpu.memory_space<vmem>> -> memref<1x80xi32, #tpu.memory_space<vmem>>
        %dma_start3A_514 = arith.constant 0 : i32
        %dma_start3A_515 = tpu.memref_slice %arg3[%add3A_495, %dma_start3A_514] : memref<4000x80xi32, #tpu.memory_space<hbm>> -> memref<1x80xi32, #tpu.memory_space<hbm>>
        tpu.enqueue_dma source(%dma_start3A_515 : memref<1x80xi32, #tpu.memory_space<hbm>>) target(%dma_start3A_513 : memref<1x80xi32, #tpu.memory_space<vmem>>) target_semaphore(%arg22 : memref<!tpu.dma_semaphore, #tpu.memory_space<semaphore_mem>>)
      } else {
      }
      %add3A_411 = arith.constant 2 : i32
      %add3A_412 = arith.addi %mul3A_254, %add3A_411 : i32
      %mul3A_413 = arith.constant 80 : i32
      %mul3A_414 = arith.muli %add3A_412, %mul3A_413 : i32
      %add3A_415 = arith.addi %mul3A_0, %mul3A_414 : i32
      %dma_wait3A_416 = arith.constant 2 : i32
      %dma_wait3A_417 = arith.constant 2 : i32
      %dma_wait3A_418 = arith.constant 0 : i32
      %dma_wait3A_419 = arith.constant 0 : i32
      %dma_wait3A_420 = tpu.memref_slice %arg11[%dma_wait3A_417, %dma_wait3A_418, %dma_wait3A_419] : memref<3x80x64xf32, #tpu.memory_space<vmem>> -> memref<1x80x64xf32, #tpu.memory_space<vmem>>
      %dma_wait3A_421 = tpu.memref_squeeze %dma_wait3A_420 : memref<1x80x64xf32, #tpu.memory_space<vmem>> -> memref<80x64xf32, #tpu.memory_space<vmem>>
      %dma_wait3A_422 = arith.constant 0 : i32
      %dma_wait3A_423 = tpu.memref_slice %arg10[%dma_wait3A_416, %dma_wait3A_422] : memref<3x80xi32, #tpu.memory_space<vmem>> -> memref<1x80xi32, #tpu.memory_space<vmem>>
      %dma_wait3A_424 = tpu.memref_squeeze %dma_wait3A_423 : memref<1x80xi32, #tpu.memory_space<vmem>> -> memref<80xi32, #tpu.memory_space<vmem>>
      %dma_wait3A_425 = arith.constant 0 : i32
      %dma_wait3A_426 = arith.constant 0 : i32
      %dma_wait3A_427 = tpu.memref_slice %arg4[%arg0, %dma_wait3A_425, %dma_wait3A_426] : memref<2x10000x64xf32, #tpu.memory_space<hbm>> -> memref<1x10000x64xf32, #tpu.memory_space<hbm>>
      %dma_wait3A_428 = tpu.memref_squeeze %dma_wait3A_427 : memref<1x10000x64xf32, #tpu.memory_space<hbm>> -> memref<10000x64xf32, #tpu.memory_space<hbm>>
      %dma_wait3A_429 = arith.constant 0 : i32
      %dma_wait3A_430 = arith.constant 0 : i32
      %dma_wait3A_431 = tpu.memref_slice %dma_wait3A_428[%dma_wait3A_429, %dma_wait3A_430] : memref<10000x64xf32, #tpu.memory_space<hbm>> -> memref<10000x64xf32, #tpu.memory_space<hbm>>
      tpu.wait_indirect_dma semaphore(%arg18 : memref<!tpu.dma_semaphore, #tpu.memory_space<semaphore_mem>>) src(%dma_wait3A_431 : memref<10000x64xf32, #tpu.memory_space<hbm>>) dst(%dma_wait3A_421 : memref<80x64xf32, #tpu.memory_space<vmem>>)
      %dma_wait3A_432 = arith.constant 2 : i32
      %dma_wait3A_433 = arith.constant 2 : i32
      %dma_wait3A_434 = arith.constant 0 : i32
      %dma_wait3A_435 = arith.constant 0 : i32
      %dma_wait3A_436 = tpu.memref_slice %arg12[%dma_wait3A_433, %dma_wait3A_434, %dma_wait3A_435] : memref<3x80x128xf32, #tpu.memory_space<vmem>> -> memref<1x80x128xf32, #tpu.memory_space<vmem>>
      %dma_wait3A_437 = tpu.memref_squeeze %dma_wait3A_436 : memref<1x80x128xf32, #tpu.memory_space<vmem>> -> memref<80x128xf32, #tpu.memory_space<vmem>>
      %dma_wait3A_438 = arith.constant 0 : i32
      %dma_wait3A_439 = tpu.memref_slice %arg9[%dma_wait3A_432, %dma_wait3A_438] : memref<3x80xi32, #tpu.memory_space<vmem>> -> memref<1x80xi32, #tpu.memory_space<vmem>>
      %dma_wait3A_440 = tpu.memref_squeeze %dma_wait3A_439 : memref<1x80xi32, #tpu.memory_space<vmem>> -> memref<80xi32, #tpu.memory_space<vmem>>
      %dma_wait3A_441 = arith.constant 0 : i32
      %dma_wait3A_442 = arith.constant 0 : i32
      %dma_wait3A_443 = tpu.memref_slice %arg5[%arg0, %dma_wait3A_441, %dma_wait3A_442] : memref<2x10000x128xf32, #tpu.memory_space<hbm>> -> memref<1x10000x128xf32, #tpu.memory_space<hbm>>
      %dma_wait3A_444 = tpu.memref_squeeze %dma_wait3A_443 : memref<1x10000x128xf32, #tpu.memory_space<hbm>> -> memref<10000x128xf32, #tpu.memory_space<hbm>>
      %dma_wait3A_445 = arith.constant 0 : i32
      %dma_wait3A_446 = arith.constant 0 : i32
      %dma_wait3A_447 = tpu.memref_slice %dma_wait3A_444[%dma_wait3A_445, %dma_wait3A_446] : memref<10000x128xf32, #tpu.memory_space<hbm>> -> memref<10000x128xf32, #tpu.memory_space<hbm>>
      tpu.wait_indirect_dma semaphore(%arg18 : memref<!tpu.dma_semaphore, #tpu.memory_space<semaphore_mem>>) src(%dma_wait3A_447 : memref<10000x128xf32, #tpu.memory_space<hbm>>) dst(%dma_wait3A_437 : memref<80x128xf32, #tpu.memory_space<vmem>>)
      %dma_wait3A_448 = arith.constant 2 : i32
      %dma_wait3A_449 = arith.constant 0 : i32
      %dma_wait3A_450 = arith.constant 0 : i32
      %dma_wait3A_451 = tpu.memref_slice %arg13[%dma_wait3A_448, %dma_wait3A_449, %dma_wait3A_450] : memref<3x80x64xf32, #tpu.memory_space<vmem>> -> memref<1x80x64xf32, #tpu.memory_space<vmem>>
      %dma_wait3A_452 = tpu.memref_squeeze %dma_wait3A_451 : memref<1x80x64xf32, #tpu.memory_space<vmem>> -> memref<80x64xf32, #tpu.memory_space<vmem>>
      %dma_wait3A_453 = tpu.memref_slice %arg6[%add3A_415, %multiple_of3A] : memref<320000x128xf32, #tpu.memory_space<hbm>> -> memref<80x64xf32, #tpu.memory_space<hbm>>
      %dma_wait3A_454 = arith.constant 0 : i32
      %dma_wait3A_455 = arith.constant 0 : i32
      %dma_wait3A_456 = tpu.memref_slice %arg13[%dma_wait3A_448, %dma_wait3A_454, %dma_wait3A_455] : memref<3x80x64xf32, #tpu.memory_space<vmem>> -> memref<1x80x64xf32, #tpu.memory_space<vmem>>
      %dma_wait3A_457 = tpu.memref_squeeze %dma_wait3A_456 : memref<1x80x64xf32, #tpu.memory_space<vmem>> -> memref<80x64xf32, #tpu.memory_space<vmem>>
      %dma_wait3A_458 = tpu.memref_slice %arg6[%add3A_415, %multiple_of3A] : memref<320000x128xf32, #tpu.memory_space<hbm>> -> memref<80x64xf32, #tpu.memory_space<hbm>>
      tpu.wait_dma2 semaphore(%arg18 : memref<!tpu.dma_semaphore, #tpu.memory_space<semaphore_mem>>) src(%dma_wait3A_458 : memref<80x64xf32, #tpu.memory_space<hbm>>) dst(%dma_wait3A_457 : memref<80x64xf32, #tpu.memory_space<vmem>>)
      %parallel_loop3A_459 = arith.constant 0 : i32
      %parallel_loop3A_460 = arith.constant 80 : i32
      %parallel_loop3A_461 = arith.constant 1 : i32
      scf.for %parallel_loop3A_492 = %parallel_loop3A_459 to %parallel_loop3A_460 step %parallel_loop3A_461  : i32 {
        %parallel_loop3A_493 = arith.constant 0.000000e+00 : f32
        %parallel_loop3A_494 = vector.broadcast %parallel_loop3A_493 : f32 to vector<16xf32>
        %parallel_loop3A_495 = arith.constant 2 : i32
        %parallel_loop3A_496 = arith.index_cast %parallel_loop3A_495 : i32 to index
        %parallel_loop3A_497 = arith.index_cast %parallel_loop3A_492 : i32 to index
        %parallel_loop3A_498 = arith.constant 0 : index
        %parallel_loop3A_499 = tpu.vector_load %arg11[%parallel_loop3A_496, %parallel_loop3A_497, %parallel_loop3A_498] {strides = array<i32>} : memref<3x80x64xf32, #tpu.memory_space<vmem>>, vector<16xf32>,
        %parallel_loop3A_500 = arith.constant 2 : i32
        %parallel_loop3A_501 = arith.index_cast %parallel_loop3A_500 : i32 to index
        %parallel_loop3A_502 = arith.index_cast %parallel_loop3A_492 : i32 to index
        %parallel_loop3A_503 = arith.constant 0 : index
        %parallel_loop3A_504 = tpu.vector_load %arg12[%parallel_loop3A_501, %parallel_loop3A_502, %parallel_loop3A_503] {strides = array<i32>} : memref<3x80x128xf32, #tpu.memory_space<vmem>>, vector<16xf32>,
        %parallel_loop3A_505 = arith.constant 2 : i32
        %parallel_loop3A_506 = arith.index_cast %parallel_loop3A_505 : i32 to index
        %parallel_loop3A_507 = arith.index_cast %parallel_loop3A_492 : i32 to index
        %parallel_loop3A_508 = arith.constant 64 : index
        %parallel_loop3A_509 = tpu.vector_load %arg12[%parallel_loop3A_506, %parallel_loop3A_507, %parallel_loop3A_508] {strides = array<i32>} : memref<3x80x128xf32, #tpu.memory_space<vmem>>, vector<16xf32>,
        %parallel_loop3A_510 = arith.constant 2 : i32
        %parallel_loop3A_511 = arith.index_cast %parallel_loop3A_510 : i32 to index
        %parallel_loop3A_512 = arith.index_cast %parallel_loop3A_492 : i32 to index
        %parallel_loop3A_513 = arith.constant 0 : index
        %parallel_loop3A_514 = tpu.vector_load %arg13[%parallel_loop3A_511, %parallel_loop3A_512, %parallel_loop3A_513] {strides = array<i32>} : memref<3x80x64xf32, #tpu.memory_space<vmem>>, vector<16xf32>,
        %parallel_loop3A_515 = arith.mulf %parallel_loop3A_504, %parallel_loop3A_499 : vector<16xf32>
        %parallel_loop3A_516 = arith.mulf %parallel_loop3A_515, %parallel_loop3A_514 : vector<16xf32>
        %parallel_loop3A_517 = arith.constant 2 : i32
        %parallel_loop3A_518 = arith.index_cast %parallel_loop3A_517 : i32 to index
        %parallel_loop3A_519 = arith.index_cast %parallel_loop3A_492 : i32 to index
        %parallel_loop3A_520 = arith.constant 0 : index
        %parallel_loop3A_521 = tpu.vector_load %arg13[%parallel_loop3A_518, %parallel_loop3A_519, %parallel_loop3A_520] {strides = array<i32>} : memref<3x80x64xf32, #tpu.memory_space<vmem>>, vector<16xf32>,
        tpu.vector_store %arg13[%parallel_loop3A_518, %parallel_loop3A_519, %parallel_loop3A_520], %parallel_loop3A_516 {strides = array<i32>} : memref<3x80x64xf32, #tpu.memory_space<vmem>>, vector<16xf32>,
        %parallel_loop3A_522 = arith.constant true
        %parallel_loop3A_523 = vector.broadcast %parallel_loop3A_522 : i1 to vector<16xi1>
        %parallel_loop3A_524 = tpu.scan <sum>, %parallel_loop3A_516 masked %parallel_loop3A_523 : vector<16xf32>, vector<16xi1> -> vector<16xf32>
        %parallel_loop3A_525 = vector.extract %parallel_loop3A_524[15] : f32 from vector<16xf32>
        %parallel_loop3A_526 = vector.broadcast %parallel_loop3A_525 : f32 to vector<16xf32>
        %parallel_loop3A_527 = arith.constant -5.000000e+00 : f32
        %parallel_loop3A_528 = arith.constant 5.000000e+00 : f32
        %parallel_loop3A_529 = vector.broadcast %parallel_loop3A_527 : f32 to vector<16xf32>
        %parallel_loop3A_530 = arith.maximumf %parallel_loop3A_529, %parallel_loop3A_526 : vector<16xf32>
        %parallel_loop3A_531 = vector.broadcast %parallel_loop3A_528 : f32 to vector<16xf32>
        %parallel_loop3A_532 = arith.minimumf %parallel_loop3A_531, %parallel_loop3A_530 : vector<16xf32>
        %parallel_loop3A_533 = math.exp %parallel_loop3A_532 : vector<16xf32>
        %parallel_loop3A_534 = arith.mulf %parallel_loop3A_509, %parallel_loop3A_533 : vector<16xf32>
        %parallel_loop3A_535 = arith.index_cast %parallel_loop3A_492 : i32 to index
        %parallel_loop3A_536 = arith.constant 0 : index
        %parallel_loop3A_537 = tpu.vector_load %arg14[%parallel_loop3A_535, %parallel_loop3A_536] {strides = array<i32>} : memref<80x80xf32, #tpu.memory_space<vmem>>, vector<16xf32>,
        tpu.vector_store %arg14[%parallel_loop3A_535, %parallel_loop3A_536], %parallel_loop3A_534 {strides = array<i32>} : memref<80x80xf32, #tpu.memory_space<vmem>>, vector<16xf32>,
        %parallel_loop3A_538 = arith.constant 0 : i32
        %parallel_loop3A_539 = vector.broadcast %parallel_loop3A_538 : i32 to vector<16xi32>
        %parallel_loop3A_540 = arith.cmpi eq, %iota3A, %parallel_loop3A_539 : vector<16xi32>
        %parallel_loop3A_541 = arith.select %parallel_loop3A_540, %parallel_loop3A_533, %parallel_loop3A_494 : vector<16xi1>, vector<16xf32>
        %parallel_loop3A_542 = arith.constant 2 : i32
        %parallel_loop3A_543 = arith.index_cast %parallel_loop3A_542 : i32 to index
        %parallel_loop3A_544 = arith.index_cast %parallel_loop3A_492 : i32 to index
        %parallel_loop3A_545 = arith.constant 16 : index
        %parallel_loop3A_546 = tpu.vector_load %arg11[%parallel_loop3A_543, %parallel_loop3A_544, %parallel_loop3A_545] {strides = array<i32>} : memref<3x80x64xf32, #tpu.memory_space<vmem>>, vector<16xf32>,
        %parallel_loop3A_547 = arith.constant 2 : i32
        %parallel_loop3A_548 = arith.index_cast %parallel_loop3A_547 : i32 to index
        %parallel_loop3A_549 = arith.index_cast %parallel_loop3A_492 : i32 to index
        %parallel_loop3A_550 = arith.constant 16 : index
        %parallel_loop3A_551 = tpu.vector_load %arg12[%parallel_loop3A_548, %parallel_loop3A_549, %parallel_loop3A_550] {strides = array<i32>} : memref<3x80x128xf32, #tpu.memory_space<vmem>>, vector<16xf32>,
        %parallel_loop3A_552 = arith.constant 2 : i32
        %parallel_loop3A_553 = arith.index_cast %parallel_loop3A_552 : i32 to index
        %parallel_loop3A_554 = arith.index_cast %parallel_loop3A_492 : i32 to index
        %parallel_loop3A_555 = arith.constant 80 : index
        %parallel_loop3A_556 = tpu.vector_load %arg12[%parallel_loop3A_553, %parallel_loop3A_554, %parallel_loop3A_555] {strides = array<i32>} : memref<3x80x128xf32, #tpu.memory_space<vmem>>, vector<16xf32>,
        %parallel_loop3A_557 = arith.constant 2 : i32
        %parallel_loop3A_558 = arith.index_cast %parallel_loop3A_557 : i32 to index
        %parallel_loop3A_559 = arith.index_cast %parallel_loop3A_492 : i32 to index
        %parallel_loop3A_560 = arith.constant 16 : index
        %parallel_loop3A_561 = tpu.vector_load %arg13[%parallel_loop3A_558, %parallel_loop3A_559, %parallel_loop3A_560] {strides = array<i32>} : memref<3x80x64xf32, #tpu.memory_space<vmem>>, vector<16xf32>,
        %parallel_loop3A_562 = arith.mulf %parallel_loop3A_551, %parallel_loop3A_546 : vector<16xf32>
        %parallel_loop3A_563 = arith.mulf %parallel_loop3A_562, %parallel_loop3A_561 : vector<16xf32>
        %parallel_loop3A_564 = arith.constant 2 : i32
        %parallel_loop3A_565 = arith.index_cast %parallel_loop3A_564 : i32 to index
        %parallel_loop3A_566 = arith.index_cast %parallel_loop3A_492 : i32 to index
        %parallel_loop3A_567 = arith.constant 16 : index
        %parallel_loop3A_568 = tpu.vector_load %arg13[%parallel_loop3A_565, %parallel_loop3A_566, %parallel_loop3A_567] {strides = array<i32>} : memref<3x80x64xf32, #tpu.memory_space<vmem>>, vector<16xf32>,
        tpu.vector_store %arg13[%parallel_loop3A_565, %parallel_loop3A_566, %parallel_loop3A_567], %parallel_loop3A_563 {strides = array<i32>} : memref<3x80x64xf32, #tpu.memory_space<vmem>>, vector<16xf32>,
        %parallel_loop3A_569 = arith.constant true
        %parallel_loop3A_570 = vector.broadcast %parallel_loop3A_569 : i1 to vector<16xi1>
        %parallel_loop3A_571 = tpu.scan <sum>, %parallel_loop3A_563 masked %parallel_loop3A_570 : vector<16xf32>, vector<16xi1> -> vector<16xf32>
        %parallel_loop3A_572 = vector.extract %parallel_loop3A_571[15] : f32 from vector<16xf32>
        %parallel_loop3A_573 = vector.broadcast %parallel_loop3A_572 : f32 to vector<16xf32>
        %parallel_loop3A_574 = arith.constant -5.000000e+00 : f32
        %parallel_loop3A_575 = arith.constant 5.000000e+00 : f32
        %parallel_loop3A_576 = vector.broadcast %parallel_loop3A_574 : f32 to vector<16xf32>
        %parallel_loop3A_577 = arith.maximumf %parallel_loop3A_576, %parallel_loop3A_573 : vector<16xf32>
        %parallel_loop3A_578 = vector.broadcast %parallel_loop3A_575 : f32 to vector<16xf32>
        %parallel_loop3A_579 = arith.minimumf %parallel_loop3A_578, %parallel_loop3A_577 : vector<16xf32>
        %parallel_loop3A_580 = math.exp %parallel_loop3A_579 : vector<16xf32>
        %parallel_loop3A_581 = arith.mulf %parallel_loop3A_556, %parallel_loop3A_580 : vector<16xf32>
        %parallel_loop3A_582 = arith.index_cast %parallel_loop3A_492 : i32 to index
        %parallel_loop3A_583 = arith.constant 16 : index
        %parallel_loop3A_584 = tpu.vector_load %arg14[%parallel_loop3A_582, %parallel_loop3A_583] {strides = array<i32>} : memref<80x80xf32, #tpu.memory_space<vmem>>, vector<16xf32>,
        tpu.vector_store %arg14[%parallel_loop3A_582, %parallel_loop3A_583], %parallel_loop3A_581 {strides = array<i32>} : memref<80x80xf32, #tpu.memory_space<vmem>>, vector<16xf32>,
        %parallel_loop3A_585 = arith.constant 1 : i32
        %parallel_loop3A_586 = vector.broadcast %parallel_loop3A_585 : i32 to vector<16xi32>
        %parallel_loop3A_587 = arith.cmpi eq, %iota3A, %parallel_loop3A_586 : vector<16xi32>
        %parallel_loop3A_588 = arith.select %parallel_loop3A_587, %parallel_loop3A_580, %parallel_loop3A_541 : vector<16xi1>, vector<16xf32>
        %parallel_loop3A_589 = arith.constant 2 : i32
        %parallel_loop3A_590 = arith.index_cast %parallel_loop3A_589 : i32 to index
        %parallel_loop3A_591 = arith.index_cast %parallel_loop3A_492 : i32 to index
        %parallel_loop3A_592 = arith.constant 32 : index
        %parallel_loop3A_593 = tpu.vector_load %arg11[%parallel_loop3A_590, %parallel_loop3A_591, %parallel_loop3A_592] {strides = array<i32>} : memref<3x80x64xf32, #tpu.memory_space<vmem>>, vector<16xf32>,
        %parallel_loop3A_594 = arith.constant 2 : i32
        %parallel_loop3A_595 = arith.index_cast %parallel_loop3A_594 : i32 to index
        %parallel_loop3A_596 = arith.index_cast %parallel_loop3A_492 : i32 to index
        %parallel_loop3A_597 = arith.constant 32 : index
        %parallel_loop3A_598 = tpu.vector_load %arg12[%parallel_loop3A_595, %parallel_loop3A_596, %parallel_loop3A_597] {strides = array<i32>} : memref<3x80x128xf32, #tpu.memory_space<vmem>>, vector<16xf32>,
        %parallel_loop3A_599 = arith.constant 2 : i32
        %parallel_loop3A_600 = arith.index_cast %parallel_loop3A_599 : i32 to index
        %parallel_loop3A_601 = arith.index_cast %parallel_loop3A_492 : i32 to index
        %parallel_loop3A_602 = arith.constant 96 : index
        %parallel_loop3A_603 = tpu.vector_load %arg12[%parallel_loop3A_600, %parallel_loop3A_601, %parallel_loop3A_602] {strides = array<i32>} : memref<3x80x128xf32, #tpu.memory_space<vmem>>, vector<16xf32>,
        %parallel_loop3A_604 = arith.constant 2 : i32
        %parallel_loop3A_605 = arith.index_cast %parallel_loop3A_604 : i32 to index
        %parallel_loop3A_606 = arith.index_cast %parallel_loop3A_492 : i32 to index
        %parallel_loop3A_607 = arith.constant 32 : index
        %parallel_loop3A_608 = tpu.vector_load %arg13[%parallel_loop3A_605, %parallel_loop3A_606, %parallel_loop3A_607] {strides = array<i32>} : memref<3x80x64xf32, #tpu.memory_space<vmem>>, vector<16xf32>,
        %parallel_loop3A_609 = arith.mulf %parallel_loop3A_598, %parallel_loop3A_593 : vector<16xf32>
        %parallel_loop3A_610 = arith.mulf %parallel_loop3A_609, %parallel_loop3A_608 : vector<16xf32>
        %parallel_loop3A_611 = arith.constant 2 : i32
        %parallel_loop3A_612 = arith.index_cast %parallel_loop3A_611 : i32 to index
        %parallel_loop3A_613 = arith.index_cast %parallel_loop3A_492 : i32 to index
        %parallel_loop3A_614 = arith.constant 32 : index
        %parallel_loop3A_615 = tpu.vector_load %arg13[%parallel_loop3A_612, %parallel_loop3A_613, %parallel_loop3A_614] {strides = array<i32>} : memref<3x80x64xf32, #tpu.memory_space<vmem>>, vector<16xf32>,
        tpu.vector_store %arg13[%parallel_loop3A_612, %parallel_loop3A_613, %parallel_loop3A_614], %parallel_loop3A_610 {strides = array<i32>} : memref<3x80x64xf32, #tpu.memory_space<vmem>>, vector<16xf32>,
        %parallel_loop3A_616 = arith.constant true
        %parallel_loop3A_617 = vector.broadcast %parallel_loop3A_616 : i1 to vector<16xi1>
        %parallel_loop3A_618 = tpu.scan <sum>, %parallel_loop3A_610 masked %parallel_loop3A_617 : vector<16xf32>, vector<16xi1> -> vector<16xf32>
        %parallel_loop3A_619 = vector.extract %parallel_loop3A_618[15] : f32 from vector<16xf32>
        %parallel_loop3A_620 = vector.broadcast %parallel_loop3A_619 : f32 to vector<16xf32>
        %parallel_loop3A_621 = arith.constant -5.000000e+00 : f32
        %parallel_loop3A_622 = arith.constant 5.000000e+00 : f32
        %parallel_loop3A_623 = vector.broadcast %parallel_loop3A_621 : f32 to vector<16xf32>
        %parallel_loop3A_624 = arith.maximumf %parallel_loop3A_623, %parallel_loop3A_620 : vector<16xf32>
        %parallel_loop3A_625 = vector.broadcast %parallel_loop3A_622 : f32 to vector<16xf32>
        %parallel_loop3A_626 = arith.minimumf %parallel_loop3A_625, %parallel_loop3A_624 : vector<16xf32>
        %parallel_loop3A_627 = math.exp %parallel_loop3A_626 : vector<16xf32>
        %parallel_loop3A_628 = arith.mulf %parallel_loop3A_603, %parallel_loop3A_627 : vector<16xf32>
        %parallel_loop3A_629 = arith.index_cast %parallel_loop3A_492 : i32 to index
        %parallel_loop3A_630 = arith.constant 32 : index
        %parallel_loop3A_631 = tpu.vector_load %arg14[%parallel_loop3A_629, %parallel_loop3A_630] {strides = array<i32>} : memref<80x80xf32, #tpu.memory_space<vmem>>, vector<16xf32>,
        tpu.vector_store %arg14[%parallel_loop3A_629, %parallel_loop3A_630], %parallel_loop3A_628 {strides = array<i32>} : memref<80x80xf32, #tpu.memory_space<vmem>>, vector<16xf32>,
        %parallel_loop3A_632 = arith.constant 2 : i32
        %parallel_loop3A_633 = vector.broadcast %parallel_loop3A_632 : i32 to vector<16xi32>
        %parallel_loop3A_634 = arith.cmpi eq, %iota3A, %parallel_loop3A_633 : vector<16xi32>
        %parallel_loop3A_635 = arith.select %parallel_loop3A_634, %parallel_loop3A_627, %parallel_loop3A_588 : vector<16xi1>, vector<16xf32>
        %parallel_loop3A_636 = arith.constant 2 : i32
        %parallel_loop3A_637 = arith.index_cast %parallel_loop3A_636 : i32 to index
        %parallel_loop3A_638 = arith.index_cast %parallel_loop3A_492 : i32 to index
        %parallel_loop3A_639 = arith.constant 48 : index
        %parallel_loop3A_640 = tpu.vector_load %arg11[%parallel_loop3A_637, %parallel_loop3A_638, %parallel_loop3A_639] {strides = array<i32>} : memref<3x80x64xf32, #tpu.memory_space<vmem>>, vector<16xf32>,
        %parallel_loop3A_641 = arith.constant 2 : i32
        %parallel_loop3A_642 = arith.index_cast %parallel_loop3A_641 : i32 to index
        %parallel_loop3A_643 = arith.index_cast %parallel_loop3A_492 : i32 to index
        %parallel_loop3A_644 = arith.constant 48 : index
        %parallel_loop3A_645 = tpu.vector_load %arg12[%parallel_loop3A_642, %parallel_loop3A_643, %parallel_loop3A_644] {strides = array<i32>} : memref<3x80x128xf32, #tpu.memory_space<vmem>>, vector<16xf32>,
        %parallel_loop3A_646 = arith.constant 2 : i32
        %parallel_loop3A_647 = arith.index_cast %parallel_loop3A_646 : i32 to index
        %parallel_loop3A_648 = arith.index_cast %parallel_loop3A_492 : i32 to index
        %parallel_loop3A_649 = arith.constant 112 : index
        %parallel_loop3A_650 = tpu.vector_load %arg12[%parallel_loop3A_647, %parallel_loop3A_648, %parallel_loop3A_649] {strides = array<i32>} : memref<3x80x128xf32, #tpu.memory_space<vmem>>, vector<16xf32>,
        %parallel_loop3A_651 = arith.constant 2 : i32
        %parallel_loop3A_652 = arith.index_cast %parallel_loop3A_651 : i32 to index
        %parallel_loop3A_653 = arith.index_cast %parallel_loop3A_492 : i32 to index
        %parallel_loop3A_654 = arith.constant 48 : index
        %parallel_loop3A_655 = tpu.vector_load %arg13[%parallel_loop3A_652, %parallel_loop3A_653, %parallel_loop3A_654] {strides = array<i32>} : memref<3x80x64xf32, #tpu.memory_space<vmem>>, vector<16xf32>,
        %parallel_loop3A_656 = arith.mulf %parallel_loop3A_645, %parallel_loop3A_640 : vector<16xf32>
        %parallel_loop3A_657 = arith.mulf %parallel_loop3A_656, %parallel_loop3A_655 : vector<16xf32>
        %parallel_loop3A_658 = arith.constant 2 : i32
        %parallel_loop3A_659 = arith.index_cast %parallel_loop3A_658 : i32 to index
        %parallel_loop3A_660 = arith.index_cast %parallel_loop3A_492 : i32 to index
        %parallel_loop3A_661 = arith.constant 48 : index
        %parallel_loop3A_662 = tpu.vector_load %arg13[%parallel_loop3A_659, %parallel_loop3A_660, %parallel_loop3A_661] {strides = array<i32>} : memref<3x80x64xf32, #tpu.memory_space<vmem>>, vector<16xf32>,
        tpu.vector_store %arg13[%parallel_loop3A_659, %parallel_loop3A_660, %parallel_loop3A_661], %parallel_loop3A_657 {strides = array<i32>} : memref<3x80x64xf32, #tpu.memory_space<vmem>>, vector<16xf32>,
        %parallel_loop3A_663 = arith.constant true
        %parallel_loop3A_664 = vector.broadcast %parallel_loop3A_663 : i1 to vector<16xi1>
        %parallel_loop3A_665 = tpu.scan <sum>, %parallel_loop3A_657 masked %parallel_loop3A_664 : vector<16xf32>, vector<16xi1> -> vector<16xf32>
        %parallel_loop3A_666 = vector.extract %parallel_loop3A_665[15] : f32 from vector<16xf32>
        %parallel_loop3A_667 = vector.broadcast %parallel_loop3A_666 : f32 to vector<16xf32>
        %parallel_loop3A_668 = arith.constant -5.000000e+00 : f32
        %parallel_loop3A_669 = arith.constant 5.000000e+00 : f32
        %parallel_loop3A_670 = vector.broadcast %parallel_loop3A_668 : f32 to vector<16xf32>
        %parallel_loop3A_671 = arith.maximumf %parallel_loop3A_670, %parallel_loop3A_667 : vector<16xf32>
        %parallel_loop3A_672 = vector.broadcast %parallel_loop3A_669 : f32 to vector<16xf32>
        %parallel_loop3A_673 = arith.minimumf %parallel_loop3A_672, %parallel_loop3A_671 : vector<16xf32>
        %parallel_loop3A_674 = math.exp %parallel_loop3A_673 : vector<16xf32>
        %parallel_loop3A_675 = arith.mulf %parallel_loop3A_650, %parallel_loop3A_674 : vector<16xf32>
        %parallel_loop3A_676 = arith.index_cast %parallel_loop3A_492 : i32 to index
        %parallel_loop3A_677 = arith.constant 48 : index
        %parallel_loop3A_678 = tpu.vector_load %arg14[%parallel_loop3A_676, %parallel_loop3A_677] {strides = array<i32>} : memref<80x80xf32, #tpu.memory_space<vmem>>, vector<16xf32>,
        tpu.vector_store %arg14[%parallel_loop3A_676, %parallel_loop3A_677], %parallel_loop3A_675 {strides = array<i32>} : memref<80x80xf32, #tpu.memory_space<vmem>>, vector<16xf32>,
        %parallel_loop3A_679 = arith.constant 3 : i32
        %parallel_loop3A_680 = vector.broadcast %parallel_loop3A_679 : i32 to vector<16xi32>
        %parallel_loop3A_681 = arith.cmpi eq, %iota3A, %parallel_loop3A_680 : vector<16xi32>
        %parallel_loop3A_682 = arith.select %parallel_loop3A_681, %parallel_loop3A_674, %parallel_loop3A_635 : vector<16xi1>, vector<16xf32>
        %parallel_loop3A_683 = arith.index_cast %parallel_loop3A_492 : i32 to index
        %parallel_loop3A_684 = arith.constant 64 : index
        %parallel_loop3A_685 = tpu.vector_load %arg14[%parallel_loop3A_683, %parallel_loop3A_684] {strides = array<i32>} : memref<80x80xf32, #tpu.memory_space<vmem>>, vector<16xf32>,
        tpu.vector_store %arg14[%parallel_loop3A_683, %parallel_loop3A_684], %parallel_loop3A_682 {strides = array<i32>} : memref<80x80xf32, #tpu.memory_space<vmem>>, vector<16xf32>,
      } {sc.loop_unroll_factor = 4 : i64, sc.parallel_access}
      %ge3A_462 = arith.constant 1 : i32
      %ge3A_463 = arith.cmpi sge, %add3A_412, %ge3A_462 : i32
      %convert_element_type3A_464 = arith.extui %ge3A_463 : i1 to i32
      %cond3A_465 = arith.constant 0 : i32
      %cond3A_466 = arith.cmpi ne, %convert_element_type3A_464, %cond3A_465 : i32
      scf.if %cond3A_466 {
        %sub3A = arith.constant 1 : i32
        %sub3A_492 = arith.subi %add3A_412, %sub3A : i32
        %mul3A_493 = arith.constant 80 : i32
        %mul3A_494 = arith.muli %sub3A_492, %mul3A_493 : i32
        %add3A_495 = arith.addi %mul3A_0, %mul3A_494 : i32
        %dma_wait3A_496 = arith.constant 1 : i32
        %dma_wait3A_497 = arith.constant 0 : i32
        %dma_wait3A_498 = arith.constant 0 : i32
        %dma_wait3A_499 = tpu.memref_slice %arg13[%dma_wait3A_496, %dma_wait3A_497, %dma_wait3A_498] : memref<3x80x64xf32, #tpu.memory_space<vmem>> -> memref<1x80x64xf32, #tpu.memory_space<vmem>>
        %dma_wait3A_500 = tpu.memref_squeeze %dma_wait3A_499 : memref<1x80x64xf32, #tpu.memory_space<vmem>> -> memref<80x64xf32, #tpu.memory_space<vmem>>
        %dma_wait3A_501 = tpu.memref_slice %arg7[%add3A_495, %multiple_of3A] : memref<320000x128xf32, #tpu.memory_space<hbm>> -> memref<80x64xf32, #tpu.memory_space<hbm>>
        %dma_wait3A_502 = tpu.memref_slice %arg7[%add3A_495, %multiple_of3A] : memref<320000x128xf32, #tpu.memory_space<hbm>> -> memref<80x64xf32, #tpu.memory_space<hbm>>
        %dma_wait3A_503 = arith.constant 0 : i32
        %dma_wait3A_504 = arith.constant 0 : i32
        %dma_wait3A_505 = tpu.memref_slice %arg13[%dma_wait3A_496, %dma_wait3A_503, %dma_wait3A_504] : memref<3x80x64xf32, #tpu.memory_space<vmem>> -> memref<1x80x64xf32, #tpu.memory_space<vmem>>
        %dma_wait3A_506 = tpu.memref_squeeze %dma_wait3A_505 : memref<1x80x64xf32, #tpu.memory_space<vmem>> -> memref<80x64xf32, #tpu.memory_space<vmem>>
        tpu.wait_dma2 semaphore(%arg20 : memref<!tpu.dma_semaphore, #tpu.memory_space<semaphore_mem>>) src(%dma_wait3A_506 : memref<80x64xf32, #tpu.memory_space<vmem>>) dst(%dma_wait3A_502 : memref<80x64xf32, #tpu.memory_space<hbm>>)
      } else {
      }
      %mul3A_467 = arith.constant 80 : i32
      %mul3A_468 = arith.muli %add3A_412, %mul3A_467 : i32
      %add3A_469 = arith.addi %mul3A_0, %mul3A_468 : i32
      %dma_start3A_470 = arith.constant 2 : i32
      %dma_start3A_471 = arith.constant 0 : i32
      %dma_start3A_472 = arith.constant 0 : i32
      %dma_start3A_473 = tpu.memref_slice %arg13[%dma_start3A_470, %dma_start3A_471, %dma_start3A_472] : memref<3x80x64xf32, #tpu.memory_space<vmem>> -> memref<1x80x64xf32, #tpu.memory_space<vmem>>
      %dma_start3A_474 = tpu.memref_squeeze %dma_start3A_473 : memref<1x80x64xf32, #tpu.memory_space<vmem>> -> memref<80x64xf32, #tpu.memory_space<vmem>>
      %dma_start3A_475 = tpu.memref_slice %arg7[%add3A_469, %multiple_of3A] : memref<320000x128xf32, #tpu.memory_space<hbm>> -> memref<80x64xf32, #tpu.memory_space<hbm>>
      %dma_start3A_476 = tpu.memref_slice %arg7[%add3A_469, %multiple_of3A] : memref<320000x128xf32, #tpu.memory_space<hbm>> -> memref<80x64xf32, #tpu.memory_space<hbm>>
      %dma_start3A_477 = arith.constant 0 : i32
      %dma_start3A_478 = arith.constant 0 : i32
      %dma_start3A_479 = tpu.memref_slice %arg13[%dma_start3A_470, %dma_start3A_477, %dma_start3A_478] : memref<3x80x64xf32, #tpu.memory_space<vmem>> -> memref<1x80x64xf32, #tpu.memory_space<vmem>>
      %dma_start3A_480 = tpu.memref_squeeze %dma_start3A_479 : memref<1x80x64xf32, #tpu.memory_space<vmem>> -> memref<80x64xf32, #tpu.memory_space<vmem>>
      tpu.enqueue_dma source(%dma_start3A_480 : memref<80x64xf32, #tpu.memory_space<vmem>>) target(%dma_start3A_476 : memref<80x64xf32, #tpu.memory_space<hbm>>) target_semaphore(%arg21 : memref<!tpu.dma_semaphore, #tpu.memory_space<semaphore_mem>>)
      %run_scoped3A_481 = arith.constant 2 : i32
      "tpu.region"() ({
        %run_scoped3A_492 = tpu.sem_alloc : memref<!tpu.dma_semaphore, #tpu.memory_space<semaphore_mem>>
        %dma_start3A_493 = arith.constant 0 : i32
        %dma_start3A_494 = tpu.memref_slice %arg10[%run_scoped3A_481, %dma_start3A_493] : memref<3x80xi32, #tpu.memory_space<vmem>> -> memref<1x80xi32, #tpu.memory_space<vmem>>
        %dma_start3A_495 = tpu.memref_squeeze %dma_start3A_494 : memref<1x80xi32, #tpu.memory_space<vmem>> -> memref<80xi32, #tpu.memory_space<vmem>>
        %dma_start3A_496 = arith.constant 0 : i32
        %dma_start3A_497 = arith.constant 0 : i32
        %dma_start3A_498 = tpu.memref_slice %arg15[%dma_start3A_496, %dma_start3A_497] : memref<10000x80xf32, #tpu.memory_space<vmem_shared>> -> memref<10000x80xf32, #tpu.memory_space<vmem_shared>>
        tpu.enqueue_indirect_dma source(%arg14 : memref<80x80xf32, #tpu.memory_space<vmem>>) target(%dma_start3A_498 : memref<10000x80xf32, #tpu.memory_space<vmem_shared>>) offsets(%dma_start3A_495 : memref<80xi32, #tpu.memory_space<vmem>>) semaphore(%run_scoped3A_492 : memref<!tpu.dma_semaphore, #tpu.memory_space<semaphore_mem>>) {add = true}
        %dma_wait3A_499 = arith.constant 0 : i32
        %dma_wait3A_500 = tpu.memref_slice %arg10[%run_scoped3A_481, %dma_wait3A_499] : memref<3x80xi32, #tpu.memory_space<vmem>> -> memref<1x80xi32, #tpu.memory_space<vmem>>
        %dma_wait3A_501 = tpu.memref_squeeze %dma_wait3A_500 : memref<1x80xi32, #tpu.memory_space<vmem>> -> memref<80xi32, #tpu.memory_space<vmem>>
        %dma_wait3A_502 = arith.constant 0 : i32
        %dma_wait3A_503 = arith.constant 0 : i32
        %dma_wait3A_504 = tpu.memref_slice %arg15[%dma_wait3A_502, %dma_wait3A_503] : memref<10000x80xf32, #tpu.memory_space<vmem_shared>> -> memref<10000x80xf32, #tpu.memory_space<vmem_shared>>
        tpu.wait_indirect_dma semaphore(%run_scoped3A_492 : memref<!tpu.dma_semaphore, #tpu.memory_space<semaphore_mem>>) src(%arg14 : memref<80x80xf32, #tpu.memory_space<vmem>>) dst(%dma_wait3A_504 : memref<10000x80xf32, #tpu.memory_space<vmem_shared>>)
        tpu.yield
      }) : () -> ()
      %le3A_482 = arith.constant 248 : i32
      %le3A_483 = arith.cmpi sle, %add3A_412, %le3A_482 : i32
      %convert_element_type3A_484 = arith.extui %le3A_483 : i1 to i32
      %cond3A_485 = arith.constant 0 : i32
      %cond3A_486 = arith.cmpi ne, %convert_element_type3A_484, %cond3A_485 : i32
      scf.if %cond3A_486 {
        %ge3A_492 = arith.constant 1 : i32
        %ge3A_493 = arith.cmpi sge, %add3A_412, %ge3A_492 : i32
        %convert_element_type3A_494 = arith.extui %ge3A_493 : i1 to i32
        %cond3A_495 = arith.constant 0 : i32
        %cond3A_496 = arith.cmpi ne, %convert_element_type3A_494, %cond3A_495 : i32
        scf.if %cond3A_496 {
          %add3A_545 = arith.constant 1 : i32
          %add3A_546 = arith.addi %add3A_412, %add3A_545 : i32
          %add3A_547 = arith.addi %mul3A_2, %add3A_546 : i32
          %add3A_548 = arith.addi %mul3A_2, %add3A_546 : i32
          %dma_wait3A_549 = arith.constant 0 : i32
          %dma_wait3A_550 = arith.constant 0 : i32
          %dma_wait3A_551 = tpu.memref_slice %arg9[%dma_wait3A_549, %dma_wait3A_550] : memref<3x80xi32, #tpu.memory_space<vmem>> -> memref<1x80xi32, #tpu.memory_space<vmem>>
          %dma_wait3A_552 = arith.constant 0 : i32
          %dma_wait3A_553 = tpu.memref_slice %arg2[%add3A_547, %dma_wait3A_552] : memref<4000x80xi32, #tpu.memory_space<hbm>> -> memref<1x80xi32, #tpu.memory_space<hbm>>
          %dma_wait3A_554 = arith.constant 0 : i32
          %dma_wait3A_555 = arith.constant 0 : i32
          %dma_wait3A_556 = tpu.memref_slice %arg9[%dma_wait3A_554, %dma_wait3A_555] : memref<3x80xi32, #tpu.memory_space<vmem>> -> memref<1x80xi32, #tpu.memory_space<vmem>>
          %dma_wait3A_557 = arith.constant 0 : i32
          %dma_wait3A_558 = tpu.memref_slice %arg2[%add3A_547, %dma_wait3A_557] : memref<4000x80xi32, #tpu.memory_space<hbm>> -> memref<1x80xi32, #tpu.memory_space<hbm>>
          tpu.wait_dma2 semaphore(%arg22 : memref<!tpu.dma_semaphore, #tpu.memory_space<semaphore_mem>>) src(%dma_wait3A_558 : memref<1x80xi32, #tpu.memory_space<hbm>>) dst(%dma_wait3A_556 : memref<1x80xi32, #tpu.memory_space<vmem>>)
          %dma_wait3A_559 = arith.constant 0 : i32
          %dma_wait3A_560 = arith.constant 0 : i32
          %dma_wait3A_561 = tpu.memref_slice %arg10[%dma_wait3A_559, %dma_wait3A_560] : memref<3x80xi32, #tpu.memory_space<vmem>> -> memref<1x80xi32, #tpu.memory_space<vmem>>
          %dma_wait3A_562 = arith.constant 0 : i32
          %dma_wait3A_563 = tpu.memref_slice %arg3[%add3A_548, %dma_wait3A_562] : memref<4000x80xi32, #tpu.memory_space<hbm>> -> memref<1x80xi32, #tpu.memory_space<hbm>>
          %dma_wait3A_564 = arith.constant 0 : i32
          %dma_wait3A_565 = arith.constant 0 : i32
          %dma_wait3A_566 = tpu.memref_slice %arg10[%dma_wait3A_564, %dma_wait3A_565] : memref<3x80xi32, #tpu.memory_space<vmem>> -> memref<1x80xi32, #tpu.memory_space<vmem>>
          %dma_wait3A_567 = arith.constant 0 : i32
          %dma_wait3A_568 = tpu.memref_slice %arg3[%add3A_548, %dma_wait3A_567] : memref<4000x80xi32, #tpu.memory_space<hbm>> -> memref<1x80xi32, #tpu.memory_space<hbm>>
          tpu.wait_dma2 semaphore(%arg22 : memref<!tpu.dma_semaphore, #tpu.memory_space<semaphore_mem>>) src(%dma_wait3A_568 : memref<1x80xi32, #tpu.memory_space<hbm>>) dst(%dma_wait3A_566 : memref<1x80xi32, #tpu.memory_space<vmem>>)
        } else {
        }
        %add3A_497 = arith.constant 1 : i32
        %add3A_498 = arith.addi %add3A_412, %add3A_497 : i32
        %mul3A_499 = arith.constant 80 : i32
        %mul3A_500 = arith.muli %add3A_498, %mul3A_499 : i32
        %add3A_501 = arith.addi %mul3A_0, %mul3A_500 : i32
        %dma_start3A_502 = arith.constant 0 : i32
        %dma_start3A_503 = arith.constant 0 : i32
        %dma_start3A_504 = arith.constant 0 : i32
        %dma_start3A_505 = arith.constant 0 : i32
        %dma_start3A_506 = tpu.memref_slice %arg11[%dma_start3A_503, %dma_start3A_504, %dma_start3A_505] : memref<3x80x64xf32, #tpu.memory_space<vmem>> -> memref<1x80x64xf32, #tpu.memory_space<vmem>>
        %dma_start3A_507 = tpu.memref_squeeze %dma_start3A_506 : memref<1x80x64xf32, #tpu.memory_space<vmem>> -> memref<80x64xf32, #tpu.memory_space<vmem>>
        %dma_start3A_508 = arith.constant 0 : i32
        %dma_start3A_509 = tpu.memref_slice %arg10[%dma_start3A_502, %dma_start3A_508] : memref<3x80xi32, #tpu.memory_space<vmem>> -> memref<1x80xi32, #tpu.memory_space<vmem>>
        %dma_start3A_510 = tpu.memref_squeeze %dma_start3A_509 : memref<1x80xi32, #tpu.memory_space<vmem>> -> memref<80xi32, #tpu.memory_space<vmem>>
        %dma_start3A_511 = arith.constant 0 : i32
        %dma_start3A_512 = arith.constant 0 : i32
        %dma_start3A_513 = tpu.memref_slice %arg4[%arg0, %dma_start3A_511, %dma_start3A_512] : memref<2x10000x64xf32, #tpu.memory_space<hbm>> -> memref<1x10000x64xf32, #tpu.memory_space<hbm>>
        %dma_start3A_514 = tpu.memref_squeeze %dma_start3A_513 : memref<1x10000x64xf32, #tpu.memory_space<hbm>> -> memref<10000x64xf32, #tpu.memory_space<hbm>>
        %dma_start3A_515 = arith.constant 0 : i32
        %dma_start3A_516 = arith.constant 0 : i32
        %dma_start3A_517 = tpu.memref_slice %dma_start3A_514[%dma_start3A_515, %dma_start3A_516] : memref<10000x64xf32, #tpu.memory_space<hbm>> -> memref<10000x64xf32, #tpu.memory_space<hbm>>
        tpu.enqueue_indirect_dma source(%dma_start3A_517 : memref<10000x64xf32, #tpu.memory_space<hbm>>) target(%dma_start3A_507 : memref<80x64xf32, #tpu.memory_space<vmem>>) offsets(%dma_start3A_510 : memref<80xi32, #tpu.memory_space<vmem>>) semaphore(%arg16 : memref<!tpu.dma_semaphore, #tpu.memory_space<semaphore_mem>>)
        %dma_start3A_518 = arith.constant 0 : i32
        %dma_start3A_519 = arith.constant 0 : i32
        %dma_start3A_520 = arith.constant 0 : i32
        %dma_start3A_521 = arith.constant 0 : i32
        %dma_start3A_522 = tpu.memref_slice %arg12[%dma_start3A_519, %dma_start3A_520, %dma_start3A_521] : memref<3x80x128xf32, #tpu.memory_space<vmem>> -> memref<1x80x128xf32, #tpu.memory_space<vmem>>
        %dma_start3A_523 = tpu.memref_squeeze %dma_start3A_522 : memref<1x80x128xf32, #tpu.memory_space<vmem>> -> memref<80x128xf32, #tpu.memory_space<vmem>>
        %dma_start3A_524 = arith.constant 0 : i32
        %dma_start3A_525 = tpu.memref_slice %arg9[%dma_start3A_518, %dma_start3A_524] : memref<3x80xi32, #tpu.memory_space<vmem>> -> memref<1x80xi32, #tpu.memory_space<vmem>>
        %dma_start3A_526 = tpu.memref_squeeze %dma_start3A_525 : memref<1x80xi32, #tpu.memory_space<vmem>> -> memref<80xi32, #tpu.memory_space<vmem>>
        %dma_start3A_527 = arith.constant 0 : i32
        %dma_start3A_528 = arith.constant 0 : i32
        %dma_start3A_529 = tpu.memref_slice %arg5[%arg0, %dma_start3A_527, %dma_start3A_528] : memref<2x10000x128xf32, #tpu.memory_space<hbm>> -> memref<1x10000x128xf32, #tpu.memory_space<hbm>>
        %dma_start3A_530 = tpu.memref_squeeze %dma_start3A_529 : memref<1x10000x128xf32, #tpu.memory_space<hbm>> -> memref<10000x128xf32, #tpu.memory_space<hbm>>
        %dma_start3A_531 = arith.constant 0 : i32
        %dma_start3A_532 = arith.constant 0 : i32
        %dma_start3A_533 = tpu.memref_slice %dma_start3A_530[%dma_start3A_531, %dma_start3A_532] : memref<10000x128xf32, #tpu.memory_space<hbm>> -> memref<10000x128xf32, #tpu.memory_space<hbm>>
        tpu.enqueue_indirect_dma source(%dma_start3A_533 : memref<10000x128xf32, #tpu.memory_space<hbm>>) target(%dma_start3A_523 : memref<80x128xf32, #tpu.memory_space<vmem>>) offsets(%dma_start3A_526 : memref<80xi32, #tpu.memory_space<vmem>>) semaphore(%arg16 : memref<!tpu.dma_semaphore, #tpu.memory_space<semaphore_mem>>)
        %dma_start3A_534 = arith.constant 0 : i32
        %dma_start3A_535 = arith.constant 0 : i32
        %dma_start3A_536 = arith.constant 0 : i32
        %dma_start3A_537 = tpu.memref_slice %arg13[%dma_start3A_534, %dma_start3A_535, %dma_start3A_536] : memref<3x80x64xf32, #tpu.memory_space<vmem>> -> memref<1x80x64xf32, #tpu.memory_space<vmem>>
        %dma_start3A_538 = tpu.memref_squeeze %dma_start3A_537 : memref<1x80x64xf32, #tpu.memory_space<vmem>> -> memref<80x64xf32, #tpu.memory_space<vmem>>
        %dma_start3A_539 = tpu.memref_slice %arg6[%add3A_501, %multiple_of3A] : memref<320000x128xf32, #tpu.memory_space<hbm>> -> memref<80x64xf32, #tpu.memory_space<hbm>>
        %dma_start3A_540 = arith.constant 0 : i32
        %dma_start3A_541 = arith.constant 0 : i32
        %dma_start3A_542 = tpu.memref_slice %arg13[%dma_start3A_534, %dma_start3A_540, %dma_start3A_541] : memref<3x80x64xf32, #tpu.memory_space<vmem>> -> memref<1x80x64xf32, #tpu.memory_space<vmem>>
        %dma_start3A_543 = tpu.memref_squeeze %dma_start3A_542 : memref<1x80x64xf32, #tpu.memory_space<vmem>> -> memref<80x64xf32, #tpu.memory_space<vmem>>
        %dma_start3A_544 = tpu.memref_slice %arg6[%add3A_501, %multiple_of3A] : memref<320000x128xf32, #tpu.memory_space<hbm>> -> memref<80x64xf32, #tpu.memory_space<hbm>>
        tpu.enqueue_dma source(%dma_start3A_544 : memref<80x64xf32, #tpu.memory_space<hbm>>) target(%dma_start3A_543 : memref<80x64xf32, #tpu.memory_space<vmem>>) target_semaphore(%arg16 : memref<!tpu.dma_semaphore, #tpu.memory_space<semaphore_mem>>)
      } else {
      }
      %le3A_487 = arith.constant 247 : i32
      %le3A_488 = arith.cmpi sle, %add3A_412, %le3A_487 : i32
      %convert_element_type3A_489 = arith.extui %le3A_488 : i1 to i32
      %cond3A_490 = arith.constant 0 : i32
      %cond3A_491 = arith.cmpi ne, %convert_element_type3A_489, %cond3A_490 : i32
      scf.if %cond3A_491 {
        %add3A_492 = arith.constant 2 : i32
        %add3A_493 = arith.addi %add3A_412, %add3A_492 : i32
        %add3A_494 = arith.addi %mul3A_2, %add3A_493 : i32
        %add3A_495 = arith.addi %mul3A_2, %add3A_493 : i32
        %dma_start3A_496 = arith.constant 1 : i32
        %dma_start3A_497 = arith.constant 0 : i32
        %dma_start3A_498 = tpu.memref_slice %arg9[%dma_start3A_496, %dma_start3A_497] : memref<3x80xi32, #tpu.memory_space<vmem>> -> memref<1x80xi32, #tpu.memory_space<vmem>>
        %dma_start3A_499 = arith.constant 0 : i32
        %dma_start3A_500 = tpu.memref_slice %arg2[%add3A_494, %dma_start3A_499] : memref<4000x80xi32, #tpu.memory_space<hbm>> -> memref<1x80xi32, #tpu.memory_space<hbm>>
        %dma_start3A_501 = arith.constant 1 : i32
        %dma_start3A_502 = arith.constant 0 : i32
        %dma_start3A_503 = tpu.memref_slice %arg9[%dma_start3A_501, %dma_start3A_502] : memref<3x80xi32, #tpu.memory_space<vmem>> -> memref<1x80xi32, #tpu.memory_space<vmem>>
        %dma_start3A_504 = arith.constant 0 : i32
        %dma_start3A_505 = tpu.memref_slice %arg2[%add3A_494, %dma_start3A_504] : memref<4000x80xi32, #tpu.memory_space<hbm>> -> memref<1x80xi32, #tpu.memory_space<hbm>>
        tpu.enqueue_dma source(%dma_start3A_505 : memref<1x80xi32, #tpu.memory_space<hbm>>) target(%dma_start3A_503 : memref<1x80xi32, #tpu.memory_space<vmem>>) target_semaphore(%arg22 : memref<!tpu.dma_semaphore, #tpu.memory_space<semaphore_mem>>)
        %dma_start3A_506 = arith.constant 1 : i32
        %dma_start3A_507 = arith.constant 0 : i32
        %dma_start3A_508 = tpu.memref_slice %arg10[%dma_start3A_506, %dma_start3A_507] : memref<3x80xi32, #tpu.memory_space<vmem>> -> memref<1x80xi32, #tpu.memory_space<vmem>>
        %dma_start3A_509 = arith.constant 0 : i32
        %dma_start3A_510 = tpu.memref_slice %arg3[%add3A_495, %dma_start3A_509] : memref<4000x80xi32, #tpu.memory_space<hbm>> -> memref<1x80xi32, #tpu.memory_space<hbm>>
        %dma_start3A_511 = arith.constant 1 : i32
        %dma_start3A_512 = arith.constant 0 : i32
        %dma_start3A_513 = tpu.memref_slice %arg10[%dma_start3A_511, %dma_start3A_512] : memref<3x80xi32, #tpu.memory_space<vmem>> -> memref<1x80xi32, #tpu.memory_space<vmem>>
        %dma_start3A_514 = arith.constant 0 : i32
        %dma_start3A_515 = tpu.memref_slice %arg3[%add3A_495, %dma_start3A_514] : memref<4000x80xi32, #tpu.memory_space<hbm>> -> memref<1x80xi32, #tpu.memory_space<hbm>>
        tpu.enqueue_dma source(%dma_start3A_515 : memref<1x80xi32, #tpu.memory_space<hbm>>) target(%dma_start3A_513 : memref<1x80xi32, #tpu.memory_space<vmem>>) target_semaphore(%arg22 : memref<!tpu.dma_semaphore, #tpu.memory_space<semaphore_mem>>)
      } else {
      }
    }
    %scan3A_160 = arith.constant 83 : i32
    %add3A_161 = arith.constant 19920 : i32
    %add3A_162 = arith.addi %mul3A_0, %add3A_161 : i32
    %dma_wait3A_163 = arith.constant 0 : i32
    %dma_wait3A_164 = arith.constant 0 : i32
    %dma_wait3A_165 = arith.constant 0 : i32
    %dma_wait3A_166 = arith.constant 0 : i32
    %dma_wait3A_167 = tpu.memref_slice %arg11[%dma_wait3A_164, %dma_wait3A_165, %dma_wait3A_166] : memref<3x80x64xf32, #tpu.memory_space<vmem>> -> memref<1x80x64xf32, #tpu.memory_space<vmem>>
    %dma_wait3A_168 = tpu.memref_squeeze %dma_wait3A_167 : memref<1x80x64xf32, #tpu.memory_space<vmem>> -> memref<80x64xf32, #tpu.memory_space<vmem>>
    %dma_wait3A_169 = arith.constant 0 : i32
    %dma_wait3A_170 = tpu.memref_slice %arg10[%dma_wait3A_163, %dma_wait3A_169] : memref<3x80xi32, #tpu.memory_space<vmem>> -> memref<1x80xi32, #tpu.memory_space<vmem>>
    %dma_wait3A_171 = tpu.memref_squeeze %dma_wait3A_170 : memref<1x80xi32, #tpu.memory_space<vmem>> -> memref<80xi32, #tpu.memory_space<vmem>>
    %dma_wait3A_172 = arith.constant 0 : i32
    %dma_wait3A_173 = arith.constant 0 : i32
    %dma_wait3A_174 = tpu.memref_slice %arg4[%arg0, %dma_wait3A_172, %dma_wait3A_173] : memref<2x10000x64xf32, #tpu.memory_space<hbm>> -> memref<1x10000x64xf32, #tpu.memory_space<hbm>>
    %dma_wait3A_175 = tpu.memref_squeeze %dma_wait3A_174 : memref<1x10000x64xf32, #tpu.memory_space<hbm>> -> memref<10000x64xf32, #tpu.memory_space<hbm>>
    %dma_wait3A_176 = arith.constant 0 : i32
    %dma_wait3A_177 = arith.constant 0 : i32
    %dma_wait3A_178 = tpu.memref_slice %dma_wait3A_175[%dma_wait3A_176, %dma_wait3A_177] : memref<10000x64xf32, #tpu.memory_space<hbm>> -> memref<10000x64xf32, #tpu.memory_space<hbm>>
    tpu.wait_indirect_dma semaphore(%arg16 : memref<!tpu.dma_semaphore, #tpu.memory_space<semaphore_mem>>) src(%dma_wait3A_178 : memref<10000x64xf32, #tpu.memory_space<hbm>>) dst(%dma_wait3A_168 : memref<80x64xf32, #tpu.memory_space<vmem>>)
    %dma_wait3A_179 = arith.constant 0 : i32
    %dma_wait3A_180 = arith.constant 0 : i32
    %dma_wait3A_181 = arith.constant 0 : i32
    %dma_wait3A_182 = arith.constant 0 : i32
    %dma_wait3A_183 = tpu.memref_slice %arg12[%dma_wait3A_180, %dma_wait3A_181, %dma_wait3A_182] : memref<3x80x128xf32, #tpu.memory_space<vmem>> -> memref<1x80x128xf32, #tpu.memory_space<vmem>>
    %dma_wait3A_184 = tpu.memref_squeeze %dma_wait3A_183 : memref<1x80x128xf32, #tpu.memory_space<vmem>> -> memref<80x128xf32, #tpu.memory_space<vmem>>
    %dma_wait3A_185 = arith.constant 0 : i32
    %dma_wait3A_186 = tpu.memref_slice %arg9[%dma_wait3A_179, %dma_wait3A_185] : memref<3x80xi32, #tpu.memory_space<vmem>> -> memref<1x80xi32, #tpu.memory_space<vmem>>
    %dma_wait3A_187 = tpu.memref_squeeze %dma_wait3A_186 : memref<1x80xi32, #tpu.memory_space<vmem>> -> memref<80xi32, #tpu.memory_space<vmem>>
    %dma_wait3A_188 = arith.constant 0 : i32
    %dma_wait3A_189 = arith.constant 0 : i32
    %dma_wait3A_190 = tpu.memref_slice %arg5[%arg0, %dma_wait3A_188, %dma_wait3A_189] : memref<2x10000x128xf32, #tpu.memory_space<hbm>> -> memref<1x10000x128xf32, #tpu.memory_space<hbm>>
    %dma_wait3A_191 = tpu.memref_squeeze %dma_wait3A_190 : memref<1x10000x128xf32, #tpu.memory_space<hbm>> -> memref<10000x128xf32, #tpu.memory_space<hbm>>
    %dma_wait3A_192 = arith.constant 0 : i32
    %dma_wait3A_193 = arith.constant 0 : i32
    %dma_wait3A_194 = tpu.memref_slice %dma_wait3A_191[%dma_wait3A_192, %dma_wait3A_193] : memref<10000x128xf32, #tpu.memory_space<hbm>> -> memref<10000x128xf32, #tpu.memory_space<hbm>>
    tpu.wait_indirect_dma semaphore(%arg16 : memref<!tpu.dma_semaphore, #tpu.memory_space<semaphore_mem>>) src(%dma_wait3A_194 : memref<10000x128xf32, #tpu.memory_space<hbm>>) dst(%dma_wait3A_184 : memref<80x128xf32, #tpu.memory_space<vmem>>)
    %dma_wait3A_195 = arith.constant 0 : i32
    %dma_wait3A_196 = arith.constant 0 : i32
    %dma_wait3A_197 = arith.constant 0 : i32
    %dma_wait3A_198 = tpu.memref_slice %arg13[%dma_wait3A_195, %dma_wait3A_196, %dma_wait3A_197] : memref<3x80x64xf32, #tpu.memory_space<vmem>> -> memref<1x80x64xf32, #tpu.memory_space<vmem>>
    %dma_wait3A_199 = tpu.memref_squeeze %dma_wait3A_198 : memref<1x80x64xf32, #tpu.memory_space<vmem>> -> memref<80x64xf32, #tpu.memory_space<vmem>>
    %dma_wait3A_200 = tpu.memref_slice %arg6[%add3A_162, %multiple_of3A] : memref<320000x128xf32, #tpu.memory_space<hbm>> -> memref<80x64xf32, #tpu.memory_space<hbm>>
    %dma_wait3A_201 = arith.constant 0 : i32
    %dma_wait3A_202 = arith.constant 0 : i32
    %dma_wait3A_203 = tpu.memref_slice %arg13[%dma_wait3A_195, %dma_wait3A_201, %dma_wait3A_202] : memref<3x80x64xf32, #tpu.memory_space<vmem>> -> memref<1x80x64xf32, #tpu.memory_space<vmem>>
    %dma_wait3A_204 = tpu.memref_squeeze %dma_wait3A_203 : memref<1x80x64xf32, #tpu.memory_space<vmem>> -> memref<80x64xf32, #tpu.memory_space<vmem>>
    %dma_wait3A_205 = tpu.memref_slice %arg6[%add3A_162, %multiple_of3A] : memref<320000x128xf32, #tpu.memory_space<hbm>> -> memref<80x64xf32, #tpu.memory_space<hbm>>
    tpu.wait_dma2 semaphore(%arg16 : memref<!tpu.dma_semaphore, #tpu.memory_space<semaphore_mem>>) src(%dma_wait3A_205 : memref<80x64xf32, #tpu.memory_space<hbm>>) dst(%dma_wait3A_204 : memref<80x64xf32, #tpu.memory_space<vmem>>)
    %parallel_loop3A = arith.constant 0 : i32
    %parallel_loop3A_206 = arith.constant 80 : i32
    %parallel_loop3A_207 = arith.constant 1 : i32
    scf.for %parallel_loop3A_252 = %parallel_loop3A to %parallel_loop3A_206 step %parallel_loop3A_207  : i32 {
      %parallel_loop3A_253 = arith.constant 0.000000e+00 : f32
      %parallel_loop3A_254 = vector.broadcast %parallel_loop3A_253 : f32 to vector<16xf32>
      %parallel_loop3A_255 = arith.constant 0 : i32
      %parallel_loop3A_256 = arith.index_cast %parallel_loop3A_255 : i32 to index
      %parallel_loop3A_257 = arith.index_cast %parallel_loop3A_252 : i32 to index
      %parallel_loop3A_258 = arith.constant 0 : index
      %parallel_loop3A_259 = tpu.vector_load %arg11[%parallel_loop3A_256, %parallel_loop3A_257, %parallel_loop3A_258] {strides = array<i32>} : memref<3x80x64xf32, #tpu.memory_space<vmem>>, vector<16xf32>,
      %parallel_loop3A_260 = arith.constant 0 : i32
      %parallel_loop3A_261 = arith.index_cast %parallel_loop3A_260 : i32 to index
      %parallel_loop3A_262 = arith.index_cast %parallel_loop3A_252 : i32 to index
      %parallel_loop3A_263 = arith.constant 0 : index
      %parallel_loop3A_264 = tpu.vector_load %arg12[%parallel_loop3A_261, %parallel_loop3A_262, %parallel_loop3A_263] {strides = array<i32>} : memref<3x80x128xf32, #tpu.memory_space<vmem>>, vector<16xf32>,
      %parallel_loop3A_265 = arith.constant 0 : i32
      %parallel_loop3A_266 = arith.index_cast %parallel_loop3A_265 : i32 to index
      %parallel_loop3A_267 = arith.index_cast %parallel_loop3A_252 : i32 to index
      %parallel_loop3A_268 = arith.constant 64 : index
      %parallel_loop3A_269 = tpu.vector_load %arg12[%parallel_loop3A_266, %parallel_loop3A_267, %parallel_loop3A_268] {strides = array<i32>} : memref<3x80x128xf32, #tpu.memory_space<vmem>>, vector<16xf32>,
      %parallel_loop3A_270 = arith.constant 0 : i32
      %parallel_loop3A_271 = arith.index_cast %parallel_loop3A_270 : i32 to index
      %parallel_loop3A_272 = arith.index_cast %parallel_loop3A_252 : i32 to index
      %parallel_loop3A_273 = arith.constant 0 : index
      %parallel_loop3A_274 = tpu.vector_load %arg13[%parallel_loop3A_271, %parallel_loop3A_272, %parallel_loop3A_273] {strides = array<i32>} : memref<3x80x64xf32, #tpu.memory_space<vmem>>, vector<16xf32>,
      %parallel_loop3A_275 = arith.mulf %parallel_loop3A_264, %parallel_loop3A_259 : vector<16xf32>
      %parallel_loop3A_276 = arith.mulf %parallel_loop3A_275, %parallel_loop3A_274 : vector<16xf32>
      %parallel_loop3A_277 = arith.constant 0 : i32
      %parallel_loop3A_278 = arith.index_cast %parallel_loop3A_277 : i32 to index
      %parallel_loop3A_279 = arith.index_cast %parallel_loop3A_252 : i32 to index
      %parallel_loop3A_280 = arith.constant 0 : index
      %parallel_loop3A_281 = tpu.vector_load %arg13[%parallel_loop3A_278, %parallel_loop3A_279, %parallel_loop3A_280] {strides = array<i32>} : memref<3x80x64xf32, #tpu.memory_space<vmem>>, vector<16xf32>,
      tpu.vector_store %arg13[%parallel_loop3A_278, %parallel_loop3A_279, %parallel_loop3A_280], %parallel_loop3A_276 {strides = array<i32>} : memref<3x80x64xf32, #tpu.memory_space<vmem>>, vector<16xf32>,
      %parallel_loop3A_282 = arith.constant true
      %parallel_loop3A_283 = vector.broadcast %parallel_loop3A_282 : i1 to vector<16xi1>
      %parallel_loop3A_284 = tpu.scan <sum>, %parallel_loop3A_276 masked %parallel_loop3A_283 : vector<16xf32>, vector<16xi1> -> vector<16xf32>
      %parallel_loop3A_285 = vector.extract %parallel_loop3A_284[15] : f32 from vector<16xf32>
      %parallel_loop3A_286 = vector.broadcast %parallel_loop3A_285 : f32 to vector<16xf32>
      %parallel_loop3A_287 = arith.constant -5.000000e+00 : f32
      %parallel_loop3A_288 = arith.constant 5.000000e+00 : f32
      %parallel_loop3A_289 = vector.broadcast %parallel_loop3A_287 : f32 to vector<16xf32>
      %parallel_loop3A_290 = arith.maximumf %parallel_loop3A_289, %parallel_loop3A_286 : vector<16xf32>
      %parallel_loop3A_291 = vector.broadcast %parallel_loop3A_288 : f32 to vector<16xf32>
      %parallel_loop3A_292 = arith.minimumf %parallel_loop3A_291, %parallel_loop3A_290 : vector<16xf32>
      %parallel_loop3A_293 = math.exp %parallel_loop3A_292 : vector<16xf32>
      %parallel_loop3A_294 = arith.mulf %parallel_loop3A_269, %parallel_loop3A_293 : vector<16xf32>
      %parallel_loop3A_295 = arith.index_cast %parallel_loop3A_252 : i32 to index
      %parallel_loop3A_296 = arith.constant 0 : index
      %parallel_loop3A_297 = tpu.vector_load %arg14[%parallel_loop3A_295, %parallel_loop3A_296] {strides = array<i32>} : memref<80x80xf32, #tpu.memory_space<vmem>>, vector<16xf32>,
      tpu.vector_store %arg14[%parallel_loop3A_295, %parallel_loop3A_296], %parallel_loop3A_294 {strides = array<i32>} : memref<80x80xf32, #tpu.memory_space<vmem>>, vector<16xf32>,
      %parallel_loop3A_298 = arith.constant 0 : i32
      %parallel_loop3A_299 = vector.broadcast %parallel_loop3A_298 : i32 to vector<16xi32>
      %parallel_loop3A_300 = arith.cmpi eq, %iota3A, %parallel_loop3A_299 : vector<16xi32>
      %parallel_loop3A_301 = arith.select %parallel_loop3A_300, %parallel_loop3A_293, %parallel_loop3A_254 : vector<16xi1>, vector<16xf32>
      %parallel_loop3A_302 = arith.constant 0 : i32
      %parallel_loop3A_303 = arith.index_cast %parallel_loop3A_302 : i32 to index
      %parallel_loop3A_304 = arith.index_cast %parallel_loop3A_252 : i32 to index
      %parallel_loop3A_305 = arith.constant 16 : index
      %parallel_loop3A_306 = tpu.vector_load %arg11[%parallel_loop3A_303, %parallel_loop3A_304, %parallel_loop3A_305] {strides = array<i32>} : memref<3x80x64xf32, #tpu.memory_space<vmem>>, vector<16xf32>,
      %parallel_loop3A_307 = arith.constant 0 : i32
      %parallel_loop3A_308 = arith.index_cast %parallel_loop3A_307 : i32 to index
      %parallel_loop3A_309 = arith.index_cast %parallel_loop3A_252 : i32 to index
      %parallel_loop3A_310 = arith.constant 16 : index
      %parallel_loop3A_311 = tpu.vector_load %arg12[%parallel_loop3A_308, %parallel_loop3A_309, %parallel_loop3A_310] {strides = array<i32>} : memref<3x80x128xf32, #tpu.memory_space<vmem>>, vector<16xf32>,
      %parallel_loop3A_312 = arith.constant 0 : i32
      %parallel_loop3A_313 = arith.index_cast %parallel_loop3A_312 : i32 to index
      %parallel_loop3A_314 = arith.index_cast %parallel_loop3A_252 : i32 to index
      %parallel_loop3A_315 = arith.constant 80 : index
      %parallel_loop3A_316 = tpu.vector_load %arg12[%parallel_loop3A_313, %parallel_loop3A_314, %parallel_loop3A_315] {strides = array<i32>} : memref<3x80x128xf32, #tpu.memory_space<vmem>>, vector<16xf32>,
      %parallel_loop3A_317 = arith.constant 0 : i32
      %parallel_loop3A_318 = arith.index_cast %parallel_loop3A_317 : i32 to index
      %parallel_loop3A_319 = arith.index_cast %parallel_loop3A_252 : i32 to index
      %parallel_loop3A_320 = arith.constant 16 : index
      %parallel_loop3A_321 = tpu.vector_load %arg13[%parallel_loop3A_318, %parallel_loop3A_319, %parallel_loop3A_320] {strides = array<i32>} : memref<3x80x64xf32, #tpu.memory_space<vmem>>, vector<16xf32>,
      %parallel_loop3A_322 = arith.mulf %parallel_loop3A_311, %parallel_loop3A_306 : vector<16xf32>
      %parallel_loop3A_323 = arith.mulf %parallel_loop3A_322, %parallel_loop3A_321 : vector<16xf32>
      %parallel_loop3A_324 = arith.constant 0 : i32
      %parallel_loop3A_325 = arith.index_cast %parallel_loop3A_324 : i32 to index
      %parallel_loop3A_326 = arith.index_cast %parallel_loop3A_252 : i32 to index
      %parallel_loop3A_327 = arith.constant 16 : index
      %parallel_loop3A_328 = tpu.vector_load %arg13[%parallel_loop3A_325, %parallel_loop3A_326, %parallel_loop3A_327] {strides = array<i32>} : memref<3x80x64xf32, #tpu.memory_space<vmem>>, vector<16xf32>,
      tpu.vector_store %arg13[%parallel_loop3A_325, %parallel_loop3A_326, %parallel_loop3A_327], %parallel_loop3A_323 {strides = array<i32>} : memref<3x80x64xf32, #tpu.memory_space<vmem>>, vector<16xf32>,
      %parallel_loop3A_329 = arith.constant true
      %parallel_loop3A_330 = vector.broadcast %parallel_loop3A_329 : i1 to vector<16xi1>
      %parallel_loop3A_331 = tpu.scan <sum>, %parallel_loop3A_323 masked %parallel_loop3A_330 : vector<16xf32>, vector<16xi1> -> vector<16xf32>
      %parallel_loop3A_332 = vector.extract %parallel_loop3A_331[15] : f32 from vector<16xf32>
      %parallel_loop3A_333 = vector.broadcast %parallel_loop3A_332 : f32 to vector<16xf32>
      %parallel_loop3A_334 = arith.constant -5.000000e+00 : f32
      %parallel_loop3A_335 = arith.constant 5.000000e+00 : f32
      %parallel_loop3A_336 = vector.broadcast %parallel_loop3A_334 : f32 to vector<16xf32>
      %parallel_loop3A_337 = arith.maximumf %parallel_loop3A_336, %parallel_loop3A_333 : vector<16xf32>
      %parallel_loop3A_338 = vector.broadcast %parallel_loop3A_335 : f32 to vector<16xf32>
      %parallel_loop3A_339 = arith.minimumf %parallel_loop3A_338, %parallel_loop3A_337 : vector<16xf32>
      %parallel_loop3A_340 = math.exp %parallel_loop3A_339 : vector<16xf32>
      %parallel_loop3A_341 = arith.mulf %parallel_loop3A_316, %parallel_loop3A_340 : vector<16xf32>
      %parallel_loop3A_342 = arith.index_cast %parallel_loop3A_252 : i32 to index
      %parallel_loop3A_343 = arith.constant 16 : index
      %parallel_loop3A_344 = tpu.vector_load %arg14[%parallel_loop3A_342, %parallel_loop3A_343] {strides = array<i32>} : memref<80x80xf32, #tpu.memory_space<vmem>>, vector<16xf32>,
      tpu.vector_store %arg14[%parallel_loop3A_342, %parallel_loop3A_343], %parallel_loop3A_341 {strides = array<i32>} : memref<80x80xf32, #tpu.memory_space<vmem>>, vector<16xf32>,
      %parallel_loop3A_345 = arith.constant 1 : i32
      %parallel_loop3A_346 = vector.broadcast %parallel_loop3A_345 : i32 to vector<16xi32>
      %parallel_loop3A_347 = arith.cmpi eq, %iota3A, %parallel_loop3A_346 : vector<16xi32>
      %parallel_loop3A_348 = arith.select %parallel_loop3A_347, %parallel_loop3A_340, %parallel_loop3A_301 : vector<16xi1>, vector<16xf32>
      %parallel_loop3A_349 = arith.constant 0 : i32
      %parallel_loop3A_350 = arith.index_cast %parallel_loop3A_349 : i32 to index
      %parallel_loop3A_351 = arith.index_cast %parallel_loop3A_252 : i32 to index
      %parallel_loop3A_352 = arith.constant 32 : index
      %parallel_loop3A_353 = tpu.vector_load %arg11[%parallel_loop3A_350, %parallel_loop3A_351, %parallel_loop3A_352] {strides = array<i32>} : memref<3x80x64xf32, #tpu.memory_space<vmem>>, vector<16xf32>,
      %parallel_loop3A_354 = arith.constant 0 : i32
      %parallel_loop3A_355 = arith.index_cast %parallel_loop3A_354 : i32 to index
      %parallel_loop3A_356 = arith.index_cast %parallel_loop3A_252 : i32 to index
      %parallel_loop3A_357 = arith.constant 32 : index
      %parallel_loop3A_358 = tpu.vector_load %arg12[%parallel_loop3A_355, %parallel_loop3A_356, %parallel_loop3A_357] {strides = array<i32>} : memref<3x80x128xf32, #tpu.memory_space<vmem>>, vector<16xf32>,
      %parallel_loop3A_359 = arith.constant 0 : i32
      %parallel_loop3A_360 = arith.index_cast %parallel_loop3A_359 : i32 to index
      %parallel_loop3A_361 = arith.index_cast %parallel_loop3A_252 : i32 to index
      %parallel_loop3A_362 = arith.constant 96 : index
      %parallel_loop3A_363 = tpu.vector_load %arg12[%parallel_loop3A_360, %parallel_loop3A_361, %parallel_loop3A_362] {strides = array<i32>} : memref<3x80x128xf32, #tpu.memory_space<vmem>>, vector<16xf32>,
      %parallel_loop3A_364 = arith.constant 0 : i32
      %parallel_loop3A_365 = arith.index_cast %parallel_loop3A_364 : i32 to index
      %parallel_loop3A_366 = arith.index_cast %parallel_loop3A_252 : i32 to index
      %parallel_loop3A_367 = arith.constant 32 : index
      %parallel_loop3A_368 = tpu.vector_load %arg13[%parallel_loop3A_365, %parallel_loop3A_366, %parallel_loop3A_367] {strides = array<i32>} : memref<3x80x64xf32, #tpu.memory_space<vmem>>, vector<16xf32>,
      %parallel_loop3A_369 = arith.mulf %parallel_loop3A_358, %parallel_loop3A_353 : vector<16xf32>
      %parallel_loop3A_370 = arith.mulf %parallel_loop3A_369, %parallel_loop3A_368 : vector<16xf32>
      %parallel_loop3A_371 = arith.constant 0 : i32
      %parallel_loop3A_372 = arith.index_cast %parallel_loop3A_371 : i32 to index
      %parallel_loop3A_373 = arith.index_cast %parallel_loop3A_252 : i32 to index
      %parallel_loop3A_374 = arith.constant 32 : index
      %parallel_loop3A_375 = tpu.vector_load %arg13[%parallel_loop3A_372, %parallel_loop3A_373, %parallel_loop3A_374] {strides = array<i32>} : memref<3x80x64xf32, #tpu.memory_space<vmem>>, vector<16xf32>,
      tpu.vector_store %arg13[%parallel_loop3A_372, %parallel_loop3A_373, %parallel_loop3A_374], %parallel_loop3A_370 {strides = array<i32>} : memref<3x80x64xf32, #tpu.memory_space<vmem>>, vector<16xf32>,
      %parallel_loop3A_376 = arith.constant true
      %parallel_loop3A_377 = vector.broadcast %parallel_loop3A_376 : i1 to vector<16xi1>
      %parallel_loop3A_378 = tpu.scan <sum>, %parallel_loop3A_370 masked %parallel_loop3A_377 : vector<16xf32>, vector<16xi1> -> vector<16xf32>
      %parallel_loop3A_379 = vector.extract %parallel_loop3A_378[15] : f32 from vector<16xf32>
      %parallel_loop3A_380 = vector.broadcast %parallel_loop3A_379 : f32 to vector<16xf32>
      %parallel_loop3A_381 = arith.constant -5.000000e+00 : f32
      %parallel_loop3A_382 = arith.constant 5.000000e+00 : f32
      %parallel_loop3A_383 = vector.broadcast %parallel_loop3A_381 : f32 to vector<16xf32>
      %parallel_loop3A_384 = arith.maximumf %parallel_loop3A_383, %parallel_loop3A_380 : vector<16xf32>
      %parallel_loop3A_385 = vector.broadcast %parallel_loop3A_382 : f32 to vector<16xf32>
      %parallel_loop3A_386 = arith.minimumf %parallel_loop3A_385, %parallel_loop3A_384 : vector<16xf32>
      %parallel_loop3A_387 = math.exp %parallel_loop3A_386 : vector<16xf32>
      %parallel_loop3A_388 = arith.mulf %parallel_loop3A_363, %parallel_loop3A_387 : vector<16xf32>
      %parallel_loop3A_389 = arith.index_cast %parallel_loop3A_252 : i32 to index
      %parallel_loop3A_390 = arith.constant 32 : index
      %parallel_loop3A_391 = tpu.vector_load %arg14[%parallel_loop3A_389, %parallel_loop3A_390] {strides = array<i32>} : memref<80x80xf32, #tpu.memory_space<vmem>>, vector<16xf32>,
      tpu.vector_store %arg14[%parallel_loop3A_389, %parallel_loop3A_390], %parallel_loop3A_388 {strides = array<i32>} : memref<80x80xf32, #tpu.memory_space<vmem>>, vector<16xf32>,
      %parallel_loop3A_392 = arith.constant 2 : i32
      %parallel_loop3A_393 = vector.broadcast %parallel_loop3A_392 : i32 to vector<16xi32>
      %parallel_loop3A_394 = arith.cmpi eq, %iota3A, %parallel_loop3A_393 : vector<16xi32>
      %parallel_loop3A_395 = arith.select %parallel_loop3A_394, %parallel_loop3A_387, %parallel_loop3A_348 : vector<16xi1>, vector<16xf32>
      %parallel_loop3A_396 = arith.constant 0 : i32
      %parallel_loop3A_397 = arith.index_cast %parallel_loop3A_396 : i32 to index
      %parallel_loop3A_398 = arith.index_cast %parallel_loop3A_252 : i32 to index
      %parallel_loop3A_399 = arith.constant 48 : index
      %parallel_loop3A_400 = tpu.vector_load %arg11[%parallel_loop3A_397, %parallel_loop3A_398, %parallel_loop3A_399] {strides = array<i32>} : memref<3x80x64xf32, #tpu.memory_space<vmem>>, vector<16xf32>,
      %parallel_loop3A_401 = arith.constant 0 : i32
      %parallel_loop3A_402 = arith.index_cast %parallel_loop3A_401 : i32 to index
      %parallel_loop3A_403 = arith.index_cast %parallel_loop3A_252 : i32 to index
      %parallel_loop3A_404 = arith.constant 48 : index
      %parallel_loop3A_405 = tpu.vector_load %arg12[%parallel_loop3A_402, %parallel_loop3A_403, %parallel_loop3A_404] {strides = array<i32>} : memref<3x80x128xf32, #tpu.memory_space<vmem>>, vector<16xf32>,
      %parallel_loop3A_406 = arith.constant 0 : i32
      %parallel_loop3A_407 = arith.index_cast %parallel_loop3A_406 : i32 to index
      %parallel_loop3A_408 = arith.index_cast %parallel_loop3A_252 : i32 to index
      %parallel_loop3A_409 = arith.constant 112 : index
      %parallel_loop3A_410 = tpu.vector_load %arg12[%parallel_loop3A_407, %parallel_loop3A_408, %parallel_loop3A_409] {strides = array<i32>} : memref<3x80x128xf32, #tpu.memory_space<vmem>>, vector<16xf32>,
      %parallel_loop3A_411 = arith.constant 0 : i32
      %parallel_loop3A_412 = arith.index_cast %parallel_loop3A_411 : i32 to index
      %parallel_loop3A_413 = arith.index_cast %parallel_loop3A_252 : i32 to index
      %parallel_loop3A_414 = arith.constant 48 : index
      %parallel_loop3A_415 = tpu.vector_load %arg13[%parallel_loop3A_412, %parallel_loop3A_413, %parallel_loop3A_414] {strides = array<i32>} : memref<3x80x64xf32, #tpu.memory_space<vmem>>, vector<16xf32>,
      %parallel_loop3A_416 = arith.mulf %parallel_loop3A_405, %parallel_loop3A_400 : vector<16xf32>
      %parallel_loop3A_417 = arith.mulf %parallel_loop3A_416, %parallel_loop3A_415 : vector<16xf32>
      %parallel_loop3A_418 = arith.constant 0 : i32
      %parallel_loop3A_419 = arith.index_cast %parallel_loop3A_418 : i32 to index
      %parallel_loop3A_420 = arith.index_cast %parallel_loop3A_252 : i32 to index
      %parallel_loop3A_421 = arith.constant 48 : index
      %parallel_loop3A_422 = tpu.vector_load %arg13[%parallel_loop3A_419, %parallel_loop3A_420, %parallel_loop3A_421] {strides = array<i32>} : memref<3x80x64xf32, #tpu.memory_space<vmem>>, vector<16xf32>,
      tpu.vector_store %arg13[%parallel_loop3A_419, %parallel_loop3A_420, %parallel_loop3A_421], %parallel_loop3A_417 {strides = array<i32>} : memref<3x80x64xf32, #tpu.memory_space<vmem>>, vector<16xf32>,
      %parallel_loop3A_423 = arith.constant true
      %parallel_loop3A_424 = vector.broadcast %parallel_loop3A_423 : i1 to vector<16xi1>
      %parallel_loop3A_425 = tpu.scan <sum>, %parallel_loop3A_417 masked %parallel_loop3A_424 : vector<16xf32>, vector<16xi1> -> vector<16xf32>
      %parallel_loop3A_426 = vector.extract %parallel_loop3A_425[15] : f32 from vector<16xf32>
      %parallel_loop3A_427 = vector.broadcast %parallel_loop3A_426 : f32 to vector<16xf32>
      %parallel_loop3A_428 = arith.constant -5.000000e+00 : f32
      %parallel_loop3A_429 = arith.constant 5.000000e+00 : f32
      %parallel_loop3A_430 = vector.broadcast %parallel_loop3A_428 : f32 to vector<16xf32>
      %parallel_loop3A_431 = arith.maximumf %parallel_loop3A_430, %parallel_loop3A_427 : vector<16xf32>
      %parallel_loop3A_432 = vector.broadcast %parallel_loop3A_429 : f32 to vector<16xf32>
      %parallel_loop3A_433 = arith.minimumf %parallel_loop3A_432, %parallel_loop3A_431 : vector<16xf32>
      %parallel_loop3A_434 = math.exp %parallel_loop3A_433 : vector<16xf32>
      %parallel_loop3A_435 = arith.mulf %parallel_loop3A_410, %parallel_loop3A_434 : vector<16xf32>
      %parallel_loop3A_436 = arith.index_cast %parallel_loop3A_252 : i32 to index
      %parallel_loop3A_437 = arith.constant 48 : index
      %parallel_loop3A_438 = tpu.vector_load %arg14[%parallel_loop3A_436, %parallel_loop3A_437] {strides = array<i32>} : memref<80x80xf32, #tpu.memory_space<vmem>>, vector<16xf32>,
      tpu.vector_store %arg14[%parallel_loop3A_436, %parallel_loop3A_437], %parallel_loop3A_435 {strides = array<i32>} : memref<80x80xf32, #tpu.memory_space<vmem>>, vector<16xf32>,
      %parallel_loop3A_439 = arith.constant 3 : i32
      %parallel_loop3A_440 = vector.broadcast %parallel_loop3A_439 : i32 to vector<16xi32>
      %parallel_loop3A_441 = arith.cmpi eq, %iota3A, %parallel_loop3A_440 : vector<16xi32>
      %parallel_loop3A_442 = arith.select %parallel_loop3A_441, %parallel_loop3A_434, %parallel_loop3A_395 : vector<16xi1>, vector<16xf32>
      %parallel_loop3A_443 = arith.index_cast %parallel_loop3A_252 : i32 to index
      %parallel_loop3A_444 = arith.constant 64 : index
      %parallel_loop3A_445 = tpu.vector_load %arg14[%parallel_loop3A_443, %parallel_loop3A_444] {strides = array<i32>} : memref<80x80xf32, #tpu.memory_space<vmem>>, vector<16xf32>,
      tpu.vector_store %arg14[%parallel_loop3A_443, %parallel_loop3A_444], %parallel_loop3A_442 {strides = array<i32>} : memref<80x80xf32, #tpu.memory_space<vmem>>, vector<16xf32>,
    } {sc.loop_unroll_factor = 4 : i64, sc.parallel_access}
    %add3A_208 = arith.constant 19840 : i32
    %add3A_209 = arith.addi %mul3A_0, %add3A_208 : i32
    %dma_wait3A_210 = arith.constant 2 : i32
    %dma_wait3A_211 = arith.constant 0 : i32
    %dma_wait3A_212 = arith.constant 0 : i32
    %dma_wait3A_213 = tpu.memref_slice %arg13[%dma_wait3A_210, %dma_wait3A_211, %dma_wait3A_212] : memref<3x80x64xf32, #tpu.memory_space<vmem>> -> memref<1x80x64xf32, #tpu.memory_space<vmem>>
    %dma_wait3A_214 = tpu.memref_squeeze %dma_wait3A_213 : memref<1x80x64xf32, #tpu.memory_space<vmem>> -> memref<80x64xf32, #tpu.memory_space<vmem>>
    %dma_wait3A_215 = tpu.memref_slice %arg7[%add3A_209, %multiple_of3A] : memref<320000x128xf32, #tpu.memory_space<hbm>> -> memref<80x64xf32, #tpu.memory_space<hbm>>
    %dma_wait3A_216 = tpu.memref_slice %arg7[%add3A_209, %multiple_of3A] : memref<320000x128xf32, #tpu.memory_space<hbm>> -> memref<80x64xf32, #tpu.memory_space<hbm>>
    %dma_wait3A_217 = arith.constant 0 : i32
    %dma_wait3A_218 = arith.constant 0 : i32
    %dma_wait3A_219 = tpu.memref_slice %arg13[%dma_wait3A_210, %dma_wait3A_217, %dma_wait3A_218] : memref<3x80x64xf32, #tpu.memory_space<vmem>> -> memref<1x80x64xf32, #tpu.memory_space<vmem>>
    %dma_wait3A_220 = tpu.memref_squeeze %dma_wait3A_219 : memref<1x80x64xf32, #tpu.memory_space<vmem>> -> memref<80x64xf32, #tpu.memory_space<vmem>>
    tpu.wait_dma2 semaphore(%arg21 : memref<!tpu.dma_semaphore, #tpu.memory_space<semaphore_mem>>) src(%dma_wait3A_220 : memref<80x64xf32, #tpu.memory_space<vmem>>) dst(%dma_wait3A_216 : memref<80x64xf32, #tpu.memory_space<hbm>>)
    %add3A_221 = arith.constant 19920 : i32
    %add3A_222 = arith.addi %mul3A_0, %add3A_221 : i32
    %dma_start3A_223 = arith.constant 0 : i32
    %dma_start3A_224 = arith.constant 0 : i32
    %dma_start3A_225 = arith.constant 0 : i32
    %dma_start3A_226 = tpu.memref_slice %arg13[%dma_start3A_223, %dma_start3A_224, %dma_start3A_225] : memref<3x80x64xf32, #tpu.memory_space<vmem>> -> memref<1x80x64xf32, #tpu.memory_space<vmem>>
    %dma_start3A_227 = tpu.memref_squeeze %dma_start3A_226 : memref<1x80x64xf32, #tpu.memory_space<vmem>> -> memref<80x64xf32, #tpu.memory_space<vmem>>
    %dma_start3A_228 = tpu.memref_slice %arg7[%add3A_222, %multiple_of3A] : memref<320000x128xf32, #tpu.memory_space<hbm>> -> memref<80x64xf32, #tpu.memory_space<hbm>>
    %dma_start3A_229 = tpu.memref_slice %arg7[%add3A_222, %multiple_of3A] : memref<320000x128xf32, #tpu.memory_space<hbm>> -> memref<80x64xf32, #tpu.memory_space<hbm>>
    %dma_start3A_230 = arith.constant 0 : i32
    %dma_start3A_231 = arith.constant 0 : i32
    %dma_start3A_232 = tpu.memref_slice %arg13[%dma_start3A_223, %dma_start3A_230, %dma_start3A_231] : memref<3x80x64xf32, #tpu.memory_space<vmem>> -> memref<1x80x64xf32, #tpu.memory_space<vmem>>
    %dma_start3A_233 = tpu.memref_squeeze %dma_start3A_232 : memref<1x80x64xf32, #tpu.memory_space<vmem>> -> memref<80x64xf32, #tpu.memory_space<vmem>>
    tpu.enqueue_dma source(%dma_start3A_233 : memref<80x64xf32, #tpu.memory_space<vmem>>) target(%dma_start3A_229 : memref<80x64xf32, #tpu.memory_space<hbm>>) target_semaphore(%arg19 : memref<!tpu.dma_semaphore, #tpu.memory_space<semaphore_mem>>)
    %run_scoped3A = arith.constant 0 : i32
    "tpu.region"() ({
      %run_scoped3A_252 = tpu.sem_alloc : memref<!tpu.dma_semaphore, #tpu.memory_space<semaphore_mem>>
      %dma_start3A_253 = arith.constant 0 : i32
      %dma_start3A_254 = tpu.memref_slice %arg10[%run_scoped3A, %dma_start3A_253] : memref<3x80xi32, #tpu.memory_space<vmem>> -> memref<1x80xi32, #tpu.memory_space<vmem>>
      %dma_start3A_255 = tpu.memref_squeeze %dma_start3A_254 : memref<1x80xi32, #tpu.memory_space<vmem>> -> memref<80xi32, #tpu.memory_space<vmem>>
      %dma_start3A_256 = arith.constant 0 : i32
      %dma_start3A_257 = arith.constant 0 : i32
      %dma_start3A_258 = tpu.memref_slice %arg15[%dma_start3A_256, %dma_start3A_257] : memref<10000x80xf32, #tpu.memory_space<vmem_shared>> -> memref<10000x80xf32, #tpu.memory_space<vmem_shared>>
      tpu.enqueue_indirect_dma source(%arg14 : memref<80x80xf32, #tpu.memory_space<vmem>>) target(%dma_start3A_258 : memref<10000x80xf32, #tpu.memory_space<vmem_shared>>) offsets(%dma_start3A_255 : memref<80xi32, #tpu.memory_space<vmem>>) semaphore(%run_scoped3A_252 : memref<!tpu.dma_semaphore, #tpu.memory_space<semaphore_mem>>) {add = true}
      %dma_wait3A_259 = arith.constant 0 : i32
      %dma_wait3A_260 = tpu.memref_slice %arg10[%run_scoped3A, %dma_wait3A_259] : memref<3x80xi32, #tpu.memory_space<vmem>> -> memref<1x80xi32, #tpu.memory_space<vmem>>
      %dma_wait3A_261 = tpu.memref_squeeze %dma_wait3A_260 : memref<1x80xi32, #tpu.memory_space<vmem>> -> memref<80xi32, #tpu.memory_space<vmem>>
      %dma_wait3A_262 = arith.constant 0 : i32
      %dma_wait3A_263 = arith.constant 0 : i32
      %dma_wait3A_264 = tpu.memref_slice %arg15[%dma_wait3A_262, %dma_wait3A_263] : memref<10000x80xf32, #tpu.memory_space<vmem_shared>> -> memref<10000x80xf32, #tpu.memory_space<vmem_shared>>
      tpu.wait_indirect_dma semaphore(%run_scoped3A_252 : memref<!tpu.dma_semaphore, #tpu.memory_space<semaphore_mem>>) src(%arg14 : memref<80x80xf32, #tpu.memory_space<vmem>>) dst(%dma_wait3A_264 : memref<10000x80xf32, #tpu.memory_space<vmem_shared>>)
      tpu.yield
    }) : () -> ()
    %add3A_234 = arith.constant 19920 : i32
    %add3A_235 = arith.addi %mul3A_0, %add3A_234 : i32
    %dma_wait3A_236 = arith.constant 0 : i32
    %dma_wait3A_237 = arith.constant 0 : i32
    %dma_wait3A_238 = arith.constant 0 : i32
    %dma_wait3A_239 = tpu.memref_slice %arg13[%dma_wait3A_236, %dma_wait3A_237, %dma_wait3A_238] : memref<3x80x64xf32, #tpu.memory_space<vmem>> -> memref<1x80x64xf32, #tpu.memory_space<vmem>>
    %dma_wait3A_240 = tpu.memref_squeeze %dma_wait3A_239 : memref<1x80x64xf32, #tpu.memory_space<vmem>> -> memref<80x64xf32, #tpu.memory_space<vmem>>
    %dma_wait3A_241 = tpu.memref_slice %arg7[%add3A_235, %multiple_of3A] : memref<320000x128xf32, #tpu.memory_space<hbm>> -> memref<80x64xf32, #tpu.memory_space<hbm>>
    %dma_wait3A_242 = tpu.memref_slice %arg7[%add3A_235, %multiple_of3A] : memref<320000x128xf32, #tpu.memory_space<hbm>> -> memref<80x64xf32, #tpu.memory_space<hbm>>
    %dma_wait3A_243 = arith.constant 0 : i32
    %dma_wait3A_244 = arith.constant 0 : i32
    %dma_wait3A_245 = tpu.memref_slice %arg13[%dma_wait3A_236, %dma_wait3A_243, %dma_wait3A_244] : memref<3x80x64xf32, #tpu.memory_space<vmem>> -> memref<1x80x64xf32, #tpu.memory_space<vmem>>
    %dma_wait3A_246 = tpu.memref_squeeze %dma_wait3A_245 : memref<1x80x64xf32, #tpu.memory_space<vmem>> -> memref<80x64xf32, #tpu.memory_space<vmem>>
    tpu.wait_dma2 semaphore(%arg19 : memref<!tpu.dma_semaphore, #tpu.memory_space<semaphore_mem>>) src(%dma_wait3A_246 : memref<80x64xf32, #tpu.memory_space<vmem>>) dst(%dma_wait3A_242 : memref<80x64xf32, #tpu.memory_space<hbm>>)
    %barrier3A_247 = arith.constant 0 : index
    tpu.barrier barrier_id(%barrier3A_247)
    %mul3A_248 = arith.constant 625 : i32
    %mul3A_249 = arith.muli %arg1, %mul3A_248 : i32
    %mul3A_250 = arith.constant 625 : i32
    %mul3A_251 = arith.muli %arg1, %mul3A_250 : i32
    "tpu.region"() ({
      %run_scoped3A_252 = tpu.sem_alloc : memref<!tpu.dma_semaphore, #tpu.memory_space<semaphore_mem>>
      %dma_start3A_253 = arith.constant 0 : i32
      %dma_start3A_254 = tpu.memref_slice %arg8[%arg0, %mul3A_251, %dma_start3A_253] : memref<2x10000x80xf32, #tpu.memory_space<hbm>> -> memref<1x625x80xf32, #tpu.memory_space<hbm>>
      %dma_start3A_255 = tpu.memref_squeeze %dma_start3A_254 : memref<1x625x80xf32, #tpu.memory_space<hbm>> -> memref<625x80xf32, #tpu.memory_space<hbm>>
      %dma_start3A_256 = arith.constant 0 : i32
      %dma_start3A_257 = tpu.memref_slice %arg15[%mul3A_249, %dma_start3A_256] : memref<10000x80xf32, #tpu.memory_space<vmem_shared>> -> memref<625x80xf32, #tpu.memory_space<vmem_shared>>
      tpu.enqueue_dma source(%dma_start3A_257 : memref<625x80xf32, #tpu.memory_space<vmem_shared>>) target(%dma_start3A_255 : memref<625x80xf32, #tpu.memory_space<hbm>>) target_semaphore(%run_scoped3A_252 : memref<!tpu.dma_semaphore, #tpu.memory_space<semaphore_mem>>)
      %dma_wait3A_258 = arith.constant 0 : i32
      %dma_wait3A_259 = tpu.memref_slice %arg8[%arg0, %mul3A_251, %dma_wait3A_258] : memref<2x10000x80xf32, #tpu.memory_space<hbm>> -> memref<1x625x80xf32, #tpu.memory_space<hbm>>
      %dma_wait3A_260 = tpu.memref_squeeze %dma_wait3A_259 : memref<1x625x80xf32, #tpu.memory_space<hbm>> -> memref<625x80xf32, #tpu.memory_space<hbm>>
      %dma_wait3A_261 = arith.constant 0 : i32
      %dma_wait3A_262 = tpu.memref_slice %arg15[%mul3A_249, %dma_wait3A_261] : memref<10000x80xf32, #tpu.memory_space<vmem_shared>> -> memref<625x80xf32, #tpu.memory_space<vmem_shared>>
      tpu.wait_dma2 semaphore(%run_scoped3A_252 : memref<!tpu.dma_semaphore, #tpu.memory_space<semaphore_mem>>) src(%dma_wait3A_262 : memref<625x80xf32, #tpu.memory_space<vmem_shared>>) dst(%dma_wait3A_260 : memref<625x80xf32, #tpu.memory_space<hbm>>)
      tpu.yield
    }) : () -> ()
    return
  }
}

module attributes {stable_mosaic.version = 14 : i64} {
  func.func @_tables_body(%arg0: i32, %arg1: i32, %arg2: memref<2000x128xf32, #tpu.memory_space<vmem>>, %arg3: memref<1x128x64xf32, #tpu.memory_space<vmem>>, %arg4: memref<1x1x64xf32, #tpu.memory_space<vmem>>, %arg5: memref<1x128x128xf32, #tpu.memory_space<vmem>>, %arg6: memref<1x1x128xf32, #tpu.memory_space<vmem>>, %arg7: memref<1x2000x64xf32, #tpu.memory_space<vmem>>, %arg8: memref<1x2000x128xf32, #tpu.memory_space<vmem>>) attributes {dimension_semantics = [#tpu.dimension_semantics<arbitrary>, #tpu.dimension_semantics<arbitrary>], iteration_bounds = array<i64: 2, 5>, scalar_prefetch = 0 : i64, scratch_operands = 0 : i64, tpu.core_type = #tpu.core_type<tc>, window_params = [{transform_indices = @transform_0, window_bounds = array<i64: 2000, 128>}, {transform_indices = @transform_1, window_bounds = array<i64: 1, 128, 64>}, {transform_indices = @transform_2, window_bounds = array<i64: 1, 1, 64>}, {transform_indices = @transform_3, window_bounds = array<i64: 1, 128, 128>}, {transform_indices = @transform_4, window_bounds = array<i64: 1, 1, 128>}, {transform_indices = @transform_5, window_bounds = array<i64: 1, 2000, 64>}, {transform_indices = @transform_6, window_bounds = array<i64: 1, 2000, 128>}]} {
    %get3A = arith.constant 0 : index
    %get3A_0 = arith.constant 0 : index
    %get3A_1 = vector.load %arg2[%get3A, %get3A_0] : memref<2000x128xf32, #tpu.memory_space<vmem>>, vector<2000x128xf32>
    %get3A_2 = arith.constant 0 : index
    %get3A_3 = arith.constant 0 : index
    %get3A_4 = arith.constant 0 : index
    %get3A_5 = vector.load %arg3[%get3A_2, %get3A_3, %get3A_4] : memref<1x128x64xf32, #tpu.memory_space<vmem>>, vector<1x128x64xf32>
    %get3A_6 = vector.shape_cast %get3A_5 : vector<1x128x64xf32> to vector<128x64xf32>
    %dot_general3A = arith.constant dense<0.000000e+00> : vector<2000x64xf32>
    %dot_general3A_7 = tpu.matmul %get3A_1, %get3A_6, %dot_general3A {dimension_numbers = #tpu.dot_dimension_numbers<[1], [0], [0], [1], [0, 0, 1, 1], [], []>, precision = #tpu.contract_precision<fp32>, transpose_lhs_hint = false} : vector<2000x128xf32>, vector<128x64xf32>, vector<2000x64xf32> -> vector<2000x64xf32>
    %get3A_8 = arith.constant 0 : index
    %get3A_9 = arith.constant 0 : index
    %get3A_10 = arith.constant 0 : index
    %get3A_11 = vector.load %arg4[%get3A_8, %get3A_9, %get3A_10] : memref<1x1x64xf32, #tpu.memory_space<vmem>>, vector<1x1x64xf32>
    %get3A_12 = vector.shape_cast %get3A_11 : vector<1x1x64xf32> to vector<1x64xf32>
    %add3A = vector.broadcast %get3A_12 : vector<1x64xf32> to vector<2000x64xf32>
    %add3A_13 = arith.addf %dot_general3A_7, %add3A : vector<2000x64xf32>
    %swap3A = arith.constant 0 : index
    %swap3A_14 = arith.constant 0 : index
    %swap3A_15 = arith.constant 0 : index
    %swap3A_16 = vector.load %arg7[%swap3A, %swap3A_14, %swap3A_15] : memref<1x2000x64xf32, #tpu.memory_space<vmem>>, vector<1x2000x64xf32>
    %swap3A_17 = vector.shape_cast %swap3A_16 : vector<1x2000x64xf32> to vector<2000x64xf32>
    %swap3A_18 = vector.shape_cast %add3A_13 : vector<2000x64xf32> to vector<1x2000x64xf32>
    tpu.vector_store %arg7[%swap3A, %swap3A_14, %swap3A_15], %swap3A_18 {strides = array<i32>} : memref<1x2000x64xf32, #tpu.memory_space<vmem>>, vector<1x2000x64xf32>,
    %get3A_19 = arith.constant 0 : index
    %get3A_20 = arith.constant 0 : index
    %get3A_21 = arith.constant 0 : index
    %get3A_22 = vector.load %arg5[%get3A_19, %get3A_20, %get3A_21] : memref<1x128x128xf32, #tpu.memory_space<vmem>>, vector<1x128x128xf32>
    %get3A_23 = vector.shape_cast %get3A_22 : vector<1x128x128xf32> to vector<128x128xf32>
    %dot_general3A_24 = arith.constant dense<0.000000e+00> : vector<2000x128xf32>
    %dot_general3A_25 = tpu.matmul %get3A_1, %get3A_23, %dot_general3A_24 {dimension_numbers = #tpu.dot_dimension_numbers<[1], [0], [0], [1], [0, 0, 1, 1], [], []>, precision = #tpu.contract_precision<fp32>, transpose_lhs_hint = false} : vector<2000x128xf32>, vector<128x128xf32>, vector<2000x128xf32> -> vector<2000x128xf32>
    %get3A_26 = arith.constant 0 : index
    %get3A_27 = arith.constant 0 : index
    %get3A_28 = arith.constant 0 : index
    %get3A_29 = vector.load %arg6[%get3A_26, %get3A_27, %get3A_28] : memref<1x1x128xf32, #tpu.memory_space<vmem>>, vector<1x1x128xf32>
    %get3A_30 = vector.shape_cast %get3A_29 : vector<1x1x128xf32> to vector<1x128xf32>
    %add3A_31 = vector.broadcast %get3A_30 : vector<1x128xf32> to vector<2000x128xf32>
    %add3A_32 = arith.addf %dot_general3A_25, %add3A_31 : vector<2000x128xf32>
    %swap3A_33 = arith.constant 0 : index
    %swap3A_34 = arith.constant 0 : index
    %swap3A_35 = arith.constant 0 : index
    %swap3A_36 = vector.load %arg8[%swap3A_33, %swap3A_34, %swap3A_35] : memref<1x2000x128xf32, #tpu.memory_space<vmem>>, vector<1x2000x128xf32>
    %swap3A_37 = vector.shape_cast %swap3A_36 : vector<1x2000x128xf32> to vector<2000x128xf32>
    %swap3A_38 = vector.shape_cast %add3A_32 : vector<2000x128xf32> to vector<1x2000x128xf32>
    tpu.vector_store %arg8[%swap3A_33, %swap3A_34, %swap3A_35], %swap3A_38 {strides = array<i32>} : memref<1x2000x128xf32, #tpu.memory_space<vmem>>, vector<1x2000x128xf32>,
    return
  }
  func.func @transform_0(%arg0: i32, %arg1: i32) -> (i32, i32) {
    %c0_i32 = arith.constant 0 : i32
    %c0_i32_0 = arith.constant 0 : i32
    return %arg1, %c0_i32 : i32, i32
  }
  func.func @transform_1(%arg0: i32, %arg1: i32) -> (i32, i32, i32) {
    %c0_i32 = arith.constant 0 : i32
    %c0_i32_0 = arith.constant 0 : i32
    %c0_i32_1 = arith.constant 0 : i32
    return %arg0, %c0_i32, %c0_i32_0 : i32, i32, i32
  }
  func.func @transform_2(%arg0: i32, %arg1: i32) -> (i32, i32, i32) {
    %c0_i32 = arith.constant 0 : i32
    %c0_i32_0 = arith.constant 0 : i32
    %c0_i32_1 = arith.constant 0 : i32
    return %arg0, %c0_i32, %c0_i32_0 : i32, i32, i32
  }
  func.func @transform_3(%arg0: i32, %arg1: i32) -> (i32, i32, i32) {
    %c0_i32 = arith.constant 0 : i32
    %c0_i32_0 = arith.constant 0 : i32
    %c0_i32_1 = arith.constant 0 : i32
    return %arg0, %c0_i32, %c0_i32_0 : i32, i32, i32
  }
  func.func @transform_4(%arg0: i32, %arg1: i32) -> (i32, i32, i32) {
    %c0_i32 = arith.constant 0 : i32
    %c0_i32_0 = arith.constant 0 : i32
    %c0_i32_1 = arith.constant 0 : i32
    return %arg0, %c0_i32, %c0_i32_0 : i32, i32, i32
  }
  func.func @transform_5(%arg0: i32, %arg1: i32) -> (i32, i32, i32) {
    %c0_i32 = arith.constant 0 : i32
    %c0_i32_0 = arith.constant 0 : i32
    return %arg0, %arg1, %c0_i32 : i32, i32, i32
  }
  func.func @transform_6(%arg0: i32, %arg1: i32) -> (i32, i32, i32) {
    %c0_i32 = arith.constant 0 : i32
    %c0_i32_0 = arith.constant 0 : i32
    return %arg0, %arg1, %c0_i32 : i32, i32, i32
  }
}

module attributes {stable_mosaic.version = 14 : i64} {
  func.func @_pe_body(%arg0: i32, %arg1: memref<2000x128xf32, #tpu.memory_space<vmem>>, %arg2: memref<128x128xf32, #tpu.memory_space<vmem>>, %arg3: memref<1x128xf32, #tpu.memory_space<vmem>>, %arg4: memref<2000x128xf32, #tpu.memory_space<vmem>>) attributes {dimension_semantics = [#tpu.dimension_semantics<arbitrary>], iteration_bounds = array<i64: 160>, scalar_prefetch = 0 : i64, scratch_operands = 0 : i64, tpu.core_type = #tpu.core_type<tc>, window_params = [{transform_indices = @transform_0, window_bounds = array<i64: 2000, 128>}, {pipeline_mode = #tpu.pipeline_mode<synchronous>, transform_indices = @transform_1, window_bounds = array<i64: 128, 128>}, {pipeline_mode = #tpu.pipeline_mode<synchronous>, transform_indices = @transform_2, window_bounds = array<i64: 1, 128>}, {transform_indices = @transform_3, window_bounds = array<i64: 2000, 128>}]} {
    %get3A = arith.constant 0 : index
    %get3A_0 = arith.constant 0 : index
    %get3A_1 = vector.load %arg1[%get3A, %get3A_0] : memref<2000x128xf32, #tpu.memory_space<vmem>>, vector<2000x128xf32>
    %get3A_2 = arith.constant 0 : index
    %get3A_3 = arith.constant 0 : index
    %get3A_4 = vector.load %arg2[%get3A_2, %get3A_3] : memref<128x128xf32, #tpu.memory_space<vmem>>, vector<128x128xf32>
    %dot_general3A = arith.constant dense<0.000000e+00> : vector<2000x128xf32>
    %dot_general3A_5 = tpu.matmul %get3A_1, %get3A_4, %dot_general3A {dimension_numbers = #tpu.dot_dimension_numbers<[1], [0], [0], [1], [0, 0, 1, 1], [], []>, transpose_lhs_hint = false} : vector<2000x128xf32>, vector<128x128xf32>, vector<2000x128xf32> -> vector<2000x128xf32>
    %mul3A = arith.constant 2.500000e-01 : f32
    %mul3A_6 = vector.broadcast %mul3A : f32 to vector<2000x128xf32>
    %mul3A_7 = arith.mulf %dot_general3A_5, %mul3A_6 : vector<2000x128xf32>
    %get3A_8 = arith.constant 0 : index
    %get3A_9 = arith.constant 0 : index
    %get3A_10 = vector.load %arg3[%get3A_8, %get3A_9] : memref<1x128xf32, #tpu.memory_space<vmem>>, vector<1x128xf32>
    %mul3A_11 = arith.constant 2.500000e-01 : f32
    %mul3A_12 = vector.broadcast %mul3A_11 : f32 to vector<1x128xf32>
    %mul3A_13 = arith.mulf %get3A_10, %mul3A_12 : vector<1x128xf32>
    %add3A = vector.broadcast %mul3A_13 : vector<1x128xf32> to vector<2000x128xf32>
    %add3A_14 = arith.addf %mul3A_7, %add3A : vector<2000x128xf32>
    %swap3A = arith.constant 0 : index
    %swap3A_15 = arith.constant 0 : index
    %swap3A_16 = vector.load %arg4[%swap3A, %swap3A_15] : memref<2000x128xf32, #tpu.memory_space<vmem>>, vector<2000x128xf32>
    tpu.vector_store %arg4[%swap3A, %swap3A_15], %add3A_14 {strides = array<i32>} : memref<2000x128xf32, #tpu.memory_space<vmem>>, vector<2000x128xf32>,
    return
  }
  func.func @transform_0(%arg0: i32) -> (i32, i32) {
    %c0_i32 = arith.constant 0 : i32
    %c0_i32_0 = arith.constant 0 : i32
    return %arg0, %c0_i32 : i32, i32
  }
  func.func @transform_1(%arg0: i32) -> (i32, i32) {
    %c0_i32 = arith.constant 0 : i32
    %c0_i32_0 = arith.constant 0 : i32
    %c0_i32_1 = arith.constant 0 : i32
    return %c0_i32, %c0_i32_0 : i32, i32
  }
  func.func @transform_2(%arg0: i32) -> (i32, i32) {
    %c0_i32 = arith.constant 0 : i32
    %c0_i32_0 = arith.constant 0 : i32
    %c0_i32_1 = arith.constant 0 : i32
    return %c0_i32, %c0_i32_0 : i32, i32
  }
  func.func @transform_3(%arg0: i32) -> (i32, i32) {
    %c0_i32 = arith.constant 0 : i32
    %c0_i32_0 = arith.constant 0 : i32
    return %arg0, %c0_i32 : i32, i32
  }
}

module attributes {stable_mosaic.version = 14 : i64} {
  func.func @_combine_body(%arg0: i32, %arg1: memref<2000x80xf32, #tpu.memory_space<vmem>>, %arg2: memref<2000x80xf32, #tpu.memory_space<vmem>>, %arg3: memref<16x64xf32, #tpu.memory_space<vmem>>, %arg4: memref<2000x64xf32, #tpu.memory_space<vmem>>, %arg5: memref<2000x64xf32, #tpu.memory_space<vmem>>) attributes {dimension_semantics = [#tpu.dimension_semantics<arbitrary>], iteration_bounds = array<i64: 5>, scalar_prefetch = 0 : i64, scratch_operands = 0 : i64, tpu.core_type = #tpu.core_type<tc>, window_params = [{transform_indices = @transform_0, window_bounds = array<i64: 2000, 80>}, {transform_indices = @transform_1, window_bounds = array<i64: 2000, 80>}, {pipeline_mode = #tpu.pipeline_mode<synchronous>, transform_indices = @transform_2, window_bounds = array<i64: 16, 64>}, {transform_indices = @transform_3, window_bounds = array<i64: 2000, 64>}, {transform_indices = @transform_4, window_bounds = array<i64: 2000, 64>}]} {
    %get3A = arith.constant 0 : index
    %get3A_0 = arith.constant 64 : index
    %get3A_1 = vector.load %arg1[%get3A, %get3A_0] : memref<2000x80xf32, #tpu.memory_space<vmem>>, vector<2000x16xf32>
    %get3A_2 = arith.constant 0 : index
    %get3A_3 = arith.constant 0 : index
    %get3A_4 = vector.load %arg3[%get3A_2, %get3A_3] : memref<16x64xf32, #tpu.memory_space<vmem>>, vector<16x64xf32>
    %dot_general3A = arith.constant dense<0.000000e+00> : vector<2000x64xf32>
    %dot_general3A_5 = tpu.matmul %get3A_1, %get3A_4, %dot_general3A {dimension_numbers = #tpu.dot_dimension_numbers<[1], [0], [0], [1], [0, 0, 1, 1], [], []>, precision = #tpu.contract_precision<fp32>, transpose_lhs_hint = false} : vector<2000x16xf32>, vector<16x64xf32>, vector<2000x64xf32> -> vector<2000x64xf32>
    %get3A_6 = arith.constant 0 : index
    %get3A_7 = arith.constant 64 : index
    %get3A_8 = vector.load %arg2[%get3A_6, %get3A_7] : memref<2000x80xf32, #tpu.memory_space<vmem>>, vector<2000x16xf32>
    %get3A_9 = arith.constant 0 : index
    %get3A_10 = arith.constant 0 : index
    %get3A_11 = vector.load %arg3[%get3A_9, %get3A_10] : memref<16x64xf32, #tpu.memory_space<vmem>>, vector<16x64xf32>
    %dot_general3A_12 = arith.constant dense<0.000000e+00> : vector<2000x64xf32>
    %dot_general3A_13 = tpu.matmul %get3A_8, %get3A_11, %dot_general3A_12 {dimension_numbers = #tpu.dot_dimension_numbers<[1], [0], [0], [1], [0, 0, 1, 1], [], []>, precision = #tpu.contract_precision<fp32>, transpose_lhs_hint = false} : vector<2000x16xf32>, vector<16x64xf32>, vector<2000x64xf32> -> vector<2000x64xf32>
    %get3A_14 = arith.constant 0 : index
    %get3A_15 = arith.constant 0 : index
    %get3A_16 = vector.load %arg1[%get3A_14, %get3A_15] : memref<2000x80xf32, #tpu.memory_space<vmem>>, vector<2000x64xf32>
    %add3A = arith.constant 9.99999997E-7 : f32
    %add3A_17 = vector.broadcast %add3A : f32 to vector<2000x64xf32>
    %add3A_18 = arith.addf %dot_general3A_5, %add3A_17 : vector<2000x64xf32>
    %div3A = arith.divf %get3A_16, %add3A_18 : vector<2000x64xf32>
    %swap3A = arith.constant 0 : index
    %swap3A_19 = arith.constant 0 : index
    %swap3A_20 = vector.load %arg4[%swap3A, %swap3A_19] : memref<2000x64xf32, #tpu.memory_space<vmem>>, vector<2000x64xf32>
    tpu.vector_store %arg4[%swap3A, %swap3A_19], %div3A {strides = array<i32>} : memref<2000x64xf32, #tpu.memory_space<vmem>>, vector<2000x64xf32>,
    %get3A_21 = arith.constant 0 : index
    %get3A_22 = arith.constant 0 : index
    %get3A_23 = vector.load %arg2[%get3A_21, %get3A_22] : memref<2000x80xf32, #tpu.memory_space<vmem>>, vector<2000x64xf32>
    %add3A_24 = arith.constant 9.99999997E-7 : f32
    %add3A_25 = vector.broadcast %add3A_24 : f32 to vector<2000x64xf32>
    %add3A_26 = arith.addf %dot_general3A_13, %add3A_25 : vector<2000x64xf32>
    %div3A_27 = arith.divf %get3A_23, %add3A_26 : vector<2000x64xf32>
    %swap3A_28 = arith.constant 0 : index
    %swap3A_29 = arith.constant 0 : index
    %swap3A_30 = vector.load %arg5[%swap3A_28, %swap3A_29] : memref<2000x64xf32, #tpu.memory_space<vmem>>, vector<2000x64xf32>
    tpu.vector_store %arg5[%swap3A_28, %swap3A_29], %div3A_27 {strides = array<i32>} : memref<2000x64xf32, #tpu.memory_space<vmem>>, vector<2000x64xf32>,
    return
  }
  func.func @transform_0(%arg0: i32) -> (i32, i32) {
    %c0_i32 = arith.constant 0 : i32
    %c0_i32_0 = arith.constant 0 : i32
    return %arg0, %c0_i32 : i32, i32
  }
  func.func @transform_1(%arg0: i32) -> (i32, i32) {
    %c0_i32 = arith.constant 0 : i32
    %c0_i32_0 = arith.constant 0 : i32
    return %arg0, %c0_i32 : i32, i32
  }
  func.func @transform_2(%arg0: i32) -> (i32, i32) {
    %c0_i32 = arith.constant 0 : i32
    %c0_i32_0 = arith.constant 0 : i32
    %c0_i32_1 = arith.constant 0 : i32
    return %c0_i32, %c0_i32_0 : i32, i32
  }
  func.func @transform_3(%arg0: i32) -> (i32, i32) {
    %c0_i32 = arith.constant 0 : i32
    %c0_i32_0 = arith.constant 0 : i32
    return %arg0, %c0_i32 : i32, i32
  }
  func.func @transform_4(%arg0: i32) -> (i32, i32) {
    %c0_i32 = arith.constant 0 : i32
    %c0_i32_0 = arith.constant 0 : i32
    return %arg0, %c0_i32 : i32, i32
  }
}

</mosaic_0001>

<sc_bundles>
// kernel: kernel.6.cloned.1.call-start
scs
__scs_entry_jumppad:
0x0: {  	(pc) =	sbr.rel $0x88, $3  }
0x1: {  	(tag) =	ssettag $0x0;
	lr =	simm.s32 $0x1  }
0x2: {  	[smem:$0x3F96] =	sst lr;
	_ =	strace $0xD0000000  }
0x3: {  	_ = 	snop  }
0x4: {  	_ = 	snop  }
0x5: {  	_ = 	snop  }
0x6: {  	_ = 	snop  }
0x7: {  	_ = 	snop  }
__scs_overlays_trampoline_lowered:
0x8: {  	[smem:$0x3FA5] =	sst s0  }
0x9: {  	[smem:$0x3FA6] =	sst s1  }
0xa: {  	[smem:$0x3FA7] =	sst s2  }
0xb: {  	[smem:$0x3FA8] =	sst s3  }
0xc: {  	[smem:$0x3FA9] =	sst s4  }
0xd: {  	[smem:$0x3FAA] =	sst s5  }
0xe: {  	[smem:$0x3FAB] =	sst s6  }
0xf: {  	[smem:$0x3FAC] =	sst s7  }
0x10: {  	[smem:$0x3FAD] =	sst s8  }
0x11: {  	[smem:$0x3FAE] =	sst s9;
	s0 =	simm.s32 @!p0 $0x0  }
0x12: {  	s1 =	sld [smem:$0x3F94];
	s0 =	simm.s32 @p0 $0x1  }
0x13: {  	[smem:$0x3FAF] =	sst s0;
	s0 =	simm.s32 @!p1 $0x0  }
0x14: {  	s2 =	sld [smem:$0x3F93];
	s0 =	simm.s32 @p1 $0x1  }
0x15: {  	[smem:$0x3FB0] =	sst s0;
	s0 =	simm.s32 @!p2 $0x0  }
0x16: {  	s3 =	sld [smem:$0x3FDB];
	s0 =	simm.s32 @p2 $0x1  }
0x17: {  	s4 =	simm.s32 $0x1BF5;
	[smem:$0x3FB2] =	sst s0  }
0x18: {  	s0 =	sld [smem:$0x3F95];
	_ =	swait.ge [sflag:s4], $0x0  }
0x19: {  	s7 =	sld [smem:$0x3F96]  }
0x1a: {  	s8 =	sadd.s32 $0xFFFFE003, lr  }
0x1b: {  	s9 =	sadd.s32 $0xFFFFFEF7, lr;
	s5 =	simm.s32 $0xFFFFFFFF;
	p2 =	slt.u32 s8, $0xFFFFF086  }
0x1c: {  	p1 =	slt.u32 s9, $0xF7A;
	s5 =	simm.s32 @!p2 $0x0  }
0x1d: {  	s5 =	simm.s32 @p1 $0x1;
	p0 =	seq.s32 s7, s2  }
0x1e: {  	s7 =	smul.u32 @!p0 $0xF7A, s2;
	p2 =	seq.s32 @!p0 s5, $0x0  }
0x1f: {  	s9 =	smul.u32 $0xF7A, s1;
	s8 =	simm.s32 @!p0 $0x1BF5;
	p2 =	por !p2, p0  }
0x20: {  	[sflag:s8] =	ssyncset.s32 @!p0 $0xFFFFF086;
	s6 =	sadd.s32 @!p0 s3, s7;
	s7 =	simm.s32 @!p0 $0x108  }
0x21: {  	s3 =	sadd.s32 s3, s9;
	s6 =	sadd.s32 @!p0 $0x88, s6;
	s7 =	simm.s32 @p2 $0x1082  }
0x22: {  	[simem:s7], [sflag:s8] =	dma.local @!p0 [hbm:s6], $0xF7A  }
0x23: {  	s9 =	sor.u32 $0xD0000000, s2;
	s6 =	simm.s32 $0x108;
	_ =	swait.ge @!p0 [sflag:s8], $0x0  }
0x24: {  	s3 =	sadd.s32 $0x88, s3;
	s6 =	simm.s32 @!p1 $0x1082;
	[sflag:s4] =	ssyncset.s32 $0xFFFFF086  }
0x25: {  	[simem:s6], [sflag:s4] =	dma.local [hbm:s3], $0xF7A  }
0x26: {  	[smem:$0x3F96] =	sst s1;
	(tag) =	ssettag s2;
	_ =	strace s9  }
0x27: {  	s1 =	sld [smem:$0x3FA6]  }
0x28: {  	s2 =	sld [smem:$0x3FA7]  }
0x29: {  	s4 =	sld [smem:$0x3FA9]  }
0x2a: {  	p0 =	seq.s32 s5, $0x0;
	s5 =	sld [smem:$0x3FAA]  }
0x2b: {  	s6 =	sld [smem:$0x3FAB]  }
0x2c: {  	s7 =	sld [smem:$0x3FAC]  }
0x2d: {  	s3 =	simm.s32 $0x108;
	s8 =	sld [smem:$0x3FAD]  }
0x2e: {  	s3 =	simm.s32 @!p0 $0x1082;
	s9 =	sld [smem:$0x3FAE]  }
0x2f: {  	lr =	sadd.s32 s0, s3;
	s0 =	sld [smem:$0x3FA5]  }
0x30: {  	s3 =	sld [smem:$0x3FA8]  }
0x31: {  	[smem:$0x3FB1] =	sst s10  }
0x32: {  	s10 =	sld [smem:$0x3FAF];
	_ =	sdelay $0x3  }
0x33: {  	p0 =	seq.s32 s10, $0x1;
	s10 =	sld [smem:$0x3FB1];
	_ =	sdelay $0x3  }
0x34: {  	[smem:$0x3FB1] =	sst s10  }
0x35: {  	s10 =	sld [smem:$0x3FB0];
	_ =	sdelay $0x3  }
0x36: {  	p1 =	seq.s32 s10, $0x1;
	s10 =	sld [smem:$0x3FB1];
	_ =	sdelay $0x3  }
0x37: {  	[smem:$0x3FB1] =	sst s10  }
0x38: {  	s10 =	sld [smem:$0x3FB2]  }
0x39: {  	_ = 	snop;
	(pc) =	sbr.ind lr, $3  }
0x3a: {  	_ = 	snop  }
0x3b: {  	_ = 	snop  }
0x3c: {  	p2 =	seq.s32 s10, $0x1;
	s10 =	sld [smem:$0x3FB1]  }
0x3d: {  	_ =	shalt  }
0x3e: {  	_ =	shalt  }
0x3f: {  	_ =	shalt  }
0x40: {  	_ =	shalt  }
0x41: {  	_ =	shalt  }
0x42: {  	_ =	shalt  }
0x43: {  	_ =	shalt  }
0x44: {  	_ =	shalt  }
0x45: {  	_ =	shalt  }
0x46: {  	_ =	shalt  }
0x47: {  	_ =	shalt  }
0x48: {  	_ =	shalt  }
0x49: {  	_ =	shalt  }
0x4a: {  	_ =	shalt  }
0x4b: {  	_ =	shalt  }
0x4c: {  	_ =	shalt  }
0x4d: {  	_ =	shalt  }
0x4e: {  	_ =	shalt  }
0x4f: {  	_ =	shalt  }
0x50: {  	_ =	shalt  }
0x51: {  	_ =	shalt  }
0x52: {  	_ =	shalt  }
0x53: {  	_ =	shalt  }
0x54: {  	_ =	shalt  }
0x55: {  	_ =	shalt  }
0x56: {  	_ =	shalt  }
0x57: {  	_ =	shalt  }
0x58: {  	_ =	shalt  }
0x59: {  	_ =	shalt  }
0x5a: {  	_ =	shalt  }
0x5b: {  	_ =	shalt  }
0x5c: {  	_ =	shalt  }
0x5d: {  	_ =	shalt  }
0x5e: {  	_ =	shalt  }
0x5f: {  	_ =	shalt  }
0x60: {  	_ =	shalt  }
0x61: {  	_ =	shalt  }
0x62: {  	_ =	shalt  }
0x63: {  	_ =	shalt  }
0x64: {  	_ =	shalt  }
0x65: {  	_ =	shalt  }
0x66: {  	_ =	shalt  }
0x67: {  	_ =	shalt  }
0x68: {  	_ =	shalt  }
0x69: {  	_ =	shalt  }
0x6a: {  	_ =	shalt  }
0x6b: {  	_ =	shalt  }
0x6c: {  	_ =	shalt  }
0x6d: {  	_ =	shalt  }
0x6e: {  	_ =	shalt  }
0x6f: {  	_ =	shalt  }
0x70: {  	_ =	shalt  }
0x71: {  	_ =	shalt  }
0x72: {  	_ =	shalt  }
0x73: {  	_ =	shalt  }
0x74: {  	_ =	shalt  }
0x75: {  	_ =	shalt  }
0x76: {  	_ =	shalt  }
0x77: {  	_ =	shalt  }
0x78: {  	_ =	shalt  }
0x79: {  	_ =	shalt  }
0x7a: {  	_ =	shalt  }
0x7b: {  	_ =	shalt  }
0x7c: {  	_ =	shalt  }
0x7d: {  	_ =	shalt  }
0x7e: {  	_ =	shalt  }
0x7f: {  	_ =	shalt  }
0x80: {  	_ =	shalt  }
0x81: {  	_ =	shalt  }
0x82: {  	_ =	shalt  }
0x83: {  	_ =	shalt  }
0x84: {  	_ =	shalt  }
0x85: {  	_ =	shalt  }
0x86: {  	_ =	shalt  }
0x87: {  	_ =	shalt  }
.Lfunc_end0:
.L_simem_size_0:
called_computation.1_lowered:
.L_overlay_start_0:
0x88: {  	s2 =	sld [smem:$0x3FD9]  }
0x89: {  	s3 =	sld [smem:$0x3FFE];
	_ =	sdelay $0x1  }
0x8a: {  	s1 =	srdreg.scid  }
0x8b: {  	s0 =	sand.u32 $0x1, s1  }
0x8c: {  	s14 =	sshll.u32 s0, $0xA;
	s2 =	sadd.s32 s3, s2  }
0x8d: {  	s2 =	sadd.s32 s2, s14  }
0x8e: {  	[smem:$0x3FBD] =	sst s2  }
0x8f: {  	_ = 	snop  }
0x90: {  	s2 =	sld [smem:$0x3FD0];
	_ =	sdelay $0x2  }
0x91: {  	s15 =	simm.s32 $0xA;
	s4 =	simm.s32 $0x10  }
0x92: {  	[smem:s4], [sflag:s15] =	dma.local [hbm:s2], $0x1  }
0x93: {  	_ =	swait.eq [sflag:s15], $0x1  }
0x94: {  	[sflag:s15] =	ssyncset.done $0x0  }
0x95: {  	s16 =	sld [smem:$0x10];
	[sflag:s15] =	ssyncadd.s32 $0xFFFFFFFF  }
0x96: {  	s17 =	sld [smem:$0x11];
	(tm) =	ssettm $0x1  }
0x97: {  	s18 =	sld [smem:$0x3FFB];
	_ =	sdelay $0x3  }
0x98: {  	_ =	strace s18  }
0x99: {  	s4 =	sld [smem:$0x3FFC];
	_ =	sdelay $0x3  }
0x9a: {  	_ =	strace s4  }
0x9b: {  	s4 =	sld [smem:$0x3FFD];
	_ =	sdelay $0x3  }
0x9c: {  	_ =	strace s4  }
0x9d: {  	_ =	strace $0x8FFFFFFF  }
0x9e: {  	s19 =	sld [smem:$0x3FDB];
	_ =	sdelay $0x1  }
0x9f: {  	s5 =	simm.s32 $_scs_section_size  }
0xa0: {  	s6 =	simm.s32 $_size__tile_overlayer_lowered;
	s7 =	simm.s32 $_tile_overlayer_lowered  }
0xa1: {  	s22 =	simm.s32 $0x1BFF;
	s21 =	sshll.u32 s7, $0x1;
	s4 =	sadd.s32 s5, s19  }
0xa2: {  	s8 =	simm.s32 $0x0;
	s20 =	sshll.u32 s6, $0x1;
	s6 =	sadd.s32 s21, s4  }
0xa3: {  	[timem:s8], [sflag:s22] =	dma.local [hbm:s6], s20  }
0xa4: {  	_ =	swait.ge [sflag:s22], s20  }
0xa5: {  	s5 =	ssub.s32 $0x0, s20;
	[sflag:s22] =	ssyncset.done $0x0  }
0xa6: {  	[sflag:s22] =	ssyncadd.s32 s5;
	_ =	sdelay $0x1  }
0xa7: {  	s23 =	simm.s32 $0x1B8B  }
0xa8: {  	_ =	swait.ge [sflag:s23], $0x1  }
0xa9: {  	[sflag:s23] =	ssyncset.done $0x0  }
0xaa: {  	s25 =	simm.s32 $0x1B8E;
	s24 =	sld [smem:$0x3FFE];
	[sflag:s23] =	ssyncadd.s32 $0xFFFFFFFF  }
0xab: {  	s26 =	simm.s32 $execute0_lowered;
	[smem:$0x3FD2] =	sst s25  }
0xac: {  	s6 =	sshll.u32 s26, $0x1;
	_ =	strace $0x80000046;
	[dreg:$0x1] =	wrdreg $0xFFFFFFFF  }
0xad: {  	s28 =	simm.s32 $_size_execute0_lowered;
	s4 =	sadd.s32 s4, s6;
	[dreg:$0x0] =	wrdreg $0x0  }
0xae: {  	s6 =	sshll.u32 s28, $0x1;
	[dreg:$0x2] =	wrdreg s4  }
0xaf: {  	[dreg:$0x3] =	wrdreg s6  }
0xb0: {  	[dreg:$0x4] =	wrdreg $0xC0  }
0xb1: {  	_ =	task [dreg:s8], $0x5FFFF  }
0xb2: {  	[dreg:$0x1] =	wrdreg $0xFFFFFFFF  }
0xb3: {  	[dreg:$0x0] =	wrdreg $0x60  }
0xb4: {  	[dreg:$0x2] =	wrdreg s24  }
0xb5: {  	[dreg:$0x3] =	wrdreg s16  }
0xb6: {  	[dreg:$0x4] =	wrdreg s17  }
0xb7: {  	[dreg:$0x5] =	wrdreg $0x10AE00  }
0xb8: {  	[dreg:$0x6] =	wrdreg $0x9  }
0xb9: {  	_ =	task.clear_ibuf [dreg:s8], $0x7FFFF;
	_ =	strace $0x90000046  }
0xba: {  	s29 =	simm.s32 $0x9;
	_ =	strace $0x80000048  }
0xbb: {  	_ =	swait.ge [sflag:s29], $0x1  }
0xbc: {  	[sflag:s29] =	ssyncadd.s32 $0xFFFFFFFF  }
0xbd: {  	_ =	strace $0x90000048  }
0xbe: {  	_ =	sfence  }
0xbf: {  	s30 =	sld [smem:$0x0];
	_ =	sdelay $0x2  }
0xc0: {  	s31 =	sshll.u32 s1, $0xD;
	s1 =	sshrl.u32 s1, $0x2  }
0xc1: {  	s3 =	sand.u32 $0x4000, s31;
	s1 =	sadd.s32 s1, s30  }
0xc2: {  	s0 =	sor.u32 s3, s0;
	s1 =	sshll.u32 s1, $0x11  }
0xc3: {  	s0 =	sor.u32 s1, s0  }
0xc4: {  	s0 =	sadd.s32 $0x8F2B, s0  }
0xc5: {  	[sflag:s0] =	ssyncadd.remote.s32 $0x1  }
0xc6: {  	_ =	sfence.sel $0xFFFF  }
0xc7: {  	[dreg:$0x0] =	wrdreg $0xFFFFFFFF;
	(pc) =	sbr.abs _section_cstart, $3  }
0xc8: {  	[dreg:$0x1] =	wrdreg $0xFFFFFFFF  }
0xc9: {  	_ =	task.clear_ibuf [dreg:s8], $0x2FFFF;
	_ =	strace $0x9FFFFFFF  }
0xca: {  	(tm) =	ssettm $0x7FFFFFFF  }
0xcb: {  	_ =	shalt  }
tec
execute0_lowered:
.L_overlay_start_1:
0x0: {  	(tag) =	ssettag $0x1  }
0x1: {  	s0 =	rddreg [dreg:$0x0]  }
0x2: {  	s1 =	rddreg [dreg:$0x1];
	s14 =	stileid.u32  }
0x3: {  	s11 =	rddreg [dreg:$0x2];
	s6 =	smul.u32 $0xC350, s14  }
0x4: {  	s2 =	srdreg.scid;
	s8 =	smul.u32 $0x9C4, s14  }
0x5: {  	s13 =	rddreg [dreg:$0x3];
	s18 =	smul.u32 $0x4E20, s14  }
0x6: {  	s4 =	simm.s32 $0x0;
	s29 =	simm.s32 $0xF1E0;
	s23 =	smul.u32 $0xFA, s14  }
0x7: {  	s30 =	simm.s32 $0x8;
	s31 =	simm.s32 $0xB5E0;
	s25 =	smul.u32 $0x271000, s14  }
0x8: {  	s2 =	sand.u32 $0x1, s2;
	[smem:$0x7FF] =	sst s4;
	s21 =	smul.u32 $0x30D40, s14  }
0x9: {  	s15 =	sadd.s32 $0x5A400, s0;
	s16 =	sadd.s32 $0x50600, s0;
	s3 =	smul.u32 $0x27100, s2  }
0xa: {  	s17 =	sadd.s32 $0x95000, s0;
	s14 =	simm.s32 $0x40;
	s5 =	smul.u32 $0xC3500, s2  }
0xb: {  	_ =	strace $0x80000047;
	s7 =	ssub.s32 $0x2, s2;
	[dreg:$0x5] =	wrdreg s15  }
0xc: {  	s10 =	smul.u32 $0x13880, s2;
	s12 =	sshll.u32 s2, $0x6;
	[dreg:$0x6] =	wrdreg s16  }
0xd: {  	s2 =	simm.s32 $0x0;
	s9 =	sadd.s32 s15, s8;
	[dreg:$0x7] =	wrdreg s18  }
0xe: {  	s22 =	sshrl.u32 s7, $0x1;
	s8 =	sadd.s32 s16, s8;
	[dreg:$0x8] =	wrdreg s9  }
0xf: {  	s24 =	sadd.s32 $0x50, s18;
	s20 =	sadd.s32 $0x3, s23;
	[dreg:$0x9] =	wrdreg s8  }
0x10: {  	s3 =	sadd.s32 s3, s0;
	s5 =	sadd.s32 s6, s5;
	[dreg:$0xa] =	wrdreg s24  }
0x11: {  	s9 =	sshrl.u32 s24, $0x3;
	s1 =	sadd.s32 s1, s10;
	[dreg:$0x11] =	wrdreg s20  }
0x12: {  	s8 =	simm.s32 $0x3;
	s5 =	sshrl.u32 s5, $0x3;
	s26 =	sadd.s32 s15, s9  }
0x13: {  	s28 =	sadd.s32 s16, s9;
	s9 =	sor.u32 s12, s25;
	[dreg:$0xd] =	wrdreg s1  }
0x14: {  	s10 =	sadd.s32 $0x2400, s3;
	s16 =	sadd.s32 $0x2, s23;
	[dreg:$0xb] =	wrdreg s26  }
0x15: {  	s25 =	sshrl.u32 s21, $0x2;
	s3 =	simm.s32 $0x50;
	[dreg:$0xc] =	wrdreg s28  }
0x16: {  	s0 =	sadd.s32 s5, s0;
	s5 =	ssub.s32 s7, s22;
	[dreg:$0xe] =	wrdreg s10  }
0x17: {  	s15 =	sshrl.u32 s9, $0x3;
	[dreg:$0x10] =	wrdreg s16;
	s22 =	sadd.s32 $0x4, s23  }
0x18: {  	s19 =	sadd.s32 $0x26E800, s9;
	s26 =	sadd.s32 $0xA0, s18;
	[dreg:$0x12] =	wrdreg s22  }
0x19: {  	s16 =	smov.u32 s17;
	s28 =	sadd.s32 $0xF0, s18;
	[dreg:$0x17] =	wrdreg s26  }
0x1a: {  	s23 =	sadd.s32 s6, s13;
	s1 =	sadd.s32 s11, s15;
	[dreg:$0x18] =	wrdreg s28  }
0x1b: {  	s0 =	sadd.s32 $0x64200, s0;
	s24 =	smax.u32 s5, $0x1;
	[dreg:$0xf] =	wrdreg s1  }
0x1c: {  	s22 =	simm.s32 $0x1;
	s1 =	sshrl.u32 s19, $0x3;
	[dreg:$0x14] =	wrdreg s0  }
0x1d: {  	[dreg:$0x15] =	wrdreg s24;
	s24 =	sadd.s32 s25, s13;
	s0 =	sshrl.u32 s23, $0x3  }
0x1e: {  	v0 =	vimm.f32 $0.0e+00;
	vm0 =	vmmov $0x1;
	s13 =	simm.s32 $0x2;
	s1 =	sadd.s32 s17, s1;
	[dreg:$0x16] =	wrdreg s0  }
0x1f: {  	vm1 =	vcmask $0x310;
	vm2 =	vcmask $0x710;
	vm3 =	vcmask $0xB10;
	s0 =	simm.s32 $0x7;
	s17 =	simm.s32 $0x80;
	[dreg:$0x13] =	wrdreg s1  }
.LBB2_1:
0x20: {  	[dreg:$0x19] =	wrdreg s2;
	s2 =	simm.s32 $0x140;
	s1 =	simm.s32 $0x0  }
.LBB2_2:
0x21: {  	p0 =	sne.s32 s2, $0x1E00;
	[tilespmem:s1+$0xF220] =	vst v0;
	s5 =	smov.u32 s2;
	s2 =	sadd.s32 $0x140, s2  }
.Ltmp0:
0x22: {  	[tilespmem:s1+$0xF210] =	vst v0;
	(pc) =	sbr.rel @p0 .LBB2_2-.Ltmp0, $4  }
0x23: {  	[tilespmem:s1+$0xF200] =	vst v0  }
0x24: {  	[tilespmem:s1+$0xF1E0] =	vst v0  }
0x25: {  	[tilespmem:s1+$0xF1F0] =	vst v0  }
0x26: {  	s1 =	sshra.s32 s5, $0x2  }
0x27: {  	[tilespmem:s1+$0xF220] =	vst v0  }
0x28: {  	[tilespmem:s1+$0xF210] =	vst v0  }
0x29: {  	[tilespmem:s1+$0xF200] =	vst v0  }
0x2a: {  	[tilespmem:s1+$0xF1E0] =	vst v0  }
0x2b: {  	[tilespmem:s1+$0xF1F0] =	vst v0;
	s28 =	sadd.s32 $0x0, s24  }
0x2c: {  	[spmem:s28] =	stream.linear.scatter [tilespmem:s29], [sflag:$0x8], $0x7D0, $0x38;
	[tilespmem:$0x1CE30] =	vst v63  }
0x2d: {  	s1 =	simm.s32 $0x1F40;
	_ =	swait.ge [sflag:s30], $0x7D0  }
.LBB2_4:
0x2e: {  	s2 =	sshra.s32 s1, $0x2;
	[sflag:s30] =	ssyncset.done $0x0;
	p0 =	sne.s32 s1, $0x2EE00  }
.Ltmp1:
0x2f: {  	s2 =	sadd.s32 s2, s24;
	[sflag:s30] =	ssyncadd.s32 $0xFFFFF830;
	(pc) =	sbr.rel @p0 .LBB2_4-.Ltmp1, $3  }
0x30: {  	[spmem:s2] =	stream.linear.scatter [tilespmem:s29], [sflag:$0x8], $0x7D0, $0x38;
	[tilespmem:$0x1CE30] =	vst v63  }
0x31: {  	s1 =	sadd.s32 $0x1F40, s1;
	_ =	sdelay $0x1  }
0x32: {  	_ =	swait.ge [sflag:s30], $0x7D0  }
0x33: {  	[sflag:s30] =	ssyncset.done $0x0  }
0x34: {  	[sflag:s30] =	ssyncadd.s32 $0xFFFFF830  }
0x35: {  	[bflag:$0x0] =	sbarrier.arrive $0xFFFF  }
0x36: {  	s19 =	simm.s32 $0x0;
	s1 =	rddreg [dreg:$0x8]  }
0x37: {  	[tilespmem:s19], [sflag:$0x7] =	stream.linear.gather [hbm4b:s1+s19], $0x50, $0x38;
	[tilespmem:$0x1CE30] =	vst v63  }
0x38: {  	s2 =	simm.s32 $0xF0;
	s15 =	rddreg [dreg:$0x9]  }
0x39: {  	[tilespmem:s2], [sflag:$0x7] =	stream.linear.gather [hbm4b:s15+s19], $0x50, $0x38;
	[tilespmem:$0x1CE30] =	vst v63  }
0x3a: {  	_ =	swait.ge [sflag:s0], $0x50  }
0x3b: {  	[sflag:s0] =	ssyncset.done $0x0  }
0x3c: {  	[sflag:s0] =	ssyncadd.s32 $0xFFFFFFB0  }
0x3d: {  	_ =	swait.ge [sflag:s0], $0x50  }
0x3e: {  	[sflag:s0] =	ssyncset.done $0x0  }
0x3f: {  	s18 =	rddreg [dreg:$0xb];
	[sflag:s0] =	ssyncadd.s32 $0xFFFFFFB0  }
0x40: {  	[tilespmem:s3], [sflag:$0x7] =	stream.linear.gather [hbm4b:s18+s19], $0x50, $0x38;
	[tilespmem:$0x1CE30] =	vst v63  }
0x41: {  	s5 =	simm.s32 $0x140;
	s20 =	rddreg [dreg:$0xc]  }
0x42: {  	[tilespmem:s5], [sflag:$0x7] =	stream.linear.gather [hbm4b:s20+s19], $0x50, $0x38;
	[tilespmem:$0x1CE30] =	vst v63  }
0x43: {  	_ =	swait.ge [sflag:s0], $0x50  }
0x44: {  	[sflag:s0] =	ssyncset.done $0x0  }
0x45: {  	[sflag:s0] =	ssyncadd.s32 $0xFFFFFFB0  }
0x46: {  	_ =	swait.ge [sflag:s0], $0x50  }
0x47: {  	[sflag:s0] =	ssyncset.done $0x0  }
0x48: {  	s23 =	simm.s32 $0x1E0;
	s21 =	rddreg [dreg:$0xd];
	[sflag:s0] =	ssyncadd.s32 $0xFFFFFFB0  }
0x49: {  	[tilespmem:s23], [sflag:$0x1] =	stream.indirect.gather [hbm4b:s21+s3], $0x40, s2, s3, $0xb8;
	[tilespmem:$0x1CE30] =	vst v63  }
0x4a: {  	s26 =	simm.s32 $0x3DE0;
	s25 =	rddreg [dreg:$0xe]  }
0x4b: {  	[tilespmem:s26], [sflag:$0x1] =	stream.indirect.gather [hbm4b:s25+s3], $0x80, s19, s3, $0xb8;
	[tilespmem:$0x1CE30] =	vst v63  }
0x4c: {  	s28 =	rddreg [dreg:$0xf]  }
0x4d: {  	[tilespmem:s31], [sflag:$0x1] =	stream.strided.gather [hbm4b:s28+s14], $0x1400, s17, s14, $0x38;
	[tilespmem:$0x1CE30] =	vst v63  }
.LBB2_6:
0x4e: {  	_ =	swait.ge [sflag:s22], $0x1400  }
0x4f: {  	[sflag:s22] =	ssyncset.done $0x0  }
0x50: {  	[sflag:s22] =	ssyncadd.s32 $0xFFFFEC00  }
0x51: {  	_ =	swait.ge [sflag:s22], $0x2800  }
0x52: {  	[sflag:s22] =	ssyncset.done $0x0  }
0x53: {  	[sflag:s22] =	ssyncadd.s32 $0xFFFFD800  }
0x54: {  	_ =	swait.ge [sflag:s22], $0x1400  }
0x55: {  	[sflag:s22] =	ssyncset.done $0x0  }
0x56: {  	s6 =	simm.s32 $0x260;
	[sflag:s22] =	ssyncadd.s32 $0xFFFFEC00  }
0x57: {  	s5 =	simm.s32 $0x3EE0;
	v1 =	vld [tilespmem:s6+$0x40]  }
0x58: {  	v2 =	vld [tilespmem:s5+$0x80]  }
0x59: {  	s2 =	simm.s32 $0xB660  }
0x5a: {  	v3 =	vld [tilespmem:s2+$0x40];
	_ =	sdelay $0x2  }
0x5b: {  	v1 =	vmul.f32 v2, v1;
	_ =	sdelay $0x1  }
0x5c: {  	v2 =	vmul.f32 v3, v1;
	_ =	sdelay $0x1  }
0x5d: {  	(xrf2) =	vadd.scan.msk.f32 $0xffff, v2  }
0x5e: {  	v1 =	vld [tilespmem:s5+$0xFFFFFF00]  }
0x5f: {  	v3 =	vld [tilespmem:s6+$0xFFFFFF80];
	_ =	sdelay $0x1  }
0x60: {  	v4 =	vld [tilespmem:s2+$0xFFFFFF80];
	_ =	sdelay $0x2  }
0x61: {  	v1 =	vmul.f32 v1, v3  }
0x62: {  	v5 =	vld [tilespmem:s6+$0xFFFFFFC0]  }
0x63: {  	v6 =	vld [tilespmem:s5+$0xFFFFFF80];
	v4 =	vmul.f32 v4, v1  }
0x64: {  	v7 =	vld [tilespmem:s6+$0x0];
	v8, _, _ =	vpop (xrf2)  }
0x65: {  	v9 =	vld [tilespmem:s2+$0xFFFFFFC0];
	(xrf2) =	vadd.scan.msk.f32 $0xffff, v4;
	v1 =	vmax.f32 v8, $-5.000000000e+00  }
0x66: {  	v3 =	vld [tilespmem:s5+$0x0];
	v1 =	vmin.f32 v1, $5.000000000e+00  }
0x67: {  	v1 =	vmul.f32 $1.442695020e+00, v1  }
0x68: {  	v5 =	vmul.f32 v6, v5;
	v8 =	vld [tilespmem:s2+$0x0]  }
0x69: {  	v1 =	vbroadcast v1, $0xF  }
0x6a: {  	v5 =	vmul.f32 v9, v5  }
0x6b: {  	v3 =	vmul.f32 v3, v7;
	(erf) = vpow2.f32 v1  }
0x6c: {  	(xrf2) =	vadd.scan.msk.f32 $0xffff, v5  }
0x6d: {  	v6 =	vmul.f32 v8, v3;
	_ =	sdelay $0x1  }
0x6e: {  	(xrf2) =	vadd.scan.msk.f32 $0xffff, v6;
	v1, _, _ =	vpop (xrf2)  }
0x6f: {  	v3 =	vld [tilespmem:s5+$0xC0];
	v1 =	vmax.f32 v1, $-5.000000000e+00  }
0x70: {  	v1 =	vmin.f32 v1, $5.000000000e+00;
	_ =	sdelay $0x2  }
0x71: {  	v7 =	vmul.f32 $1.442695020e+00, v1;
	v1 =	vpop (erf)  }
0x72: {  	v3 =	vmul.f32 v1, v3  }
0x73: {  	s23 =	simm.s32 $0xF280;
	[tilespmem:s2+$0x40] =	vst v2;
	v8, _, _ =	vpop (xrf2);
	v7 =	vbroadcast v7, $0xF  }
0x74: {  	v2 =	vmax.f32 v8, $-5.000000000e+00;
	[tilespmem:s23+$0x50] =	vst v3  }
0x75: {  	v2 =	vmin.f32 v2, $5.000000000e+00;
	(erf) = vpow2.f32 v7;
	v7 =	vld [tilespmem:s6+$0x50]  }
0x76: {  	v2 =	vmul.f32 $1.442695020e+00, v2;
	v8 =	vld [tilespmem:s5+$0x90];
	v3, _, _ =	vpop (xrf2)  }
0x77: {  	v3 =	vmax.f32 v3, $-5.000000000e+00  }
0x78: {  	v2 =	vbroadcast v2, $0xF;
	v3 =	vmin.f32 v3, $5.000000000e+00  }
0x79: {  	v3 =	vmul.f32 $1.442695020e+00, v3  }
0x7a: {  	(erf) = vpow2.f32 v2;
	v9 =	vld [tilespmem:s2+$0x50]  }
0x7b: {  	v10 =	vld [tilespmem:s5+$0xFFFFFF40];
	v2 =	vbroadcast v3, $0xF;
	v3 =	vmul.f32 v8, v7;
	_ =	sdelay $0x3  }
0x7c: {  	(erf) = vpow2.f32 v2;
	v7 =	vmul.f32 v9, v3;
	v2 =	vld [tilespmem:s5+$0xFFFFFFC0];
	v3 =	vpop (erf)  }
0x7d: {  	v8 =	vmul.f32 v3, v10  }
0x7e: {  	[tilespmem:s2+$0xFFFFFF80] =	vst v4;
	(xrf2) =	vadd.scan.msk.f32 $0xffff, v7  }
0x7f: {  	v9 =	vld [tilespmem:s5+$0x40];
	[tilespmem:s23+$0xFFFFFF60] =	vst v8  }
0x80: {  	v4 =	vpop (erf);
	v8 =	vld [tilespmem:s6+$0xFFFFFF90]  }
0x81: {  	v11 =	vmul.f32 v4, v2;
	v10 =	vld [tilespmem:s5+$0xFFFFFF10]  }
0x82: {  	[tilespmem:s2+$0xFFFFFFC0] =	vst v5  }
0x83: {  	v5 =	vld [tilespmem:s2+$0xFFFFFF90];
	[tilespmem:s23+$0xFFFFFFB0] =	vst v11  }
0x84: {  	[tilespmem:s2+$0x0] =	vst v6;
	v6 =	vld [tilespmem:s6+$0xFFFFFFD0]  }
0x85: {  	v11 =	vld [tilespmem:s5+$0xFFFFFF90];
	v2 =	vpop (erf)  }
0x86: {  	v9 =	vmul.f32 v2, v9;
	v8 =	vmul.f32 v10, v8  }
0x87: {  	s9 =	simm.s32 $0x360;
	v12 =	vld [tilespmem:s2+$0xFFFFFFD0]  }
0x88: {  	v13 =	vld [tilespmem:s9+$0x40];
	[tilespmem:s23+$0x0] =	vst v9;
	v10, _, _ =	vpop (xrf2);
	v8 =	vmul.f32 v5, v8  }
0x89: {  	v9 =	vld [tilespmem:s6+$0x10];
	v5 =	vmax.f32 v10, $-5.000000000e+00  }
0x8a: {  	s25 =	simm.s32 $0x40E0;
	v10 =	vld [tilespmem:s5+$0x10];
	v6 =	vmul.f32 v11, v6;
	v5 =	vmin.f32 v5, $5.000000000e+00;
	(xrf2) =	vadd.scan.msk.f32 $0xffff, v8  }
0x8b: {  	v11 =	vld [tilespmem:s25+$0x80];
	v5 =	vmul.f32 $1.442695020e+00, v5  }
0x8c: {  	s11 =	simm.s32 $0xB760;
	v14 =	vld [tilespmem:s2+$0x10];
	v6 =	vmul.f32 v12, v6  }
0x8d: {  	v12 =	vld [tilespmem:s11+$0x40];
	v5 =	vbroadcast v5, $0xF  }
0x8e: {  	(xrf2) =	vadd.scan.msk.f32 $0xffff, v6  }
0x8f: {  	(erf) = vpow2.f32 v5;
	v5 =	vmul.f32 v10, v9  }
0x90: {  	v16 =	vld [tilespmem:s25+$0xFFFFFF80];
	v10 =	vmul.f32 v11, v13  }
0x91: {  	v9 =	vld [tilespmem:s25+$0xFFFFFF00];
	v11 =	vmul.f32 v14, v5  }
0x92: {  	v14 =	vld [tilespmem:s9+$0xFFFFFF80];
	v15 =	vmul.f32 v12, v10  }
0x93: {  	v13 =	vld [tilespmem:s9+$0xFFFFFFC0];
	(xrf2) =	vadd.scan.msk.f32 $0xffff, v11  }
0x94: {  	v12 =	vld [tilespmem:s11+$0xFFFFFF80];
	(xrf2) =	vadd.scan.msk.f32 $0xffff, v15;
	v5, _, _ =	vpop (xrf2)  }
0x95: {  	v10 =	vld [tilespmem:s5+$0xD0];
	v5 =	vmax.f32 v5, $-5.000000000e+00  }
0x96: {  	v17 =	vld [tilespmem:s9+$0x0];
	v5 =	vmin.f32 v5, $5.000000000e+00  }
0x97: {  	v19 =	vld [tilespmem:s11+$0xFFFFFFC0];
	v9 =	vmul.f32 v9, v14;
	v18 =	vmul.f32 $1.442695020e+00, v5  }
0x98: {  	v14 =	vld [tilespmem:s25+$0x0];
	v20, _, _ =	vpop (xrf2)  }
0x99: {  	v9 =	vmul.f32 v12, v9;
	v5 =	vpop (erf);
	v18 =	vbroadcast v18, $0xF  }
0x9a: {  	[tilespmem:s2+$0x50] =	vst v7;
	v7 =	vmax.f32 v20, $-5.000000000e+00;
	v12 =	vmul.f32 v16, v13;
	v13 =	vld [tilespmem:s11+$0x0];
	v10 =	vmul.f32 v5, v10  }
0x9b: {  	v7 =	vmin.f32 v7, $5.000000000e+00;
	(erf) = vpow2.f32 v18  }
0x9c: {  	v7 =	vmul.f32 $1.442695020e+00, v7;
	[tilespmem:s23+$0x60] =	vst v10  }
0x9d: {  	(xrf2) =	vadd.scan.msk.f32 $0xffff, v9;
	v19 =	vmul.f32 v19, v12;
	v14 =	vmul.f32 v14, v17;
	v16, _, _ =	vpop (xrf2);
	v10 =	vld [tilespmem:s6+$0x60]  }
0x9e: {  	v7 =	vbroadcast v7, $0xF;
	v12 =	vld [tilespmem:s5+$0xA0];
	v16 =	vmax.f32 v16, $-5.000000000e+00;
	v17, _, _ =	vpop (xrf2)  }
0x9f: {  	(xrf2) =	vadd.scan.msk.f32 $0xffff, v19;
	v13 =	vmul.f32 v13, v14;
	v14 =	vmin.f32 v16, $5.000000000e+00;
	v16 =	vmax.f32 v17, $-5.000000000e+00  }
0xa0: {  	(erf) = vpow2.f32 v7;
	v7 =	vmul.f32 $1.442695020e+00, v14;
	v14 =	vmin.f32 v16, $5.000000000e+00;
	v16 =	vld [tilespmem:s5+$0xFFFFFF50]  }
0xa1: {  	v18 =	vld [tilespmem:s2+$0x60];
	_ =	sdelay $0x1  }
0xa2: {  	(xrf2) =	vadd.scan.msk.f32 $0xffff, v13;
	v10 =	vmul.f32 v12, v10;
	v12 =	vbroadcast v7, $0xF  }
0xa3: {  	v7 =	vpop (erf)  }
0xa4: {  	v16 =	vmul.f32 v7, v16  }
0xa5: {  	v14 =	vmul.f32 $1.442695020e+00, v14;
	v20 =	vmul.f32 v18, v10  }
0xa6: {  	v10 =	vld [tilespmem:s5+$0xFFFFFFD0];
	(erf) = vpow2.f32 v12;
	v12, _, _ =	vpop (xrf2)  }
0xa7: {  	[tilespmem:s2+$0xFFFFFF90] =	vst v8;
	v14 =	vbroadcast v14, $0xF;
	(xrf2) =	vadd.scan.msk.f32 $0xffff, v20;
	v12 =	vmax.f32 v12, $-5.000000000e+00  }
0xa8: {  	[tilespmem:s23+$0xFFFFFF70] =	vst v16;
	v16, _, _ =	vpop (xrf2)  }
0xa9: {  	(erf) = vpow2.f32 v14;
	v8 =	vmin.f32 v12, $5.000000000e+00;
	v16 =	vmax.f32 v16, $-5.000000000e+00  }
0xaa: {  	v22 =	vld [tilespmem:s25+$0xFFFFFFC0];
	v8 =	vmul.f32 $1.442695020e+00, v8;
	v12 =	vpop (erf);
	v16 =	vmin.f32 v16, $5.000000000e+00  }
0xab: {  	v23 =	vld [tilespmem:s25+$0x40];
	v10 =	vmul.f32 v12, v10;
	v16 =	vmul.f32 $1.442695020e+00, v16  }
0xac: {  	v17 =	vld [tilespmem:s5+$0x50];
	[tilespmem:s2+$0xFFFFFFD0] =	vst v6;
	v24, _, _ =	vpop (xrf2)  }
0xad: {  	v18 =	vld [tilespmem:s25+$0xC0];
	v8 =	vbroadcast v8, $0xF;
	[tilespmem:s23+$0xFFFFFFC0] =	vst v10;
	v10 =	vmax.f32 v24, $-5.000000000e+00;
	v16 =	vbroadcast v16, $0xF  }
0xae: {  	v14 =	vld [tilespmem:s25+$0xFFFFFF40]  }
0xaf: {  	v21 =	vld [tilespmem:s6+$0xFFFFFFA0];
	(erf) = vpow2.f32 v8;
	v8 =	vmin.f32 v10, $5.000000000e+00  }
0xb0: {  	v6 =	vld [tilespmem:s5+$0xFFFFFF20];
	v10 =	vpop (erf)  }
0xb1: {  	v25 =	vld [tilespmem:s2+$0xFFFFFFA0];
	v27 =	vmul.f32 $1.442695020e+00, v8;
	(erf) = vpow2.f32 v16;
	v16, _, _ =	vpop (xrf2)  }
0xb2: {  	[tilespmem:s11+$0x40] =	vst v15;
	v24 =	vld [tilespmem:s6+$0xFFFFFFE0];
	v8 =	vpop (erf);
	v17 =	vmul.f32 v10, v17;
	v15 =	vmax.f32 v16, $-5.000000000e+00  }
0xb3: {  	[tilespmem:s2+$0x10] =	vst v11;
	v26 =	vld [tilespmem:s5+$0xFFFFFFA0];
	v27 =	vbroadcast v27, $0xF;
	v29 =	vmul.f32 v8, v18;
	v15 =	vmin.f32 v15, $5.000000000e+00  }
0xb4: {  	s1 =	simm.s32 $0xF3C0;
	v28 =	vld [tilespmem:s2+$0xFFFFFFE0];
	[tilespmem:s23+$0x10] =	vst v17;
	v11 =	vmul.f32 $1.442695020e+00, v15  }
0xb5: {  	(erf) = vpow2.f32 v27;
	[tilespmem:s1+$0x50] =	vst v29;
	v27 =	vld [tilespmem:s6+$0x20]  }
0xb6: {  	v6 =	vmul.f32 v6, v21;
	v29 =	vld [tilespmem:s9+$0x50]  }
0xb7: {  	v15 =	vld [tilespmem:s25+$0x90];
	v17 =	vbroadcast v11, $0xF  }
0xb8: {  	v30 =	vmul.f32 v25, v6;
	v6 =	vmul.f32 v26, v24;
	v25 =	vld [tilespmem:s5+$0x20];
	v11 =	vpop (erf)  }
0xb9: {  	s26 =	simm.s32 $0x42E0;
	v24 =	vld [tilespmem:s11+$0x50];
	(erf) = vpow2.f32 v17;
	v14 =	vmul.f32 v11, v14  }
0xba: {  	v50 =	vld [tilespmem:s26+$0xFFFFFF00];
	[tilespmem:s11+$0xFFFFFF80] =	vst v9  }
0xbb: {  	v26 =	vld [tilespmem:s2+$0x20];
	v21 =	vmul.f32 v28, v6;
	v9 =	vpop (erf);
	[tilespmem:s1+$0xFFFFFF60] =	vst v14  }
0xbc: {  	[tilespmem:s11+$0xFFFFFFC0] =	vst v19;
	v6 =	vmul.f32 v15, v29;
	v15 =	vmul.f32 v9, v22;
	v14 =	vld [tilespmem:s9+$0xFFFFFF90]  }
0xbd: {  	[tilespmem:s11+$0x0] =	vst v13;
	(xrf2) =	vadd.scan.msk.f32 $0xffff, v30;
	v19 =	vld [tilespmem:s25+$0xFFFFFF10]  }
0xbe: {  	(xrf2) =	vadd.scan.msk.f32 $0xffff, v21;
	v13 =	vmul.f32 v25, v27;
	v28 =	vmul.f32 v24, v6;
	[tilespmem:s1+$0xFFFFFFB0] =	vst v15;
	v15 =	vld [tilespmem:s5+$0xE0]  }
0xbf: {  	v36 =	vld [tilespmem:s26+$0xFFFFFF80]  }
0xc0: {  	v25 =	vld [tilespmem:s11+$0xFFFFFF90];
	(xrf2) =	vadd.scan.msk.f32 $0xffff, v28  }
0xc1: {  	v6 =	vpop (erf);
	v22 =	vld [tilespmem:s9+$0xFFFFFFD0]  }
0xc2: {  	s10 =	simm.s32 $0x460;
	v27 =	vmul.f32 v26, v13;
	v24 =	vld [tilespmem:s25+$0xFFFFFF90];
	v13 =	vpop (erf)  }
0xc3: {  	v37 =	vld [tilespmem:s10+$0x0];
	v14 =	vmul.f32 v19, v14;
	v15 =	vmul.f32 v13, v15  }
0xc4: {  	[tilespmem:s2+$0x60] =	vst v20;
	v19 =	vld [tilespmem:s11+$0xFFFFFFD0]  }
0xc5: {  	v38 =	vld [tilespmem:s26+$0x0];
	v23 =	vmul.f32 v6, v23;
	(xrf2) =	vadd.scan.msk.f32 $0xffff, v27;
	v31 =	vmul.f32 v25, v14;
	[tilespmem:s23+$0x70] =	vst v15  }
0xc6: {  	v14 =	vld [tilespmem:s6+$0x70]  }
0xc7: {  	v20, _, _ =	vpop (xrf2);
	[tilespmem:s1+$0x0] =	vst v23;
	v22 =	vmul.f32 v24, v22;
	v24 =	vld [tilespmem:s5+$0xB0];
	(xrf2) =	vadd.scan.msk.f32 $0xffff, v31  }
0xc8: {  	v23 =	vld [tilespmem:s9+$0x10];
	v15 =	vmax.f32 v20, $-5.000000000e+00;
	v20, _, _ =	vpop (xrf2)  }
0xc9: {  	v15 =	vmin.f32 v15, $5.000000000e+00;
	v20 =	vmax.f32 v20, $-5.000000000e+00;
	v33 =	vmul.f32 v19, v22;
	v22 =	vld [tilespmem:s2+$0x70]  }
0xca: {  	v26 =	vld [tilespmem:s25+$0x10];
	v15 =	vmul.f32 $1.442695020e+00, v15;
	v20 =	vmin.f32 v20, $5.000000000e+00;
	v19, _, _ =	vpop (xrf2)  }
0xcb: {  	v25 =	vld [tilespmem:s10+$0x40];
	v20 =	vmul.f32 $1.442695020e+00, v20;
	v19 =	vmax.f32 v19, $-5.000000000e+00  }
0xcc: {  	v15 =	vbroadcast v15, $0xF;
	(xrf2) =	vadd.scan.msk.f32 $0xffff, v33;
	v19 =	vmin.f32 v19, $5.000000000e+00;
	v14 =	vmul.f32 v24, v14;
	v24 =	vld [tilespmem:s26+$0x80]  }
0xcd: {  	s21 =	simm.s32 $0xB860;
	v29 =	vld [tilespmem:s11+$0x10];
	v20 =	vbroadcast v20, $0xF;
	v35 =	vmul.f32 $1.442695020e+00, v19  }
0xce: {  	(erf) = vpow2.f32 v15;
	v14 =	vmul.f32 v22, v14;
	v22 =	vld [tilespmem:s21+$0x40]  }
0xcf: {  	v41 =	vld [tilespmem:s21+$0xFFFFFF80];
	v15 =	vmul.f32 v26, v23;
	v23, _, _ =	vpop (xrf2);
	v26 =	vbroadcast v35, $0xF  }
0xd0: {  	v42 =	vld [tilespmem:s21+$0xFFFFFFC0];
	(erf) = vpow2.f32 v20;
	v20 =	vmax.f32 v23, $-5.000000000e+00  }
0xd1: {  	v44 =	vld [tilespmem:s21+$0x0];
	v20 =	vmin.f32 v20, $5.000000000e+00;
	(erf) = vpow2.f32 v26;
	v23 =	vmul.f32 v24, v25;
	v24, _, _ =	vpop (xrf2)  }
0xd2: {  	v45 =	vld [tilespmem:s26+$0xC0];
	v20 =	vmul.f32 $1.442695020e+00, v20;
	v24 =	vmax.f32 v24, $-5.000000000e+00  }
0xd3: {  	v18 =	vld [tilespmem:s5+$0xFFFFFF60];
	v15 =	vmul.f32 v29, v15;
	v39 =	vmul.f32 v22, v23;
	v22 =	vmin.f32 v24, $5.000000000e+00  }
0xd4: {  	(xrf2) =	vadd.scan.msk.f32 $0xffff, v14;
	v26 =	vld [tilespmem:s10+$0xFFFFFF80];
	v20 =	vbroadcast v20, $0xF  }
0xd5: {  	v16 =	vld [tilespmem:s5+$0xFFFFFFE0];
	(xrf2) =	vadd.scan.msk.f32 $0xffff, v15  }
0xd6: {  	v40 =	vld [tilespmem:s25+$0xD0];
	(erf) = vpow2.f32 v20;
	v20 =	vmul.f32 $1.442695020e+00, v22;
	v22, _, _ =	vpop (xrf2);
	(xrf2) =	vadd.scan.msk.f32 $0xffff, v39  }
0xd7: {  	v17 =	vld [tilespmem:s5+$0x60]  }
0xd8: {  	v29 =	vld [tilespmem:s10+$0xFFFFFFC0];
	v23 =	vpop (erf);
	v22 =	vmax.f32 v22, $-5.000000000e+00  }
0xd9: {  	[tilespmem:s2+$0xFFFFFFA0] =	vst v30;
	v32 =	vld [tilespmem:s25+$0xFFFFFF50];
	v26 =	vmul.f32 v50, v26;
	v20 =	vbroadcast v20, $0xF;
	v25 =	vpop (erf);
	v22 =	vmin.f32 v22, $5.000000000e+00  }
0xda: {  	[tilespmem:s2+$0xFFFFFFE0] =	vst v21;
	v34 =	vld [tilespmem:s25+$0xFFFFFFD0];
	v18 =	vmul.f32 v23, v18;
	v43 =	vmul.f32 $1.442695020e+00, v22;
	v24 =	vpop (erf)  }
0xdb: {  	[tilespmem:s11+$0x50] =	vst v28;
	v59 =	vld [tilespmem:s5+$0xF0];
	(erf) = vpow2.f32 v20;
	v51 =	vmul.f32 v24, v40  }
0xdc: {  	v19 =	vld [tilespmem:s25+$0x50];
	v16 =	vmul.f32 v25, v16;
	[tilespmem:s23+$0xFFFFFF80] =	vst v18;
	v30 =	vbroadcast v43, $0xF  }
0xdd: {  	v28 =	vmul.f32 v36, v29;
	v26 =	vmul.f32 v41, v26;
	v20 =	vld [tilespmem:s26+$0xFFFFFFC0];
	[tilespmem:s1+$0x60] =	vst v51  }
0xde: {  	[tilespmem:s23+$0xFFFFFFD0] =	vst v16;
	v16 =	vmul.f32 v38, v37;
	v18, _, _ =	vpop (xrf2);
	(erf) = vpow2.f32 v30;
	v54 =	vld [tilespmem:s9+$0x60]  }
0xdf: {  	v28 =	vmul.f32 v42, v28;
	v52 =	vmax.f32 v18, $-5.000000000e+00;
	v53, _, _ =	vpop (xrf2);
	(xrf2) =	vadd.scan.msk.f32 $0xffff, v26;
	v55 =	vld [tilespmem:s25+$0xA0]  }
0xe0: {  	[tilespmem:s2+$0x20] =	vst v27;
	v22 =	vld [tilespmem:s26+$0xFFFFFF40];
	v27 =	vmul.f32 v44, v16;
	v29 =	vmin.f32 v52, $5.000000000e+00;
	v21 =	vmax.f32 v53, $-5.000000000e+00;
	v56, _, _ =	vpop (xrf2)  }
0xe1: {  	v37 =	vld [tilespmem:s5+$0xFFFFFF30];
	v40 =	vpop (erf);
	v29 =	vmul.f32 $1.442695020e+00, v29;
	v21 =	vmin.f32 v21, $5.000000000e+00;
	(xrf2) =	vadd.scan.msk.f32 $0xffff, v28;
	v38 =	vmax.f32 v56, $-5.000000000e+00  }
0xe2: {  	v17 =	vmul.f32 v40, v17;
	v57 =	vld [tilespmem:s11+$0x60];
	v21 =	vmul.f32 $1.442695020e+00, v21;
	(xrf2) =	vadd.scan.msk.f32 $0xffff, v27;
	v16 =	vmin.f32 v38, $5.000000000e+00  }
0xe3: {  	v42 =	vld [tilespmem:s5+$0xFFFFFFB0];
	v29 =	vbroadcast v29, $0xF;
	v16 =	vmul.f32 $1.442695020e+00, v16  }
0xe4: {  	v49 =	vld [tilespmem:s2+$0xFFFFFFF0];
	[tilespmem:s23+$0x20] =	vst v17;
	v17 =	vbroadcast v21, $0xF;
	v58 =	vmul.f32 v55, v54;
	v38 =	vpop (erf)  }
0xe5: {  	v18 =	vld [tilespmem:s26+$0x40];
	v21 =	vmul.f32 v38, v32;
	v16 =	vbroadcast v16, $0xF  }
0xe6: {  	[tilespmem:s11+$0xFFFFFF90] =	vst v31;
	v30 =	vld [tilespmem:s6+$0xFFFFFFB0];
	(erf) = vpow2.f32 v29  }
0xe7: {  	v35 =	vld [tilespmem:s6+$0x30];
	v36 =	vpop (erf);
	(erf) = vpow2.f32 v17;
	[tilespmem:s1+$0xFFFFFF70] =	vst v21;
	v21 =	vmul.f32 v57, v58  }
0xe8: {  	v34 =	vmul.f32 v36, v34;
	(erf) = vpow2.f32 v16;
	v17 =	vld [tilespmem:s9+$0xFFFFFFA0]  }
0xe9: {  	[tilespmem:s11+$0xFFFFFFD0] =	vst v33;
	v60 =	vld [tilespmem:s25+$0xFFFFFF20];
	v16, _, _ =	vpop (xrf2);
	(xrf2) =	vadd.scan.msk.f32 $0xffff, v21  }
0xea: {  	v61 =	vld [tilespmem:s11+$0xFFFFFFA0];
	[tilespmem:s1+$0xFFFFFFC0] =	vst v34;
	v16 =	vmax.f32 v16, $-5.000000000e+00  }
0xeb: {  	v1 =	vnsel vm0, $0x0, v1;
	v3 =	vnsel vm0, $0x0, v3;
	v34 =	vld [tilespmem:s9+$0xFFFFFFE0];
	v62, _, _ =	vpop (xrf2);
	v16 =	vmin.f32 v16, $5.000000000e+00  }
0xec: {  	v1 =	vsel vm1, v1, v5;
	v63 =	vld [tilespmem:s25+$0xFFFFFFA0];
	v43 =	vmax.f32 v62, $-5.000000000e+00;
	v52, _, _ =	vpop (xrf2);
	v16 =	vmul.f32 $1.442695020e+00, v16  }
0xed: {  	v3 =	vsel vm1, v3, v7;
	v31 =	vld [tilespmem:s5+$0x30];
	v43 =	vmin.f32 v43, $5.000000000e+00;
	v7 =	vmax.f32 v52, $-5.000000000e+00  }
0xee: {  	v29 =	vld [tilespmem:s6+$0xFFFFFFF0];
	v5 =	vmul.f32 v60, v17;
	v7 =	vmin.f32 v7, $5.000000000e+00;
	v16 =	vbroadcast v16, $0xF  }
0xef: {  	v46 =	vpop (erf);
	v47 =	vld [tilespmem:s11+$0xFFFFFFE0];
	v51 =	vmul.f32 $1.442695020e+00, v43;
	v7 =	vmul.f32 $1.442695020e+00, v7  }
0xf0: {  	v56 =	vld [tilespmem:s2+$0x30];
	v53 =	vpop (erf);
	v5 =	vmul.f32 v61, v5;
	(erf) = vpow2.f32 v16  }
0xf1: {  	v4 =	vnsel vm0, $0x0, v4;
	v54 =	vld [tilespmem:s2+$0xFFFFFFB0];
	v33 =	vbroadcast v51, $0xF;
	v34 =	vmul.f32 v63, v34;
	v48 =	vpop (erf)  }
0xf2: {  	v4 =	vsel vm1, v4, v12;
	v17 =	vld [tilespmem:s25+$0xFFFFFF60];
	v7 =	vbroadcast v7, $0xF;
	v12 =	vmul.f32 v48, v45  }
0xf3: {  	s28 =	simm.s32 $0xF500;
	v2 =	vnsel vm0, $0x0, v2;
	[tilespmem:s21+$0x40] =	vst v39;
	v16 =	vld [tilespmem:s25+$0xFFFFFFE0];
	(erf) = vpow2.f32 v33;
	v55, _, _ =	vpop (xrf2);
	(xrf2) =	vadd.scan.msk.f32 $0xffff, v5  }
0xf4: {  	v34 =	vmul.f32 v47, v34;
	(erf) = vpow2.f32 v7;
	v7 =	vld [tilespmem:s5+$0xFFFFFFF0];
	[tilespmem:s28+$0x50] =	vst v12;
	v33 =	vmax.f32 v55, $-5.000000000e+00  }
0xf5: {  	v10 =	vsel vm1, v2, v10;
	v57 =	vld [tilespmem:s10+$0x50];
	v33 =	vmin.f32 v33, $5.000000000e+00  }
0xf6: {  	[tilespmem:s11+$0x10] =	vst v15;
	v19 =	vmul.f32 v53, v19;
	v58 =	vld [tilespmem:s26+$0x90];
	(xrf2) =	vadd.scan.msk.f32 $0xffff, v34;
	v33 =	vmul.f32 $1.442695020e+00, v33  }
0xf7: {  	v8 =	vnsel vm0, $0x0, v8;
	v13 =	vsel vm2, v1, v13;
	[tilespmem:s2+$0x70] =	vst v14;
	v1 =	vmul.f32 v37, v30;
	v12 =	vld [tilespmem:s5+$0xFFFFFF70]  }
0xf8: {  	v11 =	vnsel vm0, $0x0, v11;
	v2 =	vsel vm2, v4, v25;
	[tilespmem:s1+$0x10] =	vst v19;
	v19 =	vld [tilespmem:s21+$0x50];
	v4 =	vbroadcast v33, $0xF  }
0xf9: {  	v3 =	vsel vm2, v3, v23;
	[tilespmem:s21+$0xFFFFFFC0] =	vst v28;
	v15 =	vmul.f32 v42, v29;
	v23 =	vmul.f32 v54, v1;
	v25 =	vld [tilespmem:s9+$0x20];
	v29 =	vpop (erf)  }
0xfa: {  	[tilespmem:s21+$0xFFFFFF80] =	vst v26;
	v24 =	vsel vm1, v8, v24;
	v8 =	vmul.f32 v29, v22;
	(erf) = vpow2.f32 v4;
	v4 =	vld [tilespmem:s25+$0x20]  }
0xfb: {  	v9 =	vnsel vm0, $0x0, v9;
	[tilespmem:s21+$0x0] =	vst v27;
	v1 =	vsel vm2, v10, v40;
	v26 =	vld [tilespmem:s11+$0x20];
	v10 =	vmul.f32 v58, v57  }
0xfc: {  	v28 =	vmul.f32 v49, v15;
	v13 =	vsel vm3, v13, v46;
	v15 =	vld [tilespmem:s25+$0x60];
	(xrf2) =	vadd.scan.msk.f32 $0xffff, v23;
	v30 =	vpop (erf);
	[tilespmem:s28+$0xFFFFFF60] =	vst v8  }
0xfd: {  	[tilespmem:s23+$0x90] =	vst v13;
	v19 =	vmul.f32 v19, v10;
	v10 =	vmul.f32 v30, v20;
	v8 =	vsel vm1, v11, v38;
	v11 =	vld [tilespmem:s10+$0xFFFFFF90];
	v14, _, _ =	vpop (xrf2)  }
0xfe: {  	(xrf2) =	vadd.scan.msk.f32 $0xffff, v28;
	v22 =	vmul.f32 v31, v35;
	v20 =	vmul.f32 v46, v59;
	v27 =	vld [tilespmem:s26+$0xFFFFFF10];
	v14 =	vmax.f32 v14, $-5.000000000e+00  }
0xff: {  	v31 =	vpop (erf);
	[tilespmem:s28+$0xFFFFFFB0] =	vst v10;
	(xrf2) =	vadd.scan.msk.f32 $0xffff, v19;
	v4 =	vmul.f32 v4, v25;
	v25 =	vld [tilespmem:s25+$0xE0];
	v14 =	vmin.f32 v14, $5.000000000e+00  }
0x100: {  	v59 =	vmul.f32 v31, v18;
	[tilespmem:s23+$0x80] =	vst v20;
	v10 =	vsel vm1, v9, v36;
	v20 =	vld [tilespmem:s10+$0xFFFFFFD0];
	v13, _, _ =	vpop (xrf2);
	v9 =	vmul.f32 $1.442695020e+00, v14  }
0x101: {  	[tilespmem:s11+$0xFFFFFFA0] =	vst v5;
	v14 =	vmul.f32 v26, v4;
	v26 =	vld [tilespmem:s26+$0xFFFFFF90];
	v4 =	vnsel vm0, $0x0, v6;
	v6 =	vmax.f32 v13, $-5.000000000e+00  }
0x102: {  	v18 =	vmul.f32 v56, v22;
	v22 =	vld [tilespmem:s21+$0xFFFFFF90];
	[tilespmem:s28+$0x0] =	vst v59;
	v60 =	vbroadcast v9, $0xF;
	v9 =	vmin.f32 v6, $5.000000000e+00  }
0x103: {  	v61 =	vld [tilespmem:s10+$0x10];
	v27 =	vmul.f32 v27, v11;
	v6 =	vsel vm1, v4, v53;
	(xrf2) =	vadd.scan.msk.f32 $0xffff, v14;
	v11 =	vpop (erf);
	v4 =	vmul.f32 $1.442695020e+00, v9  }
0x104: {  	[tilespmem:s2+$0xFFFFFFF0] =	vst v28;
	v62 =	vld [tilespmem:s26+$0x10];
	v25 =	vmul.f32 v11, v25  }
0x105: {  	[tilespmem:s11+$0x60] =	vst v21;
	v21 =	vld [tilespmem:s21+$0xFFFFFFD0];
	v9 =	vnsel vm0, $0x0, v29;
	(erf) = vpow2.f32 v60;
	v29 =	vbroadcast v4, $0xF  }
0x106: {  	v5 =	vnsel vm0, $0x0, v30;
	v13 =	vsel vm2, v24, v11;
	v24, _, _ =	vpop (xrf2);
	[tilespmem:s1+$0x70] =	vst v25;
	v25 =	vld [tilespmem:s21+$0x10];
	v20 =	vmul.f32 v26, v20  }
0x107: {  	[tilespmem:s11+$0xFFFFFFE0] =	vst v34;
	v24 =	vmax.f32 v24, $-5.000000000e+00;
	v26 =	vmul.f32 v22, v27;
	v30 =	vld [tilespmem:s9+$0x70];
	(erf) = vpow2.f32 v29  }
0x108: {  	[tilespmem:s2+$0xFFFFFFB0] =	vst v23;
	v4 =	vnsel vm0, $0x0, v31;
	v23 =	vmin.f32 v24, $5.000000000e+00;
	v22, _, _ =	vpop (xrf2);
	v27 =	vld [tilespmem:s25+$0xB0]  }
0x109: {  	v28 =	vmul.f32 $1.442695020e+00, v23;
	v23 =	vmax.f32 v22, $-5.000000000e+00;
	v22 =	vld [tilespmem:s26+$0xFFFFFF50];
	v29 =	vmul.f32 v62, v61;
	v31, _, _ =	vpop (xrf2);
	(xrf2) =	vadd.scan.msk.f32 $0xffff, v26  }
0x10a: {  	[tilespmem:s11+$0x20] =	vst v14;
	v24 =	vld [tilespmem:s11+$0x70];
	v14 =	vmin.f32 v23, $5.000000000e+00;
	v63 =	vmul.f32 v21, v20;
	v20 =	vmax.f32 v31, $-5.000000000e+00  }
0x10b: {  	[tilespmem:s21+$0xFFFFFF90] =	vst v26;
	v21 =	vld [tilespmem:s26+$0xFFFFFFD0];
	v14 =	vmul.f32 $1.442695020e+00, v14;
	v23 =	vmul.f32 v25, v29;
	v25 =	vmin.f32 v20, $5.000000000e+00  }
0x10c: {  	s7 =	simm.s32 $0x560;
	v26 =	vbroadcast v28, $0xF;
	[tilespmem:s21+$0xFFFFFFD0] =	vst v63;
	(xrf2) =	vadd.scan.msk.f32 $0xffff, v63;
	v20 =	vld [tilespmem:s26+$0x50];
	v28 =	vmul.f32 $1.442695020e+00, v25  }
0x10d: {  	s20 =	simm.s32 $0x42E0;
	s18 =	simm.s32 $0xF500;
	s6 =	simm.s32 $0x8;
	v11 =	vnsel vm0, $0x0, v48;
	v25 =	vbroadcast v14, $0xF;
	v27 =	vmul.f32 v27, v30;
	v14 =	vld [tilespmem:s5+$0x70];
	[tilespmem:s21+$0x10] =	vst v23;
	v29, _, _ =	vpop (xrf2)  }
.LBB2_7:
0x10e: {  	v30 =	vld [tilespmem:s7+$0x40];
	s26 =	sadd.s32 $0x200, s26;
	v34 =	vmax.f32 v29, $-5.000000000e+00;
	v31 =	vpop (erf);
	[tilespmem:s2+$0x30] =	vst v18;
	(erf) = vpow2.f32 v26;
	s2 =	smov.u32 s11;
	s11 =	smov.u32 s21  }
0x10f: {  	v26 =	vld [tilespmem:s26+$0x80];
	v32 =	vbroadcast v28, $0xF;
	v33 =	vmin.f32 v34, $5.000000000e+00;
	v28 =	vmul.f32 v24, v27  }
0x110: {  	s21 =	sadd.s32 $0x100, s21;
	v17 =	vmul.f32 v31, v17;
	v8 =	vsel vm2, v8, v31;
	v24 =	vld [tilespmem:s26+$0xFFFFFF00];
	v33 =	vmul.f32 $1.442695020e+00, v33;
	v29 =	vpop (erf)  }
0x111: {  	v31 =	vld [tilespmem:s21+$0x40];
	(erf) = vpow2.f32 v32;
	v16 =	vmul.f32 v29, v16;
	v10 =	vsel vm2, v10, v29;
	(xrf2) =	vadd.scan.msk.f32 $0xffff, v28  }
0x112: {  	v29 =	vld [tilespmem:s7+$0xFFFFFFC0];
	[tilespmem:s1+$0xFFFFFF80] =	vst v17;
	v17 =	vbroadcast v33, $0xF  }
0x113: {  	s6 =	sadd.s32 $0x4, s6;
	v32 =	vld [tilespmem:s26+$0xFFFFFF80];
	v27, _, _ =	vpop (xrf2);
	[tilespmem:s1+$0xFFFFFFD0] =	vst v16;
	(erf) = vpow2.f32 v25  }
0x114: {  	p0 =	slt.u32 s6, $0x4C;
	v16 =	vld [tilespmem:s7+$0x0];
	v33 =	vmul.f32 v26, v30;
	v26 =	vmax.f32 v27, $-5.000000000e+00;
	(xrf2) =	vadd.scan.msk.f32 $0xffff, v23;
	(erf) = vpow2.f32 v17  }
0x115: {  	v17 =	vld [tilespmem:s26+$0x0];
	v23 =	vmin.f32 v26, $5.000000000e+00  }
0x116: {  	v30 =	vld [tilespmem:s7+$0xFFFFFF80];
	v27 =	vmul.f32 v31, v33;
	v23 =	vmul.f32 $1.442695020e+00, v23;
	v25, _, _ =	vpop (xrf2)  }
0x117: {  	v25 =	vmax.f32 v25, $-5.000000000e+00;
	v31 =	vld [tilespmem:s20+$0xD0];
	v26 =	vpop (erf)  }
0x118: {  	v33 =	vld [tilespmem:s21+$0xFFFFFF80];
	v29 =	vmul.f32 v32, v29;
	(xrf2) =	vadd.scan.msk.f32 $0xffff, v27;
	v23 =	vbroadcast v23, $0xF;
	v25 =	vmin.f32 v25, $5.000000000e+00  }
0x119: {  	v34 =	vmul.f32 v26, v12;
	v26 =	vsel vm3, v3, v26;
	v3 =	vmovc v8;
	v32 =	vld [tilespmem:s21+$0xFFFFFFC0];
	v25 =	vmul.f32 $1.442695020e+00, v25  }
0x11a: {  	v8 =	vld [tilespmem:s21+$0x0];
	v16 =	vmul.f32 v17, v16;
	(erf) = vpow2.f32 v23;
	v17 =	vpop (erf);
	[tilespmem:s23+$0xFFFFFFA0] =	vst v26  }
0x11b: {  	v26 =	vld [tilespmem:s26+$0xFFFFFF40];
	v24 =	vmul.f32 v24, v30;
	v35 =	vbroadcast v25, $0xF;
	v23 =	vsel vm1, v11, v17;
	v11, _, _ =	vpop (xrf2);
	(xrf2) =	vadd.scan.msk.f32 $0xffff, v18  }
0x11c: {  	v25 =	vld [tilespmem:s26+$0xFFFFFFC0];
	v31 =	vmul.f32 v17, v31;
	v11 =	vmax.f32 v11, $-5.000000000e+00;
	[tilespmem:s23+$0xFFFFFF90] =	vst v34;
	v12 =	vpop (erf)  }
0x11d: {  	v18 =	vmul.f32 v33, v24;
	v24 =	vld [tilespmem:s26+$0x40];
	[tilespmem:s11+$0x50] =	vst v19;
	(erf) = vpow2.f32 v35;
	v11 =	vmin.f32 v11, $5.000000000e+00;
	v30 =	vpop (erf)  }
0x11e: {  	v29 =	vmul.f32 v32, v29;
	[tilespmem:s28+$0x60] =	vst v31;
	v17, _, _ =	vpop (xrf2);
	v31 =	vld [tilespmem:s9+$0xFFFFFFB0];
	v19 =	vsel vm2, v6, v30;
	v6 =	vmul.f32 $1.442695020e+00, v11  }
0x11f: {  	[tilespmem:s21+$0xFFFFFF80] =	vst v18;
	v11 =	vmul.f32 v8, v16;
	(xrf2) =	vadd.scan.msk.f32 $0xffff, v18;
	v8 =	vmax.f32 v17, $-5.000000000e+00;
	v16 =	vld [tilespmem:s10+$0x60]  }
0x120: {  	v15 =	vmul.f32 v30, v15;
	[tilespmem:s21+$0xFFFFFFC0] =	vst v29;
	v8 =	vmin.f32 v8, $5.000000000e+00;
	v17 =	vld [tilespmem:s20+$0xA0];
	v6 =	vbroadcast v6, $0xF  }
0x121: {  	v7 =	vmul.f32 v12, v7;
	v12 =	vsel vm3, v2, v12;
	v2 =	vmovc v10;
	[tilespmem:s21+$0x0] =	vst v11;
	v30 =	vmul.f32 $1.442695020e+00, v8;
	v18 =	vld [tilespmem:s25+$0xFFFFFF30]  }
0x122: {  	(xrf2) =	vadd.scan.msk.f32 $0xffff, v29;
	v10, _, _ =	vpop (xrf2);
	v29 =	vld [tilespmem:s11+$0x60];
	[tilespmem:s1+$0x20] =	vst v15;
	(erf) = vpow2.f32 v6  }
0x123: {  	v6 =	vmax.f32 v10, $-5.000000000e+00;
	v15 =	vbroadcast v30, $0xF;
	v8 =	vpop (erf);
	v30 =	vld [tilespmem:s9+$0xFFFFFFF0];
	[tilespmem:s23+$0xFFFFFFE0] =	vst v7  }
0x124: {  	v6 =	vmin.f32 v6, $5.000000000e+00;
	v22 =	vmul.f32 v8, v22;
	v8 =	vsel vm1, v9, v8;
	v9 =	vld [tilespmem:s25+$0xFFFFFFB0];
	[tilespmem:s23+$0xFFFFFFF0] =	vst v12  }
0x125: {  	v6 =	vmul.f32 $1.442695020e+00, v6;
	(xrf2) =	vadd.scan.msk.f32 $0xffff, v11;
	v10 =	vmul.f32 v17, v16;
	v11 =	vld [tilespmem:s9+$0x30];
	v12, _, _ =	vpop (xrf2);
	s9 =	smov.u32 s10;
	s10 =	smov.u32 s7  }
0x126: {  	[tilespmem:s28+$0xFFFFFF70] =	vst v22;
	v7 =	vpop (erf);
	v18 =	vmul.f32 v18, v31;
	v16 =	vld [tilespmem:s25+$0x30];
	v12 =	vmax.f32 v12, $-5.000000000e+00  }
0x127: {  	v6 =	vbroadcast v6, $0xF;
	v22 =	vmul.f32 v29, v10;
	v17 =	vld [tilespmem:s25+$0xF0];
	v12 =	vmin.f32 v12, $5.000000000e+00  }
0x128: {  	v21 =	vmul.f32 v7, v21;
	v10 =	vsel vm1, v5, v7;
	v29 =	vld [tilespmem:s9+$0xFFFFFFA0];
	(erf) = vpow2.f32 v15  }
0x129: {  	v5, _, _ =	vpop (xrf2);
	(erf) = vpow2.f32 v6;
	v6 =	vld [tilespmem:s20+$0xFFFFFF20];
	(xrf2) =	vadd.scan.msk.f32 $0xffff, v22;
	v9 =	vmul.f32 v9, v30  }
0x12a: {  	v12 =	vmul.f32 $1.442695020e+00, v12;
	v5 =	vmax.f32 v5, $-5.000000000e+00;
	v7 =	vld [tilespmem:s11+$0xFFFFFFA0];
	[tilespmem:s28+$0xFFFFFFC0] =	vst v21  }
0x12b: {  	v5 =	vmin.f32 v5, $5.000000000e+00;
	v15 =	vld [tilespmem:s9+$0xFFFFFFE0];
	v21 =	vmul.f32 v16, v11;
	v11 =	vpop (erf)  }
0x12c: {  	v5 =	vmul.f32 $1.442695020e+00, v5;
	v16, _, _ =	vpop (xrf2);
	v30 =	vld [tilespmem:s20+$0xFFFFFFA0];
	v17 =	vmul.f32 v11, v17;
	v11 =	vsel vm3, v13, v11  }
0x12d: {  	v12 =	vbroadcast v12, $0xF;
	v13 =	vmax.f32 v16, $-5.000000000e+00;
	v31 =	vld [tilespmem:s11+$0xFFFFFFE0];
	[tilespmem:s2+$0x70] =	vst v28  }
0x12e: {  	v5 =	vbroadcast v5, $0xF;
	v13 =	vmin.f32 v13, $5.000000000e+00;
	v28 =	vld [tilespmem:s26+$0xC0];
	v6 =	vmul.f32 v6, v29;
	[tilespmem:s1+$0x80] =	vst v17  }
0x12f: {  	v13 =	vmul.f32 $1.442695020e+00, v13;
	v16, _, _ =	vpop (xrf2);
	v17 =	vld [tilespmem:s20+$0xFFFFFF60];
	[tilespmem:s1+$0x90] =	vst v11;
	(erf) = vpow2.f32 v12  }
0x130: {  	v33 =	vmax.f32 v16, $-5.000000000e+00;
	(erf) = vpow2.f32 v5;
	v32 =	vmul.f32 v7, v6;
	v16 =	vld [tilespmem:s20+$0xFFFFFFE0]  }
0x131: {  	v7 =	vbroadcast v13, $0xF;
	v6 =	vmin.f32 v33, $5.000000000e+00;
	v12 =	vmul.f32 v30, v15;
	v11 =	vpop (erf);
	v13 =	vld [tilespmem:s2+$0xFFFFFFB0]  }
0x132: {  	v15 =	vmul.f32 $1.442695020e+00, v6;
	v29 =	vpop (erf);
	[tilespmem:s11+$0xFFFFFFA0] =	vst v32;
	v20 =	vmul.f32 v11, v20;
	v6 =	vsel vm1, v4, v11;
	v4 =	vld [tilespmem:s2+$0xFFFFFFF0]  }
0x133: {  	v28 =	vmul.f32 v29, v28;
	v11 =	vnsel vm0, $0x0, v29;
	(erf) = vpow2.f32 v7;
	(xrf2) =	vadd.scan.msk.f32 $0xffff, v32;
	v5, _, _ =	vpop (xrf2);
	v29 =	vld [tilespmem:s2+$0x30]  }
0x134: {  	s28 =	sadd.s32 $0x140, s28;
	v15 =	vbroadcast v15, $0xF;
	[tilespmem:s21+$0x40] =	vst v27;
	v27 =	vmul.f32 v31, v12;
	v5 =	vmax.f32 v5, $-5.000000000e+00;
	v12 =	vld [tilespmem:s25+$0xFFFFFF70]  }
0x135: {  	[tilespmem:s28+$0x50] =	vst v28;
	v5 =	vmin.f32 v5, $5.000000000e+00;
	v7 =	vld [tilespmem:s25+$0xFFFFFFF0]  }
0x136: {  	v28 =	vld [tilespmem:s7+$0x50];
	(erf) = vpow2.f32 v15;
	[tilespmem:s18+$0x10] =	vst v20;
	v5 =	vmul.f32 $1.442695020e+00, v5;
	(xrf2) =	vadd.scan.msk.f32 $0xffff, v27  }
0x137: {  	v13 =	vmul.f32 v13, v18;
	v15 =	vld [tilespmem:s26+$0x90];
	[tilespmem:s11+$0xFFFFFFE0] =	vst v27;
	v4 =	vmul.f32 v4, v9  }
0x138: {  	v20 =	vld [tilespmem:s9+$0x20];
	v5 =	vbroadcast v5, $0xF;
	v18 =	vmul.f32 v29, v21;
	v9 =	vpop (erf)  }
0x139: {  	v21 =	vld [tilespmem:s21+$0x50];
	v27 =	vpop (erf);
	[tilespmem:s2+$0xFFFFFFB0] =	vst v13;
	v14 =	vmul.f32 v9, v14;
	v29 =	vsel vm3, v1, v9;
	v1 =	vmov v19  }
0x13a: {  	v19 =	vmul.f32 v27, v26;
	v9 =	vnsel vm0, $0x0, v27;
	v26 =	vld [tilespmem:s20+$0x20];
	(erf) = vpow2.f32 v5;
	(xrf2) =	vadd.scan.msk.f32 $0xffff, v13  }
0x13b: {  	v13 =	vld [tilespmem:s11+$0x20];
	[tilespmem:s23+$0x30] =	vst v14  }
0x13c: {  	[tilespmem:s28+$0xFFFFFF60] =	vst v19;
	v14 =	vmul.f32 v15, v28;
	v5 =	vpop (erf);
	v15 =	vld [tilespmem:s20+$0x60]  }
0x13d: {  	v27 =	vld [tilespmem:s7+$0xFFFFFF90];
	v25 =	vmul.f32 v5, v25;
	v5 =	vnsel vm0, $0x0, v5;
	v28, _, _ =	vpop (xrf2);
	(xrf2) =	vadd.scan.msk.f32 $0xffff, v4;
	[tilespmem:s23+$0x40] =	vst v29;
	s23 =	smov.u32 s1;
	s1 =	smov.u32 s18;
	s18 =	smov.u32 s28  }
0x13e: {  	v29 =	vld [tilespmem:s26+$0xFFFFFF10];
	v19 =	vmul.f32 v21, v14;
	v14 =	vmax.f32 v28, $-5.000000000e+00;
	[tilespmem:s2+$0xFFFFFFF0] =	vst v4  }
0x13f: {  	[tilespmem:s28+$0xFFFFFFB0] =	vst v25;
	v4 =	vpop (erf);
	v14 =	vmin.f32 v14, $5.000000000e+00;
	v20 =	vmul.f32 v26, v20;
	v21 =	vld [tilespmem:s20+$0xE0]  }
0x140: {  	v25 =	vld [tilespmem:s7+$0xFFFFFFD0];
	v24 =	vmul.f32 v4, v24;
	v4 =	vnsel vm0, $0x0, v4;
	(xrf2) =	vadd.scan.msk.f32 $0xffff, v19;
	v14 =	vmul.f32 $1.442695020e+00, v14;
	v26, _, _ =	vpop (xrf2)  }
0x141: {  	v28 =	vld [tilespmem:s26+$0xFFFFFF90];
	v26 =	vmax.f32 v26, $-5.000000000e+00;
	v30 =	vmul.f32 v13, v20  }
0x142: {  	v20 =	vld [tilespmem:s21+$0xFFFFFF90];
	[tilespmem:s28+$0x0] =	vst v24;
	v14 =	vbroadcast v14, $0xF;
	v24 =	vmin.f32 v26, $5.000000000e+00  }
0x143: {  	v26 =	vmul.f32 v29, v27;
	v27 =	vld [tilespmem:s7+$0x10];
	v24 =	vmul.f32 $1.442695020e+00, v24;
	[tilespmem:s11+$0x20] =	vst v30;
	(xrf2) =	vadd.scan.msk.f32 $0xffff, v30;
	v13 =	vpop (erf)  }
0x144: {  	v29 =	vld [tilespmem:s26+$0x10];
	v32 =	vmul.f32 v13, v21;
	v13 =	vsel vm2, v23, v13;
	v23, _, _ =	vpop (xrf2)  }
0x145: {  	v30 =	vld [tilespmem:s21+$0xFFFFFFD0];
	v24 =	vbroadcast v24, $0xF;
	[tilespmem:s11+$0x60] =	vst v22;
	(erf) = vpow2.f32 v14;
	v14 =	vmax.f32 v23, $-5.000000000e+00  }
0x146: {  	v23 =	vmul.f32 v28, v25;
	v25 =	vld [tilespmem:s21+$0x10];
	[tilespmem:s1+$0x70] =	vst v32;
	v14 =	vmin.f32 v14, $5.000000000e+00  }
0x147: {  	v20 =	vmul.f32 v20, v26;
	v31 =	vld [tilespmem:s9+$0x70];
	(erf) = vpow2.f32 v24;
	v21, _, _ =	vpop (xrf2)  }
0x148: {  	v14 =	vmul.f32 $1.442695020e+00, v14;
	v32 =	vld [tilespmem:s20+$0xB0];
	v21 =	vmax.f32 v21, $-5.000000000e+00  }
.Ltmp2:
0x149: {  	v22 =	vld [tilespmem:s26+$0xFFFFFF50];
	[tilespmem:s21+$0xFFFFFF90] =	vst v20;
	v26 =	vmul.f32 v29, v27;
	(xrf2) =	vadd.scan.msk.f32 $0xffff, v20;
	v20 =	vmin.f32 v21, $5.000000000e+00;
	(pc) =	sbr.rel @p0 .LBB2_7-.Ltmp2, $4  }
0x14a: {  	v27 =	vmul.f32 v30, v23;
	v28, _, _ =	vpop (xrf2);
	v24 =	vld [tilespmem:s11+$0x70];
	v30 =	vmul.f32 $1.442695020e+00, v20  }
0x14b: {  	v21 =	vld [tilespmem:s26+$0xFFFFFFD0];
	v23 =	vmul.f32 v25, v26;
	v25 =	vmax.f32 v28, $-5.000000000e+00;
	v26 =	vbroadcast v14, $0xF  }
0x14c: {  	[tilespmem:s21+$0xFFFFFFD0] =	vst v27;
	v20 =	vld [tilespmem:s26+$0x50];
	v14 =	vmin.f32 v25, $5.000000000e+00;
	(xrf2) =	vadd.scan.msk.f32 $0xffff, v27;
	v25 =	vbroadcast v30, $0xF  }
0x14d: {  	s7 =	sadd.s32 $0x100, s7;
	[tilespmem:s21+$0x10] =	vst v23;
	v28 =	vmul.f32 $1.442695020e+00, v14;
	v27 =	vmul.f32 v32, v31;
	v29, _, _ =	vpop (xrf2);
	v14 =	vld [tilespmem:s25+$0x70];
	s25 =	smov.u32 s20;
	s20 =	smov.u32 s26  }
0x14e: {  	_ = 	snop  }
0x14f: {  	v27 =	vmul.f32 v24, v27;
	_ =	sdelay $0x1  }
0x150: {  	(xrf2) =	vadd.scan.msk.f32 $0xffff, v27;
	_ =	sdelay $0x1  }
0x151: {  	v28 =	vbroadcast v28, $0xF  }
0x152: {  	v24 =	vpop (erf);
	(xrf2) =	vadd.scan.msk.f32 $0xffff, v23  }
0x153: {  	(erf) = vpow2.f32 v26;
	v23 =	vmax.f32 v29, $-5.000000000e+00;
	v29 =	vmul.f32 v24, v17;
	v26, _, _ =	vpop (xrf2)  }
0x154: {  	v17 =	vpop (erf);
	(erf) = vpow2.f32 v28;
	v23 =	vmin.f32 v23, $5.000000000e+00;
	v26 =	vmax.f32 v26, $-5.000000000e+00  }
0x155: {  	v16 =	vmul.f32 v17, v16;
	v23 =	vmul.f32 $1.442695020e+00, v23;
	v26 =	vmin.f32 v26, $5.000000000e+00;
	v28, _, _ =	vpop (xrf2)  }
0x156: {  	(erf) = vpow2.f32 v25;
	v25 =	vmul.f32 $1.442695020e+00, v26;
	v26 =	vmax.f32 v28, $-5.000000000e+00  }
0x157: {  	v23 =	vbroadcast v23, $0xF  }
0x158: {  	[tilespmem:s1+$0xFFFFFFD0] =	vst v16;
	v16 =	vmin.f32 v26, $5.000000000e+00;
	v25 =	vbroadcast v25, $0xF  }
0x159: {  	(erf) = vpow2.f32 v23;
	v16 =	vmul.f32 $1.442695020e+00, v16;
	v26, _, _ =	vpop (xrf2)  }
0x15a: {  	v23 =	vld [tilespmem:s20+$0xD0];
	(erf) = vpow2.f32 v25;
	v25 =	vmax.f32 v26, $-5.000000000e+00  }
0x15b: {  	v16 =	vbroadcast v16, $0xF;
	v25 =	vmin.f32 v25, $5.000000000e+00  }
0x15c: {  	v26, _, _ =	vpop (xrf2)  }
0x15d: {  	v28 =	vpop (erf);
	v26 =	vmax.f32 v26, $-5.000000000e+00;
	(erf) = vpow2.f32 v16  }
0x15e: {  	[tilespmem:s2+$0x30] =	vst v18;
	v16 =	vmul.f32 $1.442695020e+00, v25;
	v26 =	vmin.f32 v26, $5.000000000e+00;
	v25 =	vpop (erf)  }
0x15f: {  	[tilespmem:s1+$0xFFFFFF80] =	vst v29;
	v26 =	vmul.f32 $1.442695020e+00, v26;
	v23 =	vmul.f32 v25, v23  }
0x160: {  	[tilespmem:s21+$0x50] =	vst v19;
	v16 =	vbroadcast v16, $0xF  }
0x161: {  	v19 =	vbroadcast v26, $0xF;
	[tilespmem:s28+$0x60] =	vst v23  }
0x162: {  	v30 =	vld [tilespmem:s9+$0xFFFFFFB0];
	(erf) = vpow2.f32 v16;
	v29 =	vpop (erf)  }
0x163: {  	v31 =	vld [tilespmem:s10+$0x60];
	(erf) = vpow2.f32 v19;
	v26 =	vpop (erf)  }
0x164: {  	v32 =	vld [tilespmem:s20+$0xA0];
	v23 =	vpop (erf)  }
0x165: {  	v33 =	vld [tilespmem:s25+$0xFFFFFF30];
	v19 =	vmul.f32 v23, v22  }
0x166: {  	v34 =	vld [tilespmem:s21+$0x60];
	v16 =	vpop (erf)  }
0x167: {  	v35 =	vld [tilespmem:s25+$0xFFFFFFB0];
	[tilespmem:s28+$0xFFFFFF70] =	vst v19;
	v19 =	vmul.f32 v16, v21  }
0x168: {  	v36 =	vld [tilespmem:s10+$0xFFFFFFA0]  }
0x169: {  	v37 =	vld [tilespmem:s20+$0xFFFFFF20];
	[tilespmem:s28+$0xFFFFFFC0] =	vst v19  }
0x16a: {  	v38 =	vld [tilespmem:s10+$0xFFFFFFE0]  }
0x16b: {  	v31 =	vmul.f32 v32, v31;
	v39 =	vld [tilespmem:s20+$0xFFFFFFA0];
	v21 =	vpop (erf)  }
0x16c: {  	v63 =	vld [tilespmem:s21+$0xFFFFFFA0];
	v19 =	vpop (erf)  }
0x16d: {  	v31 =	vmul.f32 v34, v31;
	v40 =	vld [tilespmem:s21+$0xFFFFFFE0];
	v20 =	vmul.f32 v19, v20  }
0x16e: {  	v42 =	vld [tilespmem:s11+$0xFFFFFFB0];
	(xrf2) =	vadd.scan.msk.f32 $0xffff, v18  }
0x16f: {  	v22 =	vld [tilespmem:s9+$0xFFFFFFF0];
	(xrf2) =	vadd.scan.msk.f32 $0xffff, v31;
	v18 =	vmul.f32 v37, v36;
	[tilespmem:s18+$0x10] =	vst v20  }
0x170: {  	v20 =	vmul.f32 v39, v38;
	v43 =	vld [tilespmem:s10+$0x20]  }
0x171: {  	v32 =	vmul.f32 v63, v18;
	v44 =	vld [tilespmem:s20+$0x20]  }
0x172: {  	v18 =	vld [tilespmem:s11+$0xFFFFFFF0];
	v38 =	vmul.f32 v40, v20;
	v20 =	vmul.f32 v33, v30  }
0x173: {  	v45 =	vld [tilespmem:s21+$0x20]  }
0x174: {  	v22 =	vmul.f32 v35, v22;
	(xrf2) =	vadd.scan.msk.f32 $0xffff, v32;
	v20 =	vmul.f32 v42, v20  }
0x175: {  	(xrf2) =	vadd.scan.msk.f32 $0xffff, v38  }
0x176: {  	v30 =	vmul.f32 v44, v43;
	(xrf2) =	vadd.scan.msk.f32 $0xffff, v20  }
0x177: {  	v18 =	vmul.f32 v18, v22  }
0x178: {  	v22, _, _ =	vpop (xrf2);
	v30 =	vmul.f32 v45, v30  }
0x179: {  	v46, _, _ =	vpop (xrf2);
	v22 =	vmax.f32 v22, $-5.000000000e+00;
	(xrf2) =	vadd.scan.msk.f32 $0xffff, v18  }
0x17a: {  	v22 =	vmin.f32 v22, $5.000000000e+00;
	v33 =	vmax.f32 v46, $-5.000000000e+00;
	(xrf2) =	vadd.scan.msk.f32 $0xffff, v30  }
0x17b: {  	v22 =	vmul.f32 $1.442695020e+00, v22;
	v33 =	vmin.f32 v33, $5.000000000e+00  }
0x17c: {  	v33 =	vmul.f32 $1.442695020e+00, v33  }
0x17d: {  	v22 =	vbroadcast v22, $0xF  }
0x17e: {  	v33 =	vbroadcast v33, $0xF;
	v47, _, _ =	vpop (xrf2)  }
0x17f: {  	(erf) = vpow2.f32 v22;
	v34 =	vmax.f32 v47, $-5.000000000e+00;
	v48, _, _ =	vpop (xrf2)  }
0x180: {  	(erf) = vpow2.f32 v33;
	v34 =	vmin.f32 v34, $5.000000000e+00;
	v35 =	vmax.f32 v48, $-5.000000000e+00;
	v51, _, _ =	vpop (xrf2)  }
0x181: {  	v22 =	vmul.f32 $1.442695020e+00, v34;
	v49 =	vmin.f32 v35, $5.000000000e+00;
	v34 =	vmax.f32 v51, $-5.000000000e+00  }
0x182: {  	v50 =	vmul.f32 $1.442695020e+00, v49;
	v34 =	vmin.f32 v34, $5.000000000e+00  }
0x183: {  	v52, _, _ =	vpop (xrf2);
	v34 =	vmul.f32 $1.442695020e+00, v34  }
0x184: {  	v22 =	vbroadcast v22, $0xF;
	v35 =	vmax.f32 v52, $-5.000000000e+00;
	v33 =	vbroadcast v50, $0xF;
	v53, _, _ =	vpop (xrf2)  }
0x185: {  	v35 =	vmin.f32 v35, $5.000000000e+00;
	v36 =	vmax.f32 v53, $-5.000000000e+00;
	v34 =	vbroadcast v34, $0xF  }
0x186: {  	v55 =	vld [tilespmem:s20+$0xE0];
	(erf) = vpow2.f32 v22;
	v22 =	vmul.f32 $1.442695020e+00, v35;
	v54 =	vmin.f32 v36, $5.000000000e+00  }
0x187: {  	v15 =	vmul.f32 v26, v15;
	v35 =	vmul.f32 $1.442695020e+00, v54  }
0x188: {  	(erf) = vpow2.f32 v33;
	v22 =	vbroadcast v22, $0xF  }
0x189: {  	[tilespmem:s1+$0x20] =	vst v15;
	(erf) = vpow2.f32 v34;
	v56 =	vbroadcast v35, $0xF;
	v34 =	vpop (erf)  }
0x18a: {  	v57 =	vld [tilespmem:s9+$0x30];
	(erf) = vpow2.f32 v22;
	v58 =	vpop (erf)  }
0x18b: {  	v15 =	vld [tilespmem:s20+$0xFFFFFF60];
	(erf) = vpow2.f32 v56;
	v22 =	vmul.f32 v58, v55  }
0x18c: {  	v41 =	vld [tilespmem:s25+$0x30];
	[tilespmem:s21+$0x60] =	vst v31  }
0x18d: {  	v59 =	vld [tilespmem:s20+$0xFFFFFFE0];
	[tilespmem:s18+$0x70] =	vst v22  }
0x18e: {  	v60 =	vld [tilespmem:s10+$0x70]  }
0x18f: {  	v61 =	vpop (erf);
	v62 =	vld [tilespmem:s20+$0xB0]  }
0x190: {  	v31 =	vld [tilespmem:s20+$0x60];
	v22 =	vmul.f32 v61, v15  }
0x191: {  	[tilespmem:s21+$0xFFFFFFA0] =	vst v32;
	v15 =	vpop (erf);
	v63 =	vld [tilespmem:s21+$0x70]  }
0x192: {  	v43 =	vld [tilespmem:s11+$0x30];
	[tilespmem:s18+$0xFFFFFF80] =	vst v22;
	v42 =	vpop (erf)  }
0x193: {  	v33 =	vmul.f32 v15, v59;
	v47 =	vld [tilespmem:s10+$0xFFFFFFB0];
	v44 =	vpop (erf)  }
0x194: {  	[tilespmem:s21+$0xFFFFFFE0] =	vst v38;
	v48 =	vld [tilespmem:s20+$0xFFFFFF30];
	v36 =	vmul.f32 v62, v60;
	v22 =	vpop (erf)  }
0x195: {  	v35 =	vmul.f32 v41, v57;
	v51 =	vld [tilespmem:s21+$0xFFFFFFB0];
	[tilespmem:s18+$0xFFFFFFD0] =	vst v33;
	v31 =	vmul.f32 v22, v31  }
0x196: {  	[tilespmem:s21+$0x20] =	vst v30;
	v30 =	vld [tilespmem:s10+$0xFFFFFFF0];
	v32 =	vmul.f32 v63, v36  }
0x197: {  	v35 =	vmul.f32 v43, v35;
	[tilespmem:s18+$0x20] =	vst v31;
	v31 =	vld [tilespmem:s20+$0xFFFFFFB0]  }
0x198: {  	v52 =	vld [tilespmem:s21+$0xFFFFFFF0];
	(xrf2) =	vadd.scan.msk.f32 $0xffff, v32  }
0x199: {  	v49 =	vld [tilespmem:s10+$0x30];
	(xrf2) =	vadd.scan.msk.f32 $0xffff, v35  }
0x19a: {  	v50 =	vld [tilespmem:s20+$0x30]  }
0x19b: {  	v33 =	vmul.f32 v48, v47  }
0x19c: {  	v53 =	vld [tilespmem:s21+$0x30];
	v30 =	vmul.f32 v31, v30  }
0x19d: {  	v31 =	vmul.f32 v51, v33  }
0x19e: {  	v30 =	vmul.f32 v52, v30  }
0x19f: {  	v12 =	vmul.f32 v28, v12;
	v54 =	vmul.f32 v50, v49;
	(xrf2) =	vadd.scan.msk.f32 $0xffff, v31  }
0x1a0: {  	(xrf2) =	vadd.scan.msk.f32 $0xffff, v30  }
0x1a1: {  	v3 =	vsel vm3, v3, v28;
	v33 =	vmul.f32 v53, v54  }
0x1a2: {  	[tilespmem:s23+$0xFFFFFFA0] =	vst v3;
	v3 =	vmul.f32 v29, v7;
	v55 =	vld [tilespmem:s25+$0xF0];
	v56, _, _ =	vpop (xrf2)  }
0x1a3: {  	[tilespmem:s23+$0xFFFFFF90] =	vst v12;
	(xrf2) =	vadd.scan.msk.f32 $0xffff, v33;
	v28 =	vmax.f32 v56, $-5.000000000e+00;
	v12, _, _ =	vpop (xrf2)  }
0x1a4: {  	[tilespmem:s23+$0xFFFFFFE0] =	vst v3;
	v7 =	vmin.f32 v28, $5.000000000e+00;
	v3 =	vmax.f32 v12, $-5.000000000e+00  }
0x1a5: {  	v2 =	vsel vm3, v2, v29;
	v7 =	vmul.f32 $1.442695020e+00, v7;
	v3 =	vmin.f32 v3, $5.000000000e+00  }
0x1a6: {  	[tilespmem:s23+$0xFFFFFFF0] =	vst v2;
	v13 =	vsel vm3, v13, v21;
	v3 =	vmul.f32 $1.442695020e+00, v3  }
0x1a7: {  	[tilespmem:s11+$0x70] =	vst v27;
	v2 =	vmul.f32 v21, v55;
	v7 =	vbroadcast v7, $0xF  }
0x1a8: {  	[tilespmem:s1+$0x90] =	vst v13;
	v3 =	vbroadcast v3, $0xF  }
0x1a9: {  	[tilespmem:s1+$0x80] =	vst v2;
	v2 =	vld [tilespmem:s25+$0xFFFFFFF0];
	(erf) = vpow2.f32 v7;
	v7 =	vmul.f32 v34, v14;
	v13, _, _ =	vpop (xrf2)  }
0x1aa: {  	v13 =	vmax.f32 v13, $-5.000000000e+00;
	v14, _, _ =	vpop (xrf2)  }
0x1ab: {  	(erf) = vpow2.f32 v3;
	[tilespmem:s23+$0x30] =	vst v7;
	v3 =	vmin.f32 v13, $5.000000000e+00;
	v7 =	vmax.f32 v14, $-5.000000000e+00  }
0x1ac: {  	v1 =	vsel vm3, v1, v34;
	v3 =	vmul.f32 $1.442695020e+00, v3;
	v7 =	vmin.f32 v7, $5.000000000e+00  }
0x1ad: {  	v8 =	vsel vm2, v8, v24;
	[tilespmem:s23+$0x40] =	vst v1;
	v1 =	vld [tilespmem:s25+$0x70];
	v13, _, _ =	vpop (xrf2);
	v7 =	vmul.f32 $1.442695020e+00, v7  }
0x1ae: {  	[tilespmem:s11+$0x30] =	vst v35;
	v2 =	vmul.f32 v44, v2;
	v14 =	vld [tilespmem:s20+$0xF0];
	v13 =	vmax.f32 v13, $-5.000000000e+00;
	v3 =	vbroadcast v3, $0xF  }
0x1af: {  	v8 =	vsel vm3, v8, v42;
	v12 =	vld [tilespmem:s25+$0xFFFFFF70];
	[tilespmem:s11+$0xFFFFFFB0] =	vst v20;
	v13 =	vmin.f32 v13, $5.000000000e+00;
	v7 =	vbroadcast v7, $0xF  }
0x1b0: {  	v10 =	vsel vm2, v10, v17;
	[tilespmem:s1+$0xFFFFFFA0] =	vst v8;
	v8 =	vmul.f32 $1.442695020e+00, v13;
	(erf) = vpow2.f32 v3  }
0x1b1: {  	[tilespmem:s11+$0xFFFFFFF0] =	vst v18;
	v3 =	vsel vm3, v10, v44  }
0x1b2: {  	[tilespmem:s1+$0xFFFFFFE0] =	vst v2;
	v2 =	vpop (erf);
	(erf) = vpow2.f32 v7;
	v7 =	vbroadcast v8, $0xF;
	v8 =	vsel vm1, v11, v25  }
0x1b3: {  	[tilespmem:s1+$0xFFFFFFF0] =	vst v3;
	v3 =	vmul.f32 v2, v14;
	v8 =	vsel vm2, v8, v58  }
0x1b4: {  	v12 =	vmul.f32 v42, v12;
	[tilespmem:s21+$0x70] =	vst v32;
	v2 =	vsel vm3, v8, v2  }
0x1b5: {  	(erf) = vpow2.f32 v7;
	[tilespmem:s18+$0x90] =	vst v2;
	v2 =	vld [tilespmem:s20+$0xFFFFFF70]  }
0x1b6: {  	v6 =	vsel vm2, v6, v26;
	[tilespmem:s1+$0xFFFFFF90] =	vst v12  }
0x1b7: {  	[tilespmem:s18+$0x80] =	vst v3;
	v3 =	vpop (erf)  }
0x1b8: {  	v7 =	vld [tilespmem:s20+$0xFFFFFFF0];
	[tilespmem:s21+$0xFFFFFFF0] =	vst v30;
	v1 =	vmul.f32 v3, v1;
	v3 =	vsel vm3, v6, v3  }
0x1b9: {  	[tilespmem:s1+$0x40] =	vst v3;
	v6 =	vpop (erf)  }
0x1ba: {  	v3 =	vld [tilespmem:s20+$0x70];
	[tilespmem:s1+$0x30] =	vst v1;
	v1 =	vsel vm1, v9, v23;
	v2 =	vmul.f32 v6, v2  }
0x1bb: {  	[tilespmem:s21+$0xFFFFFFB0] =	vst v31;
	v1 =	vsel vm2, v1, v61  }
0x1bc: {  	[tilespmem:s21+$0x30] =	vst v33;
	v1 =	vsel vm3, v1, v6;
	v6 =	vpop (erf)  }
0x1bd: {  	v5 =	vsel vm1, v5, v16;
	[tilespmem:s18+$0xFFFFFFA0] =	vst v1;
	v1 =	vmul.f32 v6, v7  }
0x1be: {  	v5 =	vsel vm2, v5, v15;
	[tilespmem:s18+$0xFFFFFF90] =	vst v2;
	v2 =	vpop (erf)  }
0x1bf: {  	v5 =	vsel vm3, v5, v6;
	[tilespmem:s18+$0xFFFFFFE0] =	vst v1;
	v1 =	vmul.f32 v2, v3  }
0x1c0: {  	[tilespmem:s18+$0xFFFFFFF0] =	vst v5  }
0x1c1: {  	s26 =	smul.u32 $0xF0, s19;
	v4 =	vsel vm1, v4, v19;
	[tilespmem:s18+$0x30] =	vst v1  }
0x1c2: {  	v3 =	vsel vm2, v4, v22;
	s1 =	rddreg [dreg:$0x7]  }
0x1c3: {  	p0 =	seq.s32 s19, $0x0;
	v2 =	vsel vm3, v3, v2;
	s1 =	sadd.s32 s1, s26  }
0x1c4: {  	s2 =	simm.s32 @!p0 $0x6;
	[tilespmem:s18+$0x40] =	vst v2;
	s1 =	sshll.u32 s1, $0x7  }
0x1c5: {  	_ =	swait.ge @!p0 [sflag:s2], $0x1400;
	s1 =	sor.u32 s12, s1  }
0x1c6: {  	[sflag:s2] =	ssyncset.done @!p0 $0x0;
	s1 =	sshrl.u32 s1, $0x3  }
0x1c7: {  	[sflag:s2] =	ssyncadd.s32 @!p0 $0xFFFFEC00;
	s1 =	sadd.s32 s16, s1  }
0x1c8: {  	[hbm4b:s1+s14] =	stream.strided.scatter [tilespmem:s31], [sflag:$0x4], $0x1400, s17, s14, $0x38;
	[tilespmem:$0x1CE30] =	vst v63  }
0x1c9: {  	s21 =	simm.s32 $0xF0;
	s20 =	rddreg [dreg:$0x3]  }
0x1ca: {  	[spmem:s20] =	stream.indirect.scatter.add.f32 [tilespmem:s29], [sflag:$0x8], $0x50, s21, s3, $0xb8;
	[tilespmem:$0x1CE30] =	vst v63  }
0x1cb: {  	_ =	swait.ge [sflag:s30], $0x1900  }
0x1cc: {  	[sflag:s30] =	ssyncset.done $0x0  }
0x1cd: {  	s1 =	simm.s32 @!p0 $0x7;
	[sflag:s30] =	ssyncadd.s32 $0xFFFFE700  }
0x1ce: {  	_ =	swait.ge @!p0 [sflag:s1], $0x50  }
0x1cf: {  	[sflag:s1] =	ssyncset.done @!p0 $0x0  }
0x1d0: {  	[sflag:s1] =	ssyncadd.s32 @!p0 $0xFFFFFFB0  }
0x1d1: {  	s5 =	simm.s32 $0x15E0;
	s7 =	simm.s32 $0x65E0;
	_ =	swait.ge @!p0 [sflag:s1], $0x50  }
0x1d2: {  	s25 =	simm.s32 $0x140;
	[sflag:s1] =	ssyncset.done @!p0 $0x0;
	s9 =	rddreg [dreg:$0xa]  }
0x1d3: {  	s23 =	rddreg [dreg:$0xd];
	[sflag:s1] =	ssyncadd.s32 @!p0 $0xFFFFFFB0;
	s1 =	sadd.s32 s26, s9  }
0x1d4: {  	[tilespmem:s5], [sflag:$0x2] =	stream.indirect.gather [hbm4b:s23+s3], $0x40, s25, s3, $0xb8;
	[tilespmem:$0x1CE30] =	vst v63  }
0x1d5: {  	s15 =	simm.s32 $0xC9E0;
	s6 =	rddreg [dreg:$0xe];
	s1 =	sshll.u32 s1, $0x7  }
0x1d6: {  	s28 =	smul.u32 $0x3, s19;
	s10 =	rddreg [dreg:$0x10];
	s1 =	sor.u32 s12, s1  }
0x1d7: {  	[tilespmem:s7], [sflag:$0x2] =	stream.indirect.gather [hbm4b:s6+s3], $0x80, s3, s3, $0xb8;
	[tilespmem:$0x1CE30] =	vst v63  }
0x1d8: {  	s11 =	rddreg [dreg:$0x2];
	s23 =	sshrl.u32 s1, $0x3;
	s1 =	sadd.s32 s28, s10  }
0x1d9: {  	s18 =	rddreg [dreg:$0x5];
	s2 =	sadd.s32 s11, s23;
	s1 =	smul.u32 $0xA, s1  }
0x1da: {  	[tilespmem:s15], [sflag:$0x2] =	stream.strided.gather [hbm4b:s2+s14], $0x1400, s17, s14, $0x38;
	[tilespmem:$0x1CE30] =	vst v63  }
0x1db: {  	s20 =	simm.s32 $0xA0;
	s21 =	rddreg [dreg:$0x6];
	s2 =	sadd.s32 s18, s1  }
0x1dc: {  	[tilespmem:s20], [sflag:$0x7] =	stream.linear.gather [hbm4b:s2+s4], $0x50, $0x38;
	[tilespmem:$0x1CE30] =	vst v63  }
0x1dd: {  	s25 =	simm.s32 $0x190;
	s1 =	sadd.s32 s21, s1  }
0x1de: {  	[tilespmem:s25], [sflag:$0x7] =	stream.linear.gather [hbm4b:s1+s4], $0x50, $0x38;
	[tilespmem:$0x1CE30] =	vst v63  }
0x1df: {  	_ =	swait.ge [sflag:s13], $0x1400  }
0x1e0: {  	[sflag:s13] =	ssyncset.done $0x0  }
0x1e1: {  	[sflag:s13] =	ssyncadd.s32 $0xFFFFEC00  }
0x1e2: {  	_ =	swait.ge [sflag:s13], $0x2800  }
0x1e3: {  	[sflag:s13] =	ssyncset.done $0x0  }
0x1e4: {  	[sflag:s13] =	ssyncadd.s32 $0xFFFFD800  }
0x1e5: {  	_ =	swait.ge [sflag:s13], $0x1400  }
0x1e6: {  	[sflag:s13] =	ssyncset.done $0x0  }
0x1e7: {  	s6 =	simm.s32 $0x16D0;
	[sflag:s13] =	ssyncadd.s32 $0xFFFFEC00  }
0x1e8: {  	s5 =	simm.s32 $0x67D0;
	v1 =	vld [tilespmem:s6+$0xFFFFFFD0]  }
0x1e9: {  	v2 =	vld [tilespmem:s5+$0xFFFFFF90]  }
0x1ea: {  	s2 =	simm.s32 $0xCAD0  }
0x1eb: {  	v3 =	vld [tilespmem:s2+$0xFFFFFFD0];
	_ =	sdelay $0x2  }
0x1ec: {  	v1 =	vmul.f32 v2, v1;
	_ =	sdelay $0x1  }
0x1ed: {  	v2 =	vmul.f32 v3, v1;
	_ =	sdelay $0x1  }
0x1ee: {  	(xrf2) =	vadd.scan.msk.f32 $0xffff, v2  }
0x1ef: {  	v1 =	vld [tilespmem:s5+$0xFFFFFE10]  }
0x1f0: {  	v3 =	vld [tilespmem:s6+$0xFFFFFF10];
	_ =	sdelay $0x1  }
0x1f1: {  	v4 =	vld [tilespmem:s2+$0xFFFFFF10];
	_ =	sdelay $0x2  }
0x1f2: {  	v1 =	vmul.f32 v1, v3  }
0x1f3: {  	v5 =	vld [tilespmem:s6+$0xFFFFFF50]  }
0x1f4: {  	v6 =	vld [tilespmem:s5+$0xFFFFFE90];
	v4 =	vmul.f32 v4, v1  }
0x1f5: {  	v7 =	vld [tilespmem:s6+$0xFFFFFF90];
	v8, _, _ =	vpop (xrf2)  }
0x1f6: {  	v9 =	vld [tilespmem:s2+$0xFFFFFF50];
	(xrf2) =	vadd.scan.msk.f32 $0xffff, v4;
	v1 =	vmax.f32 v8, $-5.000000000e+00  }
0x1f7: {  	v3 =	vld [tilespmem:s5+$0xFFFFFF10];
	v1 =	vmin.f32 v1, $5.000000000e+00  }
0x1f8: {  	v1 =	vmul.f32 $1.442695020e+00, v1  }
0x1f9: {  	v5 =	vmul.f32 v6, v5;
	v8 =	vld [tilespmem:s2+$0xFFFFFF90]  }
0x1fa: {  	v1 =	vbroadcast v1, $0xF  }
0x1fb: {  	v5 =	vmul.f32 v9, v5  }
0x1fc: {  	v3 =	vmul.f32 v3, v7;
	(erf) = vpow2.f32 v1  }
0x1fd: {  	(xrf2) =	vadd.scan.msk.f32 $0xffff, v5  }
0x1fe: {  	v6 =	vmul.f32 v8, v3;
	_ =	sdelay $0x1  }
0x1ff: {  	(xrf2) =	vadd.scan.msk.f32 $0xffff, v6;
	v1, _, _ =	vpop (xrf2)  }
0x200: {  	v3 =	vld [tilespmem:s5+$0xFFFFFFD0];
	v1 =	vmax.f32 v1, $-5.000000000e+00  }
0x201: {  	v1 =	vmin.f32 v1, $5.000000000e+00;
	_ =	sdelay $0x2  }
0x202: {  	v7 =	vmul.f32 $1.442695020e+00, v1;
	v1 =	vpop (erf)  }
0x203: {  	v3 =	vmul.f32 v1, v3  }
0x204: {  	s25 =	simm.s32 $0xF280;
	[tilespmem:s2+$0xFFFFFFD0] =	vst v2;
	v8, _, _ =	vpop (xrf2);
	v7 =	vbroadcast v7, $0xF  }
0x205: {  	v2 =	vmax.f32 v8, $-5.000000000e+00;
	[tilespmem:s25+$0x50] =	vst v3  }
0x206: {  	v2 =	vmin.f32 v2, $5.000000000e+00;
	(erf) = vpow2.f32 v7;
	v7 =	vld [tilespmem:s6+$0xFFFFFFE0]  }
0x207: {  	v2 =	vmul.f32 $1.442695020e+00, v2;
	v8 =	vld [tilespmem:s5+$0xFFFFFFA0];
	v3, _, _ =	vpop (xrf2)  }
0x208: {  	v3 =	vmax.f32 v3, $-5.000000000e+00  }
0x209: {  	v2 =	vbroadcast v2, $0xF;
	v3 =	vmin.f32 v3, $5.000000000e+00  }
0x20a: {  	v3 =	vmul.f32 $1.442695020e+00, v3  }
0x20b: {  	(erf) = vpow2.f32 v2;
	v9 =	vld [tilespmem:s2+$0xFFFFFFE0]  }
0x20c: {  	v10 =	vld [tilespmem:s5+$0xFFFFFE50];
	v2 =	vbroadcast v3, $0xF;
	v3 =	vmul.f32 v8, v7;
	_ =	sdelay $0x3  }
0x20d: {  	(erf) = vpow2.f32 v2;
	v7 =	vmul.f32 v9, v3;
	v2 =	vld [tilespmem:s5+$0xFFFFFED0];
	v3 =	vpop (erf)  }
0x20e: {  	v8 =	vmul.f32 v3, v10  }
0x20f: {  	[tilespmem:s2+$0xFFFFFF10] =	vst v4;
	(xrf2) =	vadd.scan.msk.f32 $0xffff, v7  }
0x210: {  	v9 =	vld [tilespmem:s5+$0xFFFFFF50];
	[tilespmem:s25+$0xFFFFFF60] =	vst v8  }
0x211: {  	v4 =	vpop (erf);
	v8 =	vld [tilespmem:s6+$0xFFFFFF20]  }
0x212: {  	v11 =	vmul.f32 v4, v2;
	v10 =	vld [tilespmem:s5+$0xFFFFFE20]  }
0x213: {  	[tilespmem:s2+$0xFFFFFF50] =	vst v5  }
0x214: {  	v5 =	vld [tilespmem:s2+$0xFFFFFF20];
	[tilespmem:s25+$0xFFFFFFB0] =	vst v11  }
0x215: {  	[tilespmem:s2+$0xFFFFFF90] =	vst v6;
	v6 =	vld [tilespmem:s6+$0xFFFFFF60]  }
0x216: {  	v11 =	vld [tilespmem:s5+$0xFFFFFEA0];
	v2 =	vpop (erf)  }
0x217: {  	v9 =	vmul.f32 v2, v9;
	v8 =	vmul.f32 v10, v8  }
0x218: {  	s9 =	simm.s32 $0x17D0;
	v12 =	vld [tilespmem:s2+$0xFFFFFF60]  }
0x219: {  	v13 =	vld [tilespmem:s9+$0xFFFFFFD0];
	[tilespmem:s25+$0x0] =	vst v9;
	v10, _, _ =	vpop (xrf2);
	v8 =	vmul.f32 v5, v8  }
0x21a: {  	v9 =	vld [tilespmem:s6+$0xFFFFFFA0];
	v5 =	vmax.f32 v10, $-5.000000000e+00  }
0x21b: {  	s21 =	simm.s32 $0x69D0;
	v10 =	vld [tilespmem:s5+$0xFFFFFF20];
	v6 =	vmul.f32 v11, v6;
	v5 =	vmin.f32 v5, $5.000000000e+00;
	(xrf2) =	vadd.scan.msk.f32 $0xffff, v8  }
0x21c: {  	v11 =	vld [tilespmem:s21+$0xFFFFFF90];
	v5 =	vmul.f32 $1.442695020e+00, v5  }
0x21d: {  	s11 =	simm.s32 $0xCBD0;
	v14 =	vld [tilespmem:s2+$0xFFFFFFA0];
	v6 =	vmul.f32 v12, v6  }
0x21e: {  	v12 =	vld [tilespmem:s11+$0xFFFFFFD0];
	v5 =	vbroadcast v5, $0xF  }
0x21f: {  	(xrf2) =	vadd.scan.msk.f32 $0xffff, v6  }
0x220: {  	(erf) = vpow2.f32 v5;
	v5 =	vmul.f32 v10, v9  }
0x221: {  	v16 =	vld [tilespmem:s21+$0xFFFFFE90];
	v10 =	vmul.f32 v11, v13  }
0x222: {  	v9 =	vld [tilespmem:s21+$0xFFFFFE10];
	v11 =	vmul.f32 v14, v5  }
0x223: {  	v14 =	vld [tilespmem:s9+$0xFFFFFF10];
	v15 =	vmul.f32 v12, v10  }
0x224: {  	v13 =	vld [tilespmem:s9+$0xFFFFFF50];
	(xrf2) =	vadd.scan.msk.f32 $0xffff, v11  }
0x225: {  	v12 =	vld [tilespmem:s11+$0xFFFFFF10];
	(xrf2) =	vadd.scan.msk.f32 $0xffff, v15;
	v5, _, _ =	vpop (xrf2)  }
0x226: {  	v10 =	vld [tilespmem:s5+$0xFFFFFFE0];
	v5 =	vmax.f32 v5, $-5.000000000e+00  }
0x227: {  	v17 =	vld [tilespmem:s9+$0xFFFFFF90];
	v5 =	vmin.f32 v5, $5.000000000e+00  }
0x228: {  	v19 =	vld [tilespmem:s11+$0xFFFFFF50];
	v9 =	vmul.f32 v9, v14;
	v18 =	vmul.f32 $1.442695020e+00, v5  }
0x229: {  	v14 =	vld [tilespmem:s21+$0xFFFFFF10];
	v20, _, _ =	vpop (xrf2)  }
0x22a: {  	v9 =	vmul.f32 v12, v9;
	v5 =	vpop (erf);
	v18 =	vbroadcast v18, $0xF  }
0x22b: {  	[tilespmem:s2+$0xFFFFFFE0] =	vst v7;
	v7 =	vmax.f32 v20, $-5.000000000e+00;
	v12 =	vmul.f32 v16, v13;
	v13 =	vld [tilespmem:s11+$0xFFFFFF90];
	v10 =	vmul.f32 v5, v10  }
0x22c: {  	v7 =	vmin.f32 v7, $5.000000000e+00;
	(erf) = vpow2.f32 v18  }
0x22d: {  	v7 =	vmul.f32 $1.442695020e+00, v7;
	[tilespmem:s25+$0x60] =	vst v10  }
0x22e: {  	(xrf2) =	vadd.scan.msk.f32 $0xffff, v9;
	v19 =	vmul.f32 v19, v12;
	v14 =	vmul.f32 v14, v17;
	v16, _, _ =	vpop (xrf2);
	v10 =	vld [tilespmem:s6+$0xFFFFFFF0]  }
0x22f: {  	v7 =	vbroadcast v7, $0xF;
	v12 =	vld [tilespmem:s5+$0xFFFFFFB0];
	v16 =	vmax.f32 v16, $-5.000000000e+00;
	v17, _, _ =	vpop (xrf2)  }
0x230: {  	(xrf2) =	vadd.scan.msk.f32 $0xffff, v19;
	v13 =	vmul.f32 v13, v14;
	v14 =	vmin.f32 v16, $5.000000000e+00;
	v16 =	vmax.f32 v17, $-5.000000000e+00  }
0x231: {  	(erf) = vpow2.f32 v7;
	v7 =	vmul.f32 $1.442695020e+00, v14;
	v14 =	vmin.f32 v16, $5.000000000e+00;
	v16 =	vld [tilespmem:s5+$0xFFFFFE60]  }
0x232: {  	v18 =	vld [tilespmem:s2+$0xFFFFFFF0];
	_ =	sdelay $0x1  }
0x233: {  	(xrf2) =	vadd.scan.msk.f32 $0xffff, v13;
	v10 =	vmul.f32 v12, v10;
	v12 =	vbroadcast v7, $0xF  }
0x234: {  	v7 =	vpop (erf)  }
0x235: {  	v16 =	vmul.f32 v7, v16  }
0x236: {  	v14 =	vmul.f32 $1.442695020e+00, v14;
	v20 =	vmul.f32 v18, v10  }
0x237: {  	v10 =	vld [tilespmem:s5+$0xFFFFFEE0];
	(erf) = vpow2.f32 v12;
	v12, _, _ =	vpop (xrf2)  }
0x238: {  	[tilespmem:s2+$0xFFFFFF20] =	vst v8;
	v14 =	vbroadcast v14, $0xF;
	(xrf2) =	vadd.scan.msk.f32 $0xffff, v20;
	v12 =	vmax.f32 v12, $-5.000000000e+00  }
0x239: {  	[tilespmem:s25+$0xFFFFFF70] =	vst v16;
	v16, _, _ =	vpop (xrf2)  }
0x23a: {  	(erf) = vpow2.f32 v14;
	v8 =	vmin.f32 v12, $5.000000000e+00;
	v16 =	vmax.f32 v16, $-5.000000000e+00  }
0x23b: {  	v22 =	vld [tilespmem:s21+$0xFFFFFED0];
	v8 =	vmul.f32 $1.442695020e+00, v8;
	v12 =	vpop (erf);
	v16 =	vmin.f32 v16, $5.000000000e+00  }
0x23c: {  	v23 =	vld [tilespmem:s21+$0xFFFFFF50];
	v10 =	vmul.f32 v12, v10;
	v16 =	vmul.f32 $1.442695020e+00, v16  }
0x23d: {  	v17 =	vld [tilespmem:s5+$0xFFFFFF60];
	[tilespmem:s2+$0xFFFFFF60] =	vst v6;
	v24, _, _ =	vpop (xrf2)  }
0x23e: {  	v18 =	vld [tilespmem:s21+$0xFFFFFFD0];
	v8 =	vbroadcast v8, $0xF;
	[tilespmem:s25+$0xFFFFFFC0] =	vst v10;
	v10 =	vmax.f32 v24, $-5.000000000e+00;
	v16 =	vbroadcast v16, $0xF  }
0x23f: {  	v14 =	vld [tilespmem:s21+$0xFFFFFE50]  }
0x240: {  	v21 =	vld [tilespmem:s6+$0xFFFFFF30];
	(erf) = vpow2.f32 v8;
	v8 =	vmin.f32 v10, $5.000000000e+00  }
0x241: {  	v6 =	vld [tilespmem:s5+$0xFFFFFE30];
	v10 =	vpop (erf)  }
0x242: {  	v25 =	vld [tilespmem:s2+$0xFFFFFF30];
	v27 =	vmul.f32 $1.442695020e+00, v8;
	(erf) = vpow2.f32 v16;
	v16, _, _ =	vpop (xrf2)  }
0x243: {  	[tilespmem:s11+$0xFFFFFFD0] =	vst v15;
	v24 =	vld [tilespmem:s6+$0xFFFFFF70];
	v8 =	vpop (erf);
	v17 =	vmul.f32 v10, v17;
	v15 =	vmax.f32 v16, $-5.000000000e+00  }
0x244: {  	[tilespmem:s2+$0xFFFFFFA0] =	vst v11;
	v26 =	vld [tilespmem:s5+$0xFFFFFEB0];
	v27 =	vbroadcast v27, $0xF;
	v29 =	vmul.f32 v8, v18;
	v15 =	vmin.f32 v15, $5.000000000e+00  }
0x245: {  	s1 =	simm.s32 $0xF3C0;
	v28 =	vld [tilespmem:s2+$0xFFFFFF70];
	[tilespmem:s25+$0x10] =	vst v17;
	v11 =	vmul.f32 $1.442695020e+00, v15  }
0x246: {  	(erf) = vpow2.f32 v27;
	[tilespmem:s1+$0x50] =	vst v29;
	v27 =	vld [tilespmem:s6+$0xFFFFFFB0]  }
0x247: {  	v6 =	vmul.f32 v6, v21;
	v29 =	vld [tilespmem:s9+$0xFFFFFFE0]  }
0x248: {  	v15 =	vld [tilespmem:s21+$0xFFFFFFA0];
	v17 =	vbroadcast v11, $0xF  }
0x249: {  	v30 =	vmul.f32 v25, v6;
	v6 =	vmul.f32 v26, v24;
	v25 =	vld [tilespmem:s5+$0xFFFFFF30];
	v11 =	vpop (erf)  }
0x24a: {  	s20 =	simm.s32 $0x6BD0;
	v24 =	vld [tilespmem:s11+$0xFFFFFFE0];
	(erf) = vpow2.f32 v17;
	v14 =	vmul.f32 v11, v14  }
0x24b: {  	v58 =	vld [tilespmem:s20+$0xFFFFFE10];
	[tilespmem:s11+$0xFFFFFF10] =	vst v9  }
0x24c: {  	v26 =	vld [tilespmem:s2+$0xFFFFFFB0];
	v21 =	vmul.f32 v28, v6;
	v9 =	vpop (erf);
	[tilespmem:s1+$0xFFFFFF60] =	vst v14  }
0x24d: {  	[tilespmem:s11+$0xFFFFFF50] =	vst v19;
	v6 =	vmul.f32 v15, v29;
	v15 =	vmul.f32 v9, v22;
	v14 =	vld [tilespmem:s9+$0xFFFFFF20]  }
0x24e: {  	[tilespmem:s11+$0xFFFFFF90] =	vst v13;
	(xrf2) =	vadd.scan.msk.f32 $0xffff, v30;
	v19 =	vld [tilespmem:s21+$0xFFFFFE20]  }
0x24f: {  	(xrf2) =	vadd.scan.msk.f32 $0xffff, v21;
	v13 =	vmul.f32 v25, v27;
	v28 =	vmul.f32 v24, v6;
	[tilespmem:s1+$0xFFFFFFB0] =	vst v15;
	v15 =	vld [tilespmem:s5+$0xFFFFFFF0]  }
0x250: {  	v59 =	vld [tilespmem:s20+$0xFFFFFE90]  }
0x251: {  	v25 =	vld [tilespmem:s11+$0xFFFFFF20];
	(xrf2) =	vadd.scan.msk.f32 $0xffff, v28  }
0x252: {  	v6 =	vpop (erf);
	v22 =	vld [tilespmem:s9+$0xFFFFFF60]  }
0x253: {  	s18 =	simm.s32 $0x18D0;
	v27 =	vmul.f32 v26, v13;
	v24 =	vld [tilespmem:s21+$0xFFFFFEA0];
	v13 =	vpop (erf)  }
0x254: {  	v60 =	vld [tilespmem:s18+$0xFFFFFF90];
	v14 =	vmul.f32 v19, v14;
	v15 =	vmul.f32 v13, v15  }
0x255: {  	[tilespmem:s2+$0xFFFFFFF0] =	vst v20;
	v19 =	vld [tilespmem:s11+$0xFFFFFF60]  }
0x256: {  	v61 =	vld [tilespmem:s20+$0xFFFFFF10];
	v23 =	vmul.f32 v6, v23;
	(xrf2) =	vadd.scan.msk.f32 $0xffff, v27;
	v31 =	vmul.f32 v25, v14;
	[tilespmem:s25+$0x70] =	vst v15  }
0x257: {  	v14 =	vld [tilespmem:s6+$0x0]  }
0x258: {  	v20, _, _ =	vpop (xrf2);
	[tilespmem:s1+$0x0] =	vst v23;
	v22 =	vmul.f32 v24, v22;
	v24 =	vld [tilespmem:s5+$0xFFFFFFC0];
	(xrf2) =	vadd.scan.msk.f32 $0xffff, v31  }
0x259: {  	v23 =	vld [tilespmem:s9+$0xFFFFFFA0];
	v15 =	vmax.f32 v20, $-5.000000000e+00;
	v20, _, _ =	vpop (xrf2)  }
0x25a: {  	v15 =	vmin.f32 v15, $5.000000000e+00;
	v20 =	vmax.f32 v20, $-5.000000000e+00;
	v33 =	vmul.f32 v19, v22;
	v22 =	vld [tilespmem:s2+$0x0]  }
0x25b: {  	v26 =	vld [tilespmem:s21+$0xFFFFFF20];
	v15 =	vmul.f32 $1.442695020e+00, v15;
	v20 =	vmin.f32 v20, $5.000000000e+00;
	v19, _, _ =	vpop (xrf2)  }
0x25c: {  	v25 =	vld [tilespmem:s18+$0xFFFFFFD0];
	v20 =	vmul.f32 $1.442695020e+00, v20;
	v19 =	vmax.f32 v19, $-5.000000000e+00  }
0x25d: {  	v15 =	vbroadcast v15, $0xF;
	(xrf2) =	vadd.scan.msk.f32 $0xffff, v33;
	v19 =	vmin.f32 v19, $5.000000000e+00;
	v14 =	vmul.f32 v24, v14;
	v24 =	vld [tilespmem:s20+$0xFFFFFF90]  }
0x25e: {  	s10 =	simm.s32 $0xCCD0;
	v29 =	vld [tilespmem:s11+$0xFFFFFFA0];
	v20 =	vbroadcast v20, $0xF;
	v57 =	vmul.f32 $1.442695020e+00, v19  }
0x25f: {  	(erf) = vpow2.f32 v15;
	v14 =	vmul.f32 v22, v14;
	v22 =	vld [tilespmem:s10+$0xFFFFFFD0]  }
0x260: {  	v63 =	vld [tilespmem:s10+$0xFFFFFF10];
	v15 =	vmul.f32 v26, v23;
	v23, _, _ =	vpop (xrf2);
	v26 =	vbroadcast v57, $0xF  }
0x261: {  	v48 =	vld [tilespmem:s10+$0xFFFFFF50];
	(erf) = vpow2.f32 v20;
	v20 =	vmax.f32 v23, $-5.000000000e+00  }
0x262: {  	v50 =	vld [tilespmem:s10+$0xFFFFFF90];
	v20 =	vmin.f32 v20, $5.000000000e+00;
	(erf) = vpow2.f32 v26;
	v23 =	vmul.f32 v24, v25;
	v24, _, _ =	vpop (xrf2)  }
0x263: {  	v45 =	vld [tilespmem:s20+$0xFFFFFFD0];
	v20 =	vmul.f32 $1.442695020e+00, v20;
	v24 =	vmax.f32 v24, $-5.000000000e+00  }
0x264: {  	v15 =	vmul.f32 v29, v15;
	v29 =	vld [tilespmem:s18+$0xFFFFFF50];
	v39 =	vmul.f32 v22, v23;
	v22 =	vmin.f32 v24, $5.000000000e+00  }
0x265: {  	(xrf2) =	vadd.scan.msk.f32 $0xffff, v14;
	v26 =	vld [tilespmem:s18+$0xFFFFFF10];
	v20 =	vbroadcast v20, $0xF  }
0x266: {  	v18 =	vld [tilespmem:s5+$0xFFFFFE70];
	(xrf2) =	vadd.scan.msk.f32 $0xffff, v15  }
0x267: {  	v62 =	vld [tilespmem:s21+$0xFFFFFFE0];
	(erf) = vpow2.f32 v20;
	v20 =	vmul.f32 $1.442695020e+00, v22;
	v22, _, _ =	vpop (xrf2);
	(xrf2) =	vadd.scan.msk.f32 $0xffff, v39  }
0x268: {  	v16 =	vld [tilespmem:s5+$0xFFFFFEF0]  }
0x269: {  	v17 =	vld [tilespmem:s5+$0xFFFFFF70];
	[tilespmem:s11+$0xFFFFFFE0] =	vst v28;
	v28 =	vmul.f32 v59, v29;
	v23 =	vpop (erf);
	v22 =	vmax.f32 v22, $-5.000000000e+00  }
0x26a: {  	v32 =	vld [tilespmem:s21+$0xFFFFFE60];
	v26 =	vmul.f32 v58, v26;
	v20 =	vbroadcast v20, $0xF;
	v25 =	vpop (erf);
	v22 =	vmin.f32 v22, $5.000000000e+00  }
0x26b: {  	[tilespmem:s2+$0xFFFFFF30] =	vst v30;
	v34 =	vld [tilespmem:s21+$0xFFFFFEE0];
	v18 =	vmul.f32 v23, v18;
	v49 =	vmul.f32 $1.442695020e+00, v22;
	v24 =	vpop (erf)  }
0x26c: {  	[tilespmem:s2+$0xFFFFFF70] =	vst v21;
	v19 =	vld [tilespmem:s21+$0xFFFFFF60];
	(erf) = vpow2.f32 v20;
	v51 =	vmul.f32 v24, v62  }
0x26d: {  	v59 =	vld [tilespmem:s5+$0x0];
	v16 =	vmul.f32 v25, v16;
	[tilespmem:s25+$0xFFFFFF80] =	vst v18;
	v30 =	vbroadcast v49, $0xF  }
0x26e: {  	v26 =	vmul.f32 v63, v26;
	v20 =	vld [tilespmem:s20+$0xFFFFFED0];
	[tilespmem:s1+$0x60] =	vst v51  }
0x26f: {  	[tilespmem:s25+$0xFFFFFFD0] =	vst v16;
	v16 =	vmul.f32 v61, v60;
	v18, _, _ =	vpop (xrf2);
	(erf) = vpow2.f32 v30;
	v54 =	vld [tilespmem:s9+$0xFFFFFFF0]  }
0x270: {  	v28 =	vmul.f32 v48, v28;
	v52 =	vmax.f32 v18, $-5.000000000e+00;
	v53, _, _ =	vpop (xrf2);
	(xrf2) =	vadd.scan.msk.f32 $0xffff, v26;
	v55 =	vld [tilespmem:s21+$0xFFFFFFB0]  }
0x271: {  	[tilespmem:s2+$0xFFFFFFB0] =	vst v27;
	v22 =	vld [tilespmem:s20+$0xFFFFFE50];
	v27 =	vmul.f32 v50, v16;
	v29 =	vmin.f32 v52, $5.000000000e+00;
	v21 =	vmax.f32 v53, $-5.000000000e+00;
	v56, _, _ =	vpop (xrf2)  }
0x272: {  	v37 =	vld [tilespmem:s5+$0xFFFFFE40];
	v40 =	vpop (erf);
	v29 =	vmul.f32 $1.442695020e+00, v29;
	v21 =	vmin.f32 v21, $5.000000000e+00;
	(xrf2) =	vadd.scan.msk.f32 $0xffff, v28;
	v38 =	vmax.f32 v56, $-5.000000000e+00  }
0x273: {  	v17 =	vmul.f32 v40, v17;
	v57 =	vld [tilespmem:s11+$0xFFFFFFF0];
	v21 =	vmul.f32 $1.442695020e+00, v21;
	(xrf2) =	vadd.scan.msk.f32 $0xffff, v27;
	v16 =	vmin.f32 v38, $5.000000000e+00  }
0x274: {  	v42 =	vld [tilespmem:s5+$0xFFFFFEC0];
	v29 =	vbroadcast v29, $0xF;
	v16 =	vmul.f32 $1.442695020e+00, v16  }
0x275: {  	v18 =	vld [tilespmem:s20+$0xFFFFFF50];
	[tilespmem:s25+$0x20] =	vst v17;
	v17 =	vbroadcast v21, $0xF;
	v58 =	vmul.f32 v55, v54;
	v38 =	vpop (erf)  }
0x276: {  	v49 =	vld [tilespmem:s2+$0xFFFFFF80];
	v21 =	vmul.f32 v38, v32;
	v16 =	vbroadcast v16, $0xF  }
0x277: {  	[tilespmem:s11+$0xFFFFFF20] =	vst v31;
	v30 =	vld [tilespmem:s6+$0xFFFFFF40];
	(erf) = vpow2.f32 v29  }
0x278: {  	v35 =	vld [tilespmem:s6+$0xFFFFFFC0];
	v36 =	vpop (erf);
	(erf) = vpow2.f32 v17;
	[tilespmem:s1+$0xFFFFFF70] =	vst v21;
	v21 =	vmul.f32 v57, v58  }
0x279: {  	v34 =	vmul.f32 v36, v34;
	(erf) = vpow2.f32 v16;
	v17 =	vld [tilespmem:s9+$0xFFFFFF30]  }
0x27a: {  	[tilespmem:s11+$0xFFFFFF60] =	vst v33;
	v60 =	vld [tilespmem:s21+$0xFFFFFE30];
	v16, _, _ =	vpop (xrf2);
	(xrf2) =	vadd.scan.msk.f32 $0xffff, v21  }
0x27b: {  	v61 =	vld [tilespmem:s11+$0xFFFFFF30];
	[tilespmem:s1+$0xFFFFFFC0] =	vst v34;
	v16 =	vmax.f32 v16, $-5.000000000e+00  }
0x27c: {  	v1 =	vnsel vm0, $0x0, v1;
	v3 =	vnsel vm0, $0x0, v3;
	v34 =	vld [tilespmem:s9+$0xFFFFFF70];
	v62, _, _ =	vpop (xrf2);
	v16 =	vmin.f32 v16, $5.000000000e+00  }
0x27d: {  	v1 =	vsel vm1, v1, v5;
	v63 =	vld [tilespmem:s21+$0xFFFFFEB0];
	v43 =	vmax.f32 v62, $-5.000000000e+00;
	v52, _, _ =	vpop (xrf2);
	v16 =	vmul.f32 $1.442695020e+00, v16  }
0x27e: {  	v3 =	vsel vm1, v3, v7;
	v31 =	vld [tilespmem:s5+$0xFFFFFF40];
	v43 =	vmin.f32 v43, $5.000000000e+00;
	v7 =	vmax.f32 v52, $-5.000000000e+00  }
0x27f: {  	v29 =	vld [tilespmem:s6+$0xFFFFFF80];
	v5 =	vmul.f32 v60, v17;
	v7 =	vmin.f32 v7, $5.000000000e+00;
	v16 =	vbroadcast v16, $0xF  }
0x280: {  	v46 =	vpop (erf);
	v47 =	vld [tilespmem:s11+$0xFFFFFF70];
	v51 =	vmul.f32 $1.442695020e+00, v43;
	v7 =	vmul.f32 $1.442695020e+00, v7  }
0x281: {  	v56 =	vld [tilespmem:s2+$0xFFFFFFC0];
	v53 =	vpop (erf);
	v5 =	vmul.f32 v61, v5;
	(erf) = vpow2.f32 v16  }
0x282: {  	v4 =	vnsel vm0, $0x0, v4;
	v54 =	vld [tilespmem:s2+$0xFFFFFF40];
	v33 =	vbroadcast v51, $0xF;
	v34 =	vmul.f32 v63, v34;
	v48 =	vpop (erf)  }
0x283: {  	v4 =	vsel vm1, v4, v12;
	v17 =	vld [tilespmem:s21+$0xFFFFFE70];
	v7 =	vbroadcast v7, $0xF;
	v12 =	vmul.f32 v48, v45  }
0x284: {  	v2 =	vnsel vm0, $0x0, v2;
	[tilespmem:s10+$0xFFFFFFD0] =	vst v39;
	s6 =	simm.s32 $0xF500;
	v16 =	vld [tilespmem:s21+$0xFFFFFEF0];
	(erf) = vpow2.f32 v33;
	v55, _, _ =	vpop (xrf2);
	(xrf2) =	vadd.scan.msk.f32 $0xffff, v5  }
0x285: {  	v34 =	vmul.f32 v47, v34;
	(erf) = vpow2.f32 v7;
	v7 =	vld [tilespmem:s5+$0xFFFFFF00];
	[tilespmem:s6+$0x50] =	vst v12;
	v33 =	vmax.f32 v55, $-5.000000000e+00  }
0x286: {  	v10 =	vsel vm1, v2, v10;
	v57 =	vld [tilespmem:s18+$0xFFFFFFE0];
	v33 =	vmin.f32 v33, $5.000000000e+00  }
0x287: {  	[tilespmem:s11+$0xFFFFFFA0] =	vst v15;
	v19 =	vmul.f32 v53, v19;
	v58 =	vld [tilespmem:s20+$0xFFFFFFA0];
	(xrf2) =	vadd.scan.msk.f32 $0xffff, v34;
	v33 =	vmul.f32 $1.442695020e+00, v33  }
0x288: {  	v8 =	vnsel vm0, $0x0, v8;
	v13 =	vsel vm2, v1, v13;
	[tilespmem:s2+$0x0] =	vst v14;
	v1 =	vmul.f32 v37, v30;
	v12 =	vld [tilespmem:s5+$0xFFFFFE80]  }
0x289: {  	v11 =	vnsel vm0, $0x0, v11;
	v2 =	vsel vm2, v4, v25;
	[tilespmem:s1+$0x10] =	vst v19;
	v19 =	vld [tilespmem:s10+$0xFFFFFFE0];
	v4 =	vbroadcast v33, $0xF  }
0x28a: {  	v3 =	vsel vm2, v3, v23;
	[tilespmem:s10+$0xFFFFFF50] =	vst v28;
	v15 =	vmul.f32 v42, v29;
	v23 =	vmul.f32 v54, v1;
	v25 =	vld [tilespmem:s9+$0xFFFFFFB0];
	v29 =	vpop (erf)  }
0x28b: {  	[tilespmem:s10+$0xFFFFFF10] =	vst v26;
	v24 =	vsel vm1, v8, v24;
	v8 =	vmul.f32 v29, v22;
	(erf) = vpow2.f32 v4;
	v4 =	vld [tilespmem:s21+$0xFFFFFF30]  }
0x28c: {  	v9 =	vnsel vm0, $0x0, v9;
	[tilespmem:s10+$0xFFFFFF90] =	vst v27;
	v1 =	vsel vm2, v10, v40;
	v26 =	vld [tilespmem:s11+$0xFFFFFFB0];
	v10 =	vmul.f32 v58, v57  }
0x28d: {  	v28 =	vmul.f32 v49, v15;
	v13 =	vsel vm3, v13, v46;
	v15 =	vld [tilespmem:s21+$0xFFFFFF70];
	(xrf2) =	vadd.scan.msk.f32 $0xffff, v23;
	v30 =	vpop (erf);
	[tilespmem:s6+$0xFFFFFF60] =	vst v8  }
0x28e: {  	[tilespmem:s25+$0x90] =	vst v13;
	v19 =	vmul.f32 v19, v10;
	v10 =	vmul.f32 v30, v20;
	v8 =	vsel vm1, v11, v38;
	v11 =	vld [tilespmem:s18+$0xFFFFFF20];
	v14, _, _ =	vpop (xrf2)  }
0x28f: {  	(xrf2) =	vadd.scan.msk.f32 $0xffff, v28;
	v22 =	vmul.f32 v31, v35;
	v20 =	vmul.f32 v46, v59;
	v27 =	vld [tilespmem:s20+$0xFFFFFE20];
	v14 =	vmax.f32 v14, $-5.000000000e+00  }
0x290: {  	v31 =	vpop (erf);
	[tilespmem:s6+$0xFFFFFFB0] =	vst v10;
	(xrf2) =	vadd.scan.msk.f32 $0xffff, v19;
	v4 =	vmul.f32 v4, v25;
	v25 =	vld [tilespmem:s21+$0xFFFFFFF0];
	v14 =	vmin.f32 v14, $5.000000000e+00  }
0x291: {  	v59 =	vmul.f32 v31, v18;
	[tilespmem:s25+$0x80] =	vst v20;
	v10 =	vsel vm1, v9, v36;
	v20 =	vld [tilespmem:s18+$0xFFFFFF60];
	v13, _, _ =	vpop (xrf2);
	v9 =	vmul.f32 $1.442695020e+00, v14  }
0x292: {  	[tilespmem:s11+$0xFFFFFF30] =	vst v5;
	v14 =	vmul.f32 v26, v4;
	v26 =	vld [tilespmem:s20+$0xFFFFFEA0];
	v4 =	vnsel vm0, $0x0, v6;
	v6 =	vmax.f32 v13, $-5.000000000e+00  }
0x293: {  	v18 =	vmul.f32 v56, v22;
	v22 =	vld [tilespmem:s10+$0xFFFFFF20];
	[tilespmem:s6+$0x0] =	vst v59;
	v60 =	vbroadcast v9, $0xF;
	v9 =	vmin.f32 v6, $5.000000000e+00  }
0x294: {  	v61 =	vld [tilespmem:s18+$0xFFFFFFA0];
	v27 =	vmul.f32 v27, v11;
	v6 =	vsel vm1, v4, v53;
	(xrf2) =	vadd.scan.msk.f32 $0xffff, v14;
	v11 =	vpop (erf);
	v4 =	vmul.f32 $1.442695020e+00, v9  }
0x295: {  	[tilespmem:s2+$0xFFFFFF80] =	vst v28;
	v62 =	vld [tilespmem:s20+$0xFFFFFF20];
	v25 =	vmul.f32 v11, v25  }
0x296: {  	[tilespmem:s11+$0xFFFFFFF0] =	vst v21;
	v21 =	vld [tilespmem:s10+$0xFFFFFF60];
	v9 =	vnsel vm0, $0x0, v29;
	(erf) = vpow2.f32 v60;
	v29 =	vbroadcast v4, $0xF  }
0x297: {  	v5 =	vnsel vm0, $0x0, v30;
	v13 =	vsel vm2, v24, v11;
	v24, _, _ =	vpop (xrf2);
	[tilespmem:s1+$0x70] =	vst v25;
	v25 =	vld [tilespmem:s10+$0xFFFFFFA0];
	v20 =	vmul.f32 v26, v20  }
0x298: {  	[tilespmem:s11+$0xFFFFFF70] =	vst v34;
	v24 =	vmax.f32 v24, $-5.000000000e+00;
	v26 =	vmul.f32 v22, v27;
	v30 =	vld [tilespmem:s9+$0x0];
	(erf) = vpow2.f32 v29  }
0x299: {  	[tilespmem:s2+$0xFFFFFF40] =	vst v23;
	v4 =	vnsel vm0, $0x0, v31;
	v23 =	vmin.f32 v24, $5.000000000e+00;
	v22, _, _ =	vpop (xrf2);
	v27 =	vld [tilespmem:s21+$0xFFFFFFC0]  }
0x29a: {  	v28 =	vmul.f32 $1.442695020e+00, v23;
	v23 =	vmax.f32 v22, $-5.000000000e+00;
	v22 =	vld [tilespmem:s20+$0xFFFFFE60];
	v29 =	vmul.f32 v62, v61;
	v31, _, _ =	vpop (xrf2);
	(xrf2) =	vadd.scan.msk.f32 $0xffff, v26  }
0x29b: {  	[tilespmem:s11+$0xFFFFFFB0] =	vst v14;
	v24 =	vld [tilespmem:s11+$0x0];
	v14 =	vmin.f32 v23, $5.000000000e+00;
	v63 =	vmul.f32 v21, v20;
	v20 =	vmax.f32 v31, $-5.000000000e+00  }
0x29c: {  	[tilespmem:s10+$0xFFFFFF20] =	vst v26;
	v21 =	vld [tilespmem:s20+$0xFFFFFEE0];
	v14 =	vmul.f32 $1.442695020e+00, v14;
	v23 =	vmul.f32 v25, v29;
	v25 =	vmin.f32 v20, $5.000000000e+00  }
0x29d: {  	s31 =	simm.s32 $0xF500;
	v26 =	vbroadcast v28, $0xF;
	[tilespmem:s10+$0xFFFFFF60] =	vst v63;
	(xrf2) =	vadd.scan.msk.f32 $0xffff, v63;
	v20 =	vld [tilespmem:s20+$0xFFFFFF60];
	v28 =	vmul.f32 $1.442695020e+00, v25  }
0x29e: {  	s7 =	simm.s32 $0x8;
	s15 =	simm.s32 $0x19D0;
	v11 =	vnsel vm0, $0x0, v48;
	v25 =	vbroadcast v14, $0xF;
	v27 =	vmul.f32 v27, v30;
	v14 =	vld [tilespmem:s5+$0xFFFFFF80];
	s5 =	simm.s32 $0x6BD0;
	[tilespmem:s10+$0xFFFFFFA0] =	vst v23;
	v29, _, _ =	vpop (xrf2)  }
.LBB2_9:
0x29f: {  	v30 =	vld [tilespmem:s15+$0xFFFFFFD0];
	s20 =	sadd.s32 $0x200, s20;
	v34 =	vmax.f32 v29, $-5.000000000e+00;
	v31 =	vpop (erf);
	[tilespmem:s2+$0xFFFFFFC0] =	vst v18;
	(erf) = vpow2.f32 v26;
	s2 =	smov.u32 s11;
	s11 =	smov.u32 s10  }
0x2a0: {  	v26 =	vld [tilespmem:s20+$0xFFFFFF90];
	v32 =	vbroadcast v28, $0xF;
	v33 =	vmin.f32 v34, $5.000000000e+00;
	v28 =	vmul.f32 v24, v27  }
0x2a1: {  	s10 =	sadd.s32 $0x100, s10;
	v17 =	vmul.f32 v31, v17;
	v8 =	vsel vm2, v8, v31;
	v24 =	vld [tilespmem:s20+$0xFFFFFE10];
	v33 =	vmul.f32 $1.442695020e+00, v33;
	v29 =	vpop (erf)  }
0x2a2: {  	v31 =	vld [tilespmem:s10+$0xFFFFFFD0];
	(erf) = vpow2.f32 v32;
	v16 =	vmul.f32 v29, v16;
	v10 =	vsel vm2, v10, v29;
	(xrf2) =	vadd.scan.msk.f32 $0xffff, v28  }
0x2a3: {  	v29 =	vld [tilespmem:s15+$0xFFFFFF50];
	[tilespmem:s1+$0xFFFFFF80] =	vst v17;
	v17 =	vbroadcast v33, $0xF  }
0x2a4: {  	s7 =	sadd.s32 $0x4, s7;
	v32 =	vld [tilespmem:s20+$0xFFFFFE90];
	v27, _, _ =	vpop (xrf2);
	[tilespmem:s1+$0xFFFFFFD0] =	vst v16;
	(erf) = vpow2.f32 v25  }
0x2a5: {  	p0 =	slt.u32 s7, $0x4C;
	v16 =	vld [tilespmem:s15+$0xFFFFFF90];
	v33 =	vmul.f32 v26, v30;
	v26 =	vmax.f32 v27, $-5.000000000e+00;
	(xrf2) =	vadd.scan.msk.f32 $0xffff, v23;
	(erf) = vpow2.f32 v17  }
0x2a6: {  	v17 =	vld [tilespmem:s20+$0xFFFFFF10];
	v23 =	vmin.f32 v26, $5.000000000e+00  }
0x2a7: {  	v30 =	vld [tilespmem:s15+$0xFFFFFF10];
	v27 =	vmul.f32 v31, v33;
	v23 =	vmul.f32 $1.442695020e+00, v23;
	v25, _, _ =	vpop (xrf2)  }
0x2a8: {  	v25 =	vmax.f32 v25, $-5.000000000e+00;
	v31 =	vld [tilespmem:s5+$0xFFFFFFE0];
	v26 =	vpop (erf)  }
0x2a9: {  	v33 =	vld [tilespmem:s10+$0xFFFFFF10];
	v29 =	vmul.f32 v32, v29;
	(xrf2) =	vadd.scan.msk.f32 $0xffff, v27;
	v23 =	vbroadcast v23, $0xF;
	v25 =	vmin.f32 v25, $5.000000000e+00  }
0x2aa: {  	v34 =	vmul.f32 v26, v12;
	v26 =	vsel vm3, v3, v26;
	v3 =	vmovc v8;
	v32 =	vld [tilespmem:s10+$0xFFFFFF50];
	v25 =	vmul.f32 $1.442695020e+00, v25  }
0x2ab: {  	v8 =	vld [tilespmem:s10+$0xFFFFFF90];
	v16 =	vmul.f32 v17, v16;
	(erf) = vpow2.f32 v23;
	v17 =	vpop (erf);
	[tilespmem:s25+$0xFFFFFFA0] =	vst v26  }
0x2ac: {  	v26 =	vld [tilespmem:s20+$0xFFFFFE50];
	v24 =	vmul.f32 v24, v30;
	v35 =	vbroadcast v25, $0xF;
	v23 =	vsel vm1, v11, v17;
	v11, _, _ =	vpop (xrf2);
	(xrf2) =	vadd.scan.msk.f32 $0xffff, v18  }
0x2ad: {  	v25 =	vld [tilespmem:s20+$0xFFFFFED0];
	v31 =	vmul.f32 v17, v31;
	v11 =	vmax.f32 v11, $-5.000000000e+00;
	[tilespmem:s25+$0xFFFFFF90] =	vst v34;
	v12 =	vpop (erf)  }
0x2ae: {  	v18 =	vmul.f32 v33, v24;
	v24 =	vld [tilespmem:s20+$0xFFFFFF50];
	[tilespmem:s11+$0xFFFFFFE0] =	vst v19;
	(erf) = vpow2.f32 v35;
	v11 =	vmin.f32 v11, $5.000000000e+00;
	v30 =	vpop (erf)  }
0x2af: {  	v29 =	vmul.f32 v32, v29;
	[tilespmem:s6+$0x60] =	vst v31;
	v17, _, _ =	vpop (xrf2);
	v31 =	vld [tilespmem:s9+$0xFFFFFF40];
	v19 =	vsel vm2, v6, v30;
	v6 =	vmul.f32 $1.442695020e+00, v11  }
0x2b0: {  	[tilespmem:s10+$0xFFFFFF10] =	vst v18;
	v11 =	vmul.f32 v8, v16;
	(xrf2) =	vadd.scan.msk.f32 $0xffff, v18;
	v8 =	vmax.f32 v17, $-5.000000000e+00;
	v16 =	vld [tilespmem:s18+$0xFFFFFFF0]  }
0x2b1: {  	v15 =	vmul.f32 v30, v15;
	[tilespmem:s10+$0xFFFFFF50] =	vst v29;
	v8 =	vmin.f32 v8, $5.000000000e+00;
	v17 =	vld [tilespmem:s5+$0xFFFFFFB0];
	v6 =	vbroadcast v6, $0xF  }
0x2b2: {  	v7 =	vmul.f32 v12, v7;
	v12 =	vsel vm3, v2, v12;
	v2 =	vmovc v10;
	[tilespmem:s10+$0xFFFFFF90] =	vst v11;
	v30 =	vmul.f32 $1.442695020e+00, v8;
	v18 =	vld [tilespmem:s21+$0xFFFFFE40]  }
0x2b3: {  	(xrf2) =	vadd.scan.msk.f32 $0xffff, v29;
	v10, _, _ =	vpop (xrf2);
	v29 =	vld [tilespmem:s11+$0xFFFFFFF0];
	[tilespmem:s1+$0x20] =	vst v15;
	(erf) = vpow2.f32 v6  }
0x2b4: {  	v6 =	vmax.f32 v10, $-5.000000000e+00;
	v15 =	vbroadcast v30, $0xF;
	v8 =	vpop (erf);
	v30 =	vld [tilespmem:s9+$0xFFFFFF80];
	[tilespmem:s25+$0xFFFFFFE0] =	vst v7  }
0x2b5: {  	v6 =	vmin.f32 v6, $5.000000000e+00;
	v22 =	vmul.f32 v8, v22;
	v8 =	vsel vm1, v9, v8;
	v9 =	vld [tilespmem:s21+$0xFFFFFEC0];
	[tilespmem:s25+$0xFFFFFFF0] =	vst v12  }
0x2b6: {  	v6 =	vmul.f32 $1.442695020e+00, v6;
	(xrf2) =	vadd.scan.msk.f32 $0xffff, v11;
	v10 =	vmul.f32 v17, v16;
	v11 =	vld [tilespmem:s9+$0xFFFFFFC0];
	v12, _, _ =	vpop (xrf2);
	s9 =	smov.u32 s18;
	s18 =	smov.u32 s15  }
0x2b7: {  	[tilespmem:s6+$0xFFFFFF70] =	vst v22;
	v7 =	vpop (erf);
	v18 =	vmul.f32 v18, v31;
	v16 =	vld [tilespmem:s21+$0xFFFFFF40];
	v12 =	vmax.f32 v12, $-5.000000000e+00  }
0x2b8: {  	v6 =	vbroadcast v6, $0xF;
	v22 =	vmul.f32 v29, v10;
	v17 =	vld [tilespmem:s21+$0x0];
	v12 =	vmin.f32 v12, $5.000000000e+00  }
0x2b9: {  	v21 =	vmul.f32 v7, v21;
	v10 =	vsel vm1, v5, v7;
	v29 =	vld [tilespmem:s9+$0xFFFFFF30];
	(erf) = vpow2.f32 v15  }
0x2ba: {  	v5, _, _ =	vpop (xrf2);
	(erf) = vpow2.f32 v6;
	v6 =	vld [tilespmem:s5+$0xFFFFFE30];
	(xrf2) =	vadd.scan.msk.f32 $0xffff, v22;
	v9 =	vmul.f32 v9, v30  }
0x2bb: {  	v12 =	vmul.f32 $1.442695020e+00, v12;
	v5 =	vmax.f32 v5, $-5.000000000e+00;
	v7 =	vld [tilespmem:s11+$0xFFFFFF30];
	[tilespmem:s6+$0xFFFFFFC0] =	vst v21  }
0x2bc: {  	v5 =	vmin.f32 v5, $5.000000000e+00;
	v15 =	vld [tilespmem:s9+$0xFFFFFF70];
	v21 =	vmul.f32 v16, v11;
	v11 =	vpop (erf)  }
0x2bd: {  	v5 =	vmul.f32 $1.442695020e+00, v5;
	v16, _, _ =	vpop (xrf2);
	v30 =	vld [tilespmem:s5+$0xFFFFFEB0];
	v17 =	vmul.f32 v11, v17;
	v11 =	vsel vm3, v13, v11  }
0x2be: {  	v12 =	vbroadcast v12, $0xF;
	v13 =	vmax.f32 v16, $-5.000000000e+00;
	v31 =	vld [tilespmem:s11+$0xFFFFFF70];
	[tilespmem:s2+$0x0] =	vst v28  }
0x2bf: {  	v5 =	vbroadcast v5, $0xF;
	v13 =	vmin.f32 v13, $5.000000000e+00;
	v28 =	vld [tilespmem:s20+$0xFFFFFFD0];
	v6 =	vmul.f32 v6, v29;
	[tilespmem:s1+$0x80] =	vst v17  }
0x2c0: {  	v13 =	vmul.f32 $1.442695020e+00, v13;
	v16, _, _ =	vpop (xrf2);
	v17 =	vld [tilespmem:s5+$0xFFFFFE70];
	[tilespmem:s1+$0x90] =	vst v11;
	(erf) = vpow2.f32 v12  }
0x2c1: {  	v33 =	vmax.f32 v16, $-5.000000000e+00;
	(erf) = vpow2.f32 v5;
	v32 =	vmul.f32 v7, v6;
	v16 =	vld [tilespmem:s5+$0xFFFFFEF0]  }
0x2c2: {  	v7 =	vbroadcast v13, $0xF;
	v6 =	vmin.f32 v33, $5.000000000e+00;
	v12 =	vmul.f32 v30, v15;
	v11 =	vpop (erf);
	v13 =	vld [tilespmem:s2+$0xFFFFFF40]  }
0x2c3: {  	v15 =	vmul.f32 $1.442695020e+00, v6;
	v29 =	vpop (erf);
	[tilespmem:s11+$0xFFFFFF30] =	vst v32;
	v20 =	vmul.f32 v11, v20;
	v6 =	vsel vm1, v4, v11;
	v4 =	vld [tilespmem:s2+$0xFFFFFF80]  }
0x2c4: {  	v28 =	vmul.f32 v29, v28;
	v11 =	vnsel vm0, $0x0, v29;
	(erf) = vpow2.f32 v7;
	(xrf2) =	vadd.scan.msk.f32 $0xffff, v32;
	v5, _, _ =	vpop (xrf2);
	v29 =	vld [tilespmem:s2+$0xFFFFFFC0]  }
0x2c5: {  	s6 =	sadd.s32 $0x140, s6;
	v15 =	vbroadcast v15, $0xF;
	[tilespmem:s10+$0xFFFFFFD0] =	vst v27;
	v27 =	vmul.f32 v31, v12;
	v5 =	vmax.f32 v5, $-5.000000000e+00;
	v12 =	vld [tilespmem:s21+$0xFFFFFE80]  }
0x2c6: {  	[tilespmem:s6+$0x50] =	vst v28;
	v5 =	vmin.f32 v5, $5.000000000e+00;
	v7 =	vld [tilespmem:s21+$0xFFFFFF00]  }
0x2c7: {  	v28 =	vld [tilespmem:s15+$0xFFFFFFE0];
	(erf) = vpow2.f32 v15;
	[tilespmem:s31+$0x10] =	vst v20;
	v5 =	vmul.f32 $1.442695020e+00, v5;
	(xrf2) =	vadd.scan.msk.f32 $0xffff, v27  }
0x2c8: {  	v13 =	vmul.f32 v13, v18;
	v15 =	vld [tilespmem:s20+$0xFFFFFFA0];
	[tilespmem:s11+$0xFFFFFF70] =	vst v27;
	v4 =	vmul.f32 v4, v9  }
0x2c9: {  	v20 =	vld [tilespmem:s9+$0xFFFFFFB0];
	v5 =	vbroadcast v5, $0xF;
	v18 =	vmul.f32 v29, v21;
	v9 =	vpop (erf)  }
0x2ca: {  	v21 =	vld [tilespmem:s10+$0xFFFFFFE0];
	v27 =	vpop (erf);
	[tilespmem:s2+$0xFFFFFF40] =	vst v13;
	v14 =	vmul.f32 v9, v14;
	v29 =	vsel vm3, v1, v9;
	v1 =	vmov v19  }
0x2cb: {  	v19 =	vmul.f32 v27, v26;
	v9 =	vnsel vm0, $0x0, v27;
	v26 =	vld [tilespmem:s5+$0xFFFFFF30];
	(erf) = vpow2.f32 v5;
	(xrf2) =	vadd.scan.msk.f32 $0xffff, v13  }
0x2cc: {  	v13 =	vld [tilespmem:s11+$0xFFFFFFB0];
	[tilespmem:s25+$0x30] =	vst v14  }
0x2cd: {  	[tilespmem:s6+$0xFFFFFF60] =	vst v19;
	v14 =	vmul.f32 v15, v28;
	v5 =	vpop (erf);
	v15 =	vld [tilespmem:s5+$0xFFFFFF70]  }
0x2ce: {  	v27 =	vld [tilespmem:s15+$0xFFFFFF20];
	v25 =	vmul.f32 v5, v25;
	v5 =	vnsel vm0, $0x0, v5;
	v28, _, _ =	vpop (xrf2);
	(xrf2) =	vadd.scan.msk.f32 $0xffff, v4;
	[tilespmem:s25+$0x40] =	vst v29;
	s25 =	smov.u32 s1;
	s1 =	smov.u32 s31;
	s31 =	smov.u32 s6  }
0x2cf: {  	v29 =	vld [tilespmem:s20+$0xFFFFFE20];
	v19 =	vmul.f32 v21, v14;
	v14 =	vmax.f32 v28, $-5.000000000e+00;
	[tilespmem:s2+$0xFFFFFF80] =	vst v4  }
0x2d0: {  	[tilespmem:s6+$0xFFFFFFB0] =	vst v25;
	v4 =	vpop (erf);
	v14 =	vmin.f32 v14, $5.000000000e+00;
	v20 =	vmul.f32 v26, v20;
	v21 =	vld [tilespmem:s5+$0xFFFFFFF0]  }
0x2d1: {  	v25 =	vld [tilespmem:s15+$0xFFFFFF60];
	v24 =	vmul.f32 v4, v24;
	v4 =	vnsel vm0, $0x0, v4;
	(xrf2) =	vadd.scan.msk.f32 $0xffff, v19;
	v14 =	vmul.f32 $1.442695020e+00, v14;
	v26, _, _ =	vpop (xrf2)  }
0x2d2: {  	v28 =	vld [tilespmem:s20+$0xFFFFFEA0];
	v26 =	vmax.f32 v26, $-5.000000000e+00;
	v30 =	vmul.f32 v13, v20  }
0x2d3: {  	v20 =	vld [tilespmem:s10+$0xFFFFFF20];
	[tilespmem:s6+$0x0] =	vst v24;
	v14 =	vbroadcast v14, $0xF;
	v24 =	vmin.f32 v26, $5.000000000e+00  }
0x2d4: {  	v26 =	vmul.f32 v29, v27;
	v27 =	vld [tilespmem:s15+$0xFFFFFFA0];
	v24 =	vmul.f32 $1.442695020e+00, v24;
	[tilespmem:s11+$0xFFFFFFB0] =	vst v30;
	(xrf2) =	vadd.scan.msk.f32 $0xffff, v30;
	v13 =	vpop (erf)  }
0x2d5: {  	v29 =	vld [tilespmem:s20+$0xFFFFFF20];
	v32 =	vmul.f32 v13, v21;
	v13 =	vsel vm2, v23, v13;
	v23, _, _ =	vpop (xrf2)  }
0x2d6: {  	v30 =	vld [tilespmem:s10+$0xFFFFFF60];
	v24 =	vbroadcast v24, $0xF;
	[tilespmem:s11+$0xFFFFFFF0] =	vst v22;
	(erf) = vpow2.f32 v14;
	v14 =	vmax.f32 v23, $-5.000000000e+00  }
0x2d7: {  	v23 =	vmul.f32 v28, v25;
	v25 =	vld [tilespmem:s10+$0xFFFFFFA0];
	[tilespmem:s1+$0x70] =	vst v32;
	v14 =	vmin.f32 v14, $5.000000000e+00  }
0x2d8: {  	v20 =	vmul.f32 v20, v26;
	v31 =	vld [tilespmem:s9+$0x0];
	(erf) = vpow2.f32 v24;
	v21, _, _ =	vpop (xrf2)  }
0x2d9: {  	v14 =	vmul.f32 $1.442695020e+00, v14;
	v32 =	vld [tilespmem:s5+$0xFFFFFFC0];
	v21 =	vmax.f32 v21, $-5.000000000e+00  }
.Ltmp3:
0x2da: {  	v22 =	vld [tilespmem:s20+$0xFFFFFE60];
	[tilespmem:s10+$0xFFFFFF20] =	vst v20;
	v26 =	vmul.f32 v29, v27;
	(xrf2) =	vadd.scan.msk.f32 $0xffff, v20;
	v20 =	vmin.f32 v21, $5.000000000e+00;
	(pc) =	sbr.rel @p0 .LBB2_9-.Ltmp3, $4  }
0x2db: {  	v27 =	vmul.f32 v30, v23;
	v28, _, _ =	vpop (xrf2);
	v24 =	vld [tilespmem:s11+$0x0];
	v30 =	vmul.f32 $1.442695020e+00, v20  }
0x2dc: {  	v21 =	vld [tilespmem:s20+$0xFFFFFEE0];
	v23 =	vmul.f32 v25, v26;
	v25 =	vmax.f32 v28, $-5.000000000e+00;
	v26 =	vbroadcast v14, $0xF  }
0x2dd: {  	[tilespmem:s10+$0xFFFFFF60] =	vst v27;
	v20 =	vld [tilespmem:s20+$0xFFFFFF60];
	v14 =	vmin.f32 v25, $5.000000000e+00;
	(xrf2) =	vadd.scan.msk.f32 $0xffff, v27;
	v25 =	vbroadcast v30, $0xF  }
0x2de: {  	s15 =	sadd.s32 $0x100, s15;
	[tilespmem:s10+$0xFFFFFFA0] =	vst v23;
	v28 =	vmul.f32 $1.442695020e+00, v14;
	v27 =	vmul.f32 v32, v31;
	v29, _, _ =	vpop (xrf2);
	v14 =	vld [tilespmem:s21+$0xFFFFFF80];
	s21 =	smov.u32 s5;
	s5 =	smov.u32 s20  }
0x2df: {  	_ = 	snop  }
0x2e0: {  	v27 =	vmul.f32 v24, v27;
	_ =	sdelay $0x1  }
0x2e1: {  	(xrf2) =	vadd.scan.msk.f32 $0xffff, v27;
	_ =	sdelay $0x1  }
0x2e2: {  	v28 =	vbroadcast v28, $0xF  }
0x2e3: {  	v24 =	vpop (erf);
	(xrf2) =	vadd.scan.msk.f32 $0xffff, v23  }
0x2e4: {  	(erf) = vpow2.f32 v26;
	v23 =	vmax.f32 v29, $-5.000000000e+00;
	v29 =	vmul.f32 v24, v17;
	v26, _, _ =	vpop (xrf2)  }
0x2e5: {  	v17 =	vpop (erf);
	(erf) = vpow2.f32 v28;
	v23 =	vmin.f32 v23, $5.000000000e+00;
	v26 =	vmax.f32 v26, $-5.000000000e+00  }
0x2e6: {  	v16 =	vmul.f32 v17, v16;
	v23 =	vmul.f32 $1.442695020e+00, v23;
	v26 =	vmin.f32 v26, $5.000000000e+00;
	v28, _, _ =	vpop (xrf2)  }
0x2e7: {  	(erf) = vpow2.f32 v25;
	v25 =	vmul.f32 $1.442695020e+00, v26;
	v26 =	vmax.f32 v28, $-5.000000000e+00  }
0x2e8: {  	v23 =	vbroadcast v23, $0xF  }
0x2e9: {  	[tilespmem:s1+$0xFFFFFFD0] =	vst v16;
	v16 =	vmin.f32 v26, $5.000000000e+00;
	v25 =	vbroadcast v25, $0xF  }
0x2ea: {  	(erf) = vpow2.f32 v23;
	v16 =	vmul.f32 $1.442695020e+00, v16;
	v26, _, _ =	vpop (xrf2)  }
0x2eb: {  	v23 =	vld [tilespmem:s5+$0xFFFFFFE0];
	(erf) = vpow2.f32 v25;
	v25 =	vmax.f32 v26, $-5.000000000e+00  }
0x2ec: {  	v16 =	vbroadcast v16, $0xF;
	v25 =	vmin.f32 v25, $5.000000000e+00  }
0x2ed: {  	v26, _, _ =	vpop (xrf2)  }
0x2ee: {  	v28 =	vpop (erf);
	v26 =	vmax.f32 v26, $-5.000000000e+00;
	(erf) = vpow2.f32 v16  }
0x2ef: {  	[tilespmem:s2+$0xFFFFFFC0] =	vst v18;
	v16 =	vmul.f32 $1.442695020e+00, v25;
	v26 =	vmin.f32 v26, $5.000000000e+00;
	v25 =	vpop (erf)  }
0x2f0: {  	[tilespmem:s1+$0xFFFFFF80] =	vst v29;
	v26 =	vmul.f32 $1.442695020e+00, v26;
	v23 =	vmul.f32 v25, v23  }
0x2f1: {  	[tilespmem:s10+$0xFFFFFFE0] =	vst v19;
	v16 =	vbroadcast v16, $0xF  }
0x2f2: {  	v19 =	vbroadcast v26, $0xF;
	[tilespmem:s6+$0x60] =	vst v23  }
0x2f3: {  	v30 =	vld [tilespmem:s9+$0xFFFFFF40];
	(erf) = vpow2.f32 v16;
	v29 =	vpop (erf)  }
0x2f4: {  	v31 =	vld [tilespmem:s18+$0xFFFFFFF0];
	(erf) = vpow2.f32 v19;
	v26 =	vpop (erf)  }
0x2f5: {  	v32 =	vld [tilespmem:s5+$0xFFFFFFB0];
	v23 =	vpop (erf)  }
0x2f6: {  	v33 =	vld [tilespmem:s21+$0xFFFFFE40];
	v19 =	vmul.f32 v23, v22  }
0x2f7: {  	v34 =	vld [tilespmem:s10+$0xFFFFFFF0];
	v16 =	vpop (erf)  }
0x2f8: {  	v35 =	vld [tilespmem:s21+$0xFFFFFEC0];
	[tilespmem:s6+$0xFFFFFF70] =	vst v19;
	v19 =	vmul.f32 v16, v21  }
0x2f9: {  	v36 =	vld [tilespmem:s18+$0xFFFFFF30]  }
0x2fa: {  	v37 =	vld [tilespmem:s5+$0xFFFFFE30];
	[tilespmem:s6+$0xFFFFFFC0] =	vst v19  }
0x2fb: {  	v38 =	vld [tilespmem:s18+$0xFFFFFF70]  }
0x2fc: {  	v31 =	vmul.f32 v32, v31;
	v39 =	vld [tilespmem:s5+$0xFFFFFEB0];
	v21 =	vpop (erf)  }
0x2fd: {  	v63 =	vld [tilespmem:s10+$0xFFFFFF30];
	v19 =	vpop (erf)  }
0x2fe: {  	v31 =	vmul.f32 v34, v31;
	v40 =	vld [tilespmem:s10+$0xFFFFFF70];
	v20 =	vmul.f32 v19, v20  }
0x2ff: {  	v42 =	vld [tilespmem:s11+$0xFFFFFF40];
	(xrf2) =	vadd.scan.msk.f32 $0xffff, v18  }
0x300: {  	v22 =	vld [tilespmem:s9+$0xFFFFFF80];
	(xrf2) =	vadd.scan.msk.f32 $0xffff, v31;
	v18 =	vmul.f32 v37, v36;
	[tilespmem:s31+$0x10] =	vst v20  }
0x301: {  	v20 =	vmul.f32 v39, v38;
	v43 =	vld [tilespmem:s18+$0xFFFFFFB0]  }
0x302: {  	v32 =	vmul.f32 v63, v18;
	v44 =	vld [tilespmem:s5+$0xFFFFFF30]  }
0x303: {  	v18 =	vld [tilespmem:s11+$0xFFFFFF80];
	v38 =	vmul.f32 v40, v20;
	v20 =	vmul.f32 v33, v30  }
0x304: {  	v45 =	vld [tilespmem:s10+$0xFFFFFFB0]  }
0x305: {  	v22 =	vmul.f32 v35, v22;
	(xrf2) =	vadd.scan.msk.f32 $0xffff, v32;
	v20 =	vmul.f32 v42, v20  }
0x306: {  	(xrf2) =	vadd.scan.msk.f32 $0xffff, v38  }
0x307: {  	v30 =	vmul.f32 v44, v43;
	(xrf2) =	vadd.scan.msk.f32 $0xffff, v20  }
0x308: {  	v18 =	vmul.f32 v18, v22  }
0x309: {  	v22, _, _ =	vpop (xrf2);
	v30 =	vmul.f32 v45, v30  }
0x30a: {  	v46, _, _ =	vpop (xrf2);
	v22 =	vmax.f32 v22, $-5.000000000e+00;
	(xrf2) =	vadd.scan.msk.f32 $0xffff, v18  }
0x30b: {  	v22 =	vmin.f32 v22, $5.000000000e+00;
	v33 =	vmax.f32 v46, $-5.000000000e+00;
	(xrf2) =	vadd.scan.msk.f32 $0xffff, v30  }
0x30c: {  	v22 =	vmul.f32 $1.442695020e+00, v22;
	v33 =	vmin.f32 v33, $5.000000000e+00  }
0x30d: {  	v33 =	vmul.f32 $1.442695020e+00, v33  }
0x30e: {  	v22 =	vbroadcast v22, $0xF  }
0x30f: {  	v33 =	vbroadcast v33, $0xF;
	v47, _, _ =	vpop (xrf2)  }
0x310: {  	(erf) = vpow2.f32 v22;
	v34 =	vmax.f32 v47, $-5.000000000e+00;
	v48, _, _ =	vpop (xrf2)  }
0x311: {  	(erf) = vpow2.f32 v33;
	v34 =	vmin.f32 v34, $5.000000000e+00;
	v35 =	vmax.f32 v48, $-5.000000000e+00;
	v51, _, _ =	vpop (xrf2)  }
0x312: {  	v22 =	vmul.f32 $1.442695020e+00, v34;
	v49 =	vmin.f32 v35, $5.000000000e+00;
	v34 =	vmax.f32 v51, $-5.000000000e+00  }
0x313: {  	v50 =	vmul.f32 $1.442695020e+00, v49;
	v34 =	vmin.f32 v34, $5.000000000e+00  }
0x314: {  	v52, _, _ =	vpop (xrf2);
	v34 =	vmul.f32 $1.442695020e+00, v34  }
0x315: {  	v22 =	vbroadcast v22, $0xF;
	v35 =	vmax.f32 v52, $-5.000000000e+00;
	v33 =	vbroadcast v50, $0xF;
	v53, _, _ =	vpop (xrf2)  }
0x316: {  	v35 =	vmin.f32 v35, $5.000000000e+00;
	v36 =	vmax.f32 v53, $-5.000000000e+00;
	v34 =	vbroadcast v34, $0xF  }
0x317: {  	v55 =	vld [tilespmem:s5+$0xFFFFFFF0];
	(erf) = vpow2.f32 v22;
	v22 =	vmul.f32 $1.442695020e+00, v35;
	v54 =	vmin.f32 v36, $5.000000000e+00  }
0x318: {  	v15 =	vmul.f32 v26, v15;
	v35 =	vmul.f32 $1.442695020e+00, v54  }
0x319: {  	(erf) = vpow2.f32 v33;
	v22 =	vbroadcast v22, $0xF  }
0x31a: {  	[tilespmem:s1+$0x20] =	vst v15;
	(erf) = vpow2.f32 v34;
	v56 =	vbroadcast v35, $0xF;
	v34 =	vpop (erf)  }
0x31b: {  	v57 =	vld [tilespmem:s9+$0xFFFFFFC0];
	(erf) = vpow2.f32 v22;
	v58 =	vpop (erf)  }
0x31c: {  	v15 =	vld [tilespmem:s5+$0xFFFFFE70];
	(erf) = vpow2.f32 v56;
	v22 =	vmul.f32 v58, v55  }
0x31d: {  	v41 =	vld [tilespmem:s21+$0xFFFFFF40];
	[tilespmem:s10+$0xFFFFFFF0] =	vst v31  }
0x31e: {  	v59 =	vld [tilespmem:s5+$0xFFFFFEF0];
	[tilespmem:s31+$0x70] =	vst v22  }
0x31f: {  	v60 =	vld [tilespmem:s18+$0x0]  }
0x320: {  	v61 =	vpop (erf);
	v62 =	vld [tilespmem:s5+$0xFFFFFFC0]  }
0x321: {  	v31 =	vld [tilespmem:s5+$0xFFFFFF70];
	v22 =	vmul.f32 v61, v15  }
0x322: {  	[tilespmem:s10+$0xFFFFFF30] =	vst v32;
	v15 =	vpop (erf);
	v63 =	vld [tilespmem:s10+$0x0]  }
0x323: {  	v43 =	vld [tilespmem:s11+$0xFFFFFFC0];
	[tilespmem:s31+$0xFFFFFF80] =	vst v22;
	v42 =	vpop (erf)  }
0x324: {  	v33 =	vmul.f32 v15, v59;
	v47 =	vld [tilespmem:s18+$0xFFFFFF40];
	v44 =	vpop (erf)  }
0x325: {  	[tilespmem:s10+$0xFFFFFF70] =	vst v38;
	v48 =	vld [tilespmem:s5+$0xFFFFFE40];
	v36 =	vmul.f32 v62, v60;
	v22 =	vpop (erf)  }
0x326: {  	v35 =	vmul.f32 v41, v57;
	v51 =	vld [tilespmem:s10+$0xFFFFFF40];
	[tilespmem:s31+$0xFFFFFFD0] =	vst v33;
	v31 =	vmul.f32 v22, v31  }
0x327: {  	[tilespmem:s10+$0xFFFFFFB0] =	vst v30;
	v30 =	vld [tilespmem:s18+$0xFFFFFF80];
	v32 =	vmul.f32 v63, v36  }
0x328: {  	v35 =	vmul.f32 v43, v35;
	[tilespmem:s31+$0x20] =	vst v31;
	v31 =	vld [tilespmem:s5+$0xFFFFFEC0]  }
0x329: {  	v52 =	vld [tilespmem:s10+$0xFFFFFF80];
	(xrf2) =	vadd.scan.msk.f32 $0xffff, v32  }
0x32a: {  	v49 =	vld [tilespmem:s18+$0xFFFFFFC0];
	(xrf2) =	vadd.scan.msk.f32 $0xffff, v35  }
0x32b: {  	v50 =	vld [tilespmem:s5+$0xFFFFFF40]  }
0x32c: {  	v33 =	vmul.f32 v48, v47  }
0x32d: {  	v53 =	vld [tilespmem:s10+$0xFFFFFFC0];
	v30 =	vmul.f32 v31, v30  }
0x32e: {  	v31 =	vmul.f32 v51, v33  }
0x32f: {  	v30 =	vmul.f32 v52, v30  }
0x330: {  	v12 =	vmul.f32 v28, v12;
	v54 =	vmul.f32 v50, v49;
	(xrf2) =	vadd.scan.msk.f32 $0xffff, v31  }
0x331: {  	(xrf2) =	vadd.scan.msk.f32 $0xffff, v30  }
0x332: {  	v3 =	vsel vm3, v3, v28;
	v33 =	vmul.f32 v53, v54  }
0x333: {  	[tilespmem:s25+$0xFFFFFFA0] =	vst v3;
	v3 =	vmul.f32 v29, v7;
	v55 =	vld [tilespmem:s21+$0x0];
	v56, _, _ =	vpop (xrf2)  }
0x334: {  	[tilespmem:s25+$0xFFFFFF90] =	vst v12;
	(xrf2) =	vadd.scan.msk.f32 $0xffff, v33;
	v28 =	vmax.f32 v56, $-5.000000000e+00;
	v12, _, _ =	vpop (xrf2)  }
0x335: {  	[tilespmem:s25+$0xFFFFFFE0] =	vst v3;
	v7 =	vmin.f32 v28, $5.000000000e+00;
	v3 =	vmax.f32 v12, $-5.000000000e+00  }
0x336: {  	v2 =	vsel vm3, v2, v29;
	v7 =	vmul.f32 $1.442695020e+00, v7;
	v3 =	vmin.f32 v3, $5.000000000e+00  }
0x337: {  	[tilespmem:s25+$0xFFFFFFF0] =	vst v2;
	v13 =	vsel vm3, v13, v21;
	v3 =	vmul.f32 $1.442695020e+00, v3  }
0x338: {  	[tilespmem:s11+$0x0] =	vst v27;
	v2 =	vmul.f32 v21, v55;
	v7 =	vbroadcast v7, $0xF  }
0x339: {  	[tilespmem:s1+$0x90] =	vst v13;
	v3 =	vbroadcast v3, $0xF  }
0x33a: {  	[tilespmem:s1+$0x80] =	vst v2;
	v2 =	vld [tilespmem:s21+$0xFFFFFF00];
	(erf) = vpow2.f32 v7;
	v7 =	vmul.f32 v34, v14;
	v13, _, _ =	vpop (xrf2)  }
0x33b: {  	v13 =	vmax.f32 v13, $-5.000000000e+00;
	v14, _, _ =	vpop (xrf2)  }
0x33c: {  	(erf) = vpow2.f32 v3;
	[tilespmem:s25+$0x30] =	vst v7;
	v3 =	vmin.f32 v13, $5.000000000e+00;
	v7 =	vmax.f32 v14, $-5.000000000e+00  }
0x33d: {  	v1 =	vsel vm3, v1, v34;
	v3 =	vmul.f32 $1.442695020e+00, v3;
	v7 =	vmin.f32 v7, $5.000000000e+00  }
0x33e: {  	v8 =	vsel vm2, v8, v24;
	[tilespmem:s25+$0x40] =	vst v1;
	v1 =	vld [tilespmem:s21+$0xFFFFFF80];
	v13, _, _ =	vpop (xrf2);
	v7 =	vmul.f32 $1.442695020e+00, v7  }
0x33f: {  	[tilespmem:s11+$0xFFFFFFC0] =	vst v35;
	v2 =	vmul.f32 v44, v2;
	v14 =	vld [tilespmem:s5+$0x0];
	v13 =	vmax.f32 v13, $-5.000000000e+00;
	v3 =	vbroadcast v3, $0xF  }
0x340: {  	v8 =	vsel vm3, v8, v42;
	v12 =	vld [tilespmem:s21+$0xFFFFFE80];
	[tilespmem:s11+$0xFFFFFF40] =	vst v20;
	v13 =	vmin.f32 v13, $5.000000000e+00;
	v7 =	vbroadcast v7, $0xF  }
0x341: {  	v10 =	vsel vm2, v10, v17;
	[tilespmem:s1+$0xFFFFFFA0] =	vst v8;
	v8 =	vmul.f32 $1.442695020e+00, v13;
	(erf) = vpow2.f32 v3  }
0x342: {  	[tilespmem:s11+$0xFFFFFF80] =	vst v18;
	v3 =	vsel vm3, v10, v44  }
0x343: {  	[tilespmem:s1+$0xFFFFFFE0] =	vst v2;
	v2 =	vpop (erf);
	(erf) = vpow2.f32 v7;
	v7 =	vbroadcast v8, $0xF;
	v8 =	vsel vm1, v11, v25  }
0x344: {  	[tilespmem:s1+$0xFFFFFFF0] =	vst v3;
	v3 =	vmul.f32 v2, v14;
	v8 =	vsel vm2, v8, v58  }
0x345: {  	v12 =	vmul.f32 v42, v12;
	[tilespmem:s10+$0x0] =	vst v32;
	v2 =	vsel vm3, v8, v2  }
0x346: {  	(erf) = vpow2.f32 v7;
	[tilespmem:s31+$0x90] =	vst v2;
	v2 =	vld [tilespmem:s5+$0xFFFFFE80]  }
0x347: {  	v6 =	vsel vm2, v6, v26;
	[tilespmem:s1+$0xFFFFFF90] =	vst v12  }
0x348: {  	[tilespmem:s31+$0x80] =	vst v3;
	v3 =	vpop (erf)  }
0x349: {  	v7 =	vld [tilespmem:s5+$0xFFFFFF00];
	[tilespmem:s10+$0xFFFFFF80] =	vst v30;
	v1 =	vmul.f32 v3, v1;
	v3 =	vsel vm3, v6, v3  }
0x34a: {  	[tilespmem:s1+$0x40] =	vst v3;
	v6 =	vpop (erf)  }
0x34b: {  	v3 =	vld [tilespmem:s5+$0xFFFFFF80];
	[tilespmem:s1+$0x30] =	vst v1;
	v1 =	vsel vm1, v9, v23;
	v2 =	vmul.f32 v6, v2  }
0x34c: {  	[tilespmem:s10+$0xFFFFFF40] =	vst v31;
	v1 =	vsel vm2, v1, v61  }
0x34d: {  	[tilespmem:s10+$0xFFFFFFC0] =	vst v33;
	v1 =	vsel vm3, v1, v6;
	v6 =	vpop (erf)  }
0x34e: {  	v5 =	vsel vm1, v5, v16;
	[tilespmem:s31+$0xFFFFFFA0] =	vst v1;
	v1 =	vmul.f32 v6, v7  }
0x34f: {  	v5 =	vsel vm2, v5, v15;
	[tilespmem:s31+$0xFFFFFF90] =	vst v2;
	v2 =	vpop (erf)  }
0x350: {  	v4 =	vsel vm1, v4, v19;
	v5 =	vsel vm3, v5, v6;
	[tilespmem:s31+$0xFFFFFFE0] =	vst v1;
	v1 =	vmul.f32 v2, v3  }
0x351: {  	[tilespmem:s31+$0xFFFFFFF0] =	vst v5;
	v3 =	vsel vm2, v4, v22  }
0x352: {  	v2 =	vsel vm3, v3, v2;
	[tilespmem:s31+$0x30] =	vst v1  }
0x353: {  	s6 =	simm.s32 $0x4;
	[tilespmem:s31+$0x40] =	vst v2  }
0x354: {  	_ =	swait.ge [sflag:s6], $0x1400  }
0x355: {  	[sflag:s6] =	ssyncset.done $0x0  }
0x356: {  	s7 =	sadd.s32 s16, s23;
	s9 =	simm.s32 $0xC9E0;
	[sflag:s6] =	ssyncadd.s32 $0xFFFFEC00  }
0x357: {  	[hbm4b:s7+s14] =	stream.strided.scatter [tilespmem:s9], [sflag:$0x5], $0x1400, s17, s14, $0x38;
	[tilespmem:$0x1CE30] =	vst v63  }
0x358: {  	s11 =	simm.s32 $0x140;
	s10 =	rddreg [dreg:$0x3]  }
0x359: {  	[spmem:s10] =	stream.indirect.scatter.add.f32 [tilespmem:s29], [sflag:$0x8], $0x50, s11, s3, $0xb8;
	[tilespmem:$0x1CE30] =	vst v63  }
0x35a: {  	_ =	swait.ge [sflag:s30], $0x1900  }
0x35b: {  	[sflag:s30] =	ssyncset.done $0x0  }
0x35c: {  	[sflag:s30] =	ssyncadd.s32 $0xFFFFE700  }
0x35d: {  	_ =	swait.ge [sflag:s0], $0x50  }
0x35e: {  	[sflag:s0] =	ssyncset.done $0x0  }
0x35f: {  	[sflag:s0] =	ssyncadd.s32 $0xFFFFFFB0  }
0x360: {  	s20 =	simm.s32 $0x29E0;
	s23 =	simm.s32 $0xA0;
	_ =	swait.ge [sflag:s0], $0x50  }
0x361: {  	s18 =	simm.s32 $0x190;
	[sflag:s0] =	ssyncset.done $0x0;
	s2 =	rddreg [dreg:$0x17]  }
0x362: {  	s15 =	rddreg [dreg:$0xd];
	[sflag:s0] =	ssyncadd.s32 $0xFFFFFFB0;
	s1 =	sadd.s32 s26, s2  }
0x363: {  	[tilespmem:s20], [sflag:$0x3] =	stream.indirect.gather [hbm4b:s15+s3], $0x40, s18, s3, $0xb8;
	[tilespmem:$0x1CE30] =	vst v63  }
0x364: {  	s25 =	simm.s32 $0x8DE0;
	s21 =	rddreg [dreg:$0xe];
	s1 =	sshll.u32 s1, $0x7  }
0x365: {  	s7 =	simm.s32 $0xDDE0;
	s5 =	rddreg [dreg:$0x11];
	s1 =	sor.u32 s12, s1  }
0x366: {  	[tilespmem:s25], [sflag:$0x3] =	stream.indirect.gather [hbm4b:s21+s3], $0x80, s23, s3, $0xb8;
	[tilespmem:$0x1CE30] =	vst v63  }
0x367: {  	s6 =	rddreg [dreg:$0x2];
	s23 =	sshrl.u32 s1, $0x3;
	s1 =	sadd.s32 s28, s5  }
0x368: {  	s9 =	rddreg [dreg:$0x5];
	s2 =	sadd.s32 s6, s23;
	s1 =	smul.u32 $0xA, s1  }
0x369: {  	[tilespmem:s7], [sflag:$0x3] =	stream.strided.gather [hbm4b:s2+s14], $0x1400, s17, s14, $0x38;
	[tilespmem:$0x1CE30] =	vst v63  }
0x36a: {  	s10 =	rddreg [dreg:$0x6];
	s2 =	sadd.s32 s9, s1  }
0x36b: {  	[tilespmem:s4], [sflag:$0x7] =	stream.linear.gather [hbm4b:s2+s4], $0x50, $0x38;
	[tilespmem:$0x1CE30] =	vst v63  }
0x36c: {  	s11 =	simm.s32 $0xF0;
	s1 =	sadd.s32 s10, s1  }
0x36d: {  	[tilespmem:s11], [sflag:$0x7] =	stream.linear.gather [hbm4b:s1+s4], $0x50, $0x38;
	[tilespmem:$0x1CE30] =	vst v63  }
0x36e: {  	_ =	swait.ge [sflag:s8], $0x1400  }
0x36f: {  	[sflag:s8] =	ssyncset.done $0x0  }
0x370: {  	[sflag:s8] =	ssyncadd.s32 $0xFFFFEC00  }
0x371: {  	_ =	swait.ge [sflag:s8], $0x2800  }
0x372: {  	[sflag:s8] =	ssyncset.done $0x0  }
0x373: {  	[sflag:s8] =	ssyncadd.s32 $0xFFFFD800  }
0x374: {  	_ =	swait.ge [sflag:s8], $0x1400  }
0x375: {  	[sflag:s8] =	ssyncset.done $0x0  }
0x376: {  	s15 =	simm.s32 $0x2AD0;
	[sflag:s8] =	ssyncadd.s32 $0xFFFFEC00  }
0x377: {  	s5 =	simm.s32 $0x8FD0;
	v1 =	vld [tilespmem:s15+$0xFFFFFFD0]  }
0x378: {  	v2 =	vld [tilespmem:s5+$0xFFFFFF90]  }
0x379: {  	s25 =	simm.s32 $0xDED0  }
0x37a: {  	v3 =	vld [tilespmem:s25+$0xFFFFFFD0];
	_ =	sdelay $0x2  }
0x37b: {  	v1 =	vmul.f32 v2, v1;
	_ =	sdelay $0x1  }
0x37c: {  	v2 =	vmul.f32 v3, v1;
	_ =	sdelay $0x1  }
0x37d: {  	(xrf2) =	vadd.scan.msk.f32 $0xffff, v2  }
0x37e: {  	v1 =	vld [tilespmem:s5+$0xFFFFFE10]  }
0x37f: {  	v3 =	vld [tilespmem:s15+$0xFFFFFF10];
	_ =	sdelay $0x1  }
0x380: {  	v4 =	vld [tilespmem:s25+$0xFFFFFF10];
	_ =	sdelay $0x2  }
0x381: {  	v1 =	vmul.f32 v1, v3  }
0x382: {  	v5 =	vld [tilespmem:s15+$0xFFFFFF50]  }
0x383: {  	v6 =	vld [tilespmem:s5+$0xFFFFFE90];
	v4 =	vmul.f32 v4, v1  }
0x384: {  	v7 =	vld [tilespmem:s15+$0xFFFFFF90];
	v8, _, _ =	vpop (xrf2)  }
0x385: {  	v9 =	vld [tilespmem:s25+$0xFFFFFF50];
	(xrf2) =	vadd.scan.msk.f32 $0xffff, v4;
	v1 =	vmax.f32 v8, $-5.000000000e+00  }
0x386: {  	v3 =	vld [tilespmem:s5+$0xFFFFFF10];
	v1 =	vmin.f32 v1, $5.000000000e+00  }
0x387: {  	v1 =	vmul.f32 $1.442695020e+00, v1  }
0x388: {  	v5 =	vmul.f32 v6, v5;
	v8 =	vld [tilespmem:s25+$0xFFFFFF90]  }
0x389: {  	v1 =	vbroadcast v1, $0xF  }
0x38a: {  	v5 =	vmul.f32 v9, v5  }
0x38b: {  	v3 =	vmul.f32 v3, v7;
	(erf) = vpow2.f32 v1  }
0x38c: {  	(xrf2) =	vadd.scan.msk.f32 $0xffff, v5  }
0x38d: {  	v6 =	vmul.f32 v8, v3;
	_ =	sdelay $0x1  }
0x38e: {  	(xrf2) =	vadd.scan.msk.f32 $0xffff, v6;
	v1, _, _ =	vpop (xrf2)  }
0x38f: {  	v3 =	vld [tilespmem:s5+$0xFFFFFFD0];
	v1 =	vmax.f32 v1, $-5.000000000e+00  }
0x390: {  	v1 =	vmin.f32 v1, $5.000000000e+00;
	_ =	sdelay $0x2  }
0x391: {  	v7 =	vmul.f32 $1.442695020e+00, v1;
	v1 =	vpop (erf)  }
0x392: {  	v3 =	vmul.f32 v1, v3  }
0x393: {  	s11 =	simm.s32 $0xF280;
	[tilespmem:s25+$0xFFFFFFD0] =	vst v2;
	v8, _, _ =	vpop (xrf2);
	v7 =	vbroadcast v7, $0xF  }
0x394: {  	v2 =	vmax.f32 v8, $-5.000000000e+00;
	[tilespmem:s11+$0x50] =	vst v3  }
0x395: {  	v2 =	vmin.f32 v2, $5.000000000e+00;
	(erf) = vpow2.f32 v7;
	v7 =	vld [tilespmem:s15+$0xFFFFFFE0]  }
0x396: {  	v2 =	vmul.f32 $1.442695020e+00, v2;
	v8 =	vld [tilespmem:s5+$0xFFFFFFA0];
	v3, _, _ =	vpop (xrf2)  }
0x397: {  	v3 =	vmax.f32 v3, $-5.000000000e+00  }
0x398: {  	v2 =	vbroadcast v2, $0xF;
	v3 =	vmin.f32 v3, $5.000000000e+00  }
0x399: {  	v3 =	vmul.f32 $1.442695020e+00, v3  }
0x39a: {  	(erf) = vpow2.f32 v2;
	v9 =	vld [tilespmem:s25+$0xFFFFFFE0]  }
0x39b: {  	v10 =	vld [tilespmem:s5+$0xFFFFFE50];
	v2 =	vbroadcast v3, $0xF;
	v3 =	vmul.f32 v8, v7;
	_ =	sdelay $0x3  }
0x39c: {  	v7 =	vmul.f32 v9, v3;
	v3 =	vpop (erf)  }
0x39d: {  	(erf) = vpow2.f32 v2;
	v8 =	vmul.f32 v3, v10  }
0x39e: {  	[tilespmem:s25+$0xFFFFFF10] =	vst v4;
	v2 =	vld [tilespmem:s5+$0xFFFFFED0]  }
0x39f: {  	(xrf2) =	vadd.scan.msk.f32 $0xffff, v7;
	[tilespmem:s11+$0xFFFFFF60] =	vst v8  }
0x3a0: {  	v8 =	vld [tilespmem:s15+$0xFFFFFF20]  }
0x3a1: {  	v10 =	vld [tilespmem:s5+$0xFFFFFE20]  }
0x3a2: {  	v9 =	vld [tilespmem:s5+$0xFFFFFF50];
	v4 =	vpop (erf)  }
0x3a3: {  	[tilespmem:s25+$0xFFFFFF50] =	vst v5;
	v11 =	vmul.f32 v4, v2;
	v5 =	vld [tilespmem:s25+$0xFFFFFF20];
	_ =	sdelay $0x1  }
0x3a4: {  	[tilespmem:s11+$0xFFFFFFB0] =	vst v11  }
0x3a5: {  	[tilespmem:s25+$0xFFFFFF90] =	vst v6;
	v6 =	vld [tilespmem:s15+$0xFFFFFF60];
	v2 =	vpop (erf);
	v8 =	vmul.f32 v10, v8  }
0x3a6: {  	s2 =	simm.s32 $0x2BD0;
	v11 =	vld [tilespmem:s5+$0xFFFFFEA0];
	v9 =	vmul.f32 v2, v9  }
0x3a7: {  	v13 =	vld [tilespmem:s2+$0xFFFFFFD0];
	v8 =	vmul.f32 v5, v8  }
0x3a8: {  	v12 =	vld [tilespmem:s25+$0xFFFFFF60];
	[tilespmem:s11+$0x0] =	vst v9;
	v10, _, _ =	vpop (xrf2)  }
0x3a9: {  	v9 =	vld [tilespmem:s15+$0xFFFFFFA0];
	v5 =	vmax.f32 v10, $-5.000000000e+00;
	(xrf2) =	vadd.scan.msk.f32 $0xffff, v8  }
0x3aa: {  	s1 =	simm.s32 $0x91D0;
	v10 =	vld [tilespmem:s5+$0xFFFFFF20];
	v5 =	vmin.f32 v5, $5.000000000e+00  }
0x3ab: {  	v6 =	vmul.f32 v11, v6;
	v11 =	vld [tilespmem:s1+$0xFFFFFF90];
	v5 =	vmul.f32 $1.442695020e+00, v5  }
0x3ac: {  	s21 =	simm.s32 $0xDFD0;
	v14 =	vld [tilespmem:s25+$0xFFFFFFA0]  }
0x3ad: {  	v15 =	vmul.f32 v12, v6;
	v6 =	vld [tilespmem:s21+$0xFFFFFFD0];
	v5 =	vbroadcast v5, $0xF;
	_ =	sdelay $0x1  }
0x3ae: {  	v16 =	vld [tilespmem:s1+$0xFFFFFE90];
	(xrf2) =	vadd.scan.msk.f32 $0xffff, v15;
	(erf) = vpow2.f32 v5;
	v5 =	vmul.f32 v10, v9  }
0x3af: {  	v9 =	vld [tilespmem:s1+$0xFFFFFE10];
	v10 =	vmul.f32 v11, v13  }
0x3b0: {  	v13 =	vld [tilespmem:s2+$0xFFFFFF10];
	v11 =	vmul.f32 v14, v5  }
0x3b1: {  	v12 =	vld [tilespmem:s2+$0xFFFFFF50];
	v14 =	vmul.f32 v6, v10  }
0x3b2: {  	v10 =	vld [tilespmem:s21+$0xFFFFFF10];
	(xrf2) =	vadd.scan.msk.f32 $0xffff, v11;
	v5, _, _ =	vpop (xrf2)  }
0x3b3: {  	v6 =	vld [tilespmem:s5+$0xFFFFFFE0];
	(xrf2) =	vadd.scan.msk.f32 $0xffff, v14;
	v5 =	vmax.f32 v5, $-5.000000000e+00  }
0x3b4: {  	v5 =	vmin.f32 v5, $5.000000000e+00  }
0x3b5: {  	v19 =	vld [tilespmem:s21+$0xFFFFFF50];
	v9 =	vmul.f32 v9, v13  }
0x3b6: {  	v17 =	vld [tilespmem:s2+$0xFFFFFF90]  }
0x3b7: {  	v13 =	vld [tilespmem:s1+$0xFFFFFF10];
	v9 =	vmul.f32 v10, v9;
	v18 =	vmul.f32 $1.442695020e+00, v5;
	v5 =	vpop (erf)  }
0x3b8: {  	v10 =	vmul.f32 v16, v12;
	v20, _, _ =	vpop (xrf2);
	v6 =	vmul.f32 v5, v6  }
0x3b9: {  	[tilespmem:s25+$0xFFFFFFE0] =	vst v7;
	v12 =	vld [tilespmem:s21+$0xFFFFFF90];
	v7 =	vmax.f32 v20, $-5.000000000e+00;
	v18 =	vbroadcast v18, $0xF  }
0x3ba: {  	v16 =	vmul.f32 v19, v10;
	[tilespmem:s11+$0x60] =	vst v6;
	v6 =	vmin.f32 v7, $5.000000000e+00  }
0x3bb: {  	(xrf2) =	vadd.scan.msk.f32 $0xffff, v9;
	(erf) = vpow2.f32 v18;
	v7 =	vld [tilespmem:s15+$0xFFFFFFF0];
	v6 =	vmul.f32 $1.442695020e+00, v6  }
0x3bc: {  	v13 =	vmul.f32 v13, v17;
	v17, _, _ =	vpop (xrf2);
	(xrf2) =	vadd.scan.msk.f32 $0xffff, v16;
	v10 =	vld [tilespmem:s5+$0xFFFFFFB0]  }
0x3bd: {  	v17 =	vmax.f32 v17, $-5.000000000e+00;
	v18, _, _ =	vpop (xrf2);
	v6 =	vbroadcast v6, $0xF  }
0x3be: {  	v13 =	vmul.f32 v12, v13;
	v19 =	vld [tilespmem:s25+$0xFFFFFFF0];
	v12 =	vmin.f32 v17, $5.000000000e+00;
	v17 =	vmax.f32 v18, $-5.000000000e+00  }
0x3bf: {  	(erf) = vpow2.f32 v6;
	v6 =	vmul.f32 $1.442695020e+00, v12;
	v12 =	vmin.f32 v17, $5.000000000e+00  }
0x3c0: {  	v17 =	vld [tilespmem:s5+$0xFFFFFE60];
	v12 =	vmul.f32 $1.442695020e+00, v12  }
0x3c1: {  	(xrf2) =	vadd.scan.msk.f32 $0xffff, v13;
	v7 =	vmul.f32 v10, v7;
	v10 =	vbroadcast v6, $0xF;
	_ =	sdelay $0x1  }
0x3c2: {  	v12 =	vbroadcast v12, $0xF;
	v19 =	vmul.f32 v19, v7  }
0x3c3: {  	v6 =	vpop (erf);
	(erf) = vpow2.f32 v10  }
0x3c4: {  	v7 =	vld [tilespmem:s5+$0xFFFFFEE0];
	(erf) = vpow2.f32 v12;
	v12 =	vmul.f32 v6, v17;
	v10, _, _ =	vpop (xrf2);
	(xrf2) =	vadd.scan.msk.f32 $0xffff, v19  }
0x3c5: {  	v10 =	vmax.f32 v10, $-5.000000000e+00;
	v17, _, _ =	vpop (xrf2)  }
0x3c6: {  	v10 =	vmin.f32 v10, $5.000000000e+00;
	v17 =	vmax.f32 v17, $-5.000000000e+00  }
0x3c7: {  	[tilespmem:s25+$0xFFFFFF20] =	vst v8;
	v10 =	vmul.f32 $1.442695020e+00, v10;
	v17 =	vmin.f32 v17, $5.000000000e+00  }
0x3c8: {  	[tilespmem:s11+$0xFFFFFF70] =	vst v12;
	v12 =	vpop (erf)  }
0x3c9: {  	v7 =	vmul.f32 v12, v7;
	v10 =	vbroadcast v10, $0xF  }
0x3ca: {  	v23 =	vld [tilespmem:s1+$0xFFFFFFD0];
	[tilespmem:s25+$0xFFFFFF60] =	vst v15;
	v15 =	vmul.f32 $1.442695020e+00, v17;
	v17, _, _ =	vpop (xrf2)  }
0x3cb: {  	v20 =	vld [tilespmem:s1+$0xFFFFFE50];
	[tilespmem:s11+$0xFFFFFFC0] =	vst v7;
	v7 =	vmax.f32 v17, $-5.000000000e+00  }
0x3cc: {  	v18 =	vld [tilespmem:s5+$0xFFFFFF60];
	v7 =	vmin.f32 v7, $5.000000000e+00  }
0x3cd: {  	v8 =	vld [tilespmem:s1+$0xFFFFFED0];
	(erf) = vpow2.f32 v10;
	v10 =	vpop (erf)  }
0x3ce: {  	v21 =	vld [tilespmem:s15+$0xFFFFFF30];
	v29, _, _ =	vpop (xrf2)  }
0x3cf: {  	v24 =	vld [tilespmem:s5+$0xFFFFFE30];
	v15 =	vbroadcast v15, $0xF;
	v17 =	vmul.f32 $1.442695020e+00, v7;
	v7 =	vpop (erf)  }
0x3d0: {  	[tilespmem:s21+$0xFFFFFFD0] =	vst v14;
	v25 =	vld [tilespmem:s25+$0xFFFFFF30];
	v14 =	vmax.f32 v29, $-5.000000000e+00;
	v23 =	vmul.f32 v7, v23  }
0x3d1: {  	s9 =	simm.s32 $0xF3C0;
	[tilespmem:s25+$0xFFFFFFA0] =	vst v11;
	v26 =	vld [tilespmem:s15+$0xFFFFFF70];
	(erf) = vpow2.f32 v15;
	v14 =	vmin.f32 v14, $5.000000000e+00  }
0x3d2: {  	v27 =	vld [tilespmem:s5+$0xFFFFFEB0];
	v18 =	vmul.f32 v10, v18;
	v11 =	vmul.f32 $1.442695020e+00, v14;
	[tilespmem:s9+$0x50] =	vst v23  }
0x3d3: {  	v23 =	vld [tilespmem:s2+$0xFFFFFFE0]  }
0x3d4: {  	[tilespmem:s11+$0x10] =	vst v18;
	v14 =	vmul.f32 v24, v21;
	v18 =	vld [tilespmem:s1+$0xFFFFFFA0]  }
0x3d5: {  	v28 =	vld [tilespmem:s25+$0xFFFFFF70];
	v30 =	vbroadcast v17, $0xF  }
0x3d6: {  	v21 =	vbroadcast v11, $0xF;
	v29 =	vmul.f32 v25, v14;
	v25 =	vld [tilespmem:s21+$0xFFFFFFE0];
	v11 =	vpop (erf)  }
0x3d7: {  	(erf) = vpow2.f32 v30;
	v24 =	vld [tilespmem:s15+$0xFFFFFFB0];
	v20 =	vmul.f32 v11, v20  }
0x3d8: {  	[tilespmem:s21+$0xFFFFFF10] =	vst v9;
	v14 =	vmul.f32 v27, v26;
	v26 =	vld [tilespmem:s5+$0xFFFFFF30];
	(erf) = vpow2.f32 v21  }
0x3d9: {  	v22 =	vld [tilespmem:s1+$0xFFFFFF50];
	[tilespmem:s9+$0xFFFFFF60] =	vst v20;
	v20 =	vmul.f32 v18, v23  }
0x3da: {  	v21 =	vmul.f32 v28, v14;
	v14 =	vld [tilespmem:s25+$0xFFFFFFB0]  }
0x3db: {  	(xrf2) =	vadd.scan.msk.f32 $0xffff, v29;
	v9 =	vpop (erf);
	v23 =	vld [tilespmem:s2+$0xFFFFFF20];
	v27 =	vmul.f32 v25, v20  }
0x3dc: {  	[tilespmem:s21+$0xFFFFFF50] =	vst v16;
	(xrf2) =	vadd.scan.msk.f32 $0xffff, v21;
	v8 =	vmul.f32 v9, v8;
	v16 =	vld [tilespmem:s1+$0xFFFFFE20]  }
0x3dd: {  	[tilespmem:s21+$0xFFFFFF90] =	vst v13;
	v13 =	vmul.f32 v26, v24;
	v20 =	vld [tilespmem:s5+$0xFFFFFFF0];
	(xrf2) =	vadd.scan.msk.f32 $0xffff, v27  }
0x3de: {  	[tilespmem:s9+$0xFFFFFFB0] =	vst v8;
	v26 =	vld [tilespmem:s21+$0xFFFFFF20]  }
0x3df: {  	v25 =	vld [tilespmem:s2+$0xFFFFFF60]  }
0x3e0: {  	v24 =	vld [tilespmem:s1+$0xFFFFFEA0];
	v8 =	vpop (erf)  }
0x3e1: {  	v28 =	vmul.f32 v14, v13;
	v22 =	vmul.f32 v8, v22;
	v13 =	vpop (erf)  }
0x3e2: {  	s20 =	simm.s32 $0x93D0;
	[tilespmem:s25+$0xFFFFFFF0] =	vst v19;
	v16 =	vmul.f32 v16, v23;
	v23 =	vld [tilespmem:s21+$0xFFFFFF60];
	v20 =	vmul.f32 v13, v20  }
0x3e3: {  	v58 =	vld [tilespmem:s20+$0xFFFFFE10];
	[tilespmem:s9+$0x0] =	vst v22  }
0x3e4: {  	(xrf2) =	vadd.scan.msk.f32 $0xffff, v28;
	v14 =	vld [tilespmem:s2+$0xFFFFFFA0];
	v31 =	vmul.f32 v26, v16;
	[tilespmem:s11+$0x70] =	vst v20  }
0x3e5: {  	v19, _, _ =	vpop (xrf2);
	v24 =	vmul.f32 v24, v25;
	v16 =	vld [tilespmem:s15+$0x0]  }
0x3e6: {  	v19 =	vmax.f32 v19, $-5.000000000e+00;
	v25 =	vld [tilespmem:s5+$0xFFFFFFC0];
	(xrf2) =	vadd.scan.msk.f32 $0xffff, v31;
	v20, _, _ =	vpop (xrf2)  }
0x3e7: {  	v22 =	vld [tilespmem:s1+$0xFFFFFF20];
	v19 =	vmin.f32 v19, $5.000000000e+00;
	v33 =	vmul.f32 v23, v24;
	v23, _, _ =	vpop (xrf2)  }
0x3e8: {  	v19 =	vmul.f32 $1.442695020e+00, v19;
	v24 =	vld [tilespmem:s25+$0x0];
	v23 =	vmax.f32 v23, $-5.000000000e+00  }
0x3e9: {  	s18 =	simm.s32 $0x2CD0;
	v30 =	vld [tilespmem:s21+$0xFFFFFFA0];
	v20 =	vmax.f32 v20, $-5.000000000e+00;
	v23 =	vmin.f32 v23, $5.000000000e+00  }
0x3ea: {  	v26 =	vld [tilespmem:s18+$0xFFFFFFD0];
	v19 =	vbroadcast v19, $0xF;
	v20 =	vmin.f32 v20, $5.000000000e+00;
	v23 =	vmul.f32 $1.442695020e+00, v23  }
0x3eb: {  	(xrf2) =	vadd.scan.msk.f32 $0xffff, v33;
	v20 =	vmul.f32 $1.442695020e+00, v20;
	v16 =	vmul.f32 v25, v16;
	v25 =	vld [tilespmem:s20+$0xFFFFFF90]  }
0x3ec: {  	s10 =	simm.s32 $0xE0D0;
	v59 =	vld [tilespmem:s20+$0xFFFFFE90];
	v22 =	vmul.f32 v22, v14;
	v23 =	vbroadcast v23, $0xF  }
0x3ed: {  	v20 =	vbroadcast v20, $0xF;
	v14 =	vmul.f32 v24, v16;
	v24 =	vld [tilespmem:s10+$0xFFFFFFD0]  }
0x3ee: {  	v60 =	vld [tilespmem:s18+$0xFFFFFF90];
	(erf) = vpow2.f32 v19;
	v57, _, _ =	vpop (xrf2)  }
0x3ef: {  	v61 =	vld [tilespmem:s20+$0xFFFFFF10];
	v16 =	vmul.f32 v30, v22;
	(erf) = vpow2.f32 v20;
	v20 =	vmax.f32 v57, $-5.000000000e+00  }
0x3f0: {  	v63 =	vld [tilespmem:s10+$0xFFFFFF10];
	v20 =	vmin.f32 v20, $5.000000000e+00;
	v22 =	vmul.f32 v25, v26;
	(erf) = vpow2.f32 v23;
	v23, _, _ =	vpop (xrf2)  }
0x3f1: {  	v48 =	vld [tilespmem:s10+$0xFFFFFF50];
	v20 =	vmul.f32 $1.442695020e+00, v20;
	v23 =	vmax.f32 v23, $-5.000000000e+00  }
0x3f2: {  	v15 =	vld [tilespmem:s5+$0xFFFFFE70];
	v39 =	vmul.f32 v24, v22;
	v22 =	vmin.f32 v23, $5.000000000e+00  }
0x3f3: {  	(xrf2) =	vadd.scan.msk.f32 $0xffff, v14;
	v26 =	vld [tilespmem:s18+$0xFFFFFF10];
	v20 =	vbroadcast v20, $0xF  }
0x3f4: {  	v17 =	vld [tilespmem:s5+$0xFFFFFEF0];
	(xrf2) =	vadd.scan.msk.f32 $0xffff, v16  }
0x3f5: {  	v62 =	vld [tilespmem:s1+$0xFFFFFFE0];
	(erf) = vpow2.f32 v20;
	v20 =	vmul.f32 $1.442695020e+00, v22;
	v22, _, _ =	vpop (xrf2);
	(xrf2) =	vadd.scan.msk.f32 $0xffff, v39  }
0x3f6: {  	v30 =	vld [tilespmem:s18+$0xFFFFFF50]  }
0x3f7: {  	v50 =	vld [tilespmem:s10+$0xFFFFFF90];
	v23 =	vpop (erf);
	v20 =	vbroadcast v20, $0xF  }
0x3f8: {  	v45 =	vld [tilespmem:s20+$0xFFFFFFD0];
	[tilespmem:s25+$0xFFFFFF30] =	vst v29;
	v26 =	vmul.f32 v58, v26;
	v25 =	vpop (erf);
	v22 =	vmax.f32 v22, $-5.000000000e+00  }
0x3f9: {  	[tilespmem:s25+$0xFFFFFF70] =	vst v21;
	v18 =	vld [tilespmem:s5+$0xFFFFFF70];
	v15 =	vmul.f32 v23, v15;
	v22 =	vmin.f32 v22, $5.000000000e+00;
	(erf) = vpow2.f32 v20;
	v24 =	vpop (erf)  }
0x3fa: {  	v32 =	vld [tilespmem:s1+$0xFFFFFE60];
	[tilespmem:s21+$0xFFFFFFE0] =	vst v27;
	v49 =	vmul.f32 $1.442695020e+00, v22;
	v51 =	vmul.f32 v24, v62  }
0x3fb: {  	v34 =	vld [tilespmem:s1+$0xFFFFFEE0];
	v27 =	vmul.f32 v59, v30;
	v17 =	vmul.f32 v25, v17;
	[tilespmem:s11+$0xFFFFFF80] =	vst v15  }
0x3fc: {  	v19 =	vld [tilespmem:s1+$0xFFFFFF60];
	v26 =	vmul.f32 v63, v26;
	v29 =	vbroadcast v49, $0xF;
	[tilespmem:s9+$0x60] =	vst v51  }
0x3fd: {  	[tilespmem:s11+$0xFFFFFFD0] =	vst v17;
	v17 =	vmul.f32 v61, v60;
	v15, _, _ =	vpop (xrf2);
	v54 =	vld [tilespmem:s2+$0xFFFFFFF0]  }
0x3fe: {  	v27 =	vmul.f32 v48, v27;
	v52 =	vmax.f32 v15, $-5.000000000e+00;
	v53, _, _ =	vpop (xrf2);
	(xrf2) =	vadd.scan.msk.f32 $0xffff, v26;
	v55 =	vld [tilespmem:s1+$0xFFFFFFB0];
	(erf) = vpow2.f32 v29  }
0x3ff: {  	[tilespmem:s25+$0xFFFFFFB0] =	vst v28;
	v59 =	vld [tilespmem:s5+$0x0];
	v28 =	vmul.f32 v50, v17;
	v21 =	vmax.f32 v53, $-5.000000000e+00;
	v29 =	vmin.f32 v52, $5.000000000e+00;
	v56, _, _ =	vpop (xrf2)  }
0x400: {  	v20 =	vld [tilespmem:s20+$0xFFFFFED0];
	v40 =	vpop (erf);
	v21 =	vmin.f32 v21, $5.000000000e+00;
	v29 =	vmul.f32 $1.442695020e+00, v29;
	v38 =	vmax.f32 v56, $-5.000000000e+00  }
0x401: {  	v18 =	vmul.f32 v40, v18;
	v57 =	vld [tilespmem:s21+$0xFFFFFFF0];
	v21 =	vmul.f32 $1.442695020e+00, v21;
	v17 =	vmin.f32 v38, $5.000000000e+00  }
0x402: {  	v22 =	vld [tilespmem:s20+$0xFFFFFE50];
	v29 =	vbroadcast v29, $0xF;
	(xrf2) =	vadd.scan.msk.f32 $0xffff, v27;
	v17 =	vmul.f32 $1.442695020e+00, v17  }
0x403: {  	v30 =	vld [tilespmem:s15+$0xFFFFFF40];
	[tilespmem:s11+$0x20] =	vst v18;
	v18 =	vbroadcast v21, $0xF;
	v58 =	vmul.f32 v55, v54;
	v38 =	vpop (erf)  }
0x404: {  	v37 =	vld [tilespmem:s5+$0xFFFFFE40];
	(xrf2) =	vadd.scan.msk.f32 $0xffff, v28;
	v21 =	vmul.f32 v38, v32;
	v17 =	vbroadcast v17, $0xF  }
0x405: {  	[tilespmem:s21+$0xFFFFFF20] =	vst v31;
	v42 =	vld [tilespmem:s5+$0xFFFFFEC0]  }
0x406: {  	v15 =	vld [tilespmem:s20+$0xFFFFFF50];
	(erf) = vpow2.f32 v29;
	[tilespmem:s9+$0xFFFFFF70] =	vst v21;
	v21 =	vmul.f32 v57, v58  }
0x407: {  	v49 =	vld [tilespmem:s25+$0xFFFFFF80];
	v36 =	vpop (erf);
	(erf) = vpow2.f32 v18  }
0x408: {  	(erf) = vpow2.f32 v17;
	v18 =	vld [tilespmem:s2+$0xFFFFFF30];
	v17, _, _ =	vpop (xrf2);
	(xrf2) =	vadd.scan.msk.f32 $0xffff, v21  }
0x409: {  	v34 =	vmul.f32 v36, v34;
	v60 =	vld [tilespmem:s1+$0xFFFFFE30]  }
0x40a: {  	[tilespmem:s21+$0xFFFFFF60] =	vst v33;
	v35 =	vld [tilespmem:s15+$0xFFFFFFC0];
	v17 =	vmax.f32 v17, $-5.000000000e+00  }
0x40b: {  	v61 =	vld [tilespmem:s21+$0xFFFFFF30];
	[tilespmem:s9+$0xFFFFFFC0] =	vst v34;
	v17 =	vmin.f32 v17, $5.000000000e+00  }
0x40c: {  	v1 =	vnsel vm0, $0x0, v1;
	v34 =	vld [tilespmem:s2+$0xFFFFFF70];
	v62, _, _ =	vpop (xrf2);
	v17 =	vmul.f32 $1.442695020e+00, v17  }
0x40d: {  	v3 =	vnsel vm0, $0x0, v3;
	v1 =	vsel vm1, v1, v5;
	v63 =	vld [tilespmem:s1+$0xFFFFFEB0];
	v43 =	vmax.f32 v62, $-5.000000000e+00  }
0x40e: {  	v31 =	vld [tilespmem:s5+$0xFFFFFF40];
	v52, _, _ =	vpop (xrf2);
	v43 =	vmin.f32 v43, $5.000000000e+00;
	v5 =	vmul.f32 v60, v18;
	v17 =	vbroadcast v17, $0xF  }
0x40f: {  	v3 =	vsel vm1, v3, v6;
	v54 =	vld [tilespmem:s25+$0xFFFFFF40];
	v46 =	vpop (erf);
	v6 =	vmax.f32 v52, $-5.000000000e+00;
	v51 =	vmul.f32 $1.442695020e+00, v43  }
0x410: {  	v47 =	vld [tilespmem:s21+$0xFFFFFF70];
	v6 =	vmin.f32 v6, $5.000000000e+00;
	v53 =	vpop (erf);
	v5 =	vmul.f32 v61, v5;
	(erf) = vpow2.f32 v17  }
0x411: {  	v56 =	vld [tilespmem:s25+$0xFFFFFFC0];
	v6 =	vmul.f32 $1.442695020e+00, v6;
	v48 =	vpop (erf)  }
0x412: {  	v4 =	vnsel vm0, $0x0, v4;
	v29 =	vld [tilespmem:s15+$0xFFFFFF80];
	v33 =	vbroadcast v51, $0xF;
	v34 =	vmul.f32 v63, v34;
	v55, _, _ =	vpop (xrf2);
	(xrf2) =	vadd.scan.msk.f32 $0xffff, v5  }
0x413: {  	v4 =	vsel vm1, v4, v12;
	v18 =	vld [tilespmem:s1+$0xFFFFFE70];
	v6 =	vbroadcast v6, $0xF;
	v12 =	vmul.f32 v48, v45  }
0x414: {  	s6 =	simm.s32 $0xF500;
	v2 =	vnsel vm0, $0x0, v2;
	[tilespmem:s10+$0xFFFFFFD0] =	vst v39;
	v17 =	vld [tilespmem:s1+$0xFFFFFEF0];
	(erf) = vpow2.f32 v33  }
0x415: {  	v34 =	vmul.f32 v47, v34;
	(erf) = vpow2.f32 v6;
	v6 =	vld [tilespmem:s5+$0xFFFFFF00];
	[tilespmem:s6+$0x50] =	vst v12;
	v33 =	vmax.f32 v55, $-5.000000000e+00  }
0x416: {  	v10 =	vsel vm1, v2, v10;
	v7 =	vnsel vm0, $0x0, v7;
	v57 =	vld [tilespmem:s18+$0xFFFFFFE0];
	v33 =	vmin.f32 v33, $5.000000000e+00  }
0x417: {  	[tilespmem:s21+$0xFFFFFFA0] =	vst v16;
	v19 =	vmul.f32 v53, v19;
	v58 =	vld [tilespmem:s20+$0xFFFFFFA0];
	(xrf2) =	vadd.scan.msk.f32 $0xffff, v34;
	v33 =	vmul.f32 $1.442695020e+00, v33  }
0x418: {  	v13 =	vsel vm2, v1, v13;
	[tilespmem:s25+$0x0] =	vst v14;
	v2 =	vsel vm2, v3, v23;
	v16 =	vmul.f32 v37, v30;
	v12 =	vld [tilespmem:s5+$0xFFFFFE80]  }
0x419: {  	v1 =	vsel vm2, v4, v25;
	[tilespmem:s9+$0x10] =	vst v19;
	v19 =	vmul.f32 v42, v29;
	v4 =	vld [tilespmem:s10+$0xFFFFFFE0];
	v3 =	vbroadcast v33, $0xF;
	v29 =	vpop (erf)  }
0x41a: {  	v11 =	vnsel vm0, $0x0, v11;
	[tilespmem:s10+$0xFFFFFF50] =	vst v27;
	v24 =	vsel vm1, v7, v24;
	v25 =	vld [tilespmem:s2+$0xFFFFFFB0];
	v7 =	vmul.f32 v29, v22  }
0x41b: {  	[tilespmem:s10+$0xFFFFFF10] =	vst v26;
	v23 =	vmul.f32 v54, v16;
	(erf) = vpow2.f32 v3;
	v22 =	vld [tilespmem:s1+$0xFFFFFF30];
	v3 =	vsel vm2, v10, v40  }
0x41c: {  	v27 =	vld [tilespmem:s21+$0xFFFFFFB0];
	v10 =	vmul.f32 v58, v57;
	[tilespmem:s6+$0xFFFFFF60] =	vst v7;
	v7 =	vsel vm1, v11, v38;
	v11 =	vmul.f32 v46, v59;
	v14, _, _ =	vpop (xrf2)  }
0x41d: {  	v16 =	vld [tilespmem:s1+$0xFFFFFF70];
	v30 =	vmul.f32 v49, v19;
	(xrf2) =	vadd.scan.msk.f32 $0xffff, v23;
	v14 =	vmax.f32 v14, $-5.000000000e+00  }
0x41e: {  	v26 =	vmul.f32 v31, v35;
	v31 =	vpop (erf);
	v19 =	vmul.f32 v4, v10;
	v4 =	vld [tilespmem:s18+$0xFFFFFF20];
	[tilespmem:s11+$0x80] =	vst v11;
	v11 =	vmin.f32 v14, $5.000000000e+00  }
0x41f: {  	[tilespmem:s10+$0xFFFFFF90] =	vst v28;
	(xrf2) =	vadd.scan.msk.f32 $0xffff, v30;
	v28 =	vpop (erf);
	v10 =	vmul.f32 v31, v20;
	v20 =	vld [tilespmem:s20+$0xFFFFFE20]  }
0x420: {  	v9 =	vnsel vm0, $0x0, v9;
	v59 =	vmul.f32 v28, v15;
	(xrf2) =	vadd.scan.msk.f32 $0xffff, v19;
	v22 =	vmul.f32 v22, v25;
	v25 =	vld [tilespmem:s1+$0xFFFFFFF0]  }
0x421: {  	v15 =	vmul.f32 v56, v26;
	v26 =	vld [tilespmem:s10+$0xFFFFFF20];
	[tilespmem:s6+$0xFFFFFFB0] =	vst v10;
	v10 =	vsel vm1, v9, v36;
	v9 =	vmul.f32 $1.442695020e+00, v11;
	v11, _, _ =	vpop (xrf2)  }
0x422: {  	v13 =	vsel vm3, v13, v46;
	[tilespmem:s6+$0x0] =	vst v59;
	v14 =	vld [tilespmem:s18+$0xFFFFFF60];
	v27 =	vmul.f32 v27, v22;
	v11 =	vmax.f32 v11, $-5.000000000e+00  }
0x423: {  	v8 =	vnsel vm0, $0x0, v8;
	[tilespmem:s11+$0x90] =	vst v13;
	v61 =	vld [tilespmem:s18+$0xFFFFFFA0];
	v60 =	vbroadcast v9, $0xF;
	v11 =	vmin.f32 v11, $5.000000000e+00  }
0x424: {  	[tilespmem:s21+$0xFFFFFF30] =	vst v5;
	v22 =	vld [tilespmem:s20+$0xFFFFFEA0];
	v20 =	vmul.f32 v20, v4;
	(xrf2) =	vadd.scan.msk.f32 $0xffff, v27;
	v4 =	vpop (erf);
	v62 =	vmul.f32 $1.442695020e+00, v11  }
0x425: {  	[tilespmem:s21+$0xFFFFFF70] =	vst v34;
	v63 =	vld [tilespmem:s20+$0xFFFFFF20];
	v9 =	vsel vm1, v8, v53;
	v25 =	vmul.f32 v4, v25  }
0x426: {  	[tilespmem:s21+$0xFFFFFFF0] =	vst v21;
	v21 =	vld [tilespmem:s10+$0xFFFFFF60];
	v8 =	vnsel vm0, $0x0, v29;
	(erf) = vpow2.f32 v60;
	v29 =	vbroadcast v62, $0xF  }
0x427: {  	v13 =	vsel vm2, v24, v4;
	v24, _, _ =	vpop (xrf2);
	v4 =	vnsel vm0, $0x0, v28;
	[tilespmem:s9+$0x70] =	vst v25;
	v25 =	vld [tilespmem:s10+$0xFFFFFFA0]  }
0x428: {  	[tilespmem:s25+$0xFFFFFF40] =	vst v23;
	v20 =	vmul.f32 v26, v20;
	v24 =	vmax.f32 v24, $-5.000000000e+00;
	v28 =	vld [tilespmem:s2+$0x0];
	(erf) = vpow2.f32 v29  }
0x429: {  	[tilespmem:s25+$0xFFFFFF80] =	vst v30;
	v5 =	vnsel vm0, $0x0, v31;
	v23, _, _ =	vpop (xrf2);
	v14 =	vmul.f32 v22, v14;
	v22 =	vmin.f32 v24, $5.000000000e+00;
	v29 =	vld [tilespmem:s1+$0xFFFFFFC0]  }
0x42a: {  	v30 =	vmul.f32 v63, v61;
	v23 =	vmax.f32 v23, $-5.000000000e+00;
	(xrf2) =	vadd.scan.msk.f32 $0xffff, v20;
	v26 =	vmul.f32 $1.442695020e+00, v22;
	v22 =	vld [tilespmem:s20+$0xFFFFFE60];
	v31, _, _ =	vpop (xrf2)  }
0x42b: {  	[tilespmem:s21+$0xFFFFFFB0] =	vst v27;
	v23 =	vmin.f32 v23, $5.000000000e+00;
	v24 =	vld [tilespmem:s21+$0x0];
	v14 =	vmul.f32 v21, v14;
	v27 =	vmax.f32 v31, $-5.000000000e+00  }
0x42c: {  	[tilespmem:s10+$0xFFFFFF20] =	vst v20;
	v20 =	vld [tilespmem:s20+$0xFFFFFF60];
	v31 =	vmul.f32 $1.442695020e+00, v23;
	v23 =	vmul.f32 v25, v30;
	v25 =	vmin.f32 v27, $5.000000000e+00  }
0x42d: {  	s31 =	simm.s32 $0xF500;
	v21 =	vld [tilespmem:s20+$0xFFFFFEE0];
	v26 =	vbroadcast v26, $0xF;
	[tilespmem:s10+$0xFFFFFF60] =	vst v14;
	(xrf2) =	vadd.scan.msk.f32 $0xffff, v14;
	v27 =	vmul.f32 $1.442695020e+00, v25  }
0x42e: {  	s7 =	simm.s32 $0x8;
	s15 =	simm.s32 $0x2DD0;
	v11 =	vnsel vm0, $0x0, v48;
	v14 =	vld [tilespmem:s5+$0xFFFFFF80];
	s5 =	simm.s32 $0x93D0;
	v25 =	vbroadcast v31, $0xF;
	[tilespmem:s10+$0xFFFFFFA0] =	vst v23;
	v28 =	vmul.f32 v29, v28;
	v29, _, _ =	vpop (xrf2)  }
.LBB2_11:
0x42f: {  	v30 =	vld [tilespmem:s15+$0xFFFFFFD0];
	s20 =	sadd.s32 $0x200, s20;
	v29 =	vmax.f32 v29, $-5.000000000e+00;
	v31 =	vpop (erf);
	[tilespmem:s25+$0xFFFFFFC0] =	vst v15;
	(erf) = vpow2.f32 v26;
	s25 =	smov.u32 s21;
	s21 =	smov.u32 s10  }
0x430: {  	v26 =	vld [tilespmem:s20+$0xFFFFFF90];
	v27 =	vbroadcast v27, $0xF;
	v29 =	vmin.f32 v29, $5.000000000e+00;
	v28 =	vmul.f32 v24, v28  }
0x431: {  	s10 =	sadd.s32 $0x100, s10;
	v18 =	vmul.f32 v31, v18;
	v7 =	vsel vm2, v7, v31;
	v24 =	vld [tilespmem:s20+$0xFFFFFE10];
	v29 =	vmul.f32 $1.442695020e+00, v29;
	v31 =	vpop (erf)  }
0x432: {  	v32 =	vld [tilespmem:s10+$0xFFFFFFD0];
	(erf) = vpow2.f32 v27;
	v17 =	vmul.f32 v31, v17;
	v10 =	vsel vm2, v10, v31;
	(xrf2) =	vadd.scan.msk.f32 $0xffff, v28  }
0x433: {  	v31 =	vld [tilespmem:s15+$0xFFFFFF50];
	[tilespmem:s9+$0xFFFFFF80] =	vst v18;
	v18 =	vbroadcast v29, $0xF  }
0x434: {  	s7 =	sadd.s32 $0x4, s7;
	v29 =	vld [tilespmem:s20+$0xFFFFFE90];
	v27, _, _ =	vpop (xrf2);
	[tilespmem:s9+$0xFFFFFFD0] =	vst v17;
	(erf) = vpow2.f32 v25  }
0x435: {  	p0 =	slt.u32 s7, $0x4C;
	v17 =	vld [tilespmem:s15+$0xFFFFFF90];
	v33 =	vmul.f32 v26, v30;
	v26 =	vmax.f32 v27, $-5.000000000e+00;
	(xrf2) =	vadd.scan.msk.f32 $0xffff, v23;
	(erf) = vpow2.f32 v18  }
0x436: {  	v18 =	vld [tilespmem:s20+$0xFFFFFF10];
	v23 =	vmin.f32 v26, $5.000000000e+00  }
0x437: {  	v30 =	vld [tilespmem:s15+$0xFFFFFF10];
	v27 =	vmul.f32 v32, v33;
	v23 =	vmul.f32 $1.442695020e+00, v23;
	v25, _, _ =	vpop (xrf2)  }
0x438: {  	v25 =	vmax.f32 v25, $-5.000000000e+00;
	v32 =	vld [tilespmem:s5+$0xFFFFFFE0];
	v26 =	vpop (erf)  }
0x439: {  	v33 =	vld [tilespmem:s10+$0xFFFFFF10];
	v29 =	vmul.f32 v29, v31;
	(xrf2) =	vadd.scan.msk.f32 $0xffff, v27;
	v23 =	vbroadcast v23, $0xF;
	v25 =	vmin.f32 v25, $5.000000000e+00  }
0x43a: {  	v34 =	vmul.f32 v26, v12;
	v26 =	vsel vm3, v2, v26;
	v2 =	vmovc v7;
	v31 =	vld [tilespmem:s10+$0xFFFFFF50];
	v25 =	vmul.f32 $1.442695020e+00, v25  }
0x43b: {  	v7 =	vld [tilespmem:s10+$0xFFFFFF90];
	v17 =	vmul.f32 v18, v17;
	(erf) = vpow2.f32 v23;
	v18 =	vpop (erf);
	[tilespmem:s11+$0xFFFFFFA0] =	vst v26  }
0x43c: {  	v26 =	vld [tilespmem:s20+$0xFFFFFE50];
	v24 =	vmul.f32 v24, v30;
	v35 =	vbroadcast v25, $0xF;
	v23 =	vsel vm1, v11, v18;
	v11, _, _ =	vpop (xrf2);
	(xrf2) =	vadd.scan.msk.f32 $0xffff, v15  }
0x43d: {  	v25 =	vld [tilespmem:s20+$0xFFFFFED0];
	v32 =	vmul.f32 v18, v32;
	v11 =	vmax.f32 v11, $-5.000000000e+00;
	[tilespmem:s11+$0xFFFFFF90] =	vst v34;
	v12 =	vpop (erf)  }
0x43e: {  	v18 =	vmul.f32 v33, v24;
	v24 =	vld [tilespmem:s20+$0xFFFFFF50];
	[tilespmem:s21+$0xFFFFFFE0] =	vst v19;
	(erf) = vpow2.f32 v35;
	v11 =	vmin.f32 v11, $5.000000000e+00;
	v30 =	vpop (erf)  }
0x43f: {  	v29 =	vmul.f32 v31, v29;
	[tilespmem:s6+$0x60] =	vst v32;
	v15, _, _ =	vpop (xrf2);
	v31 =	vld [tilespmem:s2+$0xFFFFFF40];
	v19 =	vsel vm2, v9, v30;
	v9 =	vmul.f32 $1.442695020e+00, v11  }
0x440: {  	[tilespmem:s10+$0xFFFFFF10] =	vst v18;
	v11 =	vmul.f32 v7, v17;
	(xrf2) =	vadd.scan.msk.f32 $0xffff, v18;
	v7 =	vmax.f32 v15, $-5.000000000e+00;
	v15 =	vld [tilespmem:s18+$0xFFFFFFF0]  }
0x441: {  	v16 =	vmul.f32 v30, v16;
	[tilespmem:s10+$0xFFFFFF50] =	vst v29;
	v7 =	vmin.f32 v7, $5.000000000e+00;
	v17 =	vld [tilespmem:s5+$0xFFFFFFB0];
	v9 =	vbroadcast v9, $0xF  }
0x442: {  	v6 =	vmul.f32 v12, v6;
	v12 =	vsel vm3, v1, v12;
	v1 =	vmovc v10;
	[tilespmem:s10+$0xFFFFFF90] =	vst v11;
	v30 =	vmul.f32 $1.442695020e+00, v7;
	v18 =	vld [tilespmem:s1+$0xFFFFFE40]  }
0x443: {  	(xrf2) =	vadd.scan.msk.f32 $0xffff, v29;
	v10, _, _ =	vpop (xrf2);
	v29 =	vld [tilespmem:s21+$0xFFFFFFF0];
	[tilespmem:s9+$0x20] =	vst v16;
	(erf) = vpow2.f32 v9  }
0x444: {  	v9 =	vmax.f32 v10, $-5.000000000e+00;
	v16 =	vbroadcast v30, $0xF;
	v7 =	vpop (erf);
	v30 =	vld [tilespmem:s2+$0xFFFFFF80];
	[tilespmem:s11+$0xFFFFFFE0] =	vst v6  }
0x445: {  	v6 =	vmin.f32 v9, $5.000000000e+00;
	v22 =	vmul.f32 v7, v22;
	v7 =	vsel vm1, v8, v7;
	v8 =	vld [tilespmem:s1+$0xFFFFFEC0];
	[tilespmem:s11+$0xFFFFFFF0] =	vst v12  }
0x446: {  	v6 =	vmul.f32 $1.442695020e+00, v6;
	(xrf2) =	vadd.scan.msk.f32 $0xffff, v11;
	v10 =	vmul.f32 v17, v15;
	v11 =	vld [tilespmem:s2+$0xFFFFFFC0];
	v12, _, _ =	vpop (xrf2);
	s2 =	smov.u32 s18;
	s18 =	smov.u32 s15  }
0x447: {  	[tilespmem:s6+$0xFFFFFF70] =	vst v22;
	v9 =	vpop (erf);
	v15 =	vmul.f32 v18, v31;
	v17 =	vld [tilespmem:s1+$0xFFFFFF40];
	v12 =	vmax.f32 v12, $-5.000000000e+00  }
0x448: {  	v6 =	vbroadcast v6, $0xF;
	v22 =	vmul.f32 v29, v10;
	v18 =	vld [tilespmem:s1+$0x0];
	v12 =	vmin.f32 v12, $5.000000000e+00  }
0x449: {  	v21 =	vmul.f32 v9, v21;
	v10 =	vsel vm1, v5, v9;
	v29 =	vld [tilespmem:s2+$0xFFFFFF30];
	(erf) = vpow2.f32 v16  }
0x44a: {  	v5, _, _ =	vpop (xrf2);
	(erf) = vpow2.f32 v6;
	v6 =	vld [tilespmem:s5+$0xFFFFFE30];
	(xrf2) =	vadd.scan.msk.f32 $0xffff, v22;
	v8 =	vmul.f32 v8, v30  }
0x44b: {  	v12 =	vmul.f32 $1.442695020e+00, v12;
	v5 =	vmax.f32 v5, $-5.000000000e+00;
	v9 =	vld [tilespmem:s21+$0xFFFFFF30];
	[tilespmem:s6+$0xFFFFFFC0] =	vst v21  }
0x44c: {  	v5 =	vmin.f32 v5, $5.000000000e+00;
	v16 =	vld [tilespmem:s2+$0xFFFFFF70];
	v21 =	vmul.f32 v17, v11;
	v11 =	vpop (erf)  }
0x44d: {  	v5 =	vmul.f32 $1.442695020e+00, v5;
	v17, _, _ =	vpop (xrf2);
	v30 =	vld [tilespmem:s5+$0xFFFFFEB0];
	v18 =	vmul.f32 v11, v18;
	v11 =	vsel vm3, v13, v11  }
0x44e: {  	v12 =	vbroadcast v12, $0xF;
	v13 =	vmax.f32 v17, $-5.000000000e+00;
	v31 =	vld [tilespmem:s21+$0xFFFFFF70];
	[tilespmem:s25+$0x0] =	vst v28  }
0x44f: {  	v5 =	vbroadcast v5, $0xF;
	v13 =	vmin.f32 v13, $5.000000000e+00;
	v28 =	vld [tilespmem:s20+$0xFFFFFFD0];
	v6 =	vmul.f32 v6, v29;
	[tilespmem:s9+$0x80] =	vst v18  }
0x450: {  	v13 =	vmul.f32 $1.442695020e+00, v13;
	v17, _, _ =	vpop (xrf2);
	v18 =	vld [tilespmem:s5+$0xFFFFFE70];
	[tilespmem:s9+$0x90] =	vst v11;
	(erf) = vpow2.f32 v12  }
0x451: {  	v33 =	vmax.f32 v17, $-5.000000000e+00;
	(erf) = vpow2.f32 v5;
	v32 =	vmul.f32 v9, v6;
	v17 =	vld [tilespmem:s5+$0xFFFFFEF0]  }
0x452: {  	v6 =	vbroadcast v13, $0xF;
	v9 =	vmin.f32 v33, $5.000000000e+00;
	v12 =	vmul.f32 v30, v16;
	v11 =	vpop (erf);
	v13 =	vld [tilespmem:s25+$0xFFFFFF40]  }
0x453: {  	v16 =	vmul.f32 $1.442695020e+00, v9;
	v29 =	vpop (erf);
	[tilespmem:s21+$0xFFFFFF30] =	vst v32;
	v20 =	vmul.f32 v11, v20;
	v9 =	vsel vm1, v4, v11;
	v4 =	vld [tilespmem:s25+$0xFFFFFF80]  }
0x454: {  	v28 =	vmul.f32 v29, v28;
	v11 =	vnsel vm0, $0x0, v29;
	(erf) = vpow2.f32 v6;
	(xrf2) =	vadd.scan.msk.f32 $0xffff, v32;
	v5, _, _ =	vpop (xrf2);
	v29 =	vld [tilespmem:s25+$0xFFFFFFC0]  }
0x455: {  	s6 =	sadd.s32 $0x140, s6;
	v16 =	vbroadcast v16, $0xF;
	[tilespmem:s10+$0xFFFFFFD0] =	vst v27;
	v27 =	vmul.f32 v31, v12;
	v5 =	vmax.f32 v5, $-5.000000000e+00;
	v12 =	vld [tilespmem:s1+$0xFFFFFE80]  }
0x456: {  	[tilespmem:s6+$0x50] =	vst v28;
	v5 =	vmin.f32 v5, $5.000000000e+00;
	v6 =	vld [tilespmem:s1+$0xFFFFFF00]  }
0x457: {  	v28 =	vld [tilespmem:s15+$0xFFFFFFE0];
	(erf) = vpow2.f32 v16;
	[tilespmem:s31+$0x10] =	vst v20;
	v5 =	vmul.f32 $1.442695020e+00, v5;
	(xrf2) =	vadd.scan.msk.f32 $0xffff, v27  }
0x458: {  	v13 =	vmul.f32 v13, v15;
	v16 =	vld [tilespmem:s20+$0xFFFFFFA0];
	[tilespmem:s21+$0xFFFFFF70] =	vst v27;
	v4 =	vmul.f32 v4, v8  }
0x459: {  	v20 =	vld [tilespmem:s2+$0xFFFFFFB0];
	v5 =	vbroadcast v5, $0xF;
	v15 =	vmul.f32 v29, v21;
	v8 =	vpop (erf)  }
0x45a: {  	v21 =	vld [tilespmem:s10+$0xFFFFFFE0];
	v27 =	vpop (erf);
	[tilespmem:s25+$0xFFFFFF40] =	vst v13;
	v14 =	vmul.f32 v8, v14;
	v29 =	vsel vm3, v3, v8;
	v3 =	vmov v19  }
0x45b: {  	v19 =	vmul.f32 v27, v26;
	v8 =	vnsel vm0, $0x0, v27;
	v26 =	vld [tilespmem:s5+$0xFFFFFF30];
	(erf) = vpow2.f32 v5;
	(xrf2) =	vadd.scan.msk.f32 $0xffff, v13  }
0x45c: {  	v13 =	vld [tilespmem:s21+$0xFFFFFFB0];
	[tilespmem:s25+$0xFFFFFF80] =	vst v4  }
0x45d: {  	[tilespmem:s6+$0xFFFFFF60] =	vst v19;
	v19 =	vmul.f32 v16, v28;
	v5 =	vpop (erf);
	v16 =	vld [tilespmem:s5+$0xFFFFFF70]  }
0x45e: {  	v27 =	vld [tilespmem:s15+$0xFFFFFF20];
	v30 =	vmul.f32 v5, v25;
	v5 =	vnsel vm0, $0x0, v5;
	v28, _, _ =	vpop (xrf2);
	(xrf2) =	vadd.scan.msk.f32 $0xffff, v4;
	[tilespmem:s11+$0x30] =	vst v14  }
0x45f: {  	v14 =	vld [tilespmem:s20+$0xFFFFFE20];
	v19 =	vmul.f32 v21, v19;
	v4 =	vmax.f32 v28, $-5.000000000e+00;
	[tilespmem:s11+$0x40] =	vst v29;
	s11 =	smov.u32 s9;
	s9 =	smov.u32 s31;
	s31 =	smov.u32 s6  }
0x460: {  	[tilespmem:s6+$0xFFFFFFB0] =	vst v30;
	v21 =	vpop (erf);
	v29 =	vmin.f32 v4, $5.000000000e+00;
	v20 =	vmul.f32 v26, v20;
	v26 =	vld [tilespmem:s5+$0xFFFFFFF0]  }
0x461: {  	v28 =	vld [tilespmem:s15+$0xFFFFFF60];
	v24 =	vmul.f32 v21, v24;
	v4 =	vnsel vm0, $0x0, v21;
	(xrf2) =	vadd.scan.msk.f32 $0xffff, v19;
	v21 =	vmul.f32 $1.442695020e+00, v29;
	v25, _, _ =	vpop (xrf2)  }
0x462: {  	v29 =	vld [tilespmem:s20+$0xFFFFFEA0];
	v25 =	vmax.f32 v25, $-5.000000000e+00;
	v30 =	vmul.f32 v13, v20  }
0x463: {  	v20 =	vld [tilespmem:s10+$0xFFFFFF20];
	[tilespmem:s6+$0x0] =	vst v24;
	v21 =	vbroadcast v21, $0xF;
	v24 =	vmin.f32 v25, $5.000000000e+00  }
0x464: {  	v14 =	vmul.f32 v14, v27;
	v25 =	vld [tilespmem:s15+$0xFFFFFFA0];
	v24 =	vmul.f32 $1.442695020e+00, v24;
	[tilespmem:s21+$0xFFFFFFB0] =	vst v30;
	(xrf2) =	vadd.scan.msk.f32 $0xffff, v30;
	v13 =	vpop (erf)  }
0x465: {  	v27 =	vld [tilespmem:s20+$0xFFFFFF20];
	v26 =	vmul.f32 v13, v26;
	v13 =	vsel vm2, v23, v13;
	v23, _, _ =	vpop (xrf2)  }
0x466: {  	v30 =	vld [tilespmem:s10+$0xFFFFFF60];
	v24 =	vbroadcast v24, $0xF;
	[tilespmem:s21+$0xFFFFFFF0] =	vst v22;
	(erf) = vpow2.f32 v21;
	v21 =	vmax.f32 v23, $-5.000000000e+00  }
0x467: {  	v23 =	vmul.f32 v29, v28;
	v28 =	vld [tilespmem:s10+$0xFFFFFFA0];
	[tilespmem:s9+$0x70] =	vst v26;
	v21 =	vmin.f32 v21, $5.000000000e+00  }
0x468: {  	v14 =	vmul.f32 v20, v14;
	v29 =	vld [tilespmem:s2+$0x0];
	(erf) = vpow2.f32 v24;
	v20, _, _ =	vpop (xrf2)  }
0x469: {  	v26 =	vmul.f32 $1.442695020e+00, v21;
	v31 =	vld [tilespmem:s5+$0xFFFFFFC0];
	v21 =	vmax.f32 v20, $-5.000000000e+00  }
.Ltmp4:
0x46a: {  	v22 =	vld [tilespmem:s20+$0xFFFFFE60];
	[tilespmem:s10+$0xFFFFFF20] =	vst v14;
	v25 =	vmul.f32 v27, v25;
	(xrf2) =	vadd.scan.msk.f32 $0xffff, v14;
	v14 =	vmin.f32 v21, $5.000000000e+00;
	(pc) =	sbr.rel @p0 .LBB2_11-.Ltmp4, $4  }
0x46b: {  	v27 =	vmul.f32 v30, v23;
	v20, _, _ =	vpop (xrf2);
	v24 =	vld [tilespmem:s21+$0x0];
	v14 =	vmul.f32 $1.442695020e+00, v14  }
0x46c: {  	v26 =	vbroadcast v26, $0xF;
	v21 =	vld [tilespmem:s20+$0xFFFFFEE0];
	v23 =	vmul.f32 v28, v25;
	v25 =	vmax.f32 v20, $-5.000000000e+00  }
0x46d: {  	[tilespmem:s10+$0xFFFFFF60] =	vst v27;
	v20 =	vld [tilespmem:s20+$0xFFFFFF60];
	v28 =	vmin.f32 v25, $5.000000000e+00;
	(xrf2) =	vadd.scan.msk.f32 $0xffff, v27;
	v25 =	vbroadcast v14, $0xF  }
0x46e: {  	s15 =	sadd.s32 $0x100, s15;
	[tilespmem:s10+$0xFFFFFFA0] =	vst v23;
	v27 =	vmul.f32 $1.442695020e+00, v28;
	v28 =	vmul.f32 v31, v29;
	v29, _, _ =	vpop (xrf2);
	v14 =	vld [tilespmem:s1+$0xFFFFFF80];
	s1 =	smov.u32 s5;
	s5 =	smov.u32 s20  }
0x46f: {  	_ = 	snop  }
0x470: {  	v24 =	vmul.f32 v24, v28;
	_ =	sdelay $0x1  }
0x471: {  	(xrf2) =	vadd.scan.msk.f32 $0xffff, v24;
	_ =	sdelay $0x1  }
0x472: {  	(xrf2) =	vadd.scan.msk.f32 $0xffff, v23;
	_ =	sdelay $0x1  }
0x473: {  	v43 =	vbroadcast v27, $0xF;
	v45, _, _ =	vpop (xrf2)  }
0x474: {  	(erf) = vpow2.f32 v26;
	v46 =	vmax.f32 v45, $-5.000000000e+00  }
0x475: {  	v44 =	vmax.f32 v29, $-5.000000000e+00;
	(erf) = vpow2.f32 v43;
	v23 =	vmin.f32 v46, $5.000000000e+00  }
0x476: {  	v27 =	vmin.f32 v44, $5.000000000e+00;
	v23 =	vmul.f32 $1.442695020e+00, v23  }
0x477: {  	v47 =	vmul.f32 $1.442695020e+00, v27;
	v48, _, _ =	vpop (xrf2)  }
0x478: {  	v27 =	vmax.f32 v48, $-5.000000000e+00;
	v23 =	vbroadcast v23, $0xF  }
0x479: {  	v49 =	vbroadcast v47, $0xF;
	v50 =	vmin.f32 v27, $5.000000000e+00;
	v52, _, _ =	vpop (xrf2)  }
0x47a: {  	v26 =	vpop (erf);
	v51 =	vld [tilespmem:s5+$0xFFFFFFE0];
	(erf) = vpow2.f32 v25;
	v25 =	vmul.f32 $1.442695020e+00, v50;
	v27 =	vmax.f32 v52, $-5.000000000e+00  }
0x47b: {  	(erf) = vpow2.f32 v49;
	v53, _, _ =	vpop (xrf2)  }
0x47c: {  	(erf) = vpow2.f32 v23;
	v25 =	vbroadcast v25, $0xF;
	v23 =	vpop (erf)  }
0x47d: {  	v30 =	vmul.f32 v26, v18;
	v54 =	vmin.f32 v27, $5.000000000e+00;
	v27 =	vpop (erf)  }
0x47e: {  	v29 =	vmax.f32 v53, $-5.000000000e+00;
	v55 =	vmul.f32 $1.442695020e+00, v54;
	(erf) = vpow2.f32 v25;
	v18 =	vpop (erf)  }
0x47f: {  	v29 =	vmin.f32 v29, $5.000000000e+00;
	v28 =	vmul.f32 v18, v51  }
0x480: {  	v29 =	vmul.f32 $1.442695020e+00, v29;
	v25 =	vbroadcast v55, $0xF  }
0x481: {  	[tilespmem:s10+$0xFFFFFFE0] =	vst v19  }
0x482: {  	[tilespmem:s9+$0xFFFFFF80] =	vst v30;
	v56 =	vbroadcast v29, $0xF  }
0x483: {  	v57 =	vld [tilespmem:s2+$0xFFFFFF40];
	v17 =	vmul.f32 v23, v17;
	(erf) = vpow2.f32 v25;
	[tilespmem:s6+$0x60] =	vst v28;
	v28 =	vpop (erf)  }
0x484: {  	v32 =	vld [tilespmem:s1+$0xFFFFFE40];
	(erf) = vpow2.f32 v56;
	v25 =	vpop (erf)  }
0x485: {  	v58 =	vld [tilespmem:s18+$0xFFFFFFF0];
	v19 =	vpop (erf)  }
0x486: {  	v31 =	vld [tilespmem:s5+$0xFFFFFFB0];
	v22 =	vmul.f32 v19, v22  }
0x487: {  	v40 =	vld [tilespmem:s21+$0xFFFFFF40];
	[tilespmem:s9+$0xFFFFFFD0] =	vst v17;
	v17 =	vpop (erf)  }
0x488: {  	v33 =	vld [tilespmem:s10+$0xFFFFFFF0];
	v21 =	vmul.f32 v17, v21;
	[tilespmem:s6+$0xFFFFFF70] =	vst v22  }
0x489: {  	v36 =	vld [tilespmem:s18+$0xFFFFFF30]  }
0x48a: {  	[tilespmem:s6+$0xFFFFFFC0] =	vst v21;
	v37 =	vld [tilespmem:s5+$0xFFFFFE30]  }
0x48b: {  	v30 =	vmul.f32 v31, v58;
	v38 =	vld [tilespmem:s18+$0xFFFFFF70]  }
0x48c: {  	v22 =	vpop (erf);
	v59 =	vld [tilespmem:s5+$0xFFFFFEB0]  }
0x48d: {  	v39 =	vld [tilespmem:s10+$0xFFFFFF30];
	v30 =	vmul.f32 v33, v30;
	v21 =	vpop (erf)  }
0x48e: {  	(xrf2) =	vadd.scan.msk.f32 $0xffff, v15;
	v60 =	vld [tilespmem:s10+$0xFFFFFF70];
	v20 =	vmul.f32 v21, v20  }
0x48f: {  	v34 =	vld [tilespmem:s2+$0xFFFFFF80];
	(xrf2) =	vadd.scan.msk.f32 $0xffff, v30  }
0x490: {  	v35 =	vld [tilespmem:s1+$0xFFFFFEC0];
	v61 =	vmul.f32 v37, v36;
	[tilespmem:s31+$0x10] =	vst v20  }
0x491: {  	v31 =	vmul.f32 v59, v38;
	v62 =	vld [tilespmem:s18+$0xFFFFFFB0]  }
0x492: {  	v63 =	vld [tilespmem:s5+$0xFFFFFF30];
	v38 =	vmul.f32 v39, v61  }
0x493: {  	v39 =	vld [tilespmem:s21+$0xFFFFFF80];
	v31 =	vmul.f32 v60, v31  }
0x494: {  	v29 =	vmul.f32 v32, v57;
	v41 =	vld [tilespmem:s10+$0xFFFFFFB0];
	(xrf2) =	vadd.scan.msk.f32 $0xffff, v38  }
0x495: {  	(xrf2) =	vadd.scan.msk.f32 $0xffff, v31  }
0x496: {  	v29 =	vmul.f32 v40, v29;
	v42 =	vmul.f32 v35, v34  }
0x497: {  	v43 =	vmul.f32 v63, v62  }
0x498: {  	v44, _, _ =	vpop (xrf2);
	(xrf2) =	vadd.scan.msk.f32 $0xffff, v29;
	v20 =	vmul.f32 v39, v42  }
0x499: {  	v33 =	vmax.f32 v44, $-5.000000000e+00;
	v45, _, _ =	vpop (xrf2);
	v32 =	vmul.f32 v41, v43  }
0x49a: {  	v33 =	vmin.f32 v33, $5.000000000e+00;
	v34 =	vmax.f32 v45, $-5.000000000e+00;
	(xrf2) =	vadd.scan.msk.f32 $0xffff, v20  }
0x49b: {  	v33 =	vmul.f32 $1.442695020e+00, v33;
	v34 =	vmin.f32 v34, $5.000000000e+00;
	(xrf2) =	vadd.scan.msk.f32 $0xffff, v32  }
0x49c: {  	v34 =	vmul.f32 $1.442695020e+00, v34  }
0x49d: {  	v33 =	vbroadcast v33, $0xF  }
0x49e: {  	v34 =	vbroadcast v34, $0xF;
	v46, _, _ =	vpop (xrf2)  }
0x49f: {  	(erf) = vpow2.f32 v33;
	v47, _, _ =	vpop (xrf2)  }
0x4a0: {  	(erf) = vpow2.f32 v34;
	v35 =	vmax.f32 v46, $-5.000000000e+00;
	v49 =	vmax.f32 v47, $-5.000000000e+00  }
0x4a1: {  	v48 =	vmin.f32 v35, $5.000000000e+00;
	v50 =	vmin.f32 v49, $5.000000000e+00  }
0x4a2: {  	v51, _, _ =	vpop (xrf2);
	v33 =	vmul.f32 $1.442695020e+00, v48;
	v34 =	vmul.f32 $1.442695020e+00, v50  }
0x4a3: {  	v35 =	vmax.f32 v51, $-5.000000000e+00  }
0x4a4: {  	v35 =	vmin.f32 v35, $5.000000000e+00;
	v33 =	vbroadcast v33, $0xF;
	v52, _, _ =	vpop (xrf2);
	v34 =	vbroadcast v34, $0xF  }
0x4a5: {  	v54 =	vld [tilespmem:s5+$0xFFFFFFF0];
	v16 =	vmul.f32 v25, v16;
	v35 =	vmul.f32 $1.442695020e+00, v35;
	v36 =	vmax.f32 v52, $-5.000000000e+00;
	v53, _, _ =	vpop (xrf2)  }
0x4a6: {  	v36 =	vmin.f32 v36, $5.000000000e+00;
	(erf) = vpow2.f32 v33;
	v37 =	vmax.f32 v53, $-5.000000000e+00  }
0x4a7: {  	v35 =	vbroadcast v35, $0xF;
	v55 =	vmul.f32 $1.442695020e+00, v36;
	v56 =	vmin.f32 v37, $5.000000000e+00  }
0x4a8: {  	(erf) = vpow2.f32 v34;
	v36 =	vmul.f32 $1.442695020e+00, v56;
	v34 =	vpop (erf)  }
0x4a9: {  	[tilespmem:s9+$0x20] =	vst v16;
	(erf) = vpow2.f32 v35;
	v33 =	vbroadcast v55, $0xF;
	v16 =	vpop (erf)  }
0x4aa: {  	v58 =	vld [tilespmem:s2+$0xFFFFFFC0];
	v57 =	vbroadcast v36, $0xF;
	v60 =	vmul.f32 v16, v54  }
0x4ab: {  	[tilespmem:s10+$0xFFFFFFF0] =	vst v30;
	v61 =	vld [tilespmem:s5+$0xFFFFFE70];
	(erf) = vpow2.f32 v33  }
0x4ac: {  	v62 =	vld [tilespmem:s5+$0xFFFFFEF0];
	(erf) = vpow2.f32 v57;
	[tilespmem:s31+$0x70] =	vst v60  }
0x4ad: {  	v37 =	vld [tilespmem:s18+$0x0]  }
0x4ae: {  	v63 =	vld [tilespmem:s5+$0xFFFFFFC0]  }
0x4af: {  	v59 =	vld [tilespmem:s1+$0xFFFFFF40];
	v41 =	vpop (erf)  }
0x4b0: {  	v43 =	vld [tilespmem:s10+$0x0];
	v35 =	vmul.f32 v41, v61  }
0x4b1: {  	[tilespmem:s10+$0xFFFFFF30] =	vst v38;
	v42 =	vld [tilespmem:s5+$0xFFFFFF70]  }
0x4b2: {  	v48 =	vld [tilespmem:s21+$0xFFFFFFC0];
	v30 =	vpop (erf);
	[tilespmem:s31+$0xFFFFFF80] =	vst v35  }
0x4b3: {  	[tilespmem:s10+$0xFFFFFF70] =	vst v31;
	v44 =	vpop (erf);
	v50 =	vmul.f32 v30, v62;
	v49 =	vmul.f32 v63, v37;
	v52 =	vld [tilespmem:s18+$0xFFFFFF40]  }
0x4b4: {  	[tilespmem:s10+$0xFFFFFFB0] =	vst v32;
	v55 =	vld [tilespmem:s5+$0xFFFFFE40];
	v45 =	vpop (erf)  }
0x4b5: {  	v33 =	vmul.f32 v59, v58;
	[tilespmem:s31+$0xFFFFFFD0] =	vst v50;
	v58 =	vld [tilespmem:s10+$0xFFFFFF40];
	v32 =	vmul.f32 v43, v49;
	v31 =	vpop (erf)  }
0x4b6: {  	v53 =	vld [tilespmem:s18+$0xFFFFFF80];
	v51 =	vmul.f32 v31, v42  }
0x4b7: {  	v33 =	vmul.f32 v48, v33;
	v56 =	vld [tilespmem:s5+$0xFFFFFEC0];
	(xrf2) =	vadd.scan.msk.f32 $0xffff, v32  }
0x4b8: {  	v59 =	vld [tilespmem:s10+$0xFFFFFF80];
	[tilespmem:s31+$0x20] =	vst v51  }
0x4b9: {  	(xrf2) =	vadd.scan.msk.f32 $0xffff, v33;
	v54 =	vld [tilespmem:s18+$0xFFFFFFC0]  }
0x4ba: {  	v36 =	vmul.f32 v55, v52;
	v57 =	vld [tilespmem:s5+$0xFFFFFF40];
	_ =	sdelay $0x1  }
0x4bb: {  	v60 =	vld [tilespmem:s10+$0xFFFFFFC0];
	v36 =	vmul.f32 v58, v36  }
0x4bc: {  	v35 =	vmul.f32 v56, v53  }
0x4bd: {  	(xrf2) =	vadd.scan.msk.f32 $0xffff, v36  }
0x4be: {  	v35 =	vmul.f32 v59, v35;
	v37 =	vmul.f32 v57, v54;
	_ =	sdelay $0x1  }
0x4bf: {  	v2 =	vsel vm3, v2, v27;
	v61, _, _ =	vpop (xrf2);
	v37 =	vmul.f32 v60, v37;
	(xrf2) =	vadd.scan.msk.f32 $0xffff, v35  }
0x4c0: {  	[tilespmem:s11+$0xFFFFFFA0] =	vst v2;
	v2 =	vmul.f32 v28, v6  }
0x4c1: {  	v39 =	vmax.f32 v61, $-5.000000000e+00;
	v62, _, _ =	vpop (xrf2);
	(xrf2) =	vadd.scan.msk.f32 $0xffff, v37  }
0x4c2: {  	v12 =	vmul.f32 v27, v12;
	[tilespmem:s11+$0xFFFFFFE0] =	vst v2;
	v2 =	vld [tilespmem:s1+$0x0];
	v63 =	vmin.f32 v39, $5.000000000e+00;
	v42 =	vmax.f32 v62, $-5.000000000e+00  }
0x4c3: {  	[tilespmem:s25+$0xFFFFFFC0] =	vst v15;
	v43 =	vmul.f32 $1.442695020e+00, v63;
	v46 =	vmin.f32 v42, $5.000000000e+00  }
0x4c4: {  	[tilespmem:s11+$0xFFFFFF90] =	vst v12;
	v1 =	vsel vm3, v1, v28;
	v47 =	vmul.f32 $1.442695020e+00, v46  }
0x4c5: {  	[tilespmem:s11+$0xFFFFFFF0] =	vst v1;
	v1 =	vsel vm3, v3, v34;
	v3 =	vld [tilespmem:s1+$0xFFFFFE80];
	v48 =	vbroadcast v43, $0xF  }
0x4c6: {  	[tilespmem:s21+$0x0] =	vst v24;
	v13 =	vsel vm3, v13, v22;
	v51, _, _ =	vpop (xrf2);
	v49 =	vbroadcast v47, $0xF  }
0x4c7: {  	v2 =	vmul.f32 v22, v2;
	[tilespmem:s9+$0x90] =	vst v13;
	v6 =	vmax.f32 v51, $-5.000000000e+00;
	(erf) = vpow2.f32 v48  }
0x4c8: {  	[tilespmem:s11+$0x40] =	vst v1;
	v1 =	vld [tilespmem:s1+$0xFFFFFF00];
	v6 =	vmin.f32 v6, $5.000000000e+00;
	(erf) = vpow2.f32 v49  }
0x4c9: {  	[tilespmem:s9+$0x80] =	vst v2;
	v6 =	vmul.f32 $1.442695020e+00, v6;
	v52, _, _ =	vpop (xrf2)  }
0x4ca: {  	v7 =	vsel vm2, v7, v26;
	[tilespmem:s21+$0xFFFFFF40] =	vst v29;
	v3 =	vmul.f32 v44, v3;
	v12 =	vmax.f32 v52, $-5.000000000e+00  }
0x4cb: {  	[tilespmem:s21+$0xFFFFFF80] =	vst v20;
	v2 =	vsel vm3, v7, v44;
	v6 =	vbroadcast v6, $0xF;
	v12 =	vmin.f32 v12, $5.000000000e+00;
	v54, _, _ =	vpop (xrf2)  }
0x4cc: {  	v50 =	vmul.f32 v34, v14;
	[tilespmem:s9+$0xFFFFFFA0] =	vst v2;
	v55 =	vmul.f32 $1.442695020e+00, v12;
	v56 =	vmax.f32 v54, $-5.000000000e+00  }
0x4cd: {  	[tilespmem:s9+$0xFFFFFF90] =	vst v3;
	v1 =	vmul.f32 v45, v1;
	v53 =	vld [tilespmem:s1+$0xFFFFFF80];
	(erf) = vpow2.f32 v6;
	v12 =	vmin.f32 v56, $5.000000000e+00  }
0x4ce: {  	[tilespmem:s11+$0x30] =	vst v50;
	v7 =	vbroadcast v55, $0xF;
	v12 =	vmul.f32 $1.442695020e+00, v12  }
0x4cf: {  	v10 =	vsel vm2, v10, v23;
	[tilespmem:s9+$0xFFFFFFE0] =	vst v1;
	v60 =	vld [tilespmem:s5+$0x0]  }
0x4d0: {  	[tilespmem:s21+$0xFFFFFFC0] =	vst v33;
	v58 =	vsel vm3, v10, v45;
	v57 =	vpop (erf);
	(erf) = vpow2.f32 v7;
	v1 =	vbroadcast v12, $0xF  }
0x4d1: {  	v59 =	vsel vm2, v9, v25;
	[tilespmem:s9+$0xFFFFFFF0] =	vst v58;
	v2 =	vpop (erf)  }
0x4d2: {  	[tilespmem:s10+$0x0] =	vst v32;
	v3 =	vmul.f32 v2, v53;
	v2 =	vsel vm3, v59, v2;
	(erf) = vpow2.f32 v1;
	v1 =	vld [tilespmem:s5+$0xFFFFFE80]  }
0x4d3: {  	[tilespmem:s9+$0x40] =	vst v2  }
0x4d4: {  	v6 =	vmul.f32 v57, v60;
	[tilespmem:s10+$0xFFFFFF40] =	vst v36  }
0x4d5: {  	v61 =	vsel vm1, v11, v18;
	v2 =	vld [tilespmem:s5+$0xFFFFFF00];
	[tilespmem:s10+$0xFFFFFF80] =	vst v35  }
0x4d6: {  	v7 =	vsel vm2, v61, v16;
	[tilespmem:s31+$0x80] =	vst v6;
	v62 =	vpop (erf)  }
0x4d7: {  	v8 =	vsel vm1, v8, v19;
	v7 =	vsel vm3, v7, v57;
	[tilespmem:s9+$0x30] =	vst v3;
	v3 =	vld [tilespmem:s5+$0xFFFFFF80];
	v1 =	vmul.f32 v62, v1  }
0x4d8: {  	v8 =	vsel vm2, v8, v41;
	[tilespmem:s31+$0x90] =	vst v7  }
0x4d9: {  	[tilespmem:s10+$0xFFFFFFC0] =	vst v37;
	v6 =	vsel vm3, v8, v62;
	v63 =	vpop (erf)  }
0x4da: {  	v5 =	vsel vm1, v5, v17;
	[tilespmem:s31+$0xFFFFFFA0] =	vst v6;
	v2 =	vmul.f32 v63, v2  }
0x4db: {  	v5 =	vsel vm2, v5, v30;
	[tilespmem:s31+$0xFFFFFF90] =	vst v1;
	v1 =	vpop (erf)  }
0x4dc: {  	v4 =	vsel vm1, v4, v21;
	v5 =	vsel vm3, v5, v63;
	[tilespmem:s31+$0xFFFFFFE0] =	vst v2;
	v2 =	vmul.f32 v1, v3  }
0x4dd: {  	[tilespmem:s31+$0xFFFFFFF0] =	vst v5;
	v3 =	vsel vm2, v4, v31  }
0x4de: {  	v1 =	vsel vm3, v3, v1;
	[tilespmem:s31+$0x30] =	vst v2  }
0x4df: {  	s6 =	simm.s32 $0x5;
	[tilespmem:s31+$0x40] =	vst v1  }
0x4e0: {  	_ =	swait.ge [sflag:s6], $0x1400  }
0x4e1: {  	[sflag:s6] =	ssyncset.done $0x0  }
0x4e2: {  	s7 =	sadd.s32 s16, s23;
	s9 =	simm.s32 $0xDDE0;
	[sflag:s6] =	ssyncadd.s32 $0xFFFFEC00  }
0x4e3: {  	[hbm4b:s7+s14] =	stream.strided.scatter [tilespmem:s9], [sflag:$0x6], $0x1400, s17, s14, $0x38;
	[tilespmem:$0x1CE30] =	vst v63  }
0x4e4: {  	s11 =	simm.s32 $0x190;
	s10 =	rddreg [dreg:$0x3]  }
0x4e5: {  	[spmem:s10] =	stream.indirect.scatter.add.f32 [tilespmem:s29], [sflag:$0x8], $0x50, s11, s3, $0xb8;
	[tilespmem:$0x1CE30] =	vst v63  }
0x4e6: {  	_ =	swait.ge [sflag:s30], $0x1900  }
0x4e7: {  	[sflag:s30] =	ssyncset.done $0x0  }
0x4e8: {  	[sflag:s30] =	ssyncadd.s32 $0xFFFFE700  }
0x4e9: {  	_ =	swait.ge [sflag:s0], $0x50  }
0x4ea: {  	[sflag:s0] =	ssyncset.done $0x0  }
0x4eb: {  	[sflag:s0] =	ssyncadd.s32 $0xFFFFFFB0  }
0x4ec: {  	s20 =	simm.s32 $0x1E0;
	_ =	swait.ge [sflag:s0], $0x50  }
0x4ed: {  	s18 =	simm.s32 $0xF0;
	[sflag:s0] =	ssyncset.done $0x0;
	s25 =	rddreg [dreg:$0x18]  }
0x4ee: {  	s15 =	rddreg [dreg:$0xd];
	[sflag:s0] =	ssyncadd.s32 $0xFFFFFFB0;
	s1 =	sadd.s32 s26, s25  }
0x4ef: {  	[tilespmem:s20], [sflag:$0x1] =	stream.indirect.gather [hbm4b:s15+s3], $0x40, s18, s3, $0xb8;
	[tilespmem:$0x1CE30] =	vst v63  }
0x4f0: {  	s23 =	simm.s32 $0x3DE0;
	p0 =	seq.s32 s19, $0x52;
	s1 =	sshll.u32 s1, $0x7  }
.Ltmp5:
0x4f1: {  	s21 =	rddreg [dreg:$0xe];
	s1 =	sor.u32 s12, s1;
	(pc) =	sbr.rel @p0 .LBB2_14-.Ltmp5, $4  }
0x4f2: {  	[tilespmem:s23], [sflag:$0x1] =	stream.indirect.gather [hbm4b:s21+s3], $0x80, s4, s3, $0xb8;
	[tilespmem:$0x1CE30] =	vst v63  }
0x4f3: {  	s26 =	rddreg [dreg:$0x2];
	s1 =	sshrl.u32 s1, $0x3  }
0x4f4: {  	s31 =	simm.s32 $0xB5E0;
	s1 =	sadd.s32 s26, s1  }
0x4f5: {  	[tilespmem:s31], [sflag:$0x1] =	stream.strided.gather [hbm4b:s1+s14], $0x1400, s17, s14, $0x38;
	[tilespmem:$0x1CE30] =	vst v63  }
0x4f6: {  	s1 =	rddreg [dreg:$0x12]  }
0x4f7: {  	s1 =	sadd.s32 s28, s1  }
0x4f8: {  	s1 =	smul.u32 $0xA, s1  }
.Ltmp6:
0x4f9: {  	s2 =	rddreg [dreg:$0x5];
	(pc) =	sbr.rel .LBB2_6-.Ltmp6, $4  }
0x4fa: {  	s26 =	rddreg [dreg:$0x6];
	s2 =	sadd.s32 s2, s1  }
0x4fb: {  	[tilespmem:s3], [sflag:$0x7] =	stream.linear.gather [hbm4b:s2+s4], $0x50, $0x38;
	[tilespmem:$0x1CE30] =	vst v63  }
0x4fc: {  	s19 =	sadd.s32 $0x1, s19;
	s28 =	simm.s32 $0x140;
	s1 =	sadd.s32 s26, s1  }
0x4fd: {  	[tilespmem:s28], [sflag:$0x7] =	stream.linear.gather [hbm4b:s1+s4], $0x50, $0x38;
	[tilespmem:$0x1CE30] =	vst v63  }
.LBB2_14:
0x4fe: {  	_ =	swait.ge [sflag:s22], $0x1400  }
0x4ff: {  	[sflag:s22] =	ssyncset.done $0x0  }
0x500: {  	[sflag:s22] =	ssyncadd.s32 $0xFFFFEC00  }
0x501: {  	_ =	swait.ge [sflag:s22], $0x2800  }
0x502: {  	[sflag:s22] =	ssyncset.done $0x0  }
0x503: {  	[sflag:s22] =	ssyncadd.s32 $0xFFFFD800  }
0x504: {  	_ =	swait.ge [sflag:s22], $0x1400  }
0x505: {  	[sflag:s22] =	ssyncset.done $0x0  }
0x506: {  	s6 =	simm.s32 $0x260;
	[sflag:s22] =	ssyncadd.s32 $0xFFFFEC00  }
0x507: {  	s5 =	simm.s32 $0x3EE0;
	v1 =	vld [tilespmem:s6+$0x40]  }
0x508: {  	v2 =	vld [tilespmem:s5+$0x80]  }
0x509: {  	s19 =	simm.s32 $0xB660  }
0x50a: {  	v3 =	vld [tilespmem:s19+$0x40];
	_ =	sdelay $0x2  }
0x50b: {  	v1 =	vmul.f32 v2, v1;
	_ =	sdelay $0x1  }
0x50c: {  	v2 =	vmul.f32 v3, v1;
	_ =	sdelay $0x1  }
0x50d: {  	(xrf2) =	vadd.scan.msk.f32 $0xffff, v2  }
0x50e: {  	v1 =	vld [tilespmem:s5+$0xFFFFFF00]  }
0x50f: {  	v3 =	vld [tilespmem:s6+$0xFFFFFF80];
	_ =	sdelay $0x1  }
0x510: {  	v4 =	vld [tilespmem:s19+$0xFFFFFF80];
	_ =	sdelay $0x2  }
0x511: {  	v1 =	vmul.f32 v1, v3  }
0x512: {  	v5 =	vld [tilespmem:s6+$0xFFFFFFC0]  }
0x513: {  	v6 =	vld [tilespmem:s5+$0xFFFFFF80];
	v4 =	vmul.f32 v4, v1  }
0x514: {  	v7 =	vld [tilespmem:s6+$0x0];
	v8, _, _ =	vpop (xrf2)  }
0x515: {  	v9 =	vld [tilespmem:s19+$0xFFFFFFC0];
	(xrf2) =	vadd.scan.msk.f32 $0xffff, v4;
	v1 =	vmax.f32 v8, $-5.000000000e+00  }
0x516: {  	v3 =	vld [tilespmem:s5+$0x0];
	v1 =	vmin.f32 v1, $5.000000000e+00  }
0x517: {  	v1 =	vmul.f32 $1.442695020e+00, v1  }
0x518: {  	v5 =	vmul.f32 v6, v5;
	v8 =	vld [tilespmem:s19+$0x0]  }
0x519: {  	v1 =	vbroadcast v1, $0xF  }
0x51a: {  	v5 =	vmul.f32 v9, v5  }
0x51b: {  	v3 =	vmul.f32 v3, v7;
	(erf) = vpow2.f32 v1  }
0x51c: {  	(xrf2) =	vadd.scan.msk.f32 $0xffff, v5  }
0x51d: {  	v6 =	vmul.f32 v8, v3;
	_ =	sdelay $0x1  }
0x51e: {  	(xrf2) =	vadd.scan.msk.f32 $0xffff, v6;
	v1, _, _ =	vpop (xrf2)  }
0x51f: {  	v3 =	vld [tilespmem:s5+$0xC0];
	v1 =	vmax.f32 v1, $-5.000000000e+00  }
0x520: {  	v1 =	vmin.f32 v1, $5.000000000e+00;
	_ =	sdelay $0x2  }
0x521: {  	v7 =	vmul.f32 $1.442695020e+00, v1;
	v1 =	vpop (erf)  }
0x522: {  	v3 =	vmul.f32 v1, v3  }
0x523: {  	s11 =	simm.s32 $0xF280;
	[tilespmem:s19+$0x40] =	vst v2;
	v8, _, _ =	vpop (xrf2);
	v7 =	vbroadcast v7, $0xF  }
0x524: {  	v2 =	vmax.f32 v8, $-5.000000000e+00;
	[tilespmem:s11+$0x50] =	vst v3  }
0x525: {  	v2 =	vmin.f32 v2, $5.000000000e+00;
	(erf) = vpow2.f32 v7;
	v7 =	vld [tilespmem:s6+$0x50]  }
0x526: {  	v2 =	vmul.f32 $1.442695020e+00, v2;
	v8 =	vld [tilespmem:s5+$0x90];
	v3, _, _ =	vpop (xrf2)  }
0x527: {  	v3 =	vmax.f32 v3, $-5.000000000e+00  }
0x528: {  	v2 =	vbroadcast v2, $0xF;
	v3 =	vmin.f32 v3, $5.000000000e+00  }
0x529: {  	v3 =	vmul.f32 $1.442695020e+00, v3  }
0x52a: {  	(erf) = vpow2.f32 v2;
	v9 =	vld [tilespmem:s19+$0x50]  }
0x52b: {  	v10 =	vld [tilespmem:s5+$0xFFFFFF40];
	v2 =	vbroadcast v3, $0xF;
	v3 =	vmul.f32 v8, v7;
	_ =	sdelay $0x3  }
0x52c: {  	v7 =	vmul.f32 v9, v3;
	v3 =	vpop (erf)  }
0x52d: {  	(erf) = vpow2.f32 v2;
	v8 =	vmul.f32 v3, v10  }
0x52e: {  	[tilespmem:s19+$0xFFFFFF80] =	vst v4;
	v2 =	vld [tilespmem:s5+$0xFFFFFFC0]  }
0x52f: {  	(xrf2) =	vadd.scan.msk.f32 $0xffff, v7;
	[tilespmem:s11+$0xFFFFFF60] =	vst v8  }
0x530: {  	v8 =	vld [tilespmem:s6+$0xFFFFFF90]  }
0x531: {  	v10 =	vld [tilespmem:s5+$0xFFFFFF10]  }
0x532: {  	v9 =	vld [tilespmem:s5+$0x40];
	v4 =	vpop (erf)  }
0x533: {  	[tilespmem:s19+$0xFFFFFFC0] =	vst v5;
	v11 =	vmul.f32 v4, v2;
	v5 =	vld [tilespmem:s19+$0xFFFFFF90];
	_ =	sdelay $0x1  }
0x534: {  	[tilespmem:s11+$0xFFFFFFB0] =	vst v11  }
0x535: {  	[tilespmem:s19+$0x0] =	vst v6;
	v6 =	vld [tilespmem:s6+$0xFFFFFFD0];
	v2 =	vpop (erf);
	v8 =	vmul.f32 v10, v8  }
0x536: {  	s2 =	simm.s32 $0x360;
	v11 =	vld [tilespmem:s5+$0xFFFFFF90];
	v9 =	vmul.f32 v2, v9  }
0x537: {  	v13 =	vld [tilespmem:s2+$0x40];
	v8 =	vmul.f32 v5, v8  }
0x538: {  	v12 =	vld [tilespmem:s19+$0xFFFFFFD0];
	[tilespmem:s11+$0x0] =	vst v9;
	v10, _, _ =	vpop (xrf2)  }
0x539: {  	v9 =	vld [tilespmem:s6+$0x10];
	v5 =	vmax.f32 v10, $-5.000000000e+00;
	(xrf2) =	vadd.scan.msk.f32 $0xffff, v8  }
0x53a: {  	s21 =	simm.s32 $0x40E0;
	v10 =	vld [tilespmem:s5+$0x10];
	v5 =	vmin.f32 v5, $5.000000000e+00  }
0x53b: {  	v6 =	vmul.f32 v11, v6;
	v11 =	vld [tilespmem:s21+$0x80];
	v5 =	vmul.f32 $1.442695020e+00, v5  }
0x53c: {  	s1 =	simm.s32 $0xB760;
	v14 =	vld [tilespmem:s19+$0x10]  }
0x53d: {  	v15 =	vmul.f32 v12, v6;
	v6 =	vld [tilespmem:s1+$0x40];
	v5 =	vbroadcast v5, $0xF;
	_ =	sdelay $0x1  }
0x53e: {  	v16 =	vld [tilespmem:s21+$0xFFFFFF80];
	(xrf2) =	vadd.scan.msk.f32 $0xffff, v15;
	(erf) = vpow2.f32 v5;
	v5 =	vmul.f32 v10, v9  }
0x53f: {  	v9 =	vld [tilespmem:s21+$0xFFFFFF00];
	v10 =	vmul.f32 v11, v13  }
0x540: {  	v13 =	vld [tilespmem:s2+$0xFFFFFF80];
	v11 =	vmul.f32 v14, v5  }
0x541: {  	v12 =	vld [tilespmem:s2+$0xFFFFFFC0];
	v14 =	vmul.f32 v6, v10  }
0x542: {  	v10 =	vld [tilespmem:s1+$0xFFFFFF80];
	(xrf2) =	vadd.scan.msk.f32 $0xffff, v11;
	v5, _, _ =	vpop (xrf2)  }
0x543: {  	v6 =	vld [tilespmem:s5+$0xD0];
	(xrf2) =	vadd.scan.msk.f32 $0xffff, v14;
	v5 =	vmax.f32 v5, $-5.000000000e+00  }
0x544: {  	v5 =	vmin.f32 v5, $5.000000000e+00  }
0x545: {  	v19 =	vld [tilespmem:s1+$0xFFFFFFC0];
	v9 =	vmul.f32 v9, v13  }
0x546: {  	v17 =	vld [tilespmem:s2+$0x0]  }
0x547: {  	v13 =	vld [tilespmem:s21+$0x0];
	v9 =	vmul.f32 v10, v9;
	v18 =	vmul.f32 $1.442695020e+00, v5;
	v5 =	vpop (erf)  }
0x548: {  	v10 =	vmul.f32 v16, v12;
	v20, _, _ =	vpop (xrf2);
	v6 =	vmul.f32 v5, v6  }
0x549: {  	[tilespmem:s19+$0x50] =	vst v7;
	v12 =	vld [tilespmem:s1+$0x0];
	v7 =	vmax.f32 v20, $-5.000000000e+00;
	v18 =	vbroadcast v18, $0xF  }
0x54a: {  	v16 =	vmul.f32 v19, v10;
	[tilespmem:s11+$0x60] =	vst v6;
	v6 =	vmin.f32 v7, $5.000000000e+00  }
0x54b: {  	(xrf2) =	vadd.scan.msk.f32 $0xffff, v9;
	(erf) = vpow2.f32 v18;
	v7 =	vld [tilespmem:s6+$0x60];
	v6 =	vmul.f32 $1.442695020e+00, v6  }
0x54c: {  	v13 =	vmul.f32 v13, v17;
	v17, _, _ =	vpop (xrf2);
	(xrf2) =	vadd.scan.msk.f32 $0xffff, v16;
	v10 =	vld [tilespmem:s5+$0xA0]  }
0x54d: {  	v17 =	vmax.f32 v17, $-5.000000000e+00;
	v18, _, _ =	vpop (xrf2);
	v6 =	vbroadcast v6, $0xF  }
0x54e: {  	v13 =	vmul.f32 v12, v13;
	v19 =	vld [tilespmem:s19+$0x60];
	v12 =	vmin.f32 v17, $5.000000000e+00;
	v17 =	vmax.f32 v18, $-5.000000000e+00  }
0x54f: {  	(erf) = vpow2.f32 v6;
	v6 =	vmul.f32 $1.442695020e+00, v12;
	v12 =	vmin.f32 v17, $5.000000000e+00  }
0x550: {  	v17 =	vld [tilespmem:s5+$0xFFFFFF50];
	v12 =	vmul.f32 $1.442695020e+00, v12  }
0x551: {  	(xrf2) =	vadd.scan.msk.f32 $0xffff, v13;
	v7 =	vmul.f32 v10, v7;
	v10 =	vbroadcast v6, $0xF;
	_ =	sdelay $0x1  }
0x552: {  	v12 =	vbroadcast v12, $0xF;
	v19 =	vmul.f32 v19, v7  }
0x553: {  	v6 =	vpop (erf);
	(erf) = vpow2.f32 v10  }
0x554: {  	v7 =	vld [tilespmem:s5+$0xFFFFFFD0];
	(erf) = vpow2.f32 v12;
	v12 =	vmul.f32 v6, v17;
	v10, _, _ =	vpop (xrf2);
	(xrf2) =	vadd.scan.msk.f32 $0xffff, v19  }
0x555: {  	v10 =	vmax.f32 v10, $-5.000000000e+00;
	v17, _, _ =	vpop (xrf2)  }
0x556: {  	v10 =	vmin.f32 v10, $5.000000000e+00;
	v17 =	vmax.f32 v17, $-5.000000000e+00  }
0x557: {  	[tilespmem:s19+$0xFFFFFF90] =	vst v8;
	v10 =	vmul.f32 $1.442695020e+00, v10;
	v17 =	vmin.f32 v17, $5.000000000e+00  }
0x558: {  	[tilespmem:s11+$0xFFFFFF70] =	vst v12;
	v12 =	vpop (erf)  }
0x559: {  	v7 =	vmul.f32 v12, v7;
	v10 =	vbroadcast v10, $0xF  }
0x55a: {  	v23 =	vld [tilespmem:s21+$0xC0];
	[tilespmem:s19+$0xFFFFFFD0] =	vst v15;
	v15 =	vmul.f32 $1.442695020e+00, v17;
	v17, _, _ =	vpop (xrf2)  }
0x55b: {  	v20 =	vld [tilespmem:s21+$0xFFFFFF40];
	[tilespmem:s11+$0xFFFFFFC0] =	vst v7;
	v7 =	vmax.f32 v17, $-5.000000000e+00  }
0x55c: {  	v18 =	vld [tilespmem:s5+$0x50];
	v7 =	vmin.f32 v7, $5.000000000e+00  }
0x55d: {  	v8 =	vld [tilespmem:s21+$0xFFFFFFC0];
	(erf) = vpow2.f32 v10;
	v10 =	vpop (erf)  }
0x55e: {  	v21 =	vld [tilespmem:s6+$0xFFFFFFA0];
	v29, _, _ =	vpop (xrf2)  }
0x55f: {  	v24 =	vld [tilespmem:s5+$0xFFFFFF20];
	v15 =	vbroadcast v15, $0xF;
	v17 =	vmul.f32 $1.442695020e+00, v7;
	v7 =	vpop (erf)  }
0x560: {  	[tilespmem:s1+$0x40] =	vst v14;
	v25 =	vld [tilespmem:s19+$0xFFFFFFA0];
	v14 =	vmax.f32 v29, $-5.000000000e+00;
	v23 =	vmul.f32 v7, v23  }
0x561: {  	s9 =	simm.s32 $0xF3C0;
	[tilespmem:s19+$0x10] =	vst v11;
	v26 =	vld [tilespmem:s6+$0xFFFFFFE0];
	(erf) = vpow2.f32 v15;
	v14 =	vmin.f32 v14, $5.000000000e+00  }
0x562: {  	v27 =	vld [tilespmem:s5+$0xFFFFFFA0];
	v18 =	vmul.f32 v10, v18;
	v11 =	vmul.f32 $1.442695020e+00, v14;
	[tilespmem:s9+$0x50] =	vst v23  }
0x563: {  	v23 =	vld [tilespmem:s2+$0x50]  }
0x564: {  	[tilespmem:s11+$0x10] =	vst v18;
	v14 =	vmul.f32 v24, v21;
	v18 =	vld [tilespmem:s21+$0x90]  }
0x565: {  	v28 =	vld [tilespmem:s19+$0xFFFFFFE0];
	v30 =	vbroadcast v17, $0xF  }
0x566: {  	v21 =	vbroadcast v11, $0xF;
	v29 =	vmul.f32 v25, v14;
	v25 =	vld [tilespmem:s1+$0x50];
	v11 =	vpop (erf)  }
0x567: {  	(erf) = vpow2.f32 v30;
	v24 =	vld [tilespmem:s6+$0x20];
	v20 =	vmul.f32 v11, v20  }
0x568: {  	[tilespmem:s1+$0xFFFFFF80] =	vst v9;
	v14 =	vmul.f32 v27, v26;
	v26 =	vld [tilespmem:s5+$0x20];
	(erf) = vpow2.f32 v21  }
0x569: {  	v22 =	vld [tilespmem:s21+$0x40];
	[tilespmem:s9+$0xFFFFFF60] =	vst v20;
	v20 =	vmul.f32 v18, v23  }
0x56a: {  	v21 =	vmul.f32 v28, v14;
	v14 =	vld [tilespmem:s19+$0x20]  }
0x56b: {  	(xrf2) =	vadd.scan.msk.f32 $0xffff, v29;
	v9 =	vpop (erf);
	v23 =	vld [tilespmem:s2+$0xFFFFFF90];
	v27 =	vmul.f32 v25, v20  }
0x56c: {  	[tilespmem:s1+$0xFFFFFFC0] =	vst v16;
	(xrf2) =	vadd.scan.msk.f32 $0xffff, v21;
	v8 =	vmul.f32 v9, v8;
	v16 =	vld [tilespmem:s21+$0xFFFFFF10]  }
0x56d: {  	[tilespmem:s1+$0x0] =	vst v13;
	v13 =	vmul.f32 v26, v24;
	v20 =	vld [tilespmem:s5+$0xE0];
	(xrf2) =	vadd.scan.msk.f32 $0xffff, v27  }
0x56e: {  	[tilespmem:s9+$0xFFFFFFB0] =	vst v8;
	v26 =	vld [tilespmem:s1+$0xFFFFFF90]  }
0x56f: {  	v25 =	vld [tilespmem:s2+$0xFFFFFFD0]  }
0x570: {  	v24 =	vld [tilespmem:s21+$0xFFFFFF90];
	v8 =	vpop (erf)  }
0x571: {  	v28 =	vmul.f32 v14, v13;
	v22 =	vmul.f32 v8, v22;
	v13 =	vpop (erf)  }
0x572: {  	s20 =	simm.s32 $0x42E0;
	[tilespmem:s19+$0x60] =	vst v19;
	v16 =	vmul.f32 v16, v23;
	v23 =	vld [tilespmem:s1+$0xFFFFFFD0];
	v20 =	vmul.f32 v13, v20  }
0x573: {  	v50 =	vld [tilespmem:s20+$0xFFFFFF00];
	[tilespmem:s9+$0x0] =	vst v22  }
0x574: {  	(xrf2) =	vadd.scan.msk.f32 $0xffff, v28;
	v14 =	vld [tilespmem:s2+$0x10];
	v31 =	vmul.f32 v26, v16;
	[tilespmem:s11+$0x70] =	vst v20  }
0x575: {  	v19, _, _ =	vpop (xrf2);
	v24 =	vmul.f32 v24, v25;
	v16 =	vld [tilespmem:s6+$0x70]  }
0x576: {  	v19 =	vmax.f32 v19, $-5.000000000e+00;
	v25 =	vld [tilespmem:s5+$0xB0];
	(xrf2) =	vadd.scan.msk.f32 $0xffff, v31;
	v20, _, _ =	vpop (xrf2)  }
0x577: {  	v22 =	vld [tilespmem:s21+$0x10];
	v19 =	vmin.f32 v19, $5.000000000e+00;
	v33 =	vmul.f32 v23, v24;
	v23, _, _ =	vpop (xrf2)  }
0x578: {  	v19 =	vmul.f32 $1.442695020e+00, v19;
	v24 =	vld [tilespmem:s19+$0x70];
	v23 =	vmax.f32 v23, $-5.000000000e+00  }
0x579: {  	s18 =	simm.s32 $0x460;
	v30 =	vld [tilespmem:s1+$0x10];
	v20 =	vmax.f32 v20, $-5.000000000e+00;
	v23 =	vmin.f32 v23, $5.000000000e+00  }
0x57a: {  	v26 =	vld [tilespmem:s18+$0x40];
	v19 =	vbroadcast v19, $0xF;
	v20 =	vmin.f32 v20, $5.000000000e+00;
	v23 =	vmul.f32 $1.442695020e+00, v23  }
0x57b: {  	(xrf2) =	vadd.scan.msk.f32 $0xffff, v33;
	v20 =	vmul.f32 $1.442695020e+00, v20;
	v16 =	vmul.f32 v25, v16;
	v25 =	vld [tilespmem:s20+$0x80]  }
0x57c: {  	s10 =	simm.s32 $0xB860;
	v36 =	vld [tilespmem:s20+$0xFFFFFF80];
	v22 =	vmul.f32 v22, v14;
	v23 =	vbroadcast v23, $0xF  }
0x57d: {  	v20 =	vbroadcast v20, $0xF;
	v14 =	vmul.f32 v24, v16;
	v24 =	vld [tilespmem:s10+$0x40]  }
0x57e: {  	v37 =	vld [tilespmem:s18+$0x0];
	(erf) = vpow2.f32 v19;
	v35, _, _ =	vpop (xrf2)  }
0x57f: {  	v38 =	vld [tilespmem:s20+$0x0];
	v16 =	vmul.f32 v30, v22;
	(erf) = vpow2.f32 v20;
	v20 =	vmax.f32 v35, $-5.000000000e+00  }
0x580: {  	v41 =	vld [tilespmem:s10+$0xFFFFFF80];
	v20 =	vmin.f32 v20, $5.000000000e+00;
	v22 =	vmul.f32 v25, v26;
	(erf) = vpow2.f32 v23;
	v23, _, _ =	vpop (xrf2)  }
0x581: {  	v42 =	vld [tilespmem:s10+$0xFFFFFFC0];
	v20 =	vmul.f32 $1.442695020e+00, v20;
	v23 =	vmax.f32 v23, $-5.000000000e+00  }
0x582: {  	v15 =	vld [tilespmem:s5+$0xFFFFFF60];
	v39 =	vmul.f32 v24, v22;
	v22 =	vmin.f32 v23, $5.000000000e+00  }
0x583: {  	(xrf2) =	vadd.scan.msk.f32 $0xffff, v14;
	v26 =	vld [tilespmem:s18+$0xFFFFFF80];
	v20 =	vbroadcast v20, $0xF  }
0x584: {  	v17 =	vld [tilespmem:s5+$0xFFFFFFE0];
	(xrf2) =	vadd.scan.msk.f32 $0xffff, v16  }
0x585: {  	v40 =	vld [tilespmem:s21+$0xD0];
	(erf) = vpow2.f32 v20;
	v20 =	vmul.f32 $1.442695020e+00, v22;
	v22, _, _ =	vpop (xrf2);
	(xrf2) =	vadd.scan.msk.f32 $0xffff, v39  }
0x586: {  	v30 =	vld [tilespmem:s18+$0xFFFFFFC0]  }
0x587: {  	v44 =	vld [tilespmem:s10+$0x0];
	v23 =	vpop (erf);
	v20 =	vbroadcast v20, $0xF  }
0x588: {  	v45 =	vld [tilespmem:s20+$0xC0];
	[tilespmem:s19+$0xFFFFFFA0] =	vst v29;
	v26 =	vmul.f32 v50, v26;
	v25 =	vpop (erf);
	v22 =	vmax.f32 v22, $-5.000000000e+00  }
0x589: {  	[tilespmem:s19+$0xFFFFFFE0] =	vst v21;
	v18 =	vld [tilespmem:s5+$0x60];
	v15 =	vmul.f32 v23, v15;
	v22 =	vmin.f32 v22, $5.000000000e+00;
	(erf) = vpow2.f32 v20;
	v24 =	vpop (erf)  }
0x58a: {  	v32 =	vld [tilespmem:s21+$0xFFFFFF50];
	[tilespmem:s1+$0x50] =	vst v27;
	v43 =	vmul.f32 $1.442695020e+00, v22;
	v51 =	vmul.f32 v24, v40  }
0x58b: {  	v34 =	vld [tilespmem:s21+$0xFFFFFFD0];
	v27 =	vmul.f32 v36, v30;
	v17 =	vmul.f32 v25, v17;
	[tilespmem:s11+$0xFFFFFF80] =	vst v15  }
0x58c: {  	v59 =	vld [tilespmem:s5+$0xF0];
	v26 =	vmul.f32 v41, v26;
	v29 =	vbroadcast v43, $0xF;
	[tilespmem:s9+$0x60] =	vst v51  }
0x58d: {  	[tilespmem:s11+$0xFFFFFFD0] =	vst v17;
	v17 =	vmul.f32 v38, v37;
	v15, _, _ =	vpop (xrf2);
	v54 =	vld [tilespmem:s2+$0x60]  }
0x58e: {  	v27 =	vmul.f32 v42, v27;
	v52 =	vmax.f32 v15, $-5.000000000e+00;
	v53, _, _ =	vpop (xrf2);
	(xrf2) =	vadd.scan.msk.f32 $0xffff, v26;
	v55 =	vld [tilespmem:s21+$0xA0];
	(erf) = vpow2.f32 v29  }
0x58f: {  	[tilespmem:s19+$0x20] =	vst v28;
	v19 =	vld [tilespmem:s21+$0x50];
	v28 =	vmul.f32 v44, v17;
	v21 =	vmax.f32 v53, $-5.000000000e+00;
	v29 =	vmin.f32 v52, $5.000000000e+00;
	v56, _, _ =	vpop (xrf2)  }
0x590: {  	v20 =	vld [tilespmem:s20+$0xFFFFFFC0];
	v40 =	vpop (erf);
	v21 =	vmin.f32 v21, $5.000000000e+00;
	v29 =	vmul.f32 $1.442695020e+00, v29;
	v38 =	vmax.f32 v56, $-5.000000000e+00  }
0x591: {  	v18 =	vmul.f32 v40, v18;
	v57 =	vld [tilespmem:s1+$0x60];
	v21 =	vmul.f32 $1.442695020e+00, v21;
	v17 =	vmin.f32 v38, $5.000000000e+00  }
0x592: {  	v22 =	vld [tilespmem:s20+$0xFFFFFF40];
	v29 =	vbroadcast v29, $0xF;
	(xrf2) =	vadd.scan.msk.f32 $0xffff, v27;
	v17 =	vmul.f32 $1.442695020e+00, v17  }
0x593: {  	v30 =	vld [tilespmem:s6+$0xFFFFFFB0];
	[tilespmem:s11+$0x20] =	vst v18;
	v18 =	vbroadcast v21, $0xF;
	v58 =	vmul.f32 v55, v54;
	v38 =	vpop (erf)  }
0x594: {  	v37 =	vld [tilespmem:s5+$0xFFFFFF30];
	(xrf2) =	vadd.scan.msk.f32 $0xffff, v28;
	v21 =	vmul.f32 v38, v32;
	v17 =	vbroadcast v17, $0xF  }
0x595: {  	[tilespmem:s1+$0xFFFFFF90] =	vst v31;
	v42 =	vld [tilespmem:s5+$0xFFFFFFB0]  }
0x596: {  	v49 =	vld [tilespmem:s19+$0xFFFFFFF0];
	(erf) = vpow2.f32 v29;
	[tilespmem:s9+$0xFFFFFF70] =	vst v21;
	v21 =	vmul.f32 v57, v58  }
0x597: {  	v15 =	vld [tilespmem:s20+$0x40];
	v36 =	vpop (erf);
	(erf) = vpow2.f32 v18  }
0x598: {  	(erf) = vpow2.f32 v17;
	v18 =	vld [tilespmem:s2+$0xFFFFFFA0];
	v17, _, _ =	vpop (xrf2);
	(xrf2) =	vadd.scan.msk.f32 $0xffff, v21  }
0x599: {  	v34 =	vmul.f32 v36, v34;
	v60 =	vld [tilespmem:s21+$0xFFFFFF20]  }
0x59a: {  	[tilespmem:s1+$0xFFFFFFD0] =	vst v33;
	v35 =	vld [tilespmem:s6+$0x30];
	v17 =	vmax.f32 v17, $-5.000000000e+00  }
0x59b: {  	v61 =	vld [tilespmem:s1+$0xFFFFFFA0];
	[tilespmem:s9+$0xFFFFFFC0] =	vst v34;
	v17 =	vmin.f32 v17, $5.000000000e+00  }
0x59c: {  	v1 =	vnsel vm0, $0x0, v1;
	v34 =	vld [tilespmem:s2+$0xFFFFFFE0];
	v62, _, _ =	vpop (xrf2);
	v17 =	vmul.f32 $1.442695020e+00, v17  }
0x59d: {  	v3 =	vnsel vm0, $0x0, v3;
	v1 =	vsel vm1, v1, v5;
	v63 =	vld [tilespmem:s21+$0xFFFFFFA0];
	v43 =	vmax.f32 v62, $-5.000000000e+00  }
0x59e: {  	v31 =	vld [tilespmem:s5+$0x30];
	v52, _, _ =	vpop (xrf2);
	v43 =	vmin.f32 v43, $5.000000000e+00;
	v5 =	vmul.f32 v60, v18;
	v17 =	vbroadcast v17, $0xF  }
0x59f: {  	v3 =	vsel vm1, v3, v6;
	v54 =	vld [tilespmem:s19+$0xFFFFFFB0];
	v46 =	vpop (erf);
	v6 =	vmax.f32 v52, $-5.000000000e+00;
	v51 =	vmul.f32 $1.442695020e+00, v43  }
0x5a0: {  	v47 =	vld [tilespmem:s1+$0xFFFFFFE0];
	v6 =	vmin.f32 v6, $5.000000000e+00;
	v53 =	vpop (erf);
	v5 =	vmul.f32 v61, v5;
	(erf) = vpow2.f32 v17  }
0x5a1: {  	v56 =	vld [tilespmem:s19+$0x30];
	v6 =	vmul.f32 $1.442695020e+00, v6;
	v48 =	vpop (erf)  }
0x5a2: {  	v4 =	vnsel vm0, $0x0, v4;
	v29 =	vld [tilespmem:s6+$0xFFFFFFF0];
	v33 =	vbroadcast v51, $0xF;
	v34 =	vmul.f32 v63, v34;
	v55, _, _ =	vpop (xrf2);
	(xrf2) =	vadd.scan.msk.f32 $0xffff, v5  }
0x5a3: {  	v4 =	vsel vm1, v4, v12;
	v18 =	vld [tilespmem:s21+$0xFFFFFF60];
	v6 =	vbroadcast v6, $0xF;
	v12 =	vmul.f32 v48, v45  }
0x5a4: {  	v2 =	vnsel vm0, $0x0, v2;
	[tilespmem:s10+$0x40] =	vst v39;
	s6 =	simm.s32 $0xF500;
	v17 =	vld [tilespmem:s21+$0xFFFFFFE0];
	(erf) = vpow2.f32 v33  }
0x5a5: {  	v34 =	vmul.f32 v47, v34;
	(erf) = vpow2.f32 v6;
	v6 =	vld [tilespmem:s5+$0xFFFFFFF0];
	[tilespmem:s6+$0x50] =	vst v12;
	v33 =	vmax.f32 v55, $-5.000000000e+00  }
0x5a6: {  	v10 =	vsel vm1, v2, v10;
	v7 =	vnsel vm0, $0x0, v7;
	v57 =	vld [tilespmem:s18+$0x50];
	v33 =	vmin.f32 v33, $5.000000000e+00  }
0x5a7: {  	[tilespmem:s1+$0x10] =	vst v16;
	v19 =	vmul.f32 v53, v19;
	v58 =	vld [tilespmem:s20+$0x90];
	(xrf2) =	vadd.scan.msk.f32 $0xffff, v34;
	v33 =	vmul.f32 $1.442695020e+00, v33  }
0x5a8: {  	v13 =	vsel vm2, v1, v13;
	[tilespmem:s19+$0x70] =	vst v14;
	v2 =	vsel vm2, v3, v23;
	v16 =	vmul.f32 v37, v30;
	v12 =	vld [tilespmem:s5+$0xFFFFFF70]  }
0x5a9: {  	v1 =	vsel vm2, v4, v25;
	[tilespmem:s9+$0x10] =	vst v19;
	v19 =	vmul.f32 v42, v29;
	v4 =	vld [tilespmem:s10+$0x50];
	v3 =	vbroadcast v33, $0xF;
	v29 =	vpop (erf)  }
0x5aa: {  	v11 =	vnsel vm0, $0x0, v11;
	[tilespmem:s10+$0xFFFFFFC0] =	vst v27;
	v24 =	vsel vm1, v7, v24;
	v25 =	vld [tilespmem:s2+$0x20];
	v7 =	vmul.f32 v29, v22  }
0x5ab: {  	[tilespmem:s10+$0xFFFFFF80] =	vst v26;
	v23 =	vmul.f32 v54, v16;
	(erf) = vpow2.f32 v3;
	v22 =	vld [tilespmem:s21+$0x20];
	v3 =	vsel vm2, v10, v40  }
0x5ac: {  	v27 =	vld [tilespmem:s1+$0x20];
	v10 =	vmul.f32 v58, v57;
	[tilespmem:s6+$0xFFFFFF60] =	vst v7;
	v7 =	vsel vm1, v11, v38;
	v11 =	vmul.f32 v46, v59;
	v14, _, _ =	vpop (xrf2)  }
0x5ad: {  	v16 =	vld [tilespmem:s21+$0x60];
	v30 =	vmul.f32 v49, v19;
	(xrf2) =	vadd.scan.msk.f32 $0xffff, v23;
	v14 =	vmax.f32 v14, $-5.000000000e+00  }
0x5ae: {  	v26 =	vmul.f32 v31, v35;
	v31 =	vpop (erf);
	v19 =	vmul.f32 v4, v10;
	v4 =	vld [tilespmem:s18+$0xFFFFFF90];
	[tilespmem:s11+$0x80] =	vst v11;
	v11 =	vmin.f32 v14, $5.000000000e+00  }
0x5af: {  	[tilespmem:s10+$0x0] =	vst v28;
	(xrf2) =	vadd.scan.msk.f32 $0xffff, v30;
	v28 =	vpop (erf);
	v10 =	vmul.f32 v31, v20;
	v20 =	vld [tilespmem:s20+$0xFFFFFF10]  }
0x5b0: {  	v9 =	vnsel vm0, $0x0, v9;
	v59 =	vmul.f32 v28, v15;
	(xrf2) =	vadd.scan.msk.f32 $0xffff, v19;
	v22 =	vmul.f32 v22, v25;
	v25 =	vld [tilespmem:s21+$0xE0]  }
0x5b1: {  	v15 =	vmul.f32 v56, v26;
	v26 =	vld [tilespmem:s10+$0xFFFFFF90];
	[tilespmem:s6+$0xFFFFFFB0] =	vst v10;
	v10 =	vsel vm1, v9, v36;
	v9 =	vmul.f32 $1.442695020e+00, v11;
	v11, _, _ =	vpop (xrf2)  }
0x5b2: {  	v13 =	vsel vm3, v13, v46;
	[tilespmem:s6+$0x0] =	vst v59;
	v14 =	vld [tilespmem:s18+$0xFFFFFFD0];
	v27 =	vmul.f32 v27, v22;
	v11 =	vmax.f32 v11, $-5.000000000e+00  }
0x5b3: {  	v8 =	vnsel vm0, $0x0, v8;
	[tilespmem:s11+$0x90] =	vst v13;
	v61 =	vld [tilespmem:s18+$0x10];
	v60 =	vbroadcast v9, $0xF;
	v11 =	vmin.f32 v11, $5.000000000e+00  }
0x5b4: {  	[tilespmem:s1+$0xFFFFFFA0] =	vst v5;
	v22 =	vld [tilespmem:s20+$0xFFFFFF90];
	v20 =	vmul.f32 v20, v4;
	(xrf2) =	vadd.scan.msk.f32 $0xffff, v27;
	v4 =	vpop (erf);
	v62 =	vmul.f32 $1.442695020e+00, v11  }
0x5b5: {  	[tilespmem:s1+$0xFFFFFFE0] =	vst v34;
	v63 =	vld [tilespmem:s20+$0x10];
	v9 =	vsel vm1, v8, v53;
	v25 =	vmul.f32 v4, v25  }
0x5b6: {  	[tilespmem:s1+$0x60] =	vst v21;
	v21 =	vld [tilespmem:s10+$0xFFFFFFD0];
	v8 =	vnsel vm0, $0x0, v29;
	(erf) = vpow2.f32 v60;
	v29 =	vbroadcast v62, $0xF  }
0x5b7: {  	v13 =	vsel vm2, v24, v4;
	v24, _, _ =	vpop (xrf2);
	v4 =	vnsel vm0, $0x0, v28;
	[tilespmem:s9+$0x70] =	vst v25;
	v25 =	vld [tilespmem:s10+$0x10]  }
0x5b8: {  	[tilespmem:s19+$0xFFFFFFB0] =	vst v23;
	v20 =	vmul.f32 v26, v20;
	v24 =	vmax.f32 v24, $-5.000000000e+00;
	v28 =	vld [tilespmem:s2+$0x70];
	(erf) = vpow2.f32 v29  }
0x5b9: {  	[tilespmem:s19+$0xFFFFFFF0] =	vst v30;
	v5 =	vnsel vm0, $0x0, v31;
	v23, _, _ =	vpop (xrf2);
	v14 =	vmul.f32 v22, v14;
	v22 =	vmin.f32 v24, $5.000000000e+00;
	v29 =	vld [tilespmem:s21+$0xB0]  }
0x5ba: {  	v30 =	vmul.f32 v63, v61;
	v23 =	vmax.f32 v23, $-5.000000000e+00;
	(xrf2) =	vadd.scan.msk.f32 $0xffff, v20;
	v26 =	vmul.f32 $1.442695020e+00, v22;
	v22 =	vld [tilespmem:s20+$0xFFFFFF50];
	v31, _, _ =	vpop (xrf2)  }
0x5bb: {  	[tilespmem:s1+$0x20] =	vst v27;
	v23 =	vmin.f32 v23, $5.000000000e+00;
	v24 =	vld [tilespmem:s1+$0x70];
	v14 =	vmul.f32 v21, v14;
	v27 =	vmax.f32 v31, $-5.000000000e+00  }
0x5bc: {  	[tilespmem:s10+$0xFFFFFF90] =	vst v20;
	v20 =	vld [tilespmem:s20+$0x50];
	v31 =	vmul.f32 $1.442695020e+00, v23;
	v23 =	vmul.f32 v25, v30;
	v25 =	vmin.f32 v27, $5.000000000e+00  }
0x5bd: {  	s7 =	simm.s32 $0x8;
	v21 =	vld [tilespmem:s20+$0xFFFFFFD0];
	v26 =	vbroadcast v26, $0xF;
	[tilespmem:s10+$0xFFFFFFD0] =	vst v14;
	(xrf2) =	vadd.scan.msk.f32 $0xffff, v14;
	v27 =	vmul.f32 $1.442695020e+00, v25  }
0x5be: {  	s15 =	simm.s32 $0x560;
	s23 =	simm.s32 $0xF500;
	v11 =	vnsel vm0, $0x0, v48;
	v14 =	vld [tilespmem:s5+$0x70];
	s5 =	simm.s32 $0x42E0;
	v25 =	vbroadcast v31, $0xF;
	[tilespmem:s10+$0x10] =	vst v23;
	v28 =	vmul.f32 v29, v28;
	v29, _, _ =	vpop (xrf2)  }
.LBB2_15:
0x5bf: {  	v30 =	vld [tilespmem:s15+$0x40];
	s20 =	sadd.s32 $0x200, s20;
	v29 =	vmax.f32 v29, $-5.000000000e+00;
	v31 =	vpop (erf);
	[tilespmem:s19+$0x30] =	vst v15;
	(erf) = vpow2.f32 v26;
	s19 =	smov.u32 s1;
	s1 =	smov.u32 s10  }
0x5c0: {  	v26 =	vld [tilespmem:s20+$0x80];
	v27 =	vbroadcast v27, $0xF;
	v29 =	vmin.f32 v29, $5.000000000e+00;
	v28 =	vmul.f32 v24, v28  }
0x5c1: {  	s10 =	sadd.s32 $0x100, s10;
	v18 =	vmul.f32 v31, v18;
	v7 =	vsel vm2, v7, v31;
	v24 =	vld [tilespmem:s20+$0xFFFFFF00];
	v29 =	vmul.f32 $1.442695020e+00, v29;
	v31 =	vpop (erf)  }
0x5c2: {  	v32 =	vld [tilespmem:s10+$0x40];
	(erf) = vpow2.f32 v27;
	v17 =	vmul.f32 v31, v17;
	v10 =	vsel vm2, v10, v31;
	(xrf2) =	vadd.scan.msk.f32 $0xffff, v28  }
0x5c3: {  	v31 =	vld [tilespmem:s15+$0xFFFFFFC0];
	[tilespmem:s9+$0xFFFFFF80] =	vst v18;
	v18 =	vbroadcast v29, $0xF  }
0x5c4: {  	s7 =	sadd.s32 $0x4, s7;
	v29 =	vld [tilespmem:s20+$0xFFFFFF80];
	v27, _, _ =	vpop (xrf2);
	[tilespmem:s9+$0xFFFFFFD0] =	vst v17;
	(erf) = vpow2.f32 v25  }
0x5c5: {  	p0 =	slt.u32 s7, $0x4C;
	v17 =	vld [tilespmem:s15+$0x0];
	v33 =	vmul.f32 v26, v30;
	v26 =	vmax.f32 v27, $-5.000000000e+00;
	(xrf2) =	vadd.scan.msk.f32 $0xffff, v23;
	(erf) = vpow2.f32 v18  }
0x5c6: {  	v18 =	vld [tilespmem:s20+$0x0];
	v23 =	vmin.f32 v26, $5.000000000e+00  }
0x5c7: {  	v30 =	vld [tilespmem:s15+$0xFFFFFF80];
	v27 =	vmul.f32 v32, v33;
	v23 =	vmul.f32 $1.442695020e+00, v23;
	v25, _, _ =	vpop (xrf2)  }
0x5c8: {  	v25 =	vmax.f32 v25, $-5.000000000e+00;
	v32 =	vld [tilespmem:s5+$0xD0];
	v26 =	vpop (erf)  }
0x5c9: {  	v33 =	vld [tilespmem:s10+$0xFFFFFF80];
	v29 =	vmul.f32 v29, v31;
	(xrf2) =	vadd.scan.msk.f32 $0xffff, v27;
	v23 =	vbroadcast v23, $0xF;
	v25 =	vmin.f32 v25, $5.000000000e+00  }
0x5ca: {  	v34 =	vmul.f32 v26, v12;
	v26 =	vsel vm3, v2, v26;
	v2 =	vmovc v7;
	v31 =	vld [tilespmem:s10+$0xFFFFFFC0];
	v25 =	vmul.f32 $1.442695020e+00, v25  }
0x5cb: {  	v7 =	vld [tilespmem:s10+$0x0];
	v17 =	vmul.f32 v18, v17;
	(erf) = vpow2.f32 v23;
	v18 =	vpop (erf);
	[tilespmem:s11+$0xFFFFFFA0] =	vst v26  }
0x5cc: {  	v26 =	vld [tilespmem:s20+$0xFFFFFF40];
	v24 =	vmul.f32 v24, v30;
	v35 =	vbroadcast v25, $0xF;
	v23 =	vsel vm1, v11, v18;
	v11, _, _ =	vpop (xrf2);
	(xrf2) =	vadd.scan.msk.f32 $0xffff, v15  }
0x5cd: {  	v25 =	vld [tilespmem:s20+$0xFFFFFFC0];
	v32 =	vmul.f32 v18, v32;
	v11 =	vmax.f32 v11, $-5.000000000e+00;
	[tilespmem:s11+$0xFFFFFF90] =	vst v34;
	v12 =	vpop (erf)  }
0x5ce: {  	v18 =	vmul.f32 v33, v24;
	v24 =	vld [tilespmem:s20+$0x40];
	[tilespmem:s1+$0x50] =	vst v19;
	(erf) = vpow2.f32 v35;
	v11 =	vmin.f32 v11, $5.000000000e+00;
	v30 =	vpop (erf)  }
0x5cf: {  	v29 =	vmul.f32 v31, v29;
	[tilespmem:s6+$0x60] =	vst v32;
	v15, _, _ =	vpop (xrf2);
	v31 =	vld [tilespmem:s2+$0xFFFFFFB0];
	v19 =	vsel vm2, v9, v30;
	v9 =	vmul.f32 $1.442695020e+00, v11  }
0x5d0: {  	[tilespmem:s10+$0xFFFFFF80] =	vst v18;
	v11 =	vmul.f32 v7, v17;
	(xrf2) =	vadd.scan.msk.f32 $0xffff, v18;
	v7 =	vmax.f32 v15, $-5.000000000e+00;
	v15 =	vld [tilespmem:s18+$0x60]  }
0x5d1: {  	v16 =	vmul.f32 v30, v16;
	[tilespmem:s10+$0xFFFFFFC0] =	vst v29;
	v7 =	vmin.f32 v7, $5.000000000e+00;
	v17 =	vld [tilespmem:s5+$0xA0];
	v9 =	vbroadcast v9, $0xF  }
0x5d2: {  	v6 =	vmul.f32 v12, v6;
	v12 =	vsel vm3, v1, v12;
	v1 =	vmovc v10;
	[tilespmem:s10+$0x0] =	vst v11;
	v30 =	vmul.f32 $1.442695020e+00, v7;
	v18 =	vld [tilespmem:s21+$0xFFFFFF30]  }
0x5d3: {  	(xrf2) =	vadd.scan.msk.f32 $0xffff, v29;
	v10, _, _ =	vpop (xrf2);
	v29 =	vld [tilespmem:s1+$0x60];
	[tilespmem:s9+$0x20] =	vst v16;
	(erf) = vpow2.f32 v9  }
0x5d4: {  	v9 =	vmax.f32 v10, $-5.000000000e+00;
	v16 =	vbroadcast v30, $0xF;
	v7 =	vpop (erf);
	v30 =	vld [tilespmem:s2+$0xFFFFFFF0];
	[tilespmem:s11+$0xFFFFFFE0] =	vst v6  }
0x5d5: {  	v6 =	vmin.f32 v9, $5.000000000e+00;
	v22 =	vmul.f32 v7, v22;
	v7 =	vsel vm1, v8, v7;
	v8 =	vld [tilespmem:s21+$0xFFFFFFB0];
	[tilespmem:s11+$0xFFFFFFF0] =	vst v12  }
0x5d6: {  	v6 =	vmul.f32 $1.442695020e+00, v6;
	(xrf2) =	vadd.scan.msk.f32 $0xffff, v11;
	v10 =	vmul.f32 v17, v15;
	v11 =	vld [tilespmem:s2+$0x30];
	v12, _, _ =	vpop (xrf2);
	s2 =	smov.u32 s18;
	s18 =	smov.u32 s15  }
0x5d7: {  	[tilespmem:s6+$0xFFFFFF70] =	vst v22;
	v9 =	vpop (erf);
	v15 =	vmul.f32 v18, v31;
	v17 =	vld [tilespmem:s21+$0x30];
	v12 =	vmax.f32 v12, $-5.000000000e+00  }
0x5d8: {  	v6 =	vbroadcast v6, $0xF;
	v22 =	vmul.f32 v29, v10;
	v18 =	vld [tilespmem:s21+$0xF0];
	v12 =	vmin.f32 v12, $5.000000000e+00  }
0x5d9: {  	v21 =	vmul.f32 v9, v21;
	v10 =	vsel vm1, v5, v9;
	v29 =	vld [tilespmem:s2+$0xFFFFFFA0];
	(erf) = vpow2.f32 v16  }
0x5da: {  	v5, _, _ =	vpop (xrf2);
	(erf) = vpow2.f32 v6;
	v6 =	vld [tilespmem:s5+$0xFFFFFF20];
	(xrf2) =	vadd.scan.msk.f32 $0xffff, v22;
	v8 =	vmul.f32 v8, v30  }
0x5db: {  	v12 =	vmul.f32 $1.442695020e+00, v12;
	v5 =	vmax.f32 v5, $-5.000000000e+00;
	v9 =	vld [tilespmem:s1+$0xFFFFFFA0];
	[tilespmem:s6+$0xFFFFFFC0] =	vst v21  }
0x5dc: {  	v5 =	vmin.f32 v5, $5.000000000e+00;
	v16 =	vld [tilespmem:s2+$0xFFFFFFE0];
	v21 =	vmul.f32 v17, v11;
	v11 =	vpop (erf)  }
0x5dd: {  	v5 =	vmul.f32 $1.442695020e+00, v5;
	v17, _, _ =	vpop (xrf2);
	v30 =	vld [tilespmem:s5+$0xFFFFFFA0];
	v18 =	vmul.f32 v11, v18;
	v11 =	vsel vm3, v13, v11  }
0x5de: {  	v12 =	vbroadcast v12, $0xF;
	v13 =	vmax.f32 v17, $-5.000000000e+00;
	v31 =	vld [tilespmem:s1+$0xFFFFFFE0];
	[tilespmem:s19+$0x70] =	vst v28  }
0x5df: {  	v5 =	vbroadcast v5, $0xF;
	v13 =	vmin.f32 v13, $5.000000000e+00;
	v28 =	vld [tilespmem:s20+$0xC0];
	v6 =	vmul.f32 v6, v29;
	[tilespmem:s9+$0x80] =	vst v18  }
0x5e0: {  	v13 =	vmul.f32 $1.442695020e+00, v13;
	v17, _, _ =	vpop (xrf2);
	v18 =	vld [tilespmem:s5+$0xFFFFFF60];
	[tilespmem:s9+$0x90] =	vst v11;
	(erf) = vpow2.f32 v12  }
0x5e1: {  	v33 =	vmax.f32 v17, $-5.000000000e+00;
	(erf) = vpow2.f32 v5;
	v32 =	vmul.f32 v9, v6;
	v17 =	vld [tilespmem:s5+$0xFFFFFFE0]  }
0x5e2: {  	v6 =	vbroadcast v13, $0xF;
	v9 =	vmin.f32 v33, $5.000000000e+00;
	v12 =	vmul.f32 v30, v16;
	v11 =	vpop (erf);
	v13 =	vld [tilespmem:s19+$0xFFFFFFB0]  }
0x5e3: {  	v16 =	vmul.f32 $1.442695020e+00, v9;
	v29 =	vpop (erf);
	[tilespmem:s1+$0xFFFFFFA0] =	vst v32;
	v20 =	vmul.f32 v11, v20;
	v9 =	vsel vm1, v4, v11;
	v4 =	vld [tilespmem:s19+$0xFFFFFFF0]  }
0x5e4: {  	v28 =	vmul.f32 v29, v28;
	v11 =	vnsel vm0, $0x0, v29;
	(erf) = vpow2.f32 v6;
	(xrf2) =	vadd.scan.msk.f32 $0xffff, v32;
	v5, _, _ =	vpop (xrf2);
	v29 =	vld [tilespmem:s19+$0x30]  }
0x5e5: {  	s6 =	sadd.s32 $0x140, s6;
	v16 =	vbroadcast v16, $0xF;
	[tilespmem:s10+$0x40] =	vst v27;
	v27 =	vmul.f32 v31, v12;
	v5 =	vmax.f32 v5, $-5.000000000e+00;
	v12 =	vld [tilespmem:s21+$0xFFFFFF70]  }
0x5e6: {  	[tilespmem:s6+$0x50] =	vst v28;
	v5 =	vmin.f32 v5, $5.000000000e+00;
	v6 =	vld [tilespmem:s21+$0xFFFFFFF0]  }
0x5e7: {  	v28 =	vld [tilespmem:s15+$0x50];
	(erf) = vpow2.f32 v16;
	[tilespmem:s23+$0x10] =	vst v20;
	v5 =	vmul.f32 $1.442695020e+00, v5;
	(xrf2) =	vadd.scan.msk.f32 $0xffff, v27  }
0x5e8: {  	v13 =	vmul.f32 v13, v15;
	v16 =	vld [tilespmem:s20+$0x90];
	[tilespmem:s1+$0xFFFFFFE0] =	vst v27;
	v4 =	vmul.f32 v4, v8  }
0x5e9: {  	v20 =	vld [tilespmem:s2+$0x20];
	v5 =	vbroadcast v5, $0xF;
	v15 =	vmul.f32 v29, v21;
	v8 =	vpop (erf)  }
0x5ea: {  	v21 =	vld [tilespmem:s10+$0x50];
	v27 =	vpop (erf);
	[tilespmem:s19+$0xFFFFFFB0] =	vst v13;
	v14 =	vmul.f32 v8, v14;
	v29 =	vsel vm3, v3, v8;
	v3 =	vmov v19  }
0x5eb: {  	v19 =	vmul.f32 v27, v26;
	v8 =	vnsel vm0, $0x0, v27;
	v26 =	vld [tilespmem:s5+$0x20];
	(erf) = vpow2.f32 v5;
	(xrf2) =	vadd.scan.msk.f32 $0xffff, v13  }
0x5ec: {  	v13 =	vld [tilespmem:s1+$0x20];
	[tilespmem:s11+$0x30] =	vst v14  }
0x5ed: {  	[tilespmem:s6+$0xFFFFFF60] =	vst v19;
	v14 =	vmul.f32 v16, v28;
	v5 =	vpop (erf);
	v16 =	vld [tilespmem:s5+$0x60]  }
0x5ee: {  	v27 =	vld [tilespmem:s15+$0xFFFFFF90];
	v25 =	vmul.f32 v5, v25;
	v5 =	vnsel vm0, $0x0, v5;
	v28, _, _ =	vpop (xrf2);
	(xrf2) =	vadd.scan.msk.f32 $0xffff, v4;
	[tilespmem:s11+$0x40] =	vst v29;
	s11 =	smov.u32 s9;
	s9 =	smov.u32 s23;
	s23 =	smov.u32 s6  }
0x5ef: {  	v29 =	vld [tilespmem:s20+$0xFFFFFF10];
	v19 =	vmul.f32 v21, v14;
	v14 =	vmax.f32 v28, $-5.000000000e+00;
	[tilespmem:s19+$0xFFFFFFF0] =	vst v4  }
0x5f0: {  	[tilespmem:s6+$0xFFFFFFB0] =	vst v25;
	v4 =	vpop (erf);
	v14 =	vmin.f32 v14, $5.000000000e+00;
	v20 =	vmul.f32 v26, v20;
	v21 =	vld [tilespmem:s5+$0xE0]  }
0x5f1: {  	v25 =	vld [tilespmem:s15+$0xFFFFFFD0];
	v24 =	vmul.f32 v4, v24;
	v4 =	vnsel vm0, $0x0, v4;
	(xrf2) =	vadd.scan.msk.f32 $0xffff, v19;
	v14 =	vmul.f32 $1.442695020e+00, v14;
	v26, _, _ =	vpop (xrf2)  }
0x5f2: {  	v28 =	vld [tilespmem:s20+$0xFFFFFF90];
	v26 =	vmax.f32 v26, $-5.000000000e+00;
	v30 =	vmul.f32 v13, v20  }
0x5f3: {  	v20 =	vld [tilespmem:s10+$0xFFFFFF90];
	[tilespmem:s6+$0x0] =	vst v24;
	v14 =	vbroadcast v14, $0xF;
	v24 =	vmin.f32 v26, $5.000000000e+00  }
0x5f4: {  	v26 =	vmul.f32 v29, v27;
	v27 =	vld [tilespmem:s15+$0x10];
	v24 =	vmul.f32 $1.442695020e+00, v24;
	[tilespmem:s1+$0x20] =	vst v30;
	(xrf2) =	vadd.scan.msk.f32 $0xffff, v30;
	v13 =	vpop (erf)  }
0x5f5: {  	v29 =	vld [tilespmem:s20+$0x10];
	v31 =	vmul.f32 v13, v21;
	v13 =	vsel vm2, v23, v13;
	v23, _, _ =	vpop (xrf2)  }
0x5f6: {  	v30 =	vld [tilespmem:s10+$0xFFFFFFD0];
	v24 =	vbroadcast v24, $0xF;
	[tilespmem:s1+$0x60] =	vst v22;
	(erf) = vpow2.f32 v14;
	v14 =	vmax.f32 v23, $-5.000000000e+00  }
0x5f7: {  	v23 =	vmul.f32 v28, v25;
	v25 =	vld [tilespmem:s10+$0x10];
	[tilespmem:s9+$0x70] =	vst v31;
	v14 =	vmin.f32 v14, $5.000000000e+00  }
0x5f8: {  	v20 =	vmul.f32 v20, v26;
	v28 =	vld [tilespmem:s2+$0x70];
	(erf) = vpow2.f32 v24;
	v21, _, _ =	vpop (xrf2)  }
0x5f9: {  	v14 =	vmul.f32 $1.442695020e+00, v14;
	v31 =	vld [tilespmem:s5+$0xB0];
	v21 =	vmax.f32 v21, $-5.000000000e+00  }
.Ltmp7:
0x5fa: {  	v22 =	vld [tilespmem:s20+$0xFFFFFF50];
	[tilespmem:s10+$0xFFFFFF90] =	vst v20;
	v26 =	vmul.f32 v29, v27;
	(xrf2) =	vadd.scan.msk.f32 $0xffff, v20;
	v20 =	vmin.f32 v21, $5.000000000e+00;
	(pc) =	sbr.rel @p0 .LBB2_15-.Ltmp7, $4  }
0x5fb: {  	v27 =	vmul.f32 v30, v23;
	v29, _, _ =	vpop (xrf2);
	v24 =	vld [tilespmem:s1+$0x70];
	v30 =	vmul.f32 $1.442695020e+00, v20  }
0x5fc: {  	v21 =	vld [tilespmem:s20+$0xFFFFFFD0];
	v23 =	vmul.f32 v25, v26;
	v25 =	vmax.f32 v29, $-5.000000000e+00;
	v26 =	vbroadcast v14, $0xF  }
0x5fd: {  	[tilespmem:s10+$0xFFFFFFD0] =	vst v27;
	v20 =	vld [tilespmem:s20+$0x50];
	v14 =	vmin.f32 v25, $5.000000000e+00;
	(xrf2) =	vadd.scan.msk.f32 $0xffff, v27;
	v25 =	vbroadcast v30, $0xF  }
0x5fe: {  	s15 =	sadd.s32 $0x100, s15;
	[tilespmem:s10+$0x10] =	vst v23;
	v27 =	vmul.f32 $1.442695020e+00, v14;
	v28 =	vmul.f32 v31, v28;
	v29, _, _ =	vpop (xrf2);
	v14 =	vld [tilespmem:s21+$0x70];
	s21 =	smov.u32 s5;
	s5 =	smov.u32 s20  }
0x5ff: {  	_ = 	snop  }
0x600: {  	v24 =	vmul.f32 v24, v28;
	_ =	sdelay $0x1  }
0x601: {  	(xrf2) =	vadd.scan.msk.f32 $0xffff, v24;
	_ =	sdelay $0x1  }
0x602: {  	(xrf2) =	vadd.scan.msk.f32 $0xffff, v23;
	_ =	sdelay $0x1  }
0x603: {  	v43 =	vbroadcast v27, $0xF;
	v45, _, _ =	vpop (xrf2)  }
0x604: {  	(erf) = vpow2.f32 v26;
	v46 =	vmax.f32 v45, $-5.000000000e+00  }
0x605: {  	v44 =	vmax.f32 v29, $-5.000000000e+00;
	(erf) = vpow2.f32 v43;
	v23 =	vmin.f32 v46, $5.000000000e+00  }
0x606: {  	v27 =	vmin.f32 v44, $5.000000000e+00;
	v23 =	vmul.f32 $1.442695020e+00, v23  }
0x607: {  	v47 =	vmul.f32 $1.442695020e+00, v27;
	v48, _, _ =	vpop (xrf2)  }
0x608: {  	v27 =	vmax.f32 v48, $-5.000000000e+00;
	v23 =	vbroadcast v23, $0xF  }
0x609: {  	v49 =	vbroadcast v47, $0xF;
	v50 =	vmin.f32 v27, $5.000000000e+00;
	v52, _, _ =	vpop (xrf2)  }
0x60a: {  	v26 =	vpop (erf);
	v51 =	vld [tilespmem:s5+$0xD0];
	(erf) = vpow2.f32 v25;
	v25 =	vmul.f32 $1.442695020e+00, v50;
	v27 =	vmax.f32 v52, $-5.000000000e+00  }
0x60b: {  	(erf) = vpow2.f32 v49;
	v53, _, _ =	vpop (xrf2)  }
0x60c: {  	(erf) = vpow2.f32 v23;
	v25 =	vbroadcast v25, $0xF;
	v23 =	vpop (erf)  }
0x60d: {  	v30 =	vmul.f32 v26, v18;
	v54 =	vmin.f32 v27, $5.000000000e+00;
	v27 =	vpop (erf)  }
0x60e: {  	v29 =	vmax.f32 v53, $-5.000000000e+00;
	v55 =	vmul.f32 $1.442695020e+00, v54;
	(erf) = vpow2.f32 v25;
	v18 =	vpop (erf)  }
0x60f: {  	v29 =	vmin.f32 v29, $5.000000000e+00;
	v28 =	vmul.f32 v18, v51  }
0x610: {  	v29 =	vmul.f32 $1.442695020e+00, v29;
	v25 =	vbroadcast v55, $0xF  }
0x611: {  	[tilespmem:s10+$0x50] =	vst v19  }
0x612: {  	[tilespmem:s9+$0xFFFFFF80] =	vst v30;
	v56 =	vbroadcast v29, $0xF  }
0x613: {  	v57 =	vld [tilespmem:s2+$0xFFFFFFB0];
	v17 =	vmul.f32 v23, v17;
	(erf) = vpow2.f32 v25;
	[tilespmem:s6+$0x60] =	vst v28;
	v28 =	vpop (erf)  }
0x614: {  	v32 =	vld [tilespmem:s21+$0xFFFFFF30];
	(erf) = vpow2.f32 v56;
	v25 =	vpop (erf)  }
0x615: {  	v58 =	vld [tilespmem:s18+$0x60];
	v19 =	vpop (erf)  }
0x616: {  	v31 =	vld [tilespmem:s5+$0xA0];
	v22 =	vmul.f32 v19, v22  }
0x617: {  	v40 =	vld [tilespmem:s1+$0xFFFFFFB0];
	[tilespmem:s9+$0xFFFFFFD0] =	vst v17;
	v17 =	vpop (erf)  }
0x618: {  	v33 =	vld [tilespmem:s10+$0x60];
	v21 =	vmul.f32 v17, v21;
	[tilespmem:s6+$0xFFFFFF70] =	vst v22  }
0x619: {  	v36 =	vld [tilespmem:s18+$0xFFFFFFA0]  }
0x61a: {  	[tilespmem:s6+$0xFFFFFFC0] =	vst v21;
	v37 =	vld [tilespmem:s5+$0xFFFFFF20]  }
0x61b: {  	v30 =	vmul.f32 v31, v58;
	v38 =	vld [tilespmem:s18+$0xFFFFFFE0]  }
0x61c: {  	v22 =	vpop (erf);
	v59 =	vld [tilespmem:s5+$0xFFFFFFA0]  }
0x61d: {  	v39 =	vld [tilespmem:s10+$0xFFFFFFA0];
	v30 =	vmul.f32 v33, v30;
	v21 =	vpop (erf)  }
0x61e: {  	(xrf2) =	vadd.scan.msk.f32 $0xffff, v15;
	v60 =	vld [tilespmem:s10+$0xFFFFFFE0];
	v20 =	vmul.f32 v21, v20  }
0x61f: {  	v34 =	vld [tilespmem:s2+$0xFFFFFFF0];
	(xrf2) =	vadd.scan.msk.f32 $0xffff, v30  }
0x620: {  	v35 =	vld [tilespmem:s21+$0xFFFFFFB0];
	v61 =	vmul.f32 v37, v36;
	[tilespmem:s23+$0x10] =	vst v20  }
0x621: {  	v31 =	vmul.f32 v59, v38;
	v62 =	vld [tilespmem:s18+$0x20]  }
0x622: {  	v63 =	vld [tilespmem:s5+$0x20];
	v38 =	vmul.f32 v39, v61  }
0x623: {  	v39 =	vld [tilespmem:s1+$0xFFFFFFF0];
	v31 =	vmul.f32 v60, v31  }
0x624: {  	v29 =	vmul.f32 v32, v57;
	v41 =	vld [tilespmem:s10+$0x20];
	(xrf2) =	vadd.scan.msk.f32 $0xffff, v38  }
0x625: {  	(xrf2) =	vadd.scan.msk.f32 $0xffff, v31  }
0x626: {  	v29 =	vmul.f32 v40, v29;
	v42 =	vmul.f32 v35, v34  }
0x627: {  	v43 =	vmul.f32 v63, v62  }
0x628: {  	v44, _, _ =	vpop (xrf2);
	(xrf2) =	vadd.scan.msk.f32 $0xffff, v29;
	v20 =	vmul.f32 v39, v42  }
0x629: {  	v33 =	vmax.f32 v44, $-5.000000000e+00;
	v45, _, _ =	vpop (xrf2);
	v32 =	vmul.f32 v41, v43  }
0x62a: {  	v33 =	vmin.f32 v33, $5.000000000e+00;
	v34 =	vmax.f32 v45, $-5.000000000e+00;
	(xrf2) =	vadd.scan.msk.f32 $0xffff, v20  }
0x62b: {  	v33 =	vmul.f32 $1.442695020e+00, v33;
	v34 =	vmin.f32 v34, $5.000000000e+00;
	(xrf2) =	vadd.scan.msk.f32 $0xffff, v32  }
0x62c: {  	v34 =	vmul.f32 $1.442695020e+00, v34  }
0x62d: {  	v33 =	vbroadcast v33, $0xF  }
0x62e: {  	v34 =	vbroadcast v34, $0xF;
	v46, _, _ =	vpop (xrf2)  }
0x62f: {  	(erf) = vpow2.f32 v33;
	v47, _, _ =	vpop (xrf2)  }
0x630: {  	(erf) = vpow2.f32 v34;
	v35 =	vmax.f32 v46, $-5.000000000e+00;
	v49 =	vmax.f32 v47, $-5.000000000e+00  }
0x631: {  	v48 =	vmin.f32 v35, $5.000000000e+00;
	v50 =	vmin.f32 v49, $5.000000000e+00  }
0x632: {  	v51, _, _ =	vpop (xrf2);
	v33 =	vmul.f32 $1.442695020e+00, v48;
	v34 =	vmul.f32 $1.442695020e+00, v50  }
0x633: {  	v35 =	vmax.f32 v51, $-5.000000000e+00  }
0x634: {  	v35 =	vmin.f32 v35, $5.000000000e+00;
	v33 =	vbroadcast v33, $0xF;
	v52, _, _ =	vpop (xrf2);
	v34 =	vbroadcast v34, $0xF  }
0x635: {  	v54 =	vld [tilespmem:s5+$0xE0];
	v16 =	vmul.f32 v25, v16;
	v35 =	vmul.f32 $1.442695020e+00, v35;
	v36 =	vmax.f32 v52, $-5.000000000e+00;
	v53, _, _ =	vpop (xrf2)  }
0x636: {  	v36 =	vmin.f32 v36, $5.000000000e+00;
	(erf) = vpow2.f32 v33;
	v37 =	vmax.f32 v53, $-5.000000000e+00  }
0x637: {  	v35 =	vbroadcast v35, $0xF;
	v55 =	vmul.f32 $1.442695020e+00, v36;
	v56 =	vmin.f32 v37, $5.000000000e+00  }
0x638: {  	(erf) = vpow2.f32 v34;
	v36 =	vmul.f32 $1.442695020e+00, v56;
	v34 =	vpop (erf)  }
0x639: {  	[tilespmem:s9+$0x20] =	vst v16;
	(erf) = vpow2.f32 v35;
	v33 =	vbroadcast v55, $0xF;
	v16 =	vpop (erf)  }
0x63a: {  	v58 =	vld [tilespmem:s2+$0x30];
	v57 =	vbroadcast v36, $0xF;
	v60 =	vmul.f32 v16, v54  }
0x63b: {  	[tilespmem:s10+$0x60] =	vst v30;
	v61 =	vld [tilespmem:s5+$0xFFFFFF60];
	(erf) = vpow2.f32 v33  }
0x63c: {  	v62 =	vld [tilespmem:s5+$0xFFFFFFE0];
	(erf) = vpow2.f32 v57;
	[tilespmem:s23+$0x70] =	vst v60  }
0x63d: {  	v37 =	vld [tilespmem:s18+$0x70]  }
0x63e: {  	v63 =	vld [tilespmem:s5+$0xB0]  }
0x63f: {  	v59 =	vld [tilespmem:s21+$0x30];
	v41 =	vpop (erf)  }
0x640: {  	v43 =	vld [tilespmem:s10+$0x70];
	v35 =	vmul.f32 v41, v61  }
0x641: {  	[tilespmem:s10+$0xFFFFFFA0] =	vst v38;
	v42 =	vld [tilespmem:s5+$0x60]  }
0x642: {  	v48 =	vld [tilespmem:s1+$0x30];
	v30 =	vpop (erf);
	[tilespmem:s23+$0xFFFFFF80] =	vst v35  }
0x643: {  	[tilespmem:s10+$0xFFFFFFE0] =	vst v31;
	v44 =	vpop (erf);
	v50 =	vmul.f32 v30, v62;
	v49 =	vmul.f32 v63, v37;
	v52 =	vld [tilespmem:s18+$0xFFFFFFB0]  }
0x644: {  	[tilespmem:s10+$0x20] =	vst v32;
	v55 =	vld [tilespmem:s5+$0xFFFFFF30];
	v45 =	vpop (erf)  }
0x645: {  	v33 =	vmul.f32 v59, v58;
	[tilespmem:s23+$0xFFFFFFD0] =	vst v50;
	v58 =	vld [tilespmem:s10+$0xFFFFFFB0];
	v32 =	vmul.f32 v43, v49;
	v31 =	vpop (erf)  }
0x646: {  	v53 =	vld [tilespmem:s18+$0xFFFFFFF0];
	v51 =	vmul.f32 v31, v42  }
0x647: {  	v33 =	vmul.f32 v48, v33;
	v56 =	vld [tilespmem:s5+$0xFFFFFFB0];
	(xrf2) =	vadd.scan.msk.f32 $0xffff, v32  }
0x648: {  	v59 =	vld [tilespmem:s10+$0xFFFFFFF0];
	[tilespmem:s23+$0x20] =	vst v51  }
0x649: {  	(xrf2) =	vadd.scan.msk.f32 $0xffff, v33;
	v54 =	vld [tilespmem:s18+$0x30]  }
0x64a: {  	v36 =	vmul.f32 v55, v52;
	v57 =	vld [tilespmem:s5+$0x30];
	_ =	sdelay $0x1  }
0x64b: {  	v60 =	vld [tilespmem:s10+$0x30];
	v36 =	vmul.f32 v58, v36  }
0x64c: {  	v35 =	vmul.f32 v56, v53  }
0x64d: {  	(xrf2) =	vadd.scan.msk.f32 $0xffff, v36  }
0x64e: {  	v35 =	vmul.f32 v59, v35;
	v37 =	vmul.f32 v57, v54;
	_ =	sdelay $0x1  }
0x64f: {  	v2 =	vsel vm3, v2, v27;
	v61, _, _ =	vpop (xrf2);
	v37 =	vmul.f32 v60, v37;
	(xrf2) =	vadd.scan.msk.f32 $0xffff, v35  }
0x650: {  	[tilespmem:s11+$0xFFFFFFA0] =	vst v2;
	v2 =	vmul.f32 v28, v6  }
0x651: {  	v39 =	vmax.f32 v61, $-5.000000000e+00;
	v62, _, _ =	vpop (xrf2);
	(xrf2) =	vadd.scan.msk.f32 $0xffff, v37  }
0x652: {  	v12 =	vmul.f32 v27, v12;
	[tilespmem:s11+$0xFFFFFFE0] =	vst v2;
	v2 =	vld [tilespmem:s21+$0xF0];
	v63 =	vmin.f32 v39, $5.000000000e+00;
	v42 =	vmax.f32 v62, $-5.000000000e+00  }
0x653: {  	[tilespmem:s19+$0x30] =	vst v15;
	v43 =	vmul.f32 $1.442695020e+00, v63;
	v46 =	vmin.f32 v42, $5.000000000e+00  }
0x654: {  	[tilespmem:s11+$0xFFFFFF90] =	vst v12;
	v1 =	vsel vm3, v1, v28;
	v47 =	vmul.f32 $1.442695020e+00, v46  }
0x655: {  	[tilespmem:s11+$0xFFFFFFF0] =	vst v1;
	v1 =	vsel vm3, v3, v34;
	v3 =	vld [tilespmem:s21+$0xFFFFFF70];
	v48 =	vbroadcast v43, $0xF  }
0x656: {  	[tilespmem:s1+$0x70] =	vst v24;
	v13 =	vsel vm3, v13, v22;
	v51, _, _ =	vpop (xrf2);
	v49 =	vbroadcast v47, $0xF  }
0x657: {  	v2 =	vmul.f32 v22, v2;
	[tilespmem:s9+$0x90] =	vst v13;
	v6 =	vmax.f32 v51, $-5.000000000e+00;
	(erf) = vpow2.f32 v48  }
0x658: {  	[tilespmem:s11+$0x40] =	vst v1;
	v1 =	vld [tilespmem:s21+$0xFFFFFFF0];
	v6 =	vmin.f32 v6, $5.000000000e+00;
	(erf) = vpow2.f32 v49  }
0x659: {  	[tilespmem:s9+$0x80] =	vst v2;
	v6 =	vmul.f32 $1.442695020e+00, v6;
	v52, _, _ =	vpop (xrf2)  }
0x65a: {  	v7 =	vsel vm2, v7, v26;
	[tilespmem:s1+$0xFFFFFFB0] =	vst v29;
	v3 =	vmul.f32 v44, v3;
	v12 =	vmax.f32 v52, $-5.000000000e+00  }
0x65b: {  	[tilespmem:s1+$0xFFFFFFF0] =	vst v20;
	v2 =	vsel vm3, v7, v44;
	v6 =	vbroadcast v6, $0xF;
	v12 =	vmin.f32 v12, $5.000000000e+00;
	v54, _, _ =	vpop (xrf2)  }
0x65c: {  	v50 =	vmul.f32 v34, v14;
	[tilespmem:s9+$0xFFFFFFA0] =	vst v2;
	v55 =	vmul.f32 $1.442695020e+00, v12;
	v56 =	vmax.f32 v54, $-5.000000000e+00  }
0x65d: {  	[tilespmem:s9+$0xFFFFFF90] =	vst v3;
	v1 =	vmul.f32 v45, v1;
	v53 =	vld [tilespmem:s21+$0x70];
	(erf) = vpow2.f32 v6;
	v12 =	vmin.f32 v56, $5.000000000e+00  }
0x65e: {  	[tilespmem:s11+$0x30] =	vst v50;
	v7 =	vbroadcast v55, $0xF;
	v12 =	vmul.f32 $1.442695020e+00, v12  }
0x65f: {  	v10 =	vsel vm2, v10, v23;
	[tilespmem:s9+$0xFFFFFFE0] =	vst v1;
	v60 =	vld [tilespmem:s5+$0xF0]  }
0x660: {  	[tilespmem:s1+$0x30] =	vst v33;
	v58 =	vsel vm3, v10, v45;
	v57 =	vpop (erf);
	(erf) = vpow2.f32 v7;
	v1 =	vbroadcast v12, $0xF  }
0x661: {  	v59 =	vsel vm2, v9, v25;
	[tilespmem:s9+$0xFFFFFFF0] =	vst v58;
	v2 =	vpop (erf)  }
0x662: {  	[tilespmem:s10+$0x70] =	vst v32;
	v3 =	vmul.f32 v2, v53;
	v2 =	vsel vm3, v59, v2;
	(erf) = vpow2.f32 v1;
	v1 =	vld [tilespmem:s5+$0xFFFFFF70]  }
0x663: {  	[tilespmem:s9+$0x40] =	vst v2  }
0x664: {  	v6 =	vmul.f32 v57, v60;
	[tilespmem:s10+$0xFFFFFFB0] =	vst v36  }
0x665: {  	v61 =	vsel vm1, v11, v18;
	v2 =	vld [tilespmem:s5+$0xFFFFFFF0];
	[tilespmem:s10+$0xFFFFFFF0] =	vst v35  }
0x666: {  	v7 =	vsel vm2, v61, v16;
	[tilespmem:s23+$0x80] =	vst v6;
	v62 =	vpop (erf)  }
0x667: {  	v8 =	vsel vm1, v8, v19;
	v7 =	vsel vm3, v7, v57;
	[tilespmem:s9+$0x30] =	vst v3;
	v3 =	vld [tilespmem:s5+$0x70];
	v1 =	vmul.f32 v62, v1  }
0x668: {  	v8 =	vsel vm2, v8, v41;
	[tilespmem:s23+$0x90] =	vst v7  }
0x669: {  	[tilespmem:s10+$0x30] =	vst v37;
	v6 =	vsel vm3, v8, v62;
	v63 =	vpop (erf)  }
0x66a: {  	v5 =	vsel vm1, v5, v17;
	[tilespmem:s23+$0xFFFFFFA0] =	vst v6;
	v2 =	vmul.f32 v63, v2  }
0x66b: {  	v5 =	vsel vm2, v5, v30;
	[tilespmem:s23+$0xFFFFFF90] =	vst v1;
	v1 =	vpop (erf)  }
0x66c: {  	v4 =	vsel vm1, v4, v21;
	v5 =	vsel vm3, v5, v63;
	[tilespmem:s23+$0xFFFFFFE0] =	vst v2;
	v2 =	vmul.f32 v1, v3  }
0x66d: {  	[tilespmem:s23+$0xFFFFFFF0] =	vst v5;
	v3 =	vsel vm2, v4, v31  }
0x66e: {  	v1 =	vsel vm3, v3, v1;
	[tilespmem:s23+$0x30] =	vst v2  }
0x66f: {  	s11 =	simm.s32 $0x6;
	[tilespmem:s23+$0x40] =	vst v1  }
0x670: {  	_ =	swait.ge [sflag:s11], $0x1400  }
0x671: {  	[sflag:s11] =	ssyncset.done $0x0  }
0x672: {  	s15 =	rddreg [dreg:$0x13];
	[sflag:s11] =	ssyncadd.s32 $0xFFFFEC00  }
0x673: {  	[hbm4b:s15+s14] =	stream.strided.scatter [tilespmem:s31], [sflag:$0x4], $0x1400, s17, s14, $0x38;
	[tilespmem:$0x1CE30] =	vst v63  }
0x674: {  	s19 =	simm.s32 $0xF0;
	s18 =	rddreg [dreg:$0x3]  }
0x675: {  	[spmem:s18] =	stream.indirect.scatter.add.f32 [tilespmem:s29], [sflag:$0x8], $0x50, s19, s3, $0xb8;
	[tilespmem:$0x1CE30] =	vst v63  }
0x676: {  	_ =	swait.ge [sflag:s30], $0x1900  }
0x677: {  	[sflag:s30] =	ssyncset.done $0x0  }
0x678: {  	s20 =	simm.s32 $0x4;
	[sflag:s30] =	ssyncadd.s32 $0xFFFFE700  }
0x679: {  	_ =	swait.ge [sflag:s20], $0x1400  }
0x67a: {  	[sflag:s20] =	ssyncset.done $0x0  }
0x67b: {  	[sflag:s20] =	ssyncadd.s32 $0xFFFFEC00  }
0x67c: {  	s21 =	stileid.u32;
	[bflag:$0x0] =	sbarrier.arrive $0xFFFF  }
0x67d: {  	s1 =	sshll.u32 s21, $0x6;
	s23 =	rddreg [dreg:$0x14]  }
0x67e: {  	s1 =	sor.u32 $0x1C08, s1;
	s25 =	rddreg [dreg:$0x16]  }
0x67f: {  	[hbm:s23], [sflag:s1] =	dma.local [spmem:s25], $0x186A  }
0x680: {  	_ =	swait.ge [sflag:s30], $0x186A  }
0x681: {  	s26 =	rddreg [dreg:$0x19]  }
0x682: {  	s28 =	rddreg [dreg:$0x15];
	s2 =	sadd.s32 $0x1, s26  }
0x683: {  	p0 =	sne.s32 s2, s28  }
.Ltmp8:
0x684: {  	_ = 	snop;
	(pc) =	sbr.rel @p0 .LBB2_1-.Ltmp8, $3  }
0x685: {  	_ =	sdelay $0x1  }
0x686: {  	[sflag:s30] =	ssyncset.done $0x0  }
0x687: {  	[sflag:s30] =	ssyncadd.s32 $0xFFFFE796  }
0x688: {  	_ =	sfence.sel $0x180000  }
0x689: {  	[bflag:$0x0] =	sbarrier.arrive $0xFFFF  }
0x68a: {  	_ =	strace $0x90000047  }
0x68b: {  	s0 =	stileid.u32;
	[bflag:$0x2] =	sbarrier.arrive $0xFFFF  }
0x68c: {  	p0 =	sne.s32 s0, $0x0;
	s0 =	rddreg [dreg:$0x4]  }
0x68d: {  	s0 =	sadd.s32 @!p0 $0x100000, s0  }
0x68e: {  	[sflag:s0] =	ssyncadd.tile.s32 @!p0 $0x1;
	_ =	shalt  }
.Lfunc_end2:
_tile_overlayer_lowered:
.L_overlay_start_2:
0x68f: {  	(tag) =	ssettag $0x2  }
0x690: {  	s0 =	rddreg [dreg:$0x0];
	s2 =	stileid.u32  }
0x691: {  	s1 =	rddreg [dreg:$0x1];
	p0 =	sne.s32 s2, $0x0  }
0x692: {  	s3 =	rddreg [dreg:$0x2];
	[bflag:$0x3] =	sbarrier.arrive $0xFFFF;
	s2 =	simm.s32 @!p0 $0x1C08  }
0x693: {  	[timem:s3], [sflag:s2] =	dma.local @!p0 [hbm:s0], s1  }
0x694: {  	s0 =	simm.s32 @!p0 $0x8  }
0x695: {  	_ =	swait.ge @!p0 [sflag:s0], s1  }
0x696: {  	s1 =	ssub.s32 @!p0 $0x0, s1;
	[sflag:s0] =	ssyncset.done @!p0 $0x0  }
0x697: {  	[sflag:s0] =	ssyncadd.s32 @!p0 s1  }
0x698: {  	[bflag:$0x3] =	sbarrier.arrive $0xFFFF  }
0x699: {  	_ =	shalt  }

// kernel: sparse-core-data-format-call.cloned.1.call-start
scs
called_computation_lowered:
.L_overlay_start_0:
0x0: {  	s2 =	sld [smem:$0x3FD9]  }
0x1: {  	s3 =	sld [smem:$0x3FFE];
	_ =	sdelay $0x1  }
0x2: {  	s1 =	srdreg.scid  }
0x3: {  	s0 =	sand.u32 $0x1, s1  }
0x4: {  	s15 =	sshll.u32 s0, $0xA;
	s2 =	sadd.s32 s3, s2  }
0x5: {  	s2 =	sadd.s32 s2, s15  }
0x6: {  	[smem:$0x3FBD] =	sst s2  }
0x7: {  	_ = 	snop  }
0x8: {  	s2 =	sld [smem:$0x3FD0];
	_ =	sdelay $0x2  }
0x9: {  	s16 =	simm.s32 $0xA;
	s4 =	simm.s32 $0x10  }
0xa: {  	[smem:s4], [sflag:s16] =	dma.local [hbm:s2], $0x1  }
0xb: {  	_ =	swait.eq [sflag:s16], $0x1  }
0xc: {  	[sflag:s16] =	ssyncset.done $0x0  }
0xd: {  	[sflag:s16] =	ssyncadd.s32 $0xFFFFFFFF  }
0xe: {  	s17 =	sld [smem:$0x11];
	(tm) =	ssettm $0x1  }
0xf: {  	s18 =	sld [smem:$0x3FFB];
	_ =	sdelay $0x3  }
0x10: {  	_ =	strace s18  }
0x11: {  	s3 =	sld [smem:$0x3FFC];
	_ =	sdelay $0x3  }
0x12: {  	_ =	strace s3  }
0x13: {  	s3 =	sld [smem:$0x3FFD];
	_ =	sdelay $0x3  }
0x14: {  	_ =	strace s3  }
0x15: {  	_ =	strace $0x8FFFFFFF  }
0x16: {  	s19 =	sld [smem:$0x3FDB];
	_ =	sdelay $0x1  }
0x17: {  	s20 =	simm.s32 $_scs_section_size  }
0x18: {  	s5 =	simm.s32 $_size__tile_overlayer_lowered;
	s6 =	simm.s32 $_tile_overlayer_lowered  }
0x19: {  	s23 =	simm.s32 $0x1BFF;
	s22 =	sshll.u32 s6, $0x1;
	s3 =	sadd.s32 s20, s19  }
0x1a: {  	s7 =	simm.s32 $0x0;
	s21 =	sshll.u32 s5, $0x1;
	s5 =	sadd.s32 s22, s3  }
0x1b: {  	[timem:s7], [sflag:s23] =	dma.local [hbm:s5], s21  }
0x1c: {  	_ =	swait.ge [sflag:s23], s21  }
0x1d: {  	s4 =	ssub.s32 $0x0, s21;
	[sflag:s23] =	ssyncset.done $0x0  }
0x1e: {  	[sflag:s23] =	ssyncadd.s32 s4;
	_ =	sdelay $0x1  }
0x1f: {  	s24 =	simm.s32 $0x1B8B  }
0x20: {  	_ =	swait.ge [sflag:s24], $0x1  }
0x21: {  	[sflag:s24] =	ssyncset.done $0x0  }
0x22: {  	s26 =	simm.s32 $0x1B8E;
	s25 =	sld [smem:$0x3FFE];
	[sflag:s24] =	ssyncadd.s32 $0xFFFFFFFF  }
0x23: {  	s27 =	simm.s32 $execute0_lowered;
	[smem:$0x3FD2] =	sst s26  }
0x24: {  	s5 =	sshll.u32 s27, $0x1;
	_ =	strace $0x80000049;
	[dreg:$0x1] =	wrdreg $0xFFFFFFFF  }
0x25: {  	s28 =	simm.s32 $_size_execute0_lowered;
	s3 =	sadd.s32 s3, s5;
	[dreg:$0x0] =	wrdreg $0x0  }
0x26: {  	s5 =	sshll.u32 s28, $0x1;
	[dreg:$0x2] =	wrdreg s3  }
0x27: {  	[dreg:$0x3] =	wrdreg s5  }
0x28: {  	[dreg:$0x4] =	wrdreg $0xC0  }
0x29: {  	_ =	task [dreg:s7], $0x5FFFF  }
0x2a: {  	[dreg:$0x1] =	wrdreg $0xFFFFFFFF  }
0x2b: {  	[dreg:$0x0] =	wrdreg $0x60  }
0x2c: {  	[dreg:$0x2] =	wrdreg s25  }
0x2d: {  	[dreg:$0x3] =	wrdreg s17  }
0x2e: {  	[dreg:$0x4] =	wrdreg $0x9  }
0x2f: {  	_ =	task.clear_ibuf [dreg:s7], $0x5FFFF;
	_ =	strace $0x90000049  }
0x30: {  	s29 =	simm.s32 $0x9;
	_ =	strace $0x8000004B  }
0x31: {  	_ =	swait.ge [sflag:s29], $0x1  }
0x32: {  	[sflag:s29] =	ssyncadd.s32 $0xFFFFFFFF  }
0x33: {  	_ =	strace $0x9000004B  }
0x34: {  	_ =	sfence  }
0x35: {  	s30 =	sld [smem:$0x0];
	_ =	sdelay $0x2  }
0x36: {  	s31 =	sshll.u32 s1, $0xD;
	s1 =	sshrl.u32 s1, $0x2  }
0x37: {  	s3 =	sand.u32 $0x4000, s31;
	s1 =	sadd.s32 s1, s30  }
0x38: {  	s0 =	sor.u32 s3, s0;
	s1 =	sshll.u32 s1, $0x11  }
0x39: {  	s0 =	sor.u32 s1, s0  }
0x3a: {  	s0 =	sadd.s32 $0x8F2B, s0  }
0x3b: {  	[sflag:s0] =	ssyncadd.remote.s32 $0x1  }
0x3c: {  	_ =	sfence.sel $0xFFFF  }
0x3d: {  	[dreg:$0x0] =	wrdreg $0xFFFFFFFF;
	(pc) =	sbr.abs _section_cstart, $3  }
0x3e: {  	[dreg:$0x1] =	wrdreg $0xFFFFFFFF  }
0x3f: {  	_ =	task.clear_ibuf [dreg:s7], $0x2FFFF;
	_ =	strace $0x9FFFFFFF  }
0x40: {  	(tm) =	ssettm $0x7FFFFFFF  }
0x41: {  	_ =	shalt  }
tec
execute0_lowered:
.L_overlay_start_1:
0x0: {  	(tag) =	ssettag $0x1  }
0x1: {  	s0 =	srdreg.scid  }
0x2: {  	s1 =	sshll.u32 s0, $0x4  }
0x3: {  	s4 =	rddreg [dreg:$0x0];
	s0 =	stileid.u32;
	s1 =	sand.u32 $0x10, s1  }
0x4: {  	s2 =	rddreg [dreg:$0x1];
	s7 =	simm.s32 $0x1;
	s1 =	sor.u32 s0, s1  }
0x5: {  	s8 =	simm.s32 $0x2;
	s11 =	simm.s32 $0x0;
	s3 =	sshll.u32 s1, $0x7  }
0x6: {  	s10 =	simm.s32 $0x0;
	s4 =	sadd.s32 $0x95000, s4;
	s6 =	ssub.s32 $0x4E200, s3  }
.Ltmp0:
0x7: {  	s1 =	rddreg [dreg:$0x2];
	s5 =	sand.u32 $0xF80, s6;
	(pc) =	sbr.rel .LBB1_1-.Ltmp0, $4  }
0x8: {  	_ =	strace $0x8000004A;
	s9 =	smov.u32 s3;
	p0 =	sne.s32 s5, $0x0  }
0x9: {  	s6 =	sshrl.u32 s6, $0xC;
	s5 =	simm.s32 $0x1;
	s7 =	simm.s32 @!p0 $0x0  }
0xa: {  	[sflag:s5] =	ssyncpa.u1 $0x0;
	p0 =	por $0x0, $0x0;
	s6 =	sadd.s32 s7, s6  }
0xb: {  	[sflag:s8] =	ssyncpa.u1 $0x0;
	s8 =	simm.s32 $0x271000;
	s7 =	sadd.s32 $0x1, s6  }
.LBB1_4:
0xc: {  	v5 =	vld [tilespmem:s15+$0xFFFFFFD0];
	[tilespmem:s14+$0x2040 ss:$0x81] =	vst.msk $0xffff, v3;
	s17 =	sshll.u32 s11, $0x3  }
0xd: {  	v58 =	vld [tilespmem:s15+$0xFFFFFFE0];
	[tilespmem:s14+$0x2850 ss:$0x81] =	vst.msk $0xffff, v4;
	s25 =	sand.u32 $0x7F, s11;
	s17 =	sand.u32 $0xFFFFFC00, s17  }
0xe: {  	s16 =	sshra.s32 s16, $0x2;
	v59 =	vld [tilespmem:s15+$0xFFFFFFF0];
	[tilespmem:s14+$0x3060 ss:$0x81] =	vst.msk $0xffff, v2;
	s11 =	sor.u32 s25, s17  }
0xf: {  	v60 =	vld [tilespmem:s15+$0x0];
	[tilespmem:s14+$0x0 ss:$0x81] =	vst.msk $0xffff, v0;
	s13 =	sadd.s32 s16, s13;
	s26 =	smulhi.u32 $0xD1B71759, s11  }
0x10: {  	v61 =	vld [tilespmem:s15+$0x10];
	[tilespmem:s13+$0x3870 ss:$0x81] =	vst.msk $0xffff, v1  }
0x11: {  	v62 =	vld [tilespmem:s15+$0x20];
	s27 =	smulhi.u32 $0xD1B71759, s17;
	[tilespmem:s13+$0x810 ss:$0x81] =	vst.msk $0xffff, v5;
	s14 =	sshrl.u32 s26, $0x12  }
0x12: {  	v63 =	vld [tilespmem:s15+$0xFFFFFFC0];
	[tilespmem:s13+$0x1020 ss:$0x81] =	vst.msk $0xffff, v58;
	s14 =	smul.u32 $0x4E200, s14  }
0x13: {  	s28 =	sshrl.u32 s27, $0x12;
	[tilespmem:s13+$0x1830 ss:$0x81] =	vst.msk $0xffff, v59  }
0x14: {  	[tilespmem:s13+$0x2040 ss:$0x81] =	vst.msk $0xffff, v60;
	s29 =	sand.u32 $0x7F, s28;
	s11 =	ssub.s32 s11, s14  }
0x15: {  	[tilespmem:s13+$0x2850 ss:$0x81] =	vst.msk $0xffff, v61;
	s14 =	smul.u32 $0x9C40, s29;
	s30 =	sshrl.u32 s11, $0x3;
	s11 =	sand.u32 $0x7, s11  }
0x16: {  	[tilespmem:s13+$0x3060 ss:$0x81] =	vst.msk $0xffff, v62;
	s15 =	sadd.s32 s2, s30;
	s11 =	sshll.u32 s11, $0x12  }
0x17: {  	[tilespmem:s13+$0x0 ss:$0x81] =	vst.msk $0xffff, v63;
	s31 =	sadd.s32 s14, s15;
	s11 =	sor.u32 $0x400, s11  }
0x18: {  	[hbm4b:s31+s11] =	stream.strided.scatter [tilespmem:s12], [sflag:$0x2], $0x4000, s8, s11, $0x20;
	[tilespmem:$0x10100] =	vst v63  }
.LBB1_5:
0x19: {  	s13 =	sadd.s32 $0x1000, s9  }
0x1a: {  	p2 =	sgt.s32 s13, $0x4E1FF  }
0x1b: {  	s13 =	smov.u32 @p2 s3;
	p2 =	sne.s32 s10, s7  }
.Ltmp1:
0x1c: {  	p1 =	slt.u32 s10, $0x2;
	(pc) =	sbr.rel @!p2 .LBB1_6-.Ltmp1, $4  }
0x1d: {  	s12 =	simm.s32 @!p1 $0x2  }
0x1e: {  	s14 =	sadd.s32 $0x1, s10;
	_ =	swait.ge @!p1 [sflag:s12], $0x4000  }
0x1f: {  	s11 =	smov.u32 s9;
	p0 =	por !p0, !p0;
	[sflag:s12] =	ssyncset.done @!p1 $0x0  }
0x20: {  	s10 =	smov.u32 s14;
	s9 =	smov.u32 s13;
	[sflag:s12] =	ssyncadd.s32 @!p1 $0xFFFFC000  }
.LBB1_1:
0x21: {  	p1 =	sge.u32 s10, s6  }
0x22: {  	s12 =	sand.u32 @!p1 $0x1FFFFFF, s9  }
0x23: {  	s13 =	smulhi.u32 @!p1 $0x1A36E2F, s12;
	_ =	sdelay $0x1  }
0x24: {  	s13 =	sshrl.u32 @!p1 s13, $0xB  }
0x25: {  	s13 =	smul.u32 @!p1 $0x4E200, s13;
	_ =	sdelay $0x1  }
0x26: {  	s14 =	sxor.u32 @!p1 $0xFFFFFFFF, s10;
	s12 =	ssub.s32 @!p1 s12, s13  }
0x27: {  	s31 =	sadd.s32 $0xFFFFFFFF, s10;
	s13 =	sshll.u32 @!p1 s14, $0xE;
	s12 =	sshll.u32 @!p1 s12, $0x4  }
0x28: {  	s14 =	simm.s32 @!p1 $0x0;
	s13 =	sand.u32 @!p1 $0x4000, s13;
	s12 =	sadd.s32 @!p1 s4, s12  }
0x29: {  	[tilespmem:s13], [sflag:$0x1] =	stream.linear.gather @!p1 [hbm4b:s12+s14], $0x4000, $0x38;
	[tilespmem:$0x10100] =	vst v63  }
0x2a: {  	p1 =	sge.u32 s31, s6  }
.Ltmp2:
0x2b: {  	_ = 	snop;
	(pc) =	sbr.rel @p1 .LBB1_5-.Ltmp2, $1  }
0x2c: {  	_ =	sdelay $0x3  }
0x2d: {  	s12 =	simm.s32 $0x1  }
0x2e: {  	_ =	swait.ge [sflag:s5], $0x4000;
	s12 =	simm.s32 @!p0 $0x0  }
0x2f: {  	[sflag:s5] =	ssyncset.done $0x0;
	s13 =	sshll.u32 s12, $0xE  }
0x30: {  	[sflag:s5] =	ssyncadd.s32 $0xFFFFC000;
	s15 =	sor.u32 $0x40, s13  }
0x31: {  	s12 =	smul.u32 $0x10200, s12;
	v0 =	vld [tilespmem:s15+$0x30]  }
0x32: {  	v1 =	vld [tilespmem:s15+$0xFFFFFFD0]  }
0x33: {  	s12 =	sshrl.u32 s12, $0x2;
	v5 =	vld [tilespmem:s15+$0xFFFFFFE0]  }
0x34: {  	v6 =	vld [tilespmem:s15+$0xFFFFFFF0];
	s13 =	sor.u32 $0x8000, s12  }
0x35: {  	s31 =	sand.u32 $0x1, s10;
	v3 =	vld [tilespmem:s15+$0x0];
	s14 =	sadd.s32 $0x0, s13  }
0x36: {  	v4 =	vld [tilespmem:s15+$0x10];
	s12 =	smul.u32 $0x10200, s31;
	[tilespmem:s14+$0x3870 ss:$0x81] =	vst.msk $0xffff, v0  }
0x37: {  	v2 =	vld [tilespmem:s15+$0x20];
	[tilespmem:s14+$0x810 ss:$0x81] =	vst.msk $0xffff, v1  }
0x38: {  	s12 =	sshrl.u32 s12, $0x2;
	v0 =	vld [tilespmem:s15+$0xFFFFFFC0];
	[tilespmem:s14+$0x1020 ss:$0x81] =	vst.msk $0xffff, v5;
	s15 =	sadd.s32 $0x80, s15  }
0x39: {  	s16 =	simm.s32 $0x4;
	s17 =	simm.s32 $0x8;
	s12 =	sor.u32 $0x8000, s12;
	[tilespmem:s14+$0x1830 ss:$0x81] =	vst.msk $0xffff, v6;
	v1 =	vld [tilespmem:s15+$0x30]  }
.LBB1_3:
0x3a: {  	p1 =	sne.s32 s17, $0x1FC;
	v5 =	vld [tilespmem:s15+$0xFFFFFFD0];
	[tilespmem:s14+$0x2040 ss:$0x81] =	vst.msk $0xffff, v3  }
0x3b: {  	v6 =	vld [tilespmem:s15+$0xFFFFFFE0];
	[tilespmem:s14+$0x2850 ss:$0x81] =	vst.msk $0xffff, v4  }
0x3c: {  	s18 =	sshra.s32 s16, $0x2;
	s16 =	smov.u32 s17;
	v7 =	vld [tilespmem:s15+$0xFFFFFFF0];
	[tilespmem:s14+$0x3060 ss:$0x81] =	vst.msk $0xffff, v2  }
.Ltmp3:
0x3d: {  	v3 =	vld [tilespmem:s15+$0x0];
	[tilespmem:s14+$0x0 ss:$0x81] =	vst.msk $0xffff, v0;
	s14 =	sadd.s32 s18, s13;
	(pc) =	sbr.rel @p1 .LBB1_3-.Ltmp3, $4  }
0x3e: {  	v4 =	vld [tilespmem:s15+$0x10];
	[tilespmem:s14+$0x3870 ss:$0x81] =	vst.msk $0xffff, v1  }
0x3f: {  	[tilespmem:s14+$0x810 ss:$0x81] =	vst.msk $0xffff, v5;
	v2 =	vld [tilespmem:s15+$0x20]  }
0x40: {  	v0 =	vld [tilespmem:s15+$0xFFFFFFC0];
	[tilespmem:s14+$0x1020 ss:$0x81] =	vst.msk $0xffff, v6;
	s15 =	sadd.s32 $0x80, s15  }
0x41: {  	s17 =	sadd.s32 $0x4, s17;
	v1 =	vld [tilespmem:s15+$0x30];
	[tilespmem:s14+$0x1830 ss:$0x81] =	vst.msk $0xffff, v7  }
.Ltmp4:
0x42: {  	_ = 	snop;
	(pc) =	sbr.rel .LBB1_4-.Ltmp4, $1  }
0x43: {  	_ =	sdelay $0x3  }
.LBB1_6:
0x44: {  	_ =	sfence.sel $0x180000  }
0x45: {  	s2 =	simm.s32 $0x1;
	[bflag:$0x0] =	sbarrier.arrive $0xFFFF  }
0x46: {  	s31 =	simm.s32 $0x2;
	[sflag:s2] =	ssyncpa.u1 $0x1  }
0x47: {  	[sflag:s31] =	ssyncpa.u1 $0x1  }
0x48: {  	p0 =	sne.s32 s0, $0x0;
	_ =	strace $0x9000004A  }
0x49: {  	s0 =	sadd.s32 @!p0 $0x100000, s1;
	[bflag:$0x2] =	sbarrier.arrive $0xFFFF  }
0x4a: {  	[sflag:s0] =	ssyncadd.tile.s32 @!p0 $0x1;
	_ =	shalt  }
.Lfunc_end1:
_tile_overlayer_lowered:
.L_overlay_start_2:
0x4b: {  	(tag) =	ssettag $0x2  }
0x4c: {  	s0 =	rddreg [dreg:$0x0];
	s2 =	stileid.u32  }
0x4d: {  	s1 =	rddreg [dreg:$0x1];
	p0 =	sne.s32 s2, $0x0  }
0x4e: {  	s3 =	rddreg [dreg:$0x2];
	[bflag:$0x3] =	sbarrier.arrive $0xFFFF;
	s2 =	simm.s32 @!p0 $0x1C01  }
0x4f: {  	[timem:s3], [sflag:s2] =	dma.local @!p0 [hbm:s0], s1  }
0x50: {  	s0 =	simm.s32 @!p0 $0x1  }
0x51: {  	_ =	swait.ge @!p0 [sflag:s0], s1  }
0x52: {  	s1 =	ssub.s32 @!p0 $0x0, s1;
	[sflag:s0] =	ssyncset.done @!p0 $0x0  }
0x53: {  	[sflag:s0] =	ssyncadd.s32 @!p0 s1  }
0x54: {  	[bflag:$0x3] =	sbarrier.arrive $0xFFFF  }
0x55: {  	_ =	shalt  }

</sc_bundles>
